<compile_context>
chip_gen: v7x
topology: tpu7x:2x2x1
jax: 0.10.2.dev20260603
libtpu: 0.0.44.dev20260713+nightly
codegen_flags: <defaults>
</compile_context>

<pallas_src>
import functools

import jax
import jax.numpy as jnp
from jax import lax
from jax.experimental import pallas as pl
from jax.experimental.pallas import tpu as pltpu
from jax.experimental.pallas import tpu_sc as plsc

_MAXP = 512
_EMB = 1024
_SEQ = 4096
_TOP = 2 * _MAXP
_NROW = _TOP + 1
_NC = 2
_NS = 16
_NW = _NC * _NS
_PREF = 1024
_RPW = _PREF // _NW
_CH = 8
_ICH = 16
_BROWS = 8
_LANES = 16
_TBLK = 512
_TGRID = (_SEQ - _PREF) // _TBLK


def _sc_prefix(off_hbm, table_hbm, out_hbm, off_v, idx_v, buf0, buf1, bcast,
               sem0, sem1, semw):
    wid = lax.axis_index("s") * _NC + lax.axis_index("c")
    base = wid * _RPW

    pltpu.sync_copy(off_hbm, off_v)
    s0 = base + off_v[...][0]

    aligned = jnp.bitwise_and(s0, 7) == 0
    whole_in = (s0 >= 0) & (s0 + _RPW - 1 <= _TOP)
    whole_cl = (s0 + _RPW - 1 <= 0) | (s0 >= _TOP)
    fast = whole_in & aligned

    @pl.when(fast)
    def _linear():
        s0a = pl.multiple_of(s0, 8)
        bufs = (buf0, buf1)
        sems = (sem0, sem1)
        nch = _RPW // _CH
        handles = [None] * nch

        def start(c):
            handles[c] = pltpu.async_copy(
                table_hbm.at[pl.ds(s0a + c * _CH, _CH)],
                bufs[c % 2].at[pl.ds(0, _CH)], sems[c % 2])

        start(0)
        start(1)
        for c in range(nch):
            handles[c].wait()
            pltpu.sync_copy(bufs[c % 2].at[pl.ds(0, _CH)],
                            out_hbm.at[pl.ds(base + c * _CH, _CH)])
            if c + 2 < nch:
                start(c + 2)

    @pl.when(whole_cl)
    def _broadcast():
        any_low = s0 + _RPW - 1 <= 0
        r_src = pl.multiple_of(jnp.where(any_low, 0, _TOP), 8)
        pltpu.sync_copy(table_hbm.at[pl.ds(r_src, 1)], bcast.at[pl.ds(0, 1)])
        for v in range(_EMB // _LANES):
            row0 = bcast[0, pl.ds(v * _LANES, _LANES)]
            for r in range(1, _BROWS):
                bcast[r, pl.ds(v * _LANES, _LANES)] = row0
        handles = [
            pltpu.async_copy(
                bcast, out_hbm.at[pl.ds(base + k * _BROWS, _BROWS)], semw)
            for k in range(_RPW // _BROWS)
        ]
        for h in handles:
            h.wait()

    @pl.when(jnp.logical_not(fast | whole_cl))
    def _general():
        iota = lax.iota(jnp.int32, _LANES)
        for j in range(_RPW // _LANES):
            vec = iota + j * _LANES + s0
            idx_v[pl.ds(j * _LANES, _LANES)] = (
                jnp.minimum(jnp.maximum(vec, 0), _TOP))
        bufs = (buf0, buf1)
        sems = (sem0, sem1)
        nch = _RPW // _ICH
        handles = [None] * nch

        def start(c):
            handles[c] = pltpu.async_copy(
                table_hbm.at[idx_v.at[pl.ds(c * _ICH, _ICH)]],
                bufs[c % 2], sems[c % 2])

        start(0)
        if nch > 1:
            start(1)
        for c in range(nch):
            handles[c].wait()
            pltpu.sync_copy(bufs[c % 2],
                            out_hbm.at[pl.ds(base + c * _ICH, _ICH)])
            if c + 2 < nch:
                start(c + 2)


def _tc_fill(s_ref, table_ref, pref_ref, out_ref):
    del pref_ref
    blk = pl.program_id(0)
    first = _PREF + blk * _TBLK + s_ref[0]

    aligned = jnp.bitwise_and(first, 7) == 0
    all_in = (first >= 0) & (first + _TBLK - 1 <= _TOP)
    all_cl = (first + _TBLK - 1 <= 0) | (first >= _TOP)
    fast_in = all_in & aligned

    @pl.when(all_cl)
    def _():
        r = jnp.where(first >= _TOP, _TOP // 8, 0) * 8
        row = table_ref[pl.ds(pl.multiple_of(r, 8), 1), :]
        out_ref[...] = jnp.broadcast_to(row, (_TBLK, _EMB))

    @pl.when(fast_in)
    def _():
        out_ref[...] = table_ref[pl.ds(pl.multiple_of(first, 8), _TBLK), :]

    @pl.when(jnp.logical_not(all_cl | fast_in))
    def _():
        rows = jnp.minimum(jnp.maximum(
            first + lax.broadcasted_iota(jnp.int32, (_TBLK, _NROW), 0), 0),
            _TOP)
        cols = lax.broadcasted_iota(jnp.int32, (_TBLK, _NROW), 1)
        onehot = (rows == cols).astype(jnp.float32)
        out_ref[...] = jax.lax.dot_general(
            onehot, table_ref[...], (((1,), (0,)), ((), ())),
            preferred_element_type=jnp.float32)


def kernel(seq_len_q, embeddings_table):
    s = jnp.asarray(seq_len_q, jnp.int32) - _SEQ + _MAXP
    off_vec = jnp.full((_LANES,), s, dtype=jnp.int32)
    table = embeddings_table.astype(jnp.float32)

    mesh = plsc.VectorSubcoreMesh(core_axis_name="c", subcore_axis_name="s")
    sc_run = functools.partial(
        pl.kernel,
        mesh=mesh,
        out_type=jax.ShapeDtypeStruct((_SEQ, _EMB), jnp.float32),
        scratch_types=[
            pltpu.VMEM((_LANES,), jnp.int32),
            pltpu.VMEM((_RPW,), jnp.int32),
            pltpu.VMEM((_ICH, _EMB), jnp.float32),
            pltpu.VMEM((_ICH, _EMB), jnp.float32),
            pltpu.VMEM((_BROWS, _EMB), jnp.float32),
            pltpu.SemaphoreType.DMA,
            pltpu.SemaphoreType.DMA,
            pltpu.SemaphoreType.DMA,
        ],
    )(_sc_prefix)
    prefix_out = sc_run(off_vec, table)

    out = pl.pallas_call(
        _tc_fill,
        grid=(_TGRID,),
        in_specs=[
            pl.BlockSpec(memory_space=pltpu.SMEM),
            pl.BlockSpec((_NROW, _EMB), lambda i: (0, 0)),
            pl.BlockSpec(memory_space=pl.ANY),
        ],
        out_specs=pl.BlockSpec((_TBLK, _EMB),
                               lambda i: (i + _PREF // _TBLK, 0)),
        out_shape=jax.ShapeDtypeStruct((_SEQ, _EMB), jnp.float32),
        input_output_aliases={2: 0},
    )(jnp.reshape(s, (1,)), table, prefix_out)
    return out

# --- scband reference (transcript-rebuilt; emitter-appended) ---
"""Pipeline reference for scband-relative-positional-encoder-80942953661154 (READ-ONLY COPY).

The authoritative reference and input builder live on the scoring server;
editing this copy changes nothing except your own understanding.
"""

import jax, jax.numpy as jnp
import numpy as np

MAX_POSITION = 512
EMB_DIM = 1024
SEQ_LEN_Q = 4096

def setup_inputs(seed: int = 0) -> dict:
    key = jax.random.key(seed)
    k1, _ = jax.random.split(key)
    # xavier_uniform for table of shape [2*max_position+1, emb_dim]
    fan_in = EMB_DIM
    fan_out = EMB_DIM
    limit = float(np.sqrt(6.0 / (MAX_POSITION * 2 + 1 + EMB_DIM)))
    embeddings_table = jax.random.uniform(k1, (MAX_POSITION * 2 + 1, EMB_DIM), minval=-limit, maxval=limit, dtype=jnp.float32)
    return {"seq_len_q": SEQ_LEN_Q, "embeddings_table": embeddings_table}

def reference(seq_len_q, embeddings_table):
    range_vec_q = jnp.arange(SEQ_LEN_Q) + (seq_len_q - SEQ_LEN_Q)
    clipped = jnp.clip(range_vec_q, -MAX_POSITION, MAX_POSITION)
    relative_position_matrix = clipped + MAX_POSITION
    embeddings = jnp.take(embeddings_table, relative_position_matrix, axis=0)
    return embeddings

if __name__ == "__main__":
    import jax
    _d = setup_inputs()
    print(jax.jit(kernel)(*tuple(_d.values())))

</pallas_src>

<mosaic_0001>
#map = affine_map<(d0, d1) -> (0)>
#map1 = affine_map<(d0, d1) -> (0, 0)>
module attributes {stable_mosaic.version = 14 : i64} {
  func.func @_sc_prefix(%arg0: i32, %arg1: i32, %arg2: memref<16xi32, #tpu.memory_space<hbm>>, %arg3: memref<1025x1024xf32, #tpu.memory_space<hbm>>, %arg4: memref<4096x1024xf32, #tpu.memory_space<hbm>>, %arg5: memref<16xi32, #tpu.memory_space<vmem>>, %arg6: memref<32xi32, #tpu.memory_space<vmem>>, %arg7: memref<16x1024xf32, #tpu.memory_space<vmem>>, %arg8: memref<16x1024xf32, #tpu.memory_space<vmem>>, %arg9: memref<8x1024xf32, #tpu.memory_space<vmem>>, %arg10: memref<!tpu.dma_semaphore, #tpu.memory_space<semaphore_mem>>, %arg11: memref<!tpu.dma_semaphore, #tpu.memory_space<semaphore_mem>>, %arg12: memref<!tpu.dma_semaphore, #tpu.memory_space<semaphore_mem>>) attributes {dimension_semantics = [#tpu.dimension_semantics<core_parallel>, #tpu.dimension_semantics<subcore_parallel>], iteration_bounds = array<i64: 2, 16>, scalar_prefetch = 0 : i64, scratch_operands = 8 : i64, tpu.core_type = #tpu.core_type<sc_vector_subcore>, window_params = [{transform_indices = #map}, {transform_indices = #map1}, {transform_indices = #map1}]} {
    %mul3A = arith.constant 2 : i32
    %mul3A_0 = arith.muli %arg1, %mul3A : i32
    %add3A = arith.addi %mul3A_0, %arg0 : i32
    %mul3A_1 = arith.constant 32 : i32
    %mul3A_2 = arith.muli %add3A, %mul3A_1 : i32
    "tpu.region"() ({
      %run_scoped3A = tpu.sem_alloc : memref<!tpu.dma_semaphore, #tpu.memory_space<semaphore_mem>>
      tpu.enqueue_dma source(%arg2 : memref<16xi32, #tpu.memory_space<hbm>>) target(%arg5 : memref<16xi32, #tpu.memory_space<vmem>>) target_semaphore(%run_scoped3A : memref<!tpu.dma_semaphore, #tpu.memory_space<semaphore_mem>>)
      tpu.wait_dma2 semaphore(%run_scoped3A : memref<!tpu.dma_semaphore, #tpu.memory_space<semaphore_mem>>) src(%arg2 : memref<16xi32, #tpu.memory_space<hbm>>) dst(%arg5 : memref<16xi32, #tpu.memory_space<vmem>>)
      tpu.yield
    }) : () -> ()
    %get3A = arith.constant 0 : index
    %get3A_3 = tpu.vector_load %arg5[%get3A] {strides = array<i32>} : memref<16xi32, #tpu.memory_space<vmem>>, vector<16xi32>,
    %get3A_4 = vector.shape_cast %get3A_3 : vector<16xi32> to vector<16xi32>
    %slice3A = vector.extract_strided_slice %get3A_4 {offsets = [0], sizes = [1], strides = [1]} : vector<16xi32> to vector<1xi32>
    %squeeze3A = vector.extract %slice3A[0] : i32 from vector<1xi32>
    %add3A_5 = arith.addi %mul3A_2, %squeeze3A : i32
    %and3A = arith.constant 7 : i32
    %and3A_6 = arith.andi %add3A_5, %and3A : i32
    %eq3A = arith.constant 0 : i32
    %eq3A_7 = arith.cmpi eq, %and3A_6, %eq3A : i32
    %ge3A = arith.constant 0 : i32
    %ge3A_8 = arith.cmpi sge, %add3A_5, %ge3A : i32
    %add3A_9 = arith.constant 32 : i32
    %add3A_10 = arith.addi %add3A_5, %add3A_9 : i32
    %sub3A = arith.constant 1 : i32
    %sub3A_11 = arith.subi %add3A_10, %sub3A : i32
    %le3A = arith.constant 1024 : i32
    %le3A_12 = arith.cmpi sle, %sub3A_11, %le3A : i32
    %and3A_13 = arith.andi %ge3A_8, %le3A_12 : i1
    %add3A_14 = arith.constant 32 : i32
    %add3A_15 = arith.addi %add3A_5, %add3A_14 : i32
    %sub3A_16 = arith.constant 1 : i32
    %sub3A_17 = arith.subi %add3A_15, %sub3A_16 : i32
    %le3A_18 = arith.constant 0 : i32
    %le3A_19 = arith.cmpi sle, %sub3A_17, %le3A_18 : i32
    %ge3A_20 = arith.constant 1024 : i32
    %ge3A_21 = arith.cmpi sge, %add3A_5, %ge3A_20 : i32
    %or3A = arith.ori %le3A_19, %ge3A_21 : i1
    %and3A_22 = arith.andi %and3A_13, %eq3A_7 : i1
    %convert_element_type3A = arith.extui %and3A_22 : i1 to i32
    %cond3A = arith.constant 0 : i32
    %cond3A_23 = arith.cmpi ne, %convert_element_type3A, %cond3A : i32
    scf.if %cond3A_23 {
      %multiple_of3A = tpu.assume_multiple %add3A_5, 8 : i32
      %add3A_32 = arith.constant 0 : i32
      %add3A_33 = arith.addi %multiple_of3A, %add3A_32 : i32
      %dma_start3A = arith.constant 0 : i32
      %dma_start3A_34 = arith.constant 0 : i32
      %dma_start3A_35 = tpu.memref_slice %arg7[%dma_start3A, %dma_start3A_34] : memref<16x1024xf32, #tpu.memory_space<vmem>> -> memref<8x1024xf32, #tpu.memory_space<vmem>>
      %dma_start3A_36 = arith.constant 0 : i32
      %dma_start3A_37 = tpu.memref_slice %arg3[%add3A_33, %dma_start3A_36] : memref<1025x1024xf32, #tpu.memory_space<hbm>> -> memref<8x1024xf32, #tpu.memory_space<hbm>>
      %dma_start3A_38 = arith.constant 0 : i32
      %dma_start3A_39 = arith.constant 0 : i32
      %dma_start3A_40 = tpu.memref_slice %arg7[%dma_start3A_38, %dma_start3A_39] : memref<16x1024xf32, #tpu.memory_space<vmem>> -> memref<8x1024xf32, #tpu.memory_space<vmem>>
      %dma_start3A_41 = arith.constant 0 : i32
      %dma_start3A_42 = tpu.memref_slice %arg3[%add3A_33, %dma_start3A_41] : memref<1025x1024xf32, #tpu.memory_space<hbm>> -> memref<8x1024xf32, #tpu.memory_space<hbm>>
      tpu.enqueue_dma source(%dma_start3A_42 : memref<8x1024xf32, #tpu.memory_space<hbm>>) target(%dma_start3A_40 : memref<8x1024xf32, #tpu.memory_space<vmem>>) target_semaphore(%arg10 : memref<!tpu.dma_semaphore, #tpu.memory_space<semaphore_mem>>)
      %add3A_43 = arith.constant 8 : i32
      %add3A_44 = arith.addi %multiple_of3A, %add3A_43 : i32
      %dma_start3A_45 = arith.constant 0 : i32
      %dma_start3A_46 = arith.constant 0 : i32
      %dma_start3A_47 = tpu.memref_slice %arg8[%dma_start3A_45, %dma_start3A_46] : memref<16x1024xf32, #tpu.memory_space<vmem>> -> memref<8x1024xf32, #tpu.memory_space<vmem>>
      %dma_start3A_48 = arith.constant 0 : i32
      %dma_start3A_49 = tpu.memref_slice %arg3[%add3A_44, %dma_start3A_48] : memref<1025x1024xf32, #tpu.memory_space<hbm>> -> memref<8x1024xf32, #tpu.memory_space<hbm>>
      %dma_start3A_50 = arith.constant 0 : i32
      %dma_start3A_51 = arith.constant 0 : i32
      %dma_start3A_52 = tpu.memref_slice %arg8[%dma_start3A_50, %dma_start3A_51] : memref<16x1024xf32, #tpu.memory_space<vmem>> -> memref<8x1024xf32, #tpu.memory_space<vmem>>
      %dma_start3A_53 = arith.constant 0 : i32
      %dma_start3A_54 = tpu.memref_slice %arg3[%add3A_44, %dma_start3A_53] : memref<1025x1024xf32, #tpu.memory_space<hbm>> -> memref<8x1024xf32, #tpu.memory_space<hbm>>
      tpu.enqueue_dma source(%dma_start3A_54 : memref<8x1024xf32, #tpu.memory_space<hbm>>) target(%dma_start3A_52 : memref<8x1024xf32, #tpu.memory_space<vmem>>) target_semaphore(%arg11 : memref<!tpu.dma_semaphore, #tpu.memory_space<semaphore_mem>>)
      %dma_wait3A = arith.constant 0 : i32
      %dma_wait3A_55 = arith.constant 0 : i32
      %dma_wait3A_56 = tpu.memref_slice %arg7[%dma_wait3A, %dma_wait3A_55] : memref<16x1024xf32, #tpu.memory_space<vmem>> -> memref<8x1024xf32, #tpu.memory_space<vmem>>
      %dma_wait3A_57 = arith.constant 0 : i32
      %dma_wait3A_58 = tpu.memref_slice %arg3[%add3A_33, %dma_wait3A_57] : memref<1025x1024xf32, #tpu.memory_space<hbm>> -> memref<8x1024xf32, #tpu.memory_space<hbm>>
      %dma_wait3A_59 = arith.constant 0 : i32
      %dma_wait3A_60 = arith.constant 0 : i32
      %dma_wait3A_61 = tpu.memref_slice %arg7[%dma_wait3A_59, %dma_wait3A_60] : memref<16x1024xf32, #tpu.memory_space<vmem>> -> memref<8x1024xf32, #tpu.memory_space<vmem>>
      %dma_wait3A_62 = arith.constant 0 : i32
      %dma_wait3A_63 = tpu.memref_slice %arg3[%add3A_33, %dma_wait3A_62] : memref<1025x1024xf32, #tpu.memory_space<hbm>> -> memref<8x1024xf32, #tpu.memory_space<hbm>>
      tpu.wait_dma2 semaphore(%arg10 : memref<!tpu.dma_semaphore, #tpu.memory_space<semaphore_mem>>) src(%dma_wait3A_63 : memref<8x1024xf32, #tpu.memory_space<hbm>>) dst(%dma_wait3A_61 : memref<8x1024xf32, #tpu.memory_space<vmem>>)
      %add3A_64 = arith.constant 0 : i32
      %add3A_65 = arith.addi %mul3A_2, %add3A_64 : i32
      "tpu.region"() ({
        %run_scoped3A = tpu.sem_alloc : memref<!tpu.dma_semaphore, #tpu.memory_space<semaphore_mem>>
        %dma_start3A_126 = arith.constant 0 : i32
        %dma_start3A_127 = arith.constant 0 : i32
        %dma_start3A_128 = tpu.memref_slice %arg7[%dma_start3A_126, %dma_start3A_127] : memref<16x1024xf32, #tpu.memory_space<vmem>> -> memref<8x1024xf32, #tpu.memory_space<vmem>>
        %dma_start3A_129 = arith.constant 0 : i32
        %dma_start3A_130 = tpu.memref_slice %arg4[%add3A_65, %dma_start3A_129] : memref<4096x1024xf32, #tpu.memory_space<hbm>> -> memref<8x1024xf32, #tpu.memory_space<hbm>>
        %dma_start3A_131 = arith.constant 0 : i32
        %dma_start3A_132 = tpu.memref_slice %arg4[%add3A_65, %dma_start3A_131] : memref<4096x1024xf32, #tpu.memory_space<hbm>> -> memref<8x1024xf32, #tpu.memory_space<hbm>>
        %dma_start3A_133 = arith.constant 0 : i32
        %dma_start3A_134 = arith.constant 0 : i32
        %dma_start3A_135 = tpu.memref_slice %arg7[%dma_start3A_133, %dma_start3A_134] : memref<16x1024xf32, #tpu.memory_space<vmem>> -> memref<8x1024xf32, #tpu.memory_space<vmem>>
        tpu.enqueue_dma source(%dma_start3A_135 : memref<8x1024xf32, #tpu.memory_space<vmem>>) target(%dma_start3A_132 : memref<8x1024xf32, #tpu.memory_space<hbm>>) target_semaphore(%run_scoped3A : memref<!tpu.dma_semaphore, #tpu.memory_space<semaphore_mem>>)
        %dma_wait3A_136 = arith.constant 0 : i32
        %dma_wait3A_137 = arith.constant 0 : i32
        %dma_wait3A_138 = tpu.memref_slice %arg7[%dma_wait3A_136, %dma_wait3A_137] : memref<16x1024xf32, #tpu.memory_space<vmem>> -> memref<8x1024xf32, #tpu.memory_space<vmem>>
        %dma_wait3A_139 = arith.constant 0 : i32
        %dma_wait3A_140 = tpu.memref_slice %arg4[%add3A_65, %dma_wait3A_139] : memref<4096x1024xf32, #tpu.memory_space<hbm>> -> memref<8x1024xf32, #tpu.memory_space<hbm>>
        %dma_wait3A_141 = arith.constant 0 : i32
        %dma_wait3A_142 = tpu.memref_slice %arg4[%add3A_65, %dma_wait3A_141] : memref<4096x1024xf32, #tpu.memory_space<hbm>> -> memref<8x1024xf32, #tpu.memory_space<hbm>>
        %dma_wait3A_143 = arith.constant 0 : i32
        %dma_wait3A_144 = arith.constant 0 : i32
        %dma_wait3A_145 = tpu.memref_slice %arg7[%dma_wait3A_143, %dma_wait3A_144] : memref<16x1024xf32, #tpu.memory_space<vmem>> -> memref<8x1024xf32, #tpu.memory_space<vmem>>
        tpu.wait_dma2 semaphore(%run_scoped3A : memref<!tpu.dma_semaphore, #tpu.memory_space<semaphore_mem>>) src(%dma_wait3A_145 : memref<8x1024xf32, #tpu.memory_space<vmem>>) dst(%dma_wait3A_142 : memref<8x1024xf32, #tpu.memory_space<hbm>>)
        tpu.yield
      }) : () -> ()
      %add3A_66 = arith.constant 16 : i32
      %add3A_67 = arith.addi %multiple_of3A, %add3A_66 : i32
      %dma_start3A_68 = arith.constant 0 : i32
      %dma_start3A_69 = arith.constant 0 : i32
      %dma_start3A_70 = tpu.memref_slice %arg7[%dma_start3A_68, %dma_start3A_69] : memref<16x1024xf32, #tpu.memory_space<vmem>> -> memref<8x1024xf32, #tpu.memory_space<vmem>>
      %dma_start3A_71 = arith.constant 0 : i32
      %dma_start3A_72 = tpu.memref_slice %arg3[%add3A_67, %dma_start3A_71] : memref<1025x1024xf32, #tpu.memory_space<hbm>> -> memref<8x1024xf32, #tpu.memory_space<hbm>>
      %dma_start3A_73 = arith.constant 0 : i32
      %dma_start3A_74 = arith.constant 0 : i32
      %dma_start3A_75 = tpu.memref_slice %arg7[%dma_start3A_73, %dma_start3A_74] : memref<16x1024xf32, #tpu.memory_space<vmem>> -> memref<8x1024xf32, #tpu.memory_space<vmem>>
      %dma_start3A_76 = arith.constant 0 : i32
      %dma_start3A_77 = tpu.memref_slice %arg3[%add3A_67, %dma_start3A_76] : memref<1025x1024xf32, #tpu.memory_space<hbm>> -> memref<8x1024xf32, #tpu.memory_space<hbm>>
      tpu.enqueue_dma source(%dma_start3A_77 : memref<8x1024xf32, #tpu.memory_space<hbm>>) target(%dma_start3A_75 : memref<8x1024xf32, #tpu.memory_space<vmem>>) target_semaphore(%arg10 : memref<!tpu.dma_semaphore, #tpu.memory_space<semaphore_mem>>)
      %dma_wait3A_78 = arith.constant 0 : i32
      %dma_wait3A_79 = arith.constant 0 : i32
      %dma_wait3A_80 = tpu.memref_slice %arg8[%dma_wait3A_78, %dma_wait3A_79] : memref<16x1024xf32, #tpu.memory_space<vmem>> -> memref<8x1024xf32, #tpu.memory_space<vmem>>
      %dma_wait3A_81 = arith.constant 0 : i32
      %dma_wait3A_82 = tpu.memref_slice %arg3[%add3A_44, %dma_wait3A_81] : memref<1025x1024xf32, #tpu.memory_space<hbm>> -> memref<8x1024xf32, #tpu.memory_space<hbm>>
      %dma_wait3A_83 = arith.constant 0 : i32
      %dma_wait3A_84 = arith.constant 0 : i32
      %dma_wait3A_85 = tpu.memref_slice %arg8[%dma_wait3A_83, %dma_wait3A_84] : memref<16x1024xf32, #tpu.memory_space<vmem>> -> memref<8x1024xf32, #tpu.memory_space<vmem>>
      %dma_wait3A_86 = arith.constant 0 : i32
      %dma_wait3A_87 = tpu.memref_slice %arg3[%add3A_44, %dma_wait3A_86] : memref<1025x1024xf32, #tpu.memory_space<hbm>> -> memref<8x1024xf32, #tpu.memory_space<hbm>>
      tpu.wait_dma2 semaphore(%arg11 : memref<!tpu.dma_semaphore, #tpu.memory_space<semaphore_mem>>) src(%dma_wait3A_87 : memref<8x1024xf32, #tpu.memory_space<hbm>>) dst(%dma_wait3A_85 : memref<8x1024xf32, #tpu.memory_space<vmem>>)
      %add3A_88 = arith.constant 8 : i32
      %add3A_89 = arith.addi %mul3A_2, %add3A_88 : i32
      "tpu.region"() ({
        %run_scoped3A = tpu.sem_alloc : memref<!tpu.dma_semaphore, #tpu.memory_space<semaphore_mem>>
        %dma_start3A_126 = arith.constant 0 : i32
        %dma_start3A_127 = arith.constant 0 : i32
        %dma_start3A_128 = tpu.memref_slice %arg8[%dma_start3A_126, %dma_start3A_127] : memref<16x1024xf32, #tpu.memory_space<vmem>> -> memref<8x1024xf32, #tpu.memory_space<vmem>>
        %dma_start3A_129 = arith.constant 0 : i32
        %dma_start3A_130 = tpu.memref_slice %arg4[%add3A_89, %dma_start3A_129] : memref<4096x1024xf32, #tpu.memory_space<hbm>> -> memref<8x1024xf32, #tpu.memory_space<hbm>>
        %dma_start3A_131 = arith.constant 0 : i32
        %dma_start3A_132 = tpu.memref_slice %arg4[%add3A_89, %dma_start3A_131] : memref<4096x1024xf32, #tpu.memory_space<hbm>> -> memref<8x1024xf32, #tpu.memory_space<hbm>>
        %dma_start3A_133 = arith.constant 0 : i32
        %dma_start3A_134 = arith.constant 0 : i32
        %dma_start3A_135 = tpu.memref_slice %arg8[%dma_start3A_133, %dma_start3A_134] : memref<16x1024xf32, #tpu.memory_space<vmem>> -> memref<8x1024xf32, #tpu.memory_space<vmem>>
        tpu.enqueue_dma source(%dma_start3A_135 : memref<8x1024xf32, #tpu.memory_space<vmem>>) target(%dma_start3A_132 : memref<8x1024xf32, #tpu.memory_space<hbm>>) target_semaphore(%run_scoped3A : memref<!tpu.dma_semaphore, #tpu.memory_space<semaphore_mem>>)
        %dma_wait3A_136 = arith.constant 0 : i32
        %dma_wait3A_137 = arith.constant 0 : i32
        %dma_wait3A_138 = tpu.memref_slice %arg8[%dma_wait3A_136, %dma_wait3A_137] : memref<16x1024xf32, #tpu.memory_space<vmem>> -> memref<8x1024xf32, #tpu.memory_space<vmem>>
        %dma_wait3A_139 = arith.constant 0 : i32
        %dma_wait3A_140 = tpu.memref_slice %arg4[%add3A_89, %dma_wait3A_139] : memref<4096x1024xf32, #tpu.memory_space<hbm>> -> memref<8x1024xf32, #tpu.memory_space<hbm>>
        %dma_wait3A_141 = arith.constant 0 : i32
        %dma_wait3A_142 = tpu.memref_slice %arg4[%add3A_89, %dma_wait3A_141] : memref<4096x1024xf32, #tpu.memory_space<hbm>> -> memref<8x1024xf32, #tpu.memory_space<hbm>>
        %dma_wait3A_143 = arith.constant 0 : i32
        %dma_wait3A_144 = arith.constant 0 : i32
        %dma_wait3A_145 = tpu.memref_slice %arg8[%dma_wait3A_143, %dma_wait3A_144] : memref<16x1024xf32, #tpu.memory_space<vmem>> -> memref<8x1024xf32, #tpu.memory_space<vmem>>
        tpu.wait_dma2 semaphore(%run_scoped3A : memref<!tpu.dma_semaphore, #tpu.memory_space<semaphore_mem>>) src(%dma_wait3A_145 : memref<8x1024xf32, #tpu.memory_space<vmem>>) dst(%dma_wait3A_142 : memref<8x1024xf32, #tpu.memory_space<hbm>>)
        tpu.yield
      }) : () -> ()
      %add3A_90 = arith.constant 24 : i32
      %add3A_91 = arith.addi %multiple_of3A, %add3A_90 : i32
      %dma_start3A_92 = arith.constant 0 : i32
      %dma_start3A_93 = arith.constant 0 : i32
      %dma_start3A_94 = tpu.memref_slice %arg8[%dma_start3A_92, %dma_start3A_93] : memref<16x1024xf32, #tpu.memory_space<vmem>> -> memref<8x1024xf32, #tpu.memory_space<vmem>>
      %dma_start3A_95 = arith.constant 0 : i32
      %dma_start3A_96 = tpu.memref_slice %arg3[%add3A_91, %dma_start3A_95] : memref<1025x1024xf32, #tpu.memory_space<hbm>> -> memref<8x1024xf32, #tpu.memory_space<hbm>>
      %dma_start3A_97 = arith.constant 0 : i32
      %dma_start3A_98 = arith.constant 0 : i32
      %dma_start3A_99 = tpu.memref_slice %arg8[%dma_start3A_97, %dma_start3A_98] : memref<16x1024xf32, #tpu.memory_space<vmem>> -> memref<8x1024xf32, #tpu.memory_space<vmem>>
      %dma_start3A_100 = arith.constant 0 : i32
      %dma_start3A_101 = tpu.memref_slice %arg3[%add3A_91, %dma_start3A_100] : memref<1025x1024xf32, #tpu.memory_space<hbm>> -> memref<8x1024xf32, #tpu.memory_space<hbm>>
      tpu.enqueue_dma source(%dma_start3A_101 : memref<8x1024xf32, #tpu.memory_space<hbm>>) target(%dma_start3A_99 : memref<8x1024xf32, #tpu.memory_space<vmem>>) target_semaphore(%arg11 : memref<!tpu.dma_semaphore, #tpu.memory_space<semaphore_mem>>)
      %dma_wait3A_102 = arith.constant 0 : i32
      %dma_wait3A_103 = arith.constant 0 : i32
      %dma_wait3A_104 = tpu.memref_slice %arg7[%dma_wait3A_102, %dma_wait3A_103] : memref<16x1024xf32, #tpu.memory_space<vmem>> -> memref<8x1024xf32, #tpu.memory_space<vmem>>
      %dma_wait3A_105 = arith.constant 0 : i32
      %dma_wait3A_106 = tpu.memref_slice %arg3[%add3A_67, %dma_wait3A_105] : memref<1025x1024xf32, #tpu.memory_space<hbm>> -> memref<8x1024xf32, #tpu.memory_space<hbm>>
      %dma_wait3A_107 = arith.constant 0 : i32
      %dma_wait3A_108 = arith.constant 0 : i32
      %dma_wait3A_109 = tpu.memref_slice %arg7[%dma_wait3A_107, %dma_wait3A_108] : memref<16x1024xf32, #tpu.memory_space<vmem>> -> memref<8x1024xf32, #tpu.memory_space<vmem>>
      %dma_wait3A_110 = arith.constant 0 : i32
      %dma_wait3A_111 = tpu.memref_slice %arg3[%add3A_67, %dma_wait3A_110] : memref<1025x1024xf32, #tpu.memory_space<hbm>> -> memref<8x1024xf32, #tpu.memory_space<hbm>>
      tpu.wait_dma2 semaphore(%arg10 : memref<!tpu.dma_semaphore, #tpu.memory_space<semaphore_mem>>) src(%dma_wait3A_111 : memref<8x1024xf32, #tpu.memory_space<hbm>>) dst(%dma_wait3A_109 : memref<8x1024xf32, #tpu.memory_space<vmem>>)
      %add3A_112 = arith.constant 16 : i32
      %add3A_113 = arith.addi %mul3A_2, %add3A_112 : i32
      "tpu.region"() ({
        %run_scoped3A = tpu.sem_alloc : memref<!tpu.dma_semaphore, #tpu.memory_space<semaphore_mem>>
        %dma_start3A_126 = arith.constant 0 : i32
        %dma_start3A_127 = arith.constant 0 : i32
        %dma_start3A_128 = tpu.memref_slice %arg7[%dma_start3A_126, %dma_start3A_127] : memref<16x1024xf32, #tpu.memory_space<vmem>> -> memref<8x1024xf32, #tpu.memory_space<vmem>>
        %dma_start3A_129 = arith.constant 0 : i32
        %dma_start3A_130 = tpu.memref_slice %arg4[%add3A_113, %dma_start3A_129] : memref<4096x1024xf32, #tpu.memory_space<hbm>> -> memref<8x1024xf32, #tpu.memory_space<hbm>>
        %dma_start3A_131 = arith.constant 0 : i32
        %dma_start3A_132 = tpu.memref_slice %arg4[%add3A_113, %dma_start3A_131] : memref<4096x1024xf32, #tpu.memory_space<hbm>> -> memref<8x1024xf32, #tpu.memory_space<hbm>>
        %dma_start3A_133 = arith.constant 0 : i32
        %dma_start3A_134 = arith.constant 0 : i32
        %dma_start3A_135 = tpu.memref_slice %arg7[%dma_start3A_133, %dma_start3A_134] : memref<16x1024xf32, #tpu.memory_space<vmem>> -> memref<8x1024xf32, #tpu.memory_space<vmem>>
        tpu.enqueue_dma source(%dma_start3A_135 : memref<8x1024xf32, #tpu.memory_space<vmem>>) target(%dma_start3A_132 : memref<8x1024xf32, #tpu.memory_space<hbm>>) target_semaphore(%run_scoped3A : memref<!tpu.dma_semaphore, #tpu.memory_space<semaphore_mem>>)
        %dma_wait3A_136 = arith.constant 0 : i32
        %dma_wait3A_137 = arith.constant 0 : i32
        %dma_wait3A_138 = tpu.memref_slice %arg7[%dma_wait3A_136, %dma_wait3A_137] : memref<16x1024xf32, #tpu.memory_space<vmem>> -> memref<8x1024xf32, #tpu.memory_space<vmem>>
        %dma_wait3A_139 = arith.constant 0 : i32
        %dma_wait3A_140 = tpu.memref_slice %arg4[%add3A_113, %dma_wait3A_139] : memref<4096x1024xf32, #tpu.memory_space<hbm>> -> memref<8x1024xf32, #tpu.memory_space<hbm>>
        %dma_wait3A_141 = arith.constant 0 : i32
        %dma_wait3A_142 = tpu.memref_slice %arg4[%add3A_113, %dma_wait3A_141] : memref<4096x1024xf32, #tpu.memory_space<hbm>> -> memref<8x1024xf32, #tpu.memory_space<hbm>>
        %dma_wait3A_143 = arith.constant 0 : i32
        %dma_wait3A_144 = arith.constant 0 : i32
        %dma_wait3A_145 = tpu.memref_slice %arg7[%dma_wait3A_143, %dma_wait3A_144] : memref<16x1024xf32, #tpu.memory_space<vmem>> -> memref<8x1024xf32, #tpu.memory_space<vmem>>
        tpu.wait_dma2 semaphore(%run_scoped3A : memref<!tpu.dma_semaphore, #tpu.memory_space<semaphore_mem>>) src(%dma_wait3A_145 : memref<8x1024xf32, #tpu.memory_space<vmem>>) dst(%dma_wait3A_142 : memref<8x1024xf32, #tpu.memory_space<hbm>>)
        tpu.yield
      }) : () -> ()
      %dma_wait3A_114 = arith.constant 0 : i32
      %dma_wait3A_115 = arith.constant 0 : i32
      %dma_wait3A_116 = tpu.memref_slice %arg8[%dma_wait3A_114, %dma_wait3A_115] : memref<16x1024xf32, #tpu.memory_space<vmem>> -> memref<8x1024xf32, #tpu.memory_space<vmem>>
      %dma_wait3A_117 = arith.constant 0 : i32
      %dma_wait3A_118 = tpu.memref_slice %arg3[%add3A_91, %dma_wait3A_117] : memref<1025x1024xf32, #tpu.memory_space<hbm>> -> memref<8x1024xf32, #tpu.memory_space<hbm>>
      %dma_wait3A_119 = arith.constant 0 : i32
      %dma_wait3A_120 = arith.constant 0 : i32
      %dma_wait3A_121 = tpu.memref_slice %arg8[%dma_wait3A_119, %dma_wait3A_120] : memref<16x1024xf32, #tpu.memory_space<vmem>> -> memref<8x1024xf32, #tpu.memory_space<vmem>>
      %dma_wait3A_122 = arith.constant 0 : i32
      %dma_wait3A_123 = tpu.memref_slice %arg3[%add3A_91, %dma_wait3A_122] : memref<1025x1024xf32, #tpu.memory_space<hbm>> -> memref<8x1024xf32, #tpu.memory_space<hbm>>
      tpu.wait_dma2 semaphore(%arg11 : memref<!tpu.dma_semaphore, #tpu.memory_space<semaphore_mem>>) src(%dma_wait3A_123 : memref<8x1024xf32, #tpu.memory_space<hbm>>) dst(%dma_wait3A_121 : memref<8x1024xf32, #tpu.memory_space<vmem>>)
      %add3A_124 = arith.constant 24 : i32
      %add3A_125 = arith.addi %mul3A_2, %add3A_124 : i32
      "tpu.region"() ({
        %run_scoped3A = tpu.sem_alloc : memref<!tpu.dma_semaphore, #tpu.memory_space<semaphore_mem>>
        %dma_start3A_126 = arith.constant 0 : i32
        %dma_start3A_127 = arith.constant 0 : i32
        %dma_start3A_128 = tpu.memref_slice %arg8[%dma_start3A_126, %dma_start3A_127] : memref<16x1024xf32, #tpu.memory_space<vmem>> -> memref<8x1024xf32, #tpu.memory_space<vmem>>
        %dma_start3A_129 = arith.constant 0 : i32
        %dma_start3A_130 = tpu.memref_slice %arg4[%add3A_125, %dma_start3A_129] : memref<4096x1024xf32, #tpu.memory_space<hbm>> -> memref<8x1024xf32, #tpu.memory_space<hbm>>
        %dma_start3A_131 = arith.constant 0 : i32
        %dma_start3A_132 = tpu.memref_slice %arg4[%add3A_125, %dma_start3A_131] : memref<4096x1024xf32, #tpu.memory_space<hbm>> -> memref<8x1024xf32, #tpu.memory_space<hbm>>
        %dma_start3A_133 = arith.constant 0 : i32
        %dma_start3A_134 = arith.constant 0 : i32
        %dma_start3A_135 = tpu.memref_slice %arg8[%dma_start3A_133, %dma_start3A_134] : memref<16x1024xf32, #tpu.memory_space<vmem>> -> memref<8x1024xf32, #tpu.memory_space<vmem>>
        tpu.enqueue_dma source(%dma_start3A_135 : memref<8x1024xf32, #tpu.memory_space<vmem>>) target(%dma_start3A_132 : memref<8x1024xf32, #tpu.memory_space<hbm>>) target_semaphore(%run_scoped3A : memref<!tpu.dma_semaphore, #tpu.memory_space<semaphore_mem>>)
        %dma_wait3A_136 = arith.constant 0 : i32
        %dma_wait3A_137 = arith.constant 0 : i32
        %dma_wait3A_138 = tpu.memref_slice %arg8[%dma_wait3A_136, %dma_wait3A_137] : memref<16x1024xf32, #tpu.memory_space<vmem>> -> memref<8x1024xf32, #tpu.memory_space<vmem>>
        %dma_wait3A_139 = arith.constant 0 : i32
        %dma_wait3A_140 = tpu.memref_slice %arg4[%add3A_125, %dma_wait3A_139] : memref<4096x1024xf32, #tpu.memory_space<hbm>> -> memref<8x1024xf32, #tpu.memory_space<hbm>>
        %dma_wait3A_141 = arith.constant 0 : i32
        %dma_wait3A_142 = tpu.memref_slice %arg4[%add3A_125, %dma_wait3A_141] : memref<4096x1024xf32, #tpu.memory_space<hbm>> -> memref<8x1024xf32, #tpu.memory_space<hbm>>
        %dma_wait3A_143 = arith.constant 0 : i32
        %dma_wait3A_144 = arith.constant 0 : i32
        %dma_wait3A_145 = tpu.memref_slice %arg8[%dma_wait3A_143, %dma_wait3A_144] : memref<16x1024xf32, #tpu.memory_space<vmem>> -> memref<8x1024xf32, #tpu.memory_space<vmem>>
        tpu.wait_dma2 semaphore(%run_scoped3A : memref<!tpu.dma_semaphore, #tpu.memory_space<semaphore_mem>>) src(%dma_wait3A_145 : memref<8x1024xf32, #tpu.memory_space<vmem>>) dst(%dma_wait3A_142 : memref<8x1024xf32, #tpu.memory_space<hbm>>)
        tpu.yield
      }) : () -> ()
    } else {
    }
    %convert_element_type3A_24 = arith.extui %or3A : i1 to i32
    %cond3A_25 = arith.constant 0 : i32
    %cond3A_26 = arith.cmpi ne, %convert_element_type3A_24, %cond3A_25 : i32
    scf.if %cond3A_26 {
      %add3A_32 = arith.constant 32 : i32
      %add3A_33 = arith.addi %add3A_5, %add3A_32 : i32
      %sub3A_34 = arith.constant 1 : i32
      %sub3A_35 = arith.subi %add3A_33, %sub3A_34 : i32
      %le3A_36 = arith.constant 0 : i32
      %le3A_37 = arith.cmpi sle, %sub3A_35, %le3A_36 : i32
      %jit3A = arith.constant 0 : i32
      %jit3A_38 = arith.constant 1024 : i32
      %select_n3A = arith.select %le3A_37, %jit3A, %jit3A_38 : i32
      %multiple_of3A = tpu.assume_multiple %select_n3A, 8 : i32
      "tpu.region"() ({
        %run_scoped3A = tpu.sem_alloc : memref<!tpu.dma_semaphore, #tpu.memory_space<semaphore_mem>>
        %dma_start3A_3084 = arith.constant 0 : i32
        %dma_start3A_3085 = arith.constant 0 : i32
        %dma_start3A_3086 = tpu.memref_slice %arg9[%dma_start3A_3084, %dma_start3A_3085] : memref<8x1024xf32, #tpu.memory_space<vmem>> -> memref<1x1024xf32, #tpu.memory_space<vmem>>
        %dma_start3A_3087 = arith.constant 0 : i32
        %dma_start3A_3088 = tpu.memref_slice %arg3[%multiple_of3A, %dma_start3A_3087] : memref<1025x1024xf32, #tpu.memory_space<hbm>> -> memref<1x1024xf32, #tpu.memory_space<hbm>>
        %dma_start3A_3089 = arith.constant 0 : i32
        %dma_start3A_3090 = arith.constant 0 : i32
        %dma_start3A_3091 = tpu.memref_slice %arg9[%dma_start3A_3089, %dma_start3A_3090] : memref<8x1024xf32, #tpu.memory_space<vmem>> -> memref<1x1024xf32, #tpu.memory_space<vmem>>
        %dma_start3A_3092 = arith.constant 0 : i32
        %dma_start3A_3093 = tpu.memref_slice %arg3[%multiple_of3A, %dma_start3A_3092] : memref<1025x1024xf32, #tpu.memory_space<hbm>> -> memref<1x1024xf32, #tpu.memory_space<hbm>>
        tpu.enqueue_dma source(%dma_start3A_3093 : memref<1x1024xf32, #tpu.memory_space<hbm>>) target(%dma_start3A_3091 : memref<1x1024xf32, #tpu.memory_space<vmem>>) target_semaphore(%run_scoped3A : memref<!tpu.dma_semaphore, #tpu.memory_space<semaphore_mem>>)
        %dma_wait3A_3094 = arith.constant 0 : i32
        %dma_wait3A_3095 = arith.constant 0 : i32
        %dma_wait3A_3096 = tpu.memref_slice %arg9[%dma_wait3A_3094, %dma_wait3A_3095] : memref<8x1024xf32, #tpu.memory_space<vmem>> -> memref<1x1024xf32, #tpu.memory_space<vmem>>
        %dma_wait3A_3097 = arith.constant 0 : i32
        %dma_wait3A_3098 = tpu.memref_slice %arg3[%multiple_of3A, %dma_wait3A_3097] : memref<1025x1024xf32, #tpu.memory_space<hbm>> -> memref<1x1024xf32, #tpu.memory_space<hbm>>
        %dma_wait3A_3099 = arith.constant 0 : i32
        %dma_wait3A_3100 = arith.constant 0 : i32
        %dma_wait3A_3101 = tpu.memref_slice %arg9[%dma_wait3A_3099, %dma_wait3A_3100] : memref<8x1024xf32, #tpu.memory_space<vmem>> -> memref<1x1024xf32, #tpu.memory_space<vmem>>
        %dma_wait3A_3102 = arith.constant 0 : i32
        %dma_wait3A_3103 = tpu.memref_slice %arg3[%multiple_of3A, %dma_wait3A_3102] : memref<1025x1024xf32, #tpu.memory_space<hbm>> -> memref<1x1024xf32, #tpu.memory_space<hbm>>
        tpu.wait_dma2 semaphore(%run_scoped3A : memref<!tpu.dma_semaphore, #tpu.memory_space<semaphore_mem>>) src(%dma_wait3A_3103 : memref<1x1024xf32, #tpu.memory_space<hbm>>) dst(%dma_wait3A_3101 : memref<1x1024xf32, #tpu.memory_space<vmem>>)
        tpu.yield
      }) : () -> ()
      %get3A_39 = arith.constant 0 : i32
      %get3A_40 = arith.index_cast %get3A_39 : i32 to index
      %get3A_41 = arith.constant 0 : index
      %get3A_42 = tpu.vector_load %arg9[%get3A_40, %get3A_41] {strides = array<i32>} : memref<8x1024xf32, #tpu.memory_space<vmem>>, vector<1x16xf32>,
      %get3A_43 = vector.shape_cast %get3A_42 : vector<1x16xf32> to vector<16xf32>
      %swap3A = arith.constant 1 : i32
      %swap3A_44 = arith.index_cast %swap3A : i32 to index
      %swap3A_45 = arith.constant 0 : index
      %swap3A_46 = tpu.vector_load %arg9[%swap3A_44, %swap3A_45] {strides = array<i32>} : memref<8x1024xf32, #tpu.memory_space<vmem>>, vector<1x16xf32>,
      %swap3A_47 = vector.shape_cast %swap3A_46 : vector<1x16xf32> to vector<16xf32>
      %swap3A_48 = vector.shape_cast %get3A_43 : vector<16xf32> to vector<1x16xf32>
      tpu.vector_store %arg9[%swap3A_44, %swap3A_45], %swap3A_48 {strides = array<i32>} : memref<8x1024xf32, #tpu.memory_space<vmem>>, vector<1x16xf32>,
      %swap3A_49 = arith.constant 2 : i32
      %swap3A_50 = arith.index_cast %swap3A_49 : i32 to index
      %swap3A_51 = arith.constant 0 : index
      %swap3A_52 = tpu.vector_load %arg9[%swap3A_50, %swap3A_51] {strides = array<i32>} : memref<8x1024xf32, #tpu.memory_space<vmem>>, vector<1x16xf32>,
      %swap3A_53 = vector.shape_cast %swap3A_52 : vector<1x16xf32> to vector<16xf32>
      %swap3A_54 = vector.shape_cast %get3A_43 : vector<16xf32> to vector<1x16xf32>
      tpu.vector_store %arg9[%swap3A_50, %swap3A_51], %swap3A_54 {strides = array<i32>} : memref<8x1024xf32, #tpu.memory_space<vmem>>, vector<1x16xf32>,
      %swap3A_55 = arith.constant 3 : i32
      %swap3A_56 = arith.index_cast %swap3A_55 : i32 to index
      %swap3A_57 = arith.constant 0 : index
      %swap3A_58 = tpu.vector_load %arg9[%swap3A_56, %swap3A_57] {strides = array<i32>} : memref<8x1024xf32, #tpu.memory_space<vmem>>, vector<1x16xf32>,
      %swap3A_59 = vector.shape_cast %swap3A_58 : vector<1x16xf32> to vector<16xf32>
      %swap3A_60 = vector.shape_cast %get3A_43 : vector<16xf32> to vector<1x16xf32>
      tpu.vector_store %arg9[%swap3A_56, %swap3A_57], %swap3A_60 {strides = array<i32>} : memref<8x1024xf32, #tpu.memory_space<vmem>>, vector<1x16xf32>,
      %swap3A_61 = arith.constant 4 : i32
      %swap3A_62 = arith.index_cast %swap3A_61 : i32 to index
      %swap3A_63 = arith.constant 0 : index
      %swap3A_64 = tpu.vector_load %arg9[%swap3A_62, %swap3A_63] {strides = array<i32>} : memref<8x1024xf32, #tpu.memory_space<vmem>>, vector<1x16xf32>,
      %swap3A_65 = vector.shape_cast %swap3A_64 : vector<1x16xf32> to vector<16xf32>
      %swap3A_66 = vector.shape_cast %get3A_43 : vector<16xf32> to vector<1x16xf32>
      tpu.vector_store %arg9[%swap3A_62, %swap3A_63], %swap3A_66 {strides = array<i32>} : memref<8x1024xf32, #tpu.memory_space<vmem>>, vector<1x16xf32>,
      %swap3A_67 = arith.constant 5 : i32
      %swap3A_68 = arith.index_cast %swap3A_67 : i32 to index
      %swap3A_69 = arith.constant 0 : index
      %swap3A_70 = tpu.vector_load %arg9[%swap3A_68, %swap3A_69] {strides = array<i32>} : memref<8x1024xf32, #tpu.memory_space<vmem>>, vector<1x16xf32>,
      %swap3A_71 = vector.shape_cast %swap3A_70 : vector<1x16xf32> to vector<16xf32>
      %swap3A_72 = vector.shape_cast %get3A_43 : vector<16xf32> to vector<1x16xf32>
      tpu.vector_store %arg9[%swap3A_68, %swap3A_69], %swap3A_72 {strides = array<i32>} : memref<8x1024xf32, #tpu.memory_space<vmem>>, vector<1x16xf32>,
      %swap3A_73 = arith.constant 6 : i32
      %swap3A_74 = arith.index_cast %swap3A_73 : i32 to index
      %swap3A_75 = arith.constant 0 : index
      %swap3A_76 = tpu.vector_load %arg9[%swap3A_74, %swap3A_75] {strides = array<i32>} : memref<8x1024xf32, #tpu.memory_space<vmem>>, vector<1x16xf32>,
      %swap3A_77 = vector.shape_cast %swap3A_76 : vector<1x16xf32> to vector<16xf32>
      %swap3A_78 = vector.shape_cast %get3A_43 : vector<16xf32> to vector<1x16xf32>
      tpu.vector_store %arg9[%swap3A_74, %swap3A_75], %swap3A_78 {strides = array<i32>} : memref<8x1024xf32, #tpu.memory_space<vmem>>, vector<1x16xf32>,
      %swap3A_79 = arith.constant 7 : i32
      %swap3A_80 = arith.index_cast %swap3A_79 : i32 to index
      %swap3A_81 = arith.constant 0 : index
      %swap3A_82 = tpu.vector_load %arg9[%swap3A_80, %swap3A_81] {strides = array<i32>} : memref<8x1024xf32, #tpu.memory_space<vmem>>, vector<1x16xf32>,
      %swap3A_83 = vector.shape_cast %swap3A_82 : vector<1x16xf32> to vector<16xf32>
      %swap3A_84 = vector.shape_cast %get3A_43 : vector<16xf32> to vector<1x16xf32>
      tpu.vector_store %arg9[%swap3A_80, %swap3A_81], %swap3A_84 {strides = array<i32>} : memref<8x1024xf32, #tpu.memory_space<vmem>>, vector<1x16xf32>,
      %get3A_85 = arith.constant 0 : i32
      %get3A_86 = arith.index_cast %get3A_85 : i32 to index
      %get3A_87 = arith.constant 16 : index
      %get3A_88 = tpu.vector_load %arg9[%get3A_86, %get3A_87] {strides = array<i32>} : memref<8x1024xf32, #tpu.memory_space<vmem>>, vector<1x16xf32>,
      %get3A_89 = vector.shape_cast %get3A_88 : vector<1x16xf32> to vector<16xf32>
      %swap3A_90 = arith.constant 1 : i32
      %swap3A_91 = arith.index_cast %swap3A_90 : i32 to index
      %swap3A_92 = arith.constant 16 : index
      %swap3A_93 = tpu.vector_load %arg9[%swap3A_91, %swap3A_92] {strides = array<i32>} : memref<8x1024xf32, #tpu.memory_space<vmem>>, vector<1x16xf32>,
      %swap3A_94 = vector.shape_cast %swap3A_93 : vector<1x16xf32> to vector<16xf32>
      %swap3A_95 = vector.shape_cast %get3A_89 : vector<16xf32> to vector<1x16xf32>
      tpu.vector_store %arg9[%swap3A_91, %swap3A_92], %swap3A_95 {strides = array<i32>} : memref<8x1024xf32, #tpu.memory_space<vmem>>, vector<1x16xf32>,
      %swap3A_96 = arith.constant 2 : i32
      %swap3A_97 = arith.index_cast %swap3A_96 : i32 to index
      %swap3A_98 = arith.constant 16 : index
      %swap3A_99 = tpu.vector_load %arg9[%swap3A_97, %swap3A_98] {strides = array<i32>} : memref<8x1024xf32, #tpu.memory_space<vmem>>, vector<1x16xf32>,
      %swap3A_100 = vector.shape_cast %swap3A_99 : vector<1x16xf32> to vector<16xf32>
      %swap3A_101 = vector.shape_cast %get3A_89 : vector<16xf32> to vector<1x16xf32>
      tpu.vector_store %arg9[%swap3A_97, %swap3A_98], %swap3A_101 {strides = array<i32>} : memref<8x1024xf32, #tpu.memory_space<vmem>>, vector<1x16xf32>,
      %swap3A_102 = arith.constant 3 : i32
      %swap3A_103 = arith.index_cast %swap3A_102 : i32 to index
      %swap3A_104 = arith.constant 16 : index
      %swap3A_105 = tpu.vector_load %arg9[%swap3A_103, %swap3A_104] {strides = array<i32>} : memref<8x1024xf32, #tpu.memory_space<vmem>>, vector<1x16xf32>,
      %swap3A_106 = vector.shape_cast %swap3A_105 : vector<1x16xf32> to vector<16xf32>
      %swap3A_107 = vector.shape_cast %get3A_89 : vector<16xf32> to vector<1x16xf32>
      tpu.vector_store %arg9[%swap3A_103, %swap3A_104], %swap3A_107 {strides = array<i32>} : memref<8x1024xf32, #tpu.memory_space<vmem>>, vector<1x16xf32>,
      %swap3A_108 = arith.constant 4 : i32
      %swap3A_109 = arith.index_cast %swap3A_108 : i32 to index
      %swap3A_110 = arith.constant 16 : index
      %swap3A_111 = tpu.vector_load %arg9[%swap3A_109, %swap3A_110] {strides = array<i32>} : memref<8x1024xf32, #tpu.memory_space<vmem>>, vector<1x16xf32>,
      %swap3A_112 = vector.shape_cast %swap3A_111 : vector<1x16xf32> to vector<16xf32>
      %swap3A_113 = vector.shape_cast %get3A_89 : vector<16xf32> to vector<1x16xf32>
      tpu.vector_store %arg9[%swap3A_109, %swap3A_110], %swap3A_113 {strides = array<i32>} : memref<8x1024xf32, #tpu.memory_space<vmem>>, vector<1x16xf32>,
      %swap3A_114 = arith.constant 5 : i32
      %swap3A_115 = arith.index_cast %swap3A_114 : i32 to index
      %swap3A_116 = arith.constant 16 : index
      %swap3A_117 = tpu.vector_load %arg9[%swap3A_115, %swap3A_116] {strides = array<i32>} : memref<8x1024xf32, #tpu.memory_space<vmem>>, vector<1x16xf32>,
      %swap3A_118 = vector.shape_cast %swap3A_117 : vector<1x16xf32> to vector<16xf32>
      %swap3A_119 = vector.shape_cast %get3A_89 : vector<16xf32> to vector<1x16xf32>
      tpu.vector_store %arg9[%swap3A_115, %swap3A_116], %swap3A_119 {strides = array<i32>} : memref<8x1024xf32, #tpu.memory_space<vmem>>, vector<1x16xf32>,
      %swap3A_120 = arith.constant 6 : i32
      %swap3A_121 = arith.index_cast %swap3A_120 : i32 to index
      %swap3A_122 = arith.constant 16 : index
      %swap3A_123 = tpu.vector_load %arg9[%swap3A_121, %swap3A_122] {strides = array<i32>} : memref<8x1024xf32, #tpu.memory_space<vmem>>, vector<1x16xf32>,
      %swap3A_124 = vector.shape_cast %swap3A_123 : vector<1x16xf32> to vector<16xf32>
      %swap3A_125 = vector.shape_cast %get3A_89 : vector<16xf32> to vector<1x16xf32>
      tpu.vector_store %arg9[%swap3A_121, %swap3A_122], %swap3A_125 {strides = array<i32>} : memref<8x1024xf32, #tpu.memory_space<vmem>>, vector<1x16xf32>,
      %swap3A_126 = arith.constant 7 : i32
      %swap3A_127 = arith.index_cast %swap3A_126 : i32 to index
      %swap3A_128 = arith.constant 16 : index
      %swap3A_129 = tpu.vector_load %arg9[%swap3A_127, %swap3A_128] {strides = array<i32>} : memref<8x1024xf32, #tpu.memory_space<vmem>>, vector<1x16xf32>,
      %swap3A_130 = vector.shape_cast %swap3A_129 : vector<1x16xf32> to vector<16xf32>
      %swap3A_131 = vector.shape_cast %get3A_89 : vector<16xf32> to vector<1x16xf32>
      tpu.vector_store %arg9[%swap3A_127, %swap3A_128], %swap3A_131 {strides = array<i32>} : memref<8x1024xf32, #tpu.memory_space<vmem>>, vector<1x16xf32>,
      %get3A_132 = arith.constant 0 : i32
      %get3A_133 = arith.index_cast %get3A_132 : i32 to index
      %get3A_134 = arith.constant 32 : index
      %get3A_135 = tpu.vector_load %arg9[%get3A_133, %get3A_134] {strides = array<i32>} : memref<8x1024xf32, #tpu.memory_space<vmem>>, vector<1x16xf32>,
      %get3A_136 = vector.shape_cast %get3A_135 : vector<1x16xf32> to vector<16xf32>
      %swap3A_137 = arith.constant 1 : i32
      %swap3A_138 = arith.index_cast %swap3A_137 : i32 to index
      %swap3A_139 = arith.constant 32 : index
      %swap3A_140 = tpu.vector_load %arg9[%swap3A_138, %swap3A_139] {strides = array<i32>} : memref<8x1024xf32, #tpu.memory_space<vmem>>, vector<1x16xf32>,
      %swap3A_141 = vector.shape_cast %swap3A_140 : vector<1x16xf32> to vector<16xf32>
      %swap3A_142 = vector.shape_cast %get3A_136 : vector<16xf32> to vector<1x16xf32>
      tpu.vector_store %arg9[%swap3A_138, %swap3A_139], %swap3A_142 {strides = array<i32>} : memref<8x1024xf32, #tpu.memory_space<vmem>>, vector<1x16xf32>,
      %swap3A_143 = arith.constant 2 : i32
      %swap3A_144 = arith.index_cast %swap3A_143 : i32 to index
      %swap3A_145 = arith.constant 32 : index
      %swap3A_146 = tpu.vector_load %arg9[%swap3A_144, %swap3A_145] {strides = array<i32>} : memref<8x1024xf32, #tpu.memory_space<vmem>>, vector<1x16xf32>,
      %swap3A_147 = vector.shape_cast %swap3A_146 : vector<1x16xf32> to vector<16xf32>
      %swap3A_148 = vector.shape_cast %get3A_136 : vector<16xf32> to vector<1x16xf32>
      tpu.vector_store %arg9[%swap3A_144, %swap3A_145], %swap3A_148 {strides = array<i32>} : memref<8x1024xf32, #tpu.memory_space<vmem>>, vector<1x16xf32>,
      %swap3A_149 = arith.constant 3 : i32
      %swap3A_150 = arith.index_cast %swap3A_149 : i32 to index
      %swap3A_151 = arith.constant 32 : index
      %swap3A_152 = tpu.vector_load %arg9[%swap3A_150, %swap3A_151] {strides = array<i32>} : memref<8x1024xf32, #tpu.memory_space<vmem>>, vector<1x16xf32>,
      %swap3A_153 = vector.shape_cast %swap3A_152 : vector<1x16xf32> to vector<16xf32>
      %swap3A_154 = vector.shape_cast %get3A_136 : vector<16xf32> to vector<1x16xf32>
      tpu.vector_store %arg9[%swap3A_150, %swap3A_151], %swap3A_154 {strides = array<i32>} : memref<8x1024xf32, #tpu.memory_space<vmem>>, vector<1x16xf32>,
      %swap3A_155 = arith.constant 4 : i32
      %swap3A_156 = arith.index_cast %swap3A_155 : i32 to index
      %swap3A_157 = arith.constant 32 : index
      %swap3A_158 = tpu.vector_load %arg9[%swap3A_156, %swap3A_157] {strides = array<i32>} : memref<8x1024xf32, #tpu.memory_space<vmem>>, vector<1x16xf32>,
      %swap3A_159 = vector.shape_cast %swap3A_158 : vector<1x16xf32> to vector<16xf32>
      %swap3A_160 = vector.shape_cast %get3A_136 : vector<16xf32> to vector<1x16xf32>
      tpu.vector_store %arg9[%swap3A_156, %swap3A_157], %swap3A_160 {strides = array<i32>} : memref<8x1024xf32, #tpu.memory_space<vmem>>, vector<1x16xf32>,
      %swap3A_161 = arith.constant 5 : i32
      %swap3A_162 = arith.index_cast %swap3A_161 : i32 to index
      %swap3A_163 = arith.constant 32 : index
      %swap3A_164 = tpu.vector_load %arg9[%swap3A_162, %swap3A_163] {strides = array<i32>} : memref<8x1024xf32, #tpu.memory_space<vmem>>, vector<1x16xf32>,
      %swap3A_165 = vector.shape_cast %swap3A_164 : vector<1x16xf32> to vector<16xf32>
      %swap3A_166 = vector.shape_cast %get3A_136 : vector<16xf32> to vector<1x16xf32>
      tpu.vector_store %arg9[%swap3A_162, %swap3A_163], %swap3A_166 {strides = array<i32>} : memref<8x1024xf32, #tpu.memory_space<vmem>>, vector<1x16xf32>,
      %swap3A_167 = arith.constant 6 : i32
      %swap3A_168 = arith.index_cast %swap3A_167 : i32 to index
      %swap3A_169 = arith.constant 32 : index
      %swap3A_170 = tpu.vector_load %arg9[%swap3A_168, %swap3A_169] {strides = array<i32>} : memref<8x1024xf32, #tpu.memory_space<vmem>>, vector<1x16xf32>,
      %swap3A_171 = vector.shape_cast %swap3A_170 : vector<1x16xf32> to vector<16xf32>
      %swap3A_172 = vector.shape_cast %get3A_136 : vector<16xf32> to vector<1x16xf32>
      tpu.vector_store %arg9[%swap3A_168, %swap3A_169], %swap3A_172 {strides = array<i32>} : memref<8x1024xf32, #tpu.memory_space<vmem>>, vector<1x16xf32>,
      %swap3A_173 = arith.constant 7 : i32
      %swap3A_174 = arith.index_cast %swap3A_173 : i32 to index
      %swap3A_175 = arith.constant 32 : index
      %swap3A_176 = tpu.vector_load %arg9[%swap3A_174, %swap3A_175] {strides = array<i32>} : memref<8x1024xf32, #tpu.memory_space<vmem>>, vector<1x16xf32>,
      %swap3A_177 = vector.shape_cast %swap3A_176 : vector<1x16xf32> to vector<16xf32>
      %swap3A_178 = vector.shape_cast %get3A_136 : vector<16xf32> to vector<1x16xf32>
      tpu.vector_store %arg9[%swap3A_174, %swap3A_175], %swap3A_178 {strides = array<i32>} : memref<8x1024xf32, #tpu.memory_space<vmem>>, vector<1x16xf32>,
      %get3A_179 = arith.constant 0 : i32
      %get3A_180 = arith.index_cast %get3A_179 : i32 to index
      %get3A_181 = arith.constant 48 : index
      %get3A_182 = tpu.vector_load %arg9[%get3A_180, %get3A_181] {strides = array<i32>} : memref<8x1024xf32, #tpu.memory_space<vmem>>, vector<1x16xf32>,
      %get3A_183 = vector.shape_cast %get3A_182 : vector<1x16xf32> to vector<16xf32>
      %swap3A_184 = arith.constant 1 : i32
      %swap3A_185 = arith.index_cast %swap3A_184 : i32 to index
      %swap3A_186 = arith.constant 48 : index
      %swap3A_187 = tpu.vector_load %arg9[%swap3A_185, %swap3A_186] {strides = array<i32>} : memref<8x1024xf32, #tpu.memory_space<vmem>>, vector<1x16xf32>,
      %swap3A_188 = vector.shape_cast %swap3A_187 : vector<1x16xf32> to vector<16xf32>
      %swap3A_189 = vector.shape_cast %get3A_183 : vector<16xf32> to vector<1x16xf32>
      tpu.vector_store %arg9[%swap3A_185, %swap3A_186], %swap3A_189 {strides = array<i32>} : memref<8x1024xf32, #tpu.memory_space<vmem>>, vector<1x16xf32>,
      %swap3A_190 = arith.constant 2 : i32
      %swap3A_191 = arith.index_cast %swap3A_190 : i32 to index
      %swap3A_192 = arith.constant 48 : index
      %swap3A_193 = tpu.vector_load %arg9[%swap3A_191, %swap3A_192] {strides = array<i32>} : memref<8x1024xf32, #tpu.memory_space<vmem>>, vector<1x16xf32>,
      %swap3A_194 = vector.shape_cast %swap3A_193 : vector<1x16xf32> to vector<16xf32>
      %swap3A_195 = vector.shape_cast %get3A_183 : vector<16xf32> to vector<1x16xf32>
      tpu.vector_store %arg9[%swap3A_191, %swap3A_192], %swap3A_195 {strides = array<i32>} : memref<8x1024xf32, #tpu.memory_space<vmem>>, vector<1x16xf32>,
      %swap3A_196 = arith.constant 3 : i32
      %swap3A_197 = arith.index_cast %swap3A_196 : i32 to index
      %swap3A_198 = arith.constant 48 : index
      %swap3A_199 = tpu.vector_load %arg9[%swap3A_197, %swap3A_198] {strides = array<i32>} : memref<8x1024xf32, #tpu.memory_space<vmem>>, vector<1x16xf32>,
      %swap3A_200 = vector.shape_cast %swap3A_199 : vector<1x16xf32> to vector<16xf32>
      %swap3A_201 = vector.shape_cast %get3A_183 : vector<16xf32> to vector<1x16xf32>
      tpu.vector_store %arg9[%swap3A_197, %swap3A_198], %swap3A_201 {strides = array<i32>} : memref<8x1024xf32, #tpu.memory_space<vmem>>, vector<1x16xf32>,
      %swap3A_202 = arith.constant 4 : i32
      %swap3A_203 = arith.index_cast %swap3A_202 : i32 to index
      %swap3A_204 = arith.constant 48 : index
      %swap3A_205 = tpu.vector_load %arg9[%swap3A_203, %swap3A_204] {strides = array<i32>} : memref<8x1024xf32, #tpu.memory_space<vmem>>, vector<1x16xf32>,
      %swap3A_206 = vector.shape_cast %swap3A_205 : vector<1x16xf32> to vector<16xf32>
      %swap3A_207 = vector.shape_cast %get3A_183 : vector<16xf32> to vector<1x16xf32>
      tpu.vector_store %arg9[%swap3A_203, %swap3A_204], %swap3A_207 {strides = array<i32>} : memref<8x1024xf32, #tpu.memory_space<vmem>>, vector<1x16xf32>,
      %swap3A_208 = arith.constant 5 : i32
      %swap3A_209 = arith.index_cast %swap3A_208 : i32 to index
      %swap3A_210 = arith.constant 48 : index
      %swap3A_211 = tpu.vector_load %arg9[%swap3A_209, %swap3A_210] {strides = array<i32>} : memref<8x1024xf32, #tpu.memory_space<vmem>>, vector<1x16xf32>,
      %swap3A_212 = vector.shape_cast %swap3A_211 : vector<1x16xf32> to vector<16xf32>
      %swap3A_213 = vector.shape_cast %get3A_183 : vector<16xf32> to vector<1x16xf32>
      tpu.vector_store %arg9[%swap3A_209, %swap3A_210], %swap3A_213 {strides = array<i32>} : memref<8x1024xf32, #tpu.memory_space<vmem>>, vector<1x16xf32>,
      %swap3A_214 = arith.constant 6 : i32
      %swap3A_215 = arith.index_cast %swap3A_214 : i32 to index
      %swap3A_216 = arith.constant 48 : index
      %swap3A_217 = tpu.vector_load %arg9[%swap3A_215, %swap3A_216] {strides = array<i32>} : memref<8x1024xf32, #tpu.memory_space<vmem>>, vector<1x16xf32>,
      %swap3A_218 = vector.shape_cast %swap3A_217 : vector<1x16xf32> to vector<16xf32>
      %swap3A_219 = vector.shape_cast %get3A_183 : vector<16xf32> to vector<1x16xf32>
      tpu.vector_store %arg9[%swap3A_215, %swap3A_216], %swap3A_219 {strides = array<i32>} : memref<8x1024xf32, #tpu.memory_space<vmem>>, vector<1x16xf32>,
      %swap3A_220 = arith.constant 7 : i32
      %swap3A_221 = arith.index_cast %swap3A_220 : i32 to index
      %swap3A_222 = arith.constant 48 : index
      %swap3A_223 = tpu.vector_load %arg9[%swap3A_221, %swap3A_222] {strides = array<i32>} : memref<8x1024xf32, #tpu.memory_space<vmem>>, vector<1x16xf32>,
      %swap3A_224 = vector.shape_cast %swap3A_223 : vector<1x16xf32> to vector<16xf32>
      %swap3A_225 = vector.shape_cast %get3A_183 : vector<16xf32> to vector<1x16xf32>
      tpu.vector_store %arg9[%swap3A_221, %swap3A_222], %swap3A_225 {strides = array<i32>} : memref<8x1024xf32, #tpu.memory_space<vmem>>, vector<1x16xf32>,
      %get3A_226 = arith.constant 0 : i32
      %get3A_227 = arith.index_cast %get3A_226 : i32 to index
      %get3A_228 = arith.constant 64 : index
      %get3A_229 = tpu.vector_load %arg9[%get3A_227, %get3A_228] {strides = array<i32>} : memref<8x1024xf32, #tpu.memory_space<vmem>>, vector<1x16xf32>,
      %get3A_230 = vector.shape_cast %get3A_229 : vector<1x16xf32> to vector<16xf32>
      %swap3A_231 = arith.constant 1 : i32
      %swap3A_232 = arith.index_cast %swap3A_231 : i32 to index
      %swap3A_233 = arith.constant 64 : index
      %swap3A_234 = tpu.vector_load %arg9[%swap3A_232, %swap3A_233] {strides = array<i32>} : memref<8x1024xf32, #tpu.memory_space<vmem>>, vector<1x16xf32>,
      %swap3A_235 = vector.shape_cast %swap3A_234 : vector<1x16xf32> to vector<16xf32>
      %swap3A_236 = vector.shape_cast %get3A_230 : vector<16xf32> to vector<1x16xf32>
      tpu.vector_store %arg9[%swap3A_232, %swap3A_233], %swap3A_236 {strides = array<i32>} : memref<8x1024xf32, #tpu.memory_space<vmem>>, vector<1x16xf32>,
      %swap3A_237 = arith.constant 2 : i32
      %swap3A_238 = arith.index_cast %swap3A_237 : i32 to index
      %swap3A_239 = arith.constant 64 : index
      %swap3A_240 = tpu.vector_load %arg9[%swap3A_238, %swap3A_239] {strides = array<i32>} : memref<8x1024xf32, #tpu.memory_space<vmem>>, vector<1x16xf32>,
      %swap3A_241 = vector.shape_cast %swap3A_240 : vector<1x16xf32> to vector<16xf32>
      %swap3A_242 = vector.shape_cast %get3A_230 : vector<16xf32> to vector<1x16xf32>
      tpu.vector_store %arg9[%swap3A_238, %swap3A_239], %swap3A_242 {strides = array<i32>} : memref<8x1024xf32, #tpu.memory_space<vmem>>, vector<1x16xf32>,
      %swap3A_243 = arith.constant 3 : i32
      %swap3A_244 = arith.index_cast %swap3A_243 : i32 to index
      %swap3A_245 = arith.constant 64 : index
      %swap3A_246 = tpu.vector_load %arg9[%swap3A_244, %swap3A_245] {strides = array<i32>} : memref<8x1024xf32, #tpu.memory_space<vmem>>, vector<1x16xf32>,
      %swap3A_247 = vector.shape_cast %swap3A_246 : vector<1x16xf32> to vector<16xf32>
      %swap3A_248 = vector.shape_cast %get3A_230 : vector<16xf32> to vector<1x16xf32>
      tpu.vector_store %arg9[%swap3A_244, %swap3A_245], %swap3A_248 {strides = array<i32>} : memref<8x1024xf32, #tpu.memory_space<vmem>>, vector<1x16xf32>,
      %swap3A_249 = arith.constant 4 : i32
      %swap3A_250 = arith.index_cast %swap3A_249 : i32 to index
      %swap3A_251 = arith.constant 64 : index
      %swap3A_252 = tpu.vector_load %arg9[%swap3A_250, %swap3A_251] {strides = array<i32>} : memref<8x1024xf32, #tpu.memory_space<vmem>>, vector<1x16xf32>,
      %swap3A_253 = vector.shape_cast %swap3A_252 : vector<1x16xf32> to vector<16xf32>
      %swap3A_254 = vector.shape_cast %get3A_230 : vector<16xf32> to vector<1x16xf32>
      tpu.vector_store %arg9[%swap3A_250, %swap3A_251], %swap3A_254 {strides = array<i32>} : memref<8x1024xf32, #tpu.memory_space<vmem>>, vector<1x16xf32>,
      %swap3A_255 = arith.constant 5 : i32
      %swap3A_256 = arith.index_cast %swap3A_255 : i32 to index
      %swap3A_257 = arith.constant 64 : index
      %swap3A_258 = tpu.vector_load %arg9[%swap3A_256, %swap3A_257] {strides = array<i32>} : memref<8x1024xf32, #tpu.memory_space<vmem>>, vector<1x16xf32>,
      %swap3A_259 = vector.shape_cast %swap3A_258 : vector<1x16xf32> to vector<16xf32>
      %swap3A_260 = vector.shape_cast %get3A_230 : vector<16xf32> to vector<1x16xf32>
      tpu.vector_store %arg9[%swap3A_256, %swap3A_257], %swap3A_260 {strides = array<i32>} : memref<8x1024xf32, #tpu.memory_space<vmem>>, vector<1x16xf32>,
      %swap3A_261 = arith.constant 6 : i32
      %swap3A_262 = arith.index_cast %swap3A_261 : i32 to index
      %swap3A_263 = arith.constant 64 : index
      %swap3A_264 = tpu.vector_load %arg9[%swap3A_262, %swap3A_263] {strides = array<i32>} : memref<8x1024xf32, #tpu.memory_space<vmem>>, vector<1x16xf32>,
      %swap3A_265 = vector.shape_cast %swap3A_264 : vector<1x16xf32> to vector<16xf32>
      %swap3A_266 = vector.shape_cast %get3A_230 : vector<16xf32> to vector<1x16xf32>
      tpu.vector_store %arg9[%swap3A_262, %swap3A_263], %swap3A_266 {strides = array<i32>} : memref<8x1024xf32, #tpu.memory_space<vmem>>, vector<1x16xf32>,
      %swap3A_267 = arith.constant 7 : i32
      %swap3A_268 = arith.index_cast %swap3A_267 : i32 to index
      %swap3A_269 = arith.constant 64 : index
      %swap3A_270 = tpu.vector_load %arg9[%swap3A_268, %swap3A_269] {strides = array<i32>} : memref<8x1024xf32, #tpu.memory_space<vmem>>, vector<1x16xf32>,
      %swap3A_271 = vector.shape_cast %swap3A_270 : vector<1x16xf32> to vector<16xf32>
      %swap3A_272 = vector.shape_cast %get3A_230 : vector<16xf32> to vector<1x16xf32>
      tpu.vector_store %arg9[%swap3A_268, %swap3A_269], %swap3A_272 {strides = array<i32>} : memref<8x1024xf32, #tpu.memory_space<vmem>>, vector<1x16xf32>,
      %get3A_273 = arith.constant 0 : i32
      %get3A_274 = arith.index_cast %get3A_273 : i32 to index
      %get3A_275 = arith.constant 80 : index
      %get3A_276 = tpu.vector_load %arg9[%get3A_274, %get3A_275] {strides = array<i32>} : memref<8x1024xf32, #tpu.memory_space<vmem>>, vector<1x16xf32>,
      %get3A_277 = vector.shape_cast %get3A_276 : vector<1x16xf32> to vector<16xf32>
      %swap3A_278 = arith.constant 1 : i32
      %swap3A_279 = arith.index_cast %swap3A_278 : i32 to index
      %swap3A_280 = arith.constant 80 : index
      %swap3A_281 = tpu.vector_load %arg9[%swap3A_279, %swap3A_280] {strides = array<i32>} : memref<8x1024xf32, #tpu.memory_space<vmem>>, vector<1x16xf32>,
      %swap3A_282 = vector.shape_cast %swap3A_281 : vector<1x16xf32> to vector<16xf32>
      %swap3A_283 = vector.shape_cast %get3A_277 : vector<16xf32> to vector<1x16xf32>
      tpu.vector_store %arg9[%swap3A_279, %swap3A_280], %swap3A_283 {strides = array<i32>} : memref<8x1024xf32, #tpu.memory_space<vmem>>, vector<1x16xf32>,
      %swap3A_284 = arith.constant 2 : i32
      %swap3A_285 = arith.index_cast %swap3A_284 : i32 to index
      %swap3A_286 = arith.constant 80 : index
      %swap3A_287 = tpu.vector_load %arg9[%swap3A_285, %swap3A_286] {strides = array<i32>} : memref<8x1024xf32, #tpu.memory_space<vmem>>, vector<1x16xf32>,
      %swap3A_288 = vector.shape_cast %swap3A_287 : vector<1x16xf32> to vector<16xf32>
      %swap3A_289 = vector.shape_cast %get3A_277 : vector<16xf32> to vector<1x16xf32>
      tpu.vector_store %arg9[%swap3A_285, %swap3A_286], %swap3A_289 {strides = array<i32>} : memref<8x1024xf32, #tpu.memory_space<vmem>>, vector<1x16xf32>,
      %swap3A_290 = arith.constant 3 : i32
      %swap3A_291 = arith.index_cast %swap3A_290 : i32 to index
      %swap3A_292 = arith.constant 80 : index
      %swap3A_293 = tpu.vector_load %arg9[%swap3A_291, %swap3A_292] {strides = array<i32>} : memref<8x1024xf32, #tpu.memory_space<vmem>>, vector<1x16xf32>,
      %swap3A_294 = vector.shape_cast %swap3A_293 : vector<1x16xf32> to vector<16xf32>
      %swap3A_295 = vector.shape_cast %get3A_277 : vector<16xf32> to vector<1x16xf32>
      tpu.vector_store %arg9[%swap3A_291, %swap3A_292], %swap3A_295 {strides = array<i32>} : memref<8x1024xf32, #tpu.memory_space<vmem>>, vector<1x16xf32>,
      %swap3A_296 = arith.constant 4 : i32
      %swap3A_297 = arith.index_cast %swap3A_296 : i32 to index
      %swap3A_298 = arith.constant 80 : index
      %swap3A_299 = tpu.vector_load %arg9[%swap3A_297, %swap3A_298] {strides = array<i32>} : memref<8x1024xf32, #tpu.memory_space<vmem>>, vector<1x16xf32>,
      %swap3A_300 = vector.shape_cast %swap3A_299 : vector<1x16xf32> to vector<16xf32>
      %swap3A_301 = vector.shape_cast %get3A_277 : vector<16xf32> to vector<1x16xf32>
      tpu.vector_store %arg9[%swap3A_297, %swap3A_298], %swap3A_301 {strides = array<i32>} : memref<8x1024xf32, #tpu.memory_space<vmem>>, vector<1x16xf32>,
      %swap3A_302 = arith.constant 5 : i32
      %swap3A_303 = arith.index_cast %swap3A_302 : i32 to index
      %swap3A_304 = arith.constant 80 : index
      %swap3A_305 = tpu.vector_load %arg9[%swap3A_303, %swap3A_304] {strides = array<i32>} : memref<8x1024xf32, #tpu.memory_space<vmem>>, vector<1x16xf32>,
      %swap3A_306 = vector.shape_cast %swap3A_305 : vector<1x16xf32> to vector<16xf32>
      %swap3A_307 = vector.shape_cast %get3A_277 : vector<16xf32> to vector<1x16xf32>
      tpu.vector_store %arg9[%swap3A_303, %swap3A_304], %swap3A_307 {strides = array<i32>} : memref<8x1024xf32, #tpu.memory_space<vmem>>, vector<1x16xf32>,
      %swap3A_308 = arith.constant 6 : i32
      %swap3A_309 = arith.index_cast %swap3A_308 : i32 to index
      %swap3A_310 = arith.constant 80 : index
      %swap3A_311 = tpu.vector_load %arg9[%swap3A_309, %swap3A_310] {strides = array<i32>} : memref<8x1024xf32, #tpu.memory_space<vmem>>, vector<1x16xf32>,
      %swap3A_312 = vector.shape_cast %swap3A_311 : vector<1x16xf32> to vector<16xf32>
      %swap3A_313 = vector.shape_cast %get3A_277 : vector<16xf32> to vector<1x16xf32>
      tpu.vector_store %arg9[%swap3A_309, %swap3A_310], %swap3A_313 {strides = array<i32>} : memref<8x1024xf32, #tpu.memory_space<vmem>>, vector<1x16xf32>,
      %swap3A_314 = arith.constant 7 : i32
      %swap3A_315 = arith.index_cast %swap3A_314 : i32 to index
      %swap3A_316 = arith.constant 80 : index
      %swap3A_317 = tpu.vector_load %arg9[%swap3A_315, %swap3A_316] {strides = array<i32>} : memref<8x1024xf32, #tpu.memory_space<vmem>>, vector<1x16xf32>,
      %swap3A_318 = vector.shape_cast %swap3A_317 : vector<1x16xf32> to vector<16xf32>
      %swap3A_319 = vector.shape_cast %get3A_277 : vector<16xf32> to vector<1x16xf32>
      tpu.vector_store %arg9[%swap3A_315, %swap3A_316], %swap3A_319 {strides = array<i32>} : memref<8x1024xf32, #tpu.memory_space<vmem>>, vector<1x16xf32>,
      %get3A_320 = arith.constant 0 : i32
      %get3A_321 = arith.index_cast %get3A_320 : i32 to index
      %get3A_322 = arith.constant 96 : index
      %get3A_323 = tpu.vector_load %arg9[%get3A_321, %get3A_322] {strides = array<i32>} : memref<8x1024xf32, #tpu.memory_space<vmem>>, vector<1x16xf32>,
      %get3A_324 = vector.shape_cast %get3A_323 : vector<1x16xf32> to vector<16xf32>
      %swap3A_325 = arith.constant 1 : i32
      %swap3A_326 = arith.index_cast %swap3A_325 : i32 to index
      %swap3A_327 = arith.constant 96 : index
      %swap3A_328 = tpu.vector_load %arg9[%swap3A_326, %swap3A_327] {strides = array<i32>} : memref<8x1024xf32, #tpu.memory_space<vmem>>, vector<1x16xf32>,
      %swap3A_329 = vector.shape_cast %swap3A_328 : vector<1x16xf32> to vector<16xf32>
      %swap3A_330 = vector.shape_cast %get3A_324 : vector<16xf32> to vector<1x16xf32>
      tpu.vector_store %arg9[%swap3A_326, %swap3A_327], %swap3A_330 {strides = array<i32>} : memref<8x1024xf32, #tpu.memory_space<vmem>>, vector<1x16xf32>,
      %swap3A_331 = arith.constant 2 : i32
      %swap3A_332 = arith.index_cast %swap3A_331 : i32 to index
      %swap3A_333 = arith.constant 96 : index
      %swap3A_334 = tpu.vector_load %arg9[%swap3A_332, %swap3A_333] {strides = array<i32>} : memref<8x1024xf32, #tpu.memory_space<vmem>>, vector<1x16xf32>,
      %swap3A_335 = vector.shape_cast %swap3A_334 : vector<1x16xf32> to vector<16xf32>
      %swap3A_336 = vector.shape_cast %get3A_324 : vector<16xf32> to vector<1x16xf32>
      tpu.vector_store %arg9[%swap3A_332, %swap3A_333], %swap3A_336 {strides = array<i32>} : memref<8x1024xf32, #tpu.memory_space<vmem>>, vector<1x16xf32>,
      %swap3A_337 = arith.constant 3 : i32
      %swap3A_338 = arith.index_cast %swap3A_337 : i32 to index
      %swap3A_339 = arith.constant 96 : index
      %swap3A_340 = tpu.vector_load %arg9[%swap3A_338, %swap3A_339] {strides = array<i32>} : memref<8x1024xf32, #tpu.memory_space<vmem>>, vector<1x16xf32>,
      %swap3A_341 = vector.shape_cast %swap3A_340 : vector<1x16xf32> to vector<16xf32>
      %swap3A_342 = vector.shape_cast %get3A_324 : vector<16xf32> to vector<1x16xf32>
      tpu.vector_store %arg9[%swap3A_338, %swap3A_339], %swap3A_342 {strides = array<i32>} : memref<8x1024xf32, #tpu.memory_space<vmem>>, vector<1x16xf32>,
      %swap3A_343 = arith.constant 4 : i32
      %swap3A_344 = arith.index_cast %swap3A_343 : i32 to index
      %swap3A_345 = arith.constant 96 : index
      %swap3A_346 = tpu.vector_load %arg9[%swap3A_344, %swap3A_345] {strides = array<i32>} : memref<8x1024xf32, #tpu.memory_space<vmem>>, vector<1x16xf32>,
      %swap3A_347 = vector.shape_cast %swap3A_346 : vector<1x16xf32> to vector<16xf32>
      %swap3A_348 = vector.shape_cast %get3A_324 : vector<16xf32> to vector<1x16xf32>
      tpu.vector_store %arg9[%swap3A_344, %swap3A_345], %swap3A_348 {strides = array<i32>} : memref<8x1024xf32, #tpu.memory_space<vmem>>, vector<1x16xf32>,
      %swap3A_349 = arith.constant 5 : i32
      %swap3A_350 = arith.index_cast %swap3A_349 : i32 to index
      %swap3A_351 = arith.constant 96 : index
      %swap3A_352 = tpu.vector_load %arg9[%swap3A_350, %swap3A_351] {strides = array<i32>} : memref<8x1024xf32, #tpu.memory_space<vmem>>, vector<1x16xf32>,
      %swap3A_353 = vector.shape_cast %swap3A_352 : vector<1x16xf32> to vector<16xf32>
      %swap3A_354 = vector.shape_cast %get3A_324 : vector<16xf32> to vector<1x16xf32>
      tpu.vector_store %arg9[%swap3A_350, %swap3A_351], %swap3A_354 {strides = array<i32>} : memref<8x1024xf32, #tpu.memory_space<vmem>>, vector<1x16xf32>,
      %swap3A_355 = arith.constant 6 : i32
      %swap3A_356 = arith.index_cast %swap3A_355 : i32 to index
      %swap3A_357 = arith.constant 96 : index
      %swap3A_358 = tpu.vector_load %arg9[%swap3A_356, %swap3A_357] {strides = array<i32>} : memref<8x1024xf32, #tpu.memory_space<vmem>>, vector<1x16xf32>,
      %swap3A_359 = vector.shape_cast %swap3A_358 : vector<1x16xf32> to vector<16xf32>
      %swap3A_360 = vector.shape_cast %get3A_324 : vector<16xf32> to vector<1x16xf32>
      tpu.vector_store %arg9[%swap3A_356, %swap3A_357], %swap3A_360 {strides = array<i32>} : memref<8x1024xf32, #tpu.memory_space<vmem>>, vector<1x16xf32>,
      %swap3A_361 = arith.constant 7 : i32
      %swap3A_362 = arith.index_cast %swap3A_361 : i32 to index
      %swap3A_363 = arith.constant 96 : index
      %swap3A_364 = tpu.vector_load %arg9[%swap3A_362, %swap3A_363] {strides = array<i32>} : memref<8x1024xf32, #tpu.memory_space<vmem>>, vector<1x16xf32>,
      %swap3A_365 = vector.shape_cast %swap3A_364 : vector<1x16xf32> to vector<16xf32>
      %swap3A_366 = vector.shape_cast %get3A_324 : vector<16xf32> to vector<1x16xf32>
      tpu.vector_store %arg9[%swap3A_362, %swap3A_363], %swap3A_366 {strides = array<i32>} : memref<8x1024xf32, #tpu.memory_space<vmem>>, vector<1x16xf32>,
      %get3A_367 = arith.constant 0 : i32
      %get3A_368 = arith.index_cast %get3A_367 : i32 to index
      %get3A_369 = arith.constant 112 : index
      %get3A_370 = tpu.vector_load %arg9[%get3A_368, %get3A_369] {strides = array<i32>} : memref<8x1024xf32, #tpu.memory_space<vmem>>, vector<1x16xf32>,
      %get3A_371 = vector.shape_cast %get3A_370 : vector<1x16xf32> to vector<16xf32>
      %swap3A_372 = arith.constant 1 : i32
      %swap3A_373 = arith.index_cast %swap3A_372 : i32 to index
      %swap3A_374 = arith.constant 112 : index
      %swap3A_375 = tpu.vector_load %arg9[%swap3A_373, %swap3A_374] {strides = array<i32>} : memref<8x1024xf32, #tpu.memory_space<vmem>>, vector<1x16xf32>,
      %swap3A_376 = vector.shape_cast %swap3A_375 : vector<1x16xf32> to vector<16xf32>
      %swap3A_377 = vector.shape_cast %get3A_371 : vector<16xf32> to vector<1x16xf32>
      tpu.vector_store %arg9[%swap3A_373, %swap3A_374], %swap3A_377 {strides = array<i32>} : memref<8x1024xf32, #tpu.memory_space<vmem>>, vector<1x16xf32>,
      %swap3A_378 = arith.constant 2 : i32
      %swap3A_379 = arith.index_cast %swap3A_378 : i32 to index
      %swap3A_380 = arith.constant 112 : index
      %swap3A_381 = tpu.vector_load %arg9[%swap3A_379, %swap3A_380] {strides = array<i32>} : memref<8x1024xf32, #tpu.memory_space<vmem>>, vector<1x16xf32>,
      %swap3A_382 = vector.shape_cast %swap3A_381 : vector<1x16xf32> to vector<16xf32>
      %swap3A_383 = vector.shape_cast %get3A_371 : vector<16xf32> to vector<1x16xf32>
      tpu.vector_store %arg9[%swap3A_379, %swap3A_380], %swap3A_383 {strides = array<i32>} : memref<8x1024xf32, #tpu.memory_space<vmem>>, vector<1x16xf32>,
      %swap3A_384 = arith.constant 3 : i32
      %swap3A_385 = arith.index_cast %swap3A_384 : i32 to index
      %swap3A_386 = arith.constant 112 : index
      %swap3A_387 = tpu.vector_load %arg9[%swap3A_385, %swap3A_386] {strides = array<i32>} : memref<8x1024xf32, #tpu.memory_space<vmem>>, vector<1x16xf32>,
      %swap3A_388 = vector.shape_cast %swap3A_387 : vector<1x16xf32> to vector<16xf32>
      %swap3A_389 = vector.shape_cast %get3A_371 : vector<16xf32> to vector<1x16xf32>
      tpu.vector_store %arg9[%swap3A_385, %swap3A_386], %swap3A_389 {strides = array<i32>} : memref<8x1024xf32, #tpu.memory_space<vmem>>, vector<1x16xf32>,
      %swap3A_390 = arith.constant 4 : i32
      %swap3A_391 = arith.index_cast %swap3A_390 : i32 to index
      %swap3A_392 = arith.constant 112 : index
      %swap3A_393 = tpu.vector_load %arg9[%swap3A_391, %swap3A_392] {strides = array<i32>} : memref<8x1024xf32, #tpu.memory_space<vmem>>, vector<1x16xf32>,
      %swap3A_394 = vector.shape_cast %swap3A_393 : vector<1x16xf32> to vector<16xf32>
      %swap3A_395 = vector.shape_cast %get3A_371 : vector<16xf32> to vector<1x16xf32>
      tpu.vector_store %arg9[%swap3A_391, %swap3A_392], %swap3A_395 {strides = array<i32>} : memref<8x1024xf32, #tpu.memory_space<vmem>>, vector<1x16xf32>,
      %swap3A_396 = arith.constant 5 : i32
      %swap3A_397 = arith.index_cast %swap3A_396 : i32 to index
      %swap3A_398 = arith.constant 112 : index
      %swap3A_399 = tpu.vector_load %arg9[%swap3A_397, %swap3A_398] {strides = array<i32>} : memref<8x1024xf32, #tpu.memory_space<vmem>>, vector<1x16xf32>,
      %swap3A_400 = vector.shape_cast %swap3A_399 : vector<1x16xf32> to vector<16xf32>
      %swap3A_401 = vector.shape_cast %get3A_371 : vector<16xf32> to vector<1x16xf32>
      tpu.vector_store %arg9[%swap3A_397, %swap3A_398], %swap3A_401 {strides = array<i32>} : memref<8x1024xf32, #tpu.memory_space<vmem>>, vector<1x16xf32>,
      %swap3A_402 = arith.constant 6 : i32
      %swap3A_403 = arith.index_cast %swap3A_402 : i32 to index
      %swap3A_404 = arith.constant 112 : index
      %swap3A_405 = tpu.vector_load %arg9[%swap3A_403, %swap3A_404] {strides = array<i32>} : memref<8x1024xf32, #tpu.memory_space<vmem>>, vector<1x16xf32>,
      %swap3A_406 = vector.shape_cast %swap3A_405 : vector<1x16xf32> to vector<16xf32>
      %swap3A_407 = vector.shape_cast %get3A_371 : vector<16xf32> to vector<1x16xf32>
      tpu.vector_store %arg9[%swap3A_403, %swap3A_404], %swap3A_407 {strides = array<i32>} : memref<8x1024xf32, #tpu.memory_space<vmem>>, vector<1x16xf32>,
      %swap3A_408 = arith.constant 7 : i32
      %swap3A_409 = arith.index_cast %swap3A_408 : i32 to index
      %swap3A_410 = arith.constant 112 : index
      %swap3A_411 = tpu.vector_load %arg9[%swap3A_409, %swap3A_410] {strides = array<i32>} : memref<8x1024xf32, #tpu.memory_space<vmem>>, vector<1x16xf32>,
      %swap3A_412 = vector.shape_cast %swap3A_411 : vector<1x16xf32> to vector<16xf32>
      %swap3A_413 = vector.shape_cast %get3A_371 : vector<16xf32> to vector<1x16xf32>
      tpu.vector_store %arg9[%swap3A_409, %swap3A_410], %swap3A_413 {strides = array<i32>} : memref<8x1024xf32, #tpu.memory_space<vmem>>, vector<1x16xf32>,
      %get3A_414 = arith.constant 0 : i32
      %get3A_415 = arith.index_cast %get3A_414 : i32 to index
      %get3A_416 = arith.constant 128 : index
      %get3A_417 = tpu.vector_load %arg9[%get3A_415, %get3A_416] {strides = array<i32>} : memref<8x1024xf32, #tpu.memory_space<vmem>>, vector<1x16xf32>,
      %get3A_418 = vector.shape_cast %get3A_417 : vector<1x16xf32> to vector<16xf32>
      %swap3A_419 = arith.constant 1 : i32
      %swap3A_420 = arith.index_cast %swap3A_419 : i32 to index
      %swap3A_421 = arith.constant 128 : index
      %swap3A_422 = tpu.vector_load %arg9[%swap3A_420, %swap3A_421] {strides = array<i32>} : memref<8x1024xf32, #tpu.memory_space<vmem>>, vector<1x16xf32>,
      %swap3A_423 = vector.shape_cast %swap3A_422 : vector<1x16xf32> to vector<16xf32>
      %swap3A_424 = vector.shape_cast %get3A_418 : vector<16xf32> to vector<1x16xf32>
      tpu.vector_store %arg9[%swap3A_420, %swap3A_421], %swap3A_424 {strides = array<i32>} : memref<8x1024xf32, #tpu.memory_space<vmem>>, vector<1x16xf32>,
      %swap3A_425 = arith.constant 2 : i32
      %swap3A_426 = arith.index_cast %swap3A_425 : i32 to index
      %swap3A_427 = arith.constant 128 : index
      %swap3A_428 = tpu.vector_load %arg9[%swap3A_426, %swap3A_427] {strides = array<i32>} : memref<8x1024xf32, #tpu.memory_space<vmem>>, vector<1x16xf32>,
      %swap3A_429 = vector.shape_cast %swap3A_428 : vector<1x16xf32> to vector<16xf32>
      %swap3A_430 = vector.shape_cast %get3A_418 : vector<16xf32> to vector<1x16xf32>
      tpu.vector_store %arg9[%swap3A_426, %swap3A_427], %swap3A_430 {strides = array<i32>} : memref<8x1024xf32, #tpu.memory_space<vmem>>, vector<1x16xf32>,
      %swap3A_431 = arith.constant 3 : i32
      %swap3A_432 = arith.index_cast %swap3A_431 : i32 to index
      %swap3A_433 = arith.constant 128 : index
      %swap3A_434 = tpu.vector_load %arg9[%swap3A_432, %swap3A_433] {strides = array<i32>} : memref<8x1024xf32, #tpu.memory_space<vmem>>, vector<1x16xf32>,
      %swap3A_435 = vector.shape_cast %swap3A_434 : vector<1x16xf32> to vector<16xf32>
      %swap3A_436 = vector.shape_cast %get3A_418 : vector<16xf32> to vector<1x16xf32>
      tpu.vector_store %arg9[%swap3A_432, %swap3A_433], %swap3A_436 {strides = array<i32>} : memref<8x1024xf32, #tpu.memory_space<vmem>>, vector<1x16xf32>,
      %swap3A_437 = arith.constant 4 : i32
      %swap3A_438 = arith.index_cast %swap3A_437 : i32 to index
      %swap3A_439 = arith.constant 128 : index
      %swap3A_440 = tpu.vector_load %arg9[%swap3A_438, %swap3A_439] {strides = array<i32>} : memref<8x1024xf32, #tpu.memory_space<vmem>>, vector<1x16xf32>,
      %swap3A_441 = vector.shape_cast %swap3A_440 : vector<1x16xf32> to vector<16xf32>
      %swap3A_442 = vector.shape_cast %get3A_418 : vector<16xf32> to vector<1x16xf32>
      tpu.vector_store %arg9[%swap3A_438, %swap3A_439], %swap3A_442 {strides = array<i32>} : memref<8x1024xf32, #tpu.memory_space<vmem>>, vector<1x16xf32>,
      %swap3A_443 = arith.constant 5 : i32
      %swap3A_444 = arith.index_cast %swap3A_443 : i32 to index
      %swap3A_445 = arith.constant 128 : index
      %swap3A_446 = tpu.vector_load %arg9[%swap3A_444, %swap3A_445] {strides = array<i32>} : memref<8x1024xf32, #tpu.memory_space<vmem>>, vector<1x16xf32>,
      %swap3A_447 = vector.shape_cast %swap3A_446 : vector<1x16xf32> to vector<16xf32>
      %swap3A_448 = vector.shape_cast %get3A_418 : vector<16xf32> to vector<1x16xf32>
      tpu.vector_store %arg9[%swap3A_444, %swap3A_445], %swap3A_448 {strides = array<i32>} : memref<8x1024xf32, #tpu.memory_space<vmem>>, vector<1x16xf32>,
      %swap3A_449 = arith.constant 6 : i32
      %swap3A_450 = arith.index_cast %swap3A_449 : i32 to index
      %swap3A_451 = arith.constant 128 : index
      %swap3A_452 = tpu.vector_load %arg9[%swap3A_450, %swap3A_451] {strides = array<i32>} : memref<8x1024xf32, #tpu.memory_space<vmem>>, vector<1x16xf32>,
      %swap3A_453 = vector.shape_cast %swap3A_452 : vector<1x16xf32> to vector<16xf32>
      %swap3A_454 = vector.shape_cast %get3A_418 : vector<16xf32> to vector<1x16xf32>
      tpu.vector_store %arg9[%swap3A_450, %swap3A_451], %swap3A_454 {strides = array<i32>} : memref<8x1024xf32, #tpu.memory_space<vmem>>, vector<1x16xf32>,
      %swap3A_455 = arith.constant 7 : i32
      %swap3A_456 = arith.index_cast %swap3A_455 : i32 to index
      %swap3A_457 = arith.constant 128 : index
      %swap3A_458 = tpu.vector_load %arg9[%swap3A_456, %swap3A_457] {strides = array<i32>} : memref<8x1024xf32, #tpu.memory_space<vmem>>, vector<1x16xf32>,
      %swap3A_459 = vector.shape_cast %swap3A_458 : vector<1x16xf32> to vector<16xf32>
      %swap3A_460 = vector.shape_cast %get3A_418 : vector<16xf32> to vector<1x16xf32>
      tpu.vector_store %arg9[%swap3A_456, %swap3A_457], %swap3A_460 {strides = array<i32>} : memref<8x1024xf32, #tpu.memory_space<vmem>>, vector<1x16xf32>,
      %get3A_461 = arith.constant 0 : i32
      %get3A_462 = arith.index_cast %get3A_461 : i32 to index
      %get3A_463 = arith.constant 144 : index
      %get3A_464 = tpu.vector_load %arg9[%get3A_462, %get3A_463] {strides = array<i32>} : memref<8x1024xf32, #tpu.memory_space<vmem>>, vector<1x16xf32>,
      %get3A_465 = vector.shape_cast %get3A_464 : vector<1x16xf32> to vector<16xf32>
      %swap3A_466 = arith.constant 1 : i32
      %swap3A_467 = arith.index_cast %swap3A_466 : i32 to index
      %swap3A_468 = arith.constant 144 : index
      %swap3A_469 = tpu.vector_load %arg9[%swap3A_467, %swap3A_468] {strides = array<i32>} : memref<8x1024xf32, #tpu.memory_space<vmem>>, vector<1x16xf32>,
      %swap3A_470 = vector.shape_cast %swap3A_469 : vector<1x16xf32> to vector<16xf32>
      %swap3A_471 = vector.shape_cast %get3A_465 : vector<16xf32> to vector<1x16xf32>
      tpu.vector_store %arg9[%swap3A_467, %swap3A_468], %swap3A_471 {strides = array<i32>} : memref<8x1024xf32, #tpu.memory_space<vmem>>, vector<1x16xf32>,
      %swap3A_472 = arith.constant 2 : i32
      %swap3A_473 = arith.index_cast %swap3A_472 : i32 to index
      %swap3A_474 = arith.constant 144 : index
      %swap3A_475 = tpu.vector_load %arg9[%swap3A_473, %swap3A_474] {strides = array<i32>} : memref<8x1024xf32, #tpu.memory_space<vmem>>, vector<1x16xf32>,
      %swap3A_476 = vector.shape_cast %swap3A_475 : vector<1x16xf32> to vector<16xf32>
      %swap3A_477 = vector.shape_cast %get3A_465 : vector<16xf32> to vector<1x16xf32>
      tpu.vector_store %arg9[%swap3A_473, %swap3A_474], %swap3A_477 {strides = array<i32>} : memref<8x1024xf32, #tpu.memory_space<vmem>>, vector<1x16xf32>,
      %swap3A_478 = arith.constant 3 : i32
      %swap3A_479 = arith.index_cast %swap3A_478 : i32 to index
      %swap3A_480 = arith.constant 144 : index
      %swap3A_481 = tpu.vector_load %arg9[%swap3A_479, %swap3A_480] {strides = array<i32>} : memref<8x1024xf32, #tpu.memory_space<vmem>>, vector<1x16xf32>,
      %swap3A_482 = vector.shape_cast %swap3A_481 : vector<1x16xf32> to vector<16xf32>
      %swap3A_483 = vector.shape_cast %get3A_465 : vector<16xf32> to vector<1x16xf32>
      tpu.vector_store %arg9[%swap3A_479, %swap3A_480], %swap3A_483 {strides = array<i32>} : memref<8x1024xf32, #tpu.memory_space<vmem>>, vector<1x16xf32>,
      %swap3A_484 = arith.constant 4 : i32
      %swap3A_485 = arith.index_cast %swap3A_484 : i32 to index
      %swap3A_486 = arith.constant 144 : index
      %swap3A_487 = tpu.vector_load %arg9[%swap3A_485, %swap3A_486] {strides = array<i32>} : memref<8x1024xf32, #tpu.memory_space<vmem>>, vector<1x16xf32>,
      %swap3A_488 = vector.shape_cast %swap3A_487 : vector<1x16xf32> to vector<16xf32>
      %swap3A_489 = vector.shape_cast %get3A_465 : vector<16xf32> to vector<1x16xf32>
      tpu.vector_store %arg9[%swap3A_485, %swap3A_486], %swap3A_489 {strides = array<i32>} : memref<8x1024xf32, #tpu.memory_space<vmem>>, vector<1x16xf32>,
      %swap3A_490 = arith.constant 5 : i32
      %swap3A_491 = arith.index_cast %swap3A_490 : i32 to index
      %swap3A_492 = arith.constant 144 : index
      %swap3A_493 = tpu.vector_load %arg9[%swap3A_491, %swap3A_492] {strides = array<i32>} : memref<8x1024xf32, #tpu.memory_space<vmem>>, vector<1x16xf32>,
      %swap3A_494 = vector.shape_cast %swap3A_493 : vector<1x16xf32> to vector<16xf32>
      %swap3A_495 = vector.shape_cast %get3A_465 : vector<16xf32> to vector<1x16xf32>
      tpu.vector_store %arg9[%swap3A_491, %swap3A_492], %swap3A_495 {strides = array<i32>} : memref<8x1024xf32, #tpu.memory_space<vmem>>, vector<1x16xf32>,
      %swap3A_496 = arith.constant 6 : i32
      %swap3A_497 = arith.index_cast %swap3A_496 : i32 to index
      %swap3A_498 = arith.constant 144 : index
      %swap3A_499 = tpu.vector_load %arg9[%swap3A_497, %swap3A_498] {strides = array<i32>} : memref<8x1024xf32, #tpu.memory_space<vmem>>, vector<1x16xf32>,
      %swap3A_500 = vector.shape_cast %swap3A_499 : vector<1x16xf32> to vector<16xf32>
      %swap3A_501 = vector.shape_cast %get3A_465 : vector<16xf32> to vector<1x16xf32>
      tpu.vector_store %arg9[%swap3A_497, %swap3A_498], %swap3A_501 {strides = array<i32>} : memref<8x1024xf32, #tpu.memory_space<vmem>>, vector<1x16xf32>,
      %swap3A_502 = arith.constant 7 : i32
      %swap3A_503 = arith.index_cast %swap3A_502 : i32 to index
      %swap3A_504 = arith.constant 144 : index
      %swap3A_505 = tpu.vector_load %arg9[%swap3A_503, %swap3A_504] {strides = array<i32>} : memref<8x1024xf32, #tpu.memory_space<vmem>>, vector<1x16xf32>,
      %swap3A_506 = vector.shape_cast %swap3A_505 : vector<1x16xf32> to vector<16xf32>
      %swap3A_507 = vector.shape_cast %get3A_465 : vector<16xf32> to vector<1x16xf32>
      tpu.vector_store %arg9[%swap3A_503, %swap3A_504], %swap3A_507 {strides = array<i32>} : memref<8x1024xf32, #tpu.memory_space<vmem>>, vector<1x16xf32>,
      %get3A_508 = arith.constant 0 : i32
      %get3A_509 = arith.index_cast %get3A_508 : i32 to index
      %get3A_510 = arith.constant 160 : index
      %get3A_511 = tpu.vector_load %arg9[%get3A_509, %get3A_510] {strides = array<i32>} : memref<8x1024xf32, #tpu.memory_space<vmem>>, vector<1x16xf32>,
      %get3A_512 = vector.shape_cast %get3A_511 : vector<1x16xf32> to vector<16xf32>
      %swap3A_513 = arith.constant 1 : i32
      %swap3A_514 = arith.index_cast %swap3A_513 : i32 to index
      %swap3A_515 = arith.constant 160 : index
      %swap3A_516 = tpu.vector_load %arg9[%swap3A_514, %swap3A_515] {strides = array<i32>} : memref<8x1024xf32, #tpu.memory_space<vmem>>, vector<1x16xf32>,
      %swap3A_517 = vector.shape_cast %swap3A_516 : vector<1x16xf32> to vector<16xf32>
      %swap3A_518 = vector.shape_cast %get3A_512 : vector<16xf32> to vector<1x16xf32>
      tpu.vector_store %arg9[%swap3A_514, %swap3A_515], %swap3A_518 {strides = array<i32>} : memref<8x1024xf32, #tpu.memory_space<vmem>>, vector<1x16xf32>,
      %swap3A_519 = arith.constant 2 : i32
      %swap3A_520 = arith.index_cast %swap3A_519 : i32 to index
      %swap3A_521 = arith.constant 160 : index
      %swap3A_522 = tpu.vector_load %arg9[%swap3A_520, %swap3A_521] {strides = array<i32>} : memref<8x1024xf32, #tpu.memory_space<vmem>>, vector<1x16xf32>,
      %swap3A_523 = vector.shape_cast %swap3A_522 : vector<1x16xf32> to vector<16xf32>
      %swap3A_524 = vector.shape_cast %get3A_512 : vector<16xf32> to vector<1x16xf32>
      tpu.vector_store %arg9[%swap3A_520, %swap3A_521], %swap3A_524 {strides = array<i32>} : memref<8x1024xf32, #tpu.memory_space<vmem>>, vector<1x16xf32>,
      %swap3A_525 = arith.constant 3 : i32
      %swap3A_526 = arith.index_cast %swap3A_525 : i32 to index
      %swap3A_527 = arith.constant 160 : index
      %swap3A_528 = tpu.vector_load %arg9[%swap3A_526, %swap3A_527] {strides = array<i32>} : memref<8x1024xf32, #tpu.memory_space<vmem>>, vector<1x16xf32>,
      %swap3A_529 = vector.shape_cast %swap3A_528 : vector<1x16xf32> to vector<16xf32>
      %swap3A_530 = vector.shape_cast %get3A_512 : vector<16xf32> to vector<1x16xf32>
      tpu.vector_store %arg9[%swap3A_526, %swap3A_527], %swap3A_530 {strides = array<i32>} : memref<8x1024xf32, #tpu.memory_space<vmem>>, vector<1x16xf32>,
      %swap3A_531 = arith.constant 4 : i32
      %swap3A_532 = arith.index_cast %swap3A_531 : i32 to index
      %swap3A_533 = arith.constant 160 : index
      %swap3A_534 = tpu.vector_load %arg9[%swap3A_532, %swap3A_533] {strides = array<i32>} : memref<8x1024xf32, #tpu.memory_space<vmem>>, vector<1x16xf32>,
      %swap3A_535 = vector.shape_cast %swap3A_534 : vector<1x16xf32> to vector<16xf32>
      %swap3A_536 = vector.shape_cast %get3A_512 : vector<16xf32> to vector<1x16xf32>
      tpu.vector_store %arg9[%swap3A_532, %swap3A_533], %swap3A_536 {strides = array<i32>} : memref<8x1024xf32, #tpu.memory_space<vmem>>, vector<1x16xf32>,
      %swap3A_537 = arith.constant 5 : i32
      %swap3A_538 = arith.index_cast %swap3A_537 : i32 to index
      %swap3A_539 = arith.constant 160 : index
      %swap3A_540 = tpu.vector_load %arg9[%swap3A_538, %swap3A_539] {strides = array<i32>} : memref<8x1024xf32, #tpu.memory_space<vmem>>, vector<1x16xf32>,
      %swap3A_541 = vector.shape_cast %swap3A_540 : vector<1x16xf32> to vector<16xf32>
      %swap3A_542 = vector.shape_cast %get3A_512 : vector<16xf32> to vector<1x16xf32>
      tpu.vector_store %arg9[%swap3A_538, %swap3A_539], %swap3A_542 {strides = array<i32>} : memref<8x1024xf32, #tpu.memory_space<vmem>>, vector<1x16xf32>,
      %swap3A_543 = arith.constant 6 : i32
      %swap3A_544 = arith.index_cast %swap3A_543 : i32 to index
      %swap3A_545 = arith.constant 160 : index
      %swap3A_546 = tpu.vector_load %arg9[%swap3A_544, %swap3A_545] {strides = array<i32>} : memref<8x1024xf32, #tpu.memory_space<vmem>>, vector<1x16xf32>,
      %swap3A_547 = vector.shape_cast %swap3A_546 : vector<1x16xf32> to vector<16xf32>
      %swap3A_548 = vector.shape_cast %get3A_512 : vector<16xf32> to vector<1x16xf32>
      tpu.vector_store %arg9[%swap3A_544, %swap3A_545], %swap3A_548 {strides = array<i32>} : memref<8x1024xf32, #tpu.memory_space<vmem>>, vector<1x16xf32>,
      %swap3A_549 = arith.constant 7 : i32
      %swap3A_550 = arith.index_cast %swap3A_549 : i32 to index
      %swap3A_551 = arith.constant 160 : index
      %swap3A_552 = tpu.vector_load %arg9[%swap3A_550, %swap3A_551] {strides = array<i32>} : memref<8x1024xf32, #tpu.memory_space<vmem>>, vector<1x16xf32>,
      %swap3A_553 = vector.shape_cast %swap3A_552 : vector<1x16xf32> to vector<16xf32>
      %swap3A_554 = vector.shape_cast %get3A_512 : vector<16xf32> to vector<1x16xf32>
      tpu.vector_store %arg9[%swap3A_550, %swap3A_551], %swap3A_554 {strides = array<i32>} : memref<8x1024xf32, #tpu.memory_space<vmem>>, vector<1x16xf32>,
      %get3A_555 = arith.constant 0 : i32
      %get3A_556 = arith.index_cast %get3A_555 : i32 to index
      %get3A_557 = arith.constant 176 : index
      %get3A_558 = tpu.vector_load %arg9[%get3A_556, %get3A_557] {strides = array<i32>} : memref<8x1024xf32, #tpu.memory_space<vmem>>, vector<1x16xf32>,
      %get3A_559 = vector.shape_cast %get3A_558 : vector<1x16xf32> to vector<16xf32>
      %swap3A_560 = arith.constant 1 : i32
      %swap3A_561 = arith.index_cast %swap3A_560 : i32 to index
      %swap3A_562 = arith.constant 176 : index
      %swap3A_563 = tpu.vector_load %arg9[%swap3A_561, %swap3A_562] {strides = array<i32>} : memref<8x1024xf32, #tpu.memory_space<vmem>>, vector<1x16xf32>,
      %swap3A_564 = vector.shape_cast %swap3A_563 : vector<1x16xf32> to vector<16xf32>
      %swap3A_565 = vector.shape_cast %get3A_559 : vector<16xf32> to vector<1x16xf32>
      tpu.vector_store %arg9[%swap3A_561, %swap3A_562], %swap3A_565 {strides = array<i32>} : memref<8x1024xf32, #tpu.memory_space<vmem>>, vector<1x16xf32>,
      %swap3A_566 = arith.constant 2 : i32
      %swap3A_567 = arith.index_cast %swap3A_566 : i32 to index
      %swap3A_568 = arith.constant 176 : index
      %swap3A_569 = tpu.vector_load %arg9[%swap3A_567, %swap3A_568] {strides = array<i32>} : memref<8x1024xf32, #tpu.memory_space<vmem>>, vector<1x16xf32>,
      %swap3A_570 = vector.shape_cast %swap3A_569 : vector<1x16xf32> to vector<16xf32>
      %swap3A_571 = vector.shape_cast %get3A_559 : vector<16xf32> to vector<1x16xf32>
      tpu.vector_store %arg9[%swap3A_567, %swap3A_568], %swap3A_571 {strides = array<i32>} : memref<8x1024xf32, #tpu.memory_space<vmem>>, vector<1x16xf32>,
      %swap3A_572 = arith.constant 3 : i32
      %swap3A_573 = arith.index_cast %swap3A_572 : i32 to index
      %swap3A_574 = arith.constant 176 : index
      %swap3A_575 = tpu.vector_load %arg9[%swap3A_573, %swap3A_574] {strides = array<i32>} : memref<8x1024xf32, #tpu.memory_space<vmem>>, vector<1x16xf32>,
      %swap3A_576 = vector.shape_cast %swap3A_575 : vector<1x16xf32> to vector<16xf32>
      %swap3A_577 = vector.shape_cast %get3A_559 : vector<16xf32> to vector<1x16xf32>
      tpu.vector_store %arg9[%swap3A_573, %swap3A_574], %swap3A_577 {strides = array<i32>} : memref<8x1024xf32, #tpu.memory_space<vmem>>, vector<1x16xf32>,
      %swap3A_578 = arith.constant 4 : i32
      %swap3A_579 = arith.index_cast %swap3A_578 : i32 to index
      %swap3A_580 = arith.constant 176 : index
      %swap3A_581 = tpu.vector_load %arg9[%swap3A_579, %swap3A_580] {strides = array<i32>} : memref<8x1024xf32, #tpu.memory_space<vmem>>, vector<1x16xf32>,
      %swap3A_582 = vector.shape_cast %swap3A_581 : vector<1x16xf32> to vector<16xf32>
      %swap3A_583 = vector.shape_cast %get3A_559 : vector<16xf32> to vector<1x16xf32>
      tpu.vector_store %arg9[%swap3A_579, %swap3A_580], %swap3A_583 {strides = array<i32>} : memref<8x1024xf32, #tpu.memory_space<vmem>>, vector<1x16xf32>,
      %swap3A_584 = arith.constant 5 : i32
      %swap3A_585 = arith.index_cast %swap3A_584 : i32 to index
      %swap3A_586 = arith.constant 176 : index
      %swap3A_587 = tpu.vector_load %arg9[%swap3A_585, %swap3A_586] {strides = array<i32>} : memref<8x1024xf32, #tpu.memory_space<vmem>>, vector<1x16xf32>,
      %swap3A_588 = vector.shape_cast %swap3A_587 : vector<1x16xf32> to vector<16xf32>
      %swap3A_589 = vector.shape_cast %get3A_559 : vector<16xf32> to vector<1x16xf32>
      tpu.vector_store %arg9[%swap3A_585, %swap3A_586], %swap3A_589 {strides = array<i32>} : memref<8x1024xf32, #tpu.memory_space<vmem>>, vector<1x16xf32>,
      %swap3A_590 = arith.constant 6 : i32
      %swap3A_591 = arith.index_cast %swap3A_590 : i32 to index
      %swap3A_592 = arith.constant 176 : index
      %swap3A_593 = tpu.vector_load %arg9[%swap3A_591, %swap3A_592] {strides = array<i32>} : memref<8x1024xf32, #tpu.memory_space<vmem>>, vector<1x16xf32>,
      %swap3A_594 = vector.shape_cast %swap3A_593 : vector<1x16xf32> to vector<16xf32>
      %swap3A_595 = vector.shape_cast %get3A_559 : vector<16xf32> to vector<1x16xf32>
      tpu.vector_store %arg9[%swap3A_591, %swap3A_592], %swap3A_595 {strides = array<i32>} : memref<8x1024xf32, #tpu.memory_space<vmem>>, vector<1x16xf32>,
      %swap3A_596 = arith.constant 7 : i32
      %swap3A_597 = arith.index_cast %swap3A_596 : i32 to index
      %swap3A_598 = arith.constant 176 : index
      %swap3A_599 = tpu.vector_load %arg9[%swap3A_597, %swap3A_598] {strides = array<i32>} : memref<8x1024xf32, #tpu.memory_space<vmem>>, vector<1x16xf32>,
      %swap3A_600 = vector.shape_cast %swap3A_599 : vector<1x16xf32> to vector<16xf32>
      %swap3A_601 = vector.shape_cast %get3A_559 : vector<16xf32> to vector<1x16xf32>
      tpu.vector_store %arg9[%swap3A_597, %swap3A_598], %swap3A_601 {strides = array<i32>} : memref<8x1024xf32, #tpu.memory_space<vmem>>, vector<1x16xf32>,
      %get3A_602 = arith.constant 0 : i32
      %get3A_603 = arith.index_cast %get3A_602 : i32 to index
      %get3A_604 = arith.constant 192 : index
      %get3A_605 = tpu.vector_load %arg9[%get3A_603, %get3A_604] {strides = array<i32>} : memref<8x1024xf32, #tpu.memory_space<vmem>>, vector<1x16xf32>,
      %get3A_606 = vector.shape_cast %get3A_605 : vector<1x16xf32> to vector<16xf32>
      %swap3A_607 = arith.constant 1 : i32
      %swap3A_608 = arith.index_cast %swap3A_607 : i32 to index
      %swap3A_609 = arith.constant 192 : index
      %swap3A_610 = tpu.vector_load %arg9[%swap3A_608, %swap3A_609] {strides = array<i32>} : memref<8x1024xf32, #tpu.memory_space<vmem>>, vector<1x16xf32>,
      %swap3A_611 = vector.shape_cast %swap3A_610 : vector<1x16xf32> to vector<16xf32>
      %swap3A_612 = vector.shape_cast %get3A_606 : vector<16xf32> to vector<1x16xf32>
      tpu.vector_store %arg9[%swap3A_608, %swap3A_609], %swap3A_612 {strides = array<i32>} : memref<8x1024xf32, #tpu.memory_space<vmem>>, vector<1x16xf32>,
      %swap3A_613 = arith.constant 2 : i32
      %swap3A_614 = arith.index_cast %swap3A_613 : i32 to index
      %swap3A_615 = arith.constant 192 : index
      %swap3A_616 = tpu.vector_load %arg9[%swap3A_614, %swap3A_615] {strides = array<i32>} : memref<8x1024xf32, #tpu.memory_space<vmem>>, vector<1x16xf32>,
      %swap3A_617 = vector.shape_cast %swap3A_616 : vector<1x16xf32> to vector<16xf32>
      %swap3A_618 = vector.shape_cast %get3A_606 : vector<16xf32> to vector<1x16xf32>
      tpu.vector_store %arg9[%swap3A_614, %swap3A_615], %swap3A_618 {strides = array<i32>} : memref<8x1024xf32, #tpu.memory_space<vmem>>, vector<1x16xf32>,
      %swap3A_619 = arith.constant 3 : i32
      %swap3A_620 = arith.index_cast %swap3A_619 : i32 to index
      %swap3A_621 = arith.constant 192 : index
      %swap3A_622 = tpu.vector_load %arg9[%swap3A_620, %swap3A_621] {strides = array<i32>} : memref<8x1024xf32, #tpu.memory_space<vmem>>, vector<1x16xf32>,
      %swap3A_623 = vector.shape_cast %swap3A_622 : vector<1x16xf32> to vector<16xf32>
      %swap3A_624 = vector.shape_cast %get3A_606 : vector<16xf32> to vector<1x16xf32>
      tpu.vector_store %arg9[%swap3A_620, %swap3A_621], %swap3A_624 {strides = array<i32>} : memref<8x1024xf32, #tpu.memory_space<vmem>>, vector<1x16xf32>,
      %swap3A_625 = arith.constant 4 : i32
      %swap3A_626 = arith.index_cast %swap3A_625 : i32 to index
      %swap3A_627 = arith.constant 192 : index
      %swap3A_628 = tpu.vector_load %arg9[%swap3A_626, %swap3A_627] {strides = array<i32>} : memref<8x1024xf32, #tpu.memory_space<vmem>>, vector<1x16xf32>,
      %swap3A_629 = vector.shape_cast %swap3A_628 : vector<1x16xf32> to vector<16xf32>
      %swap3A_630 = vector.shape_cast %get3A_606 : vector<16xf32> to vector<1x16xf32>
      tpu.vector_store %arg9[%swap3A_626, %swap3A_627], %swap3A_630 {strides = array<i32>} : memref<8x1024xf32, #tpu.memory_space<vmem>>, vector<1x16xf32>,
      %swap3A_631 = arith.constant 5 : i32
      %swap3A_632 = arith.index_cast %swap3A_631 : i32 to index
      %swap3A_633 = arith.constant 192 : index
      %swap3A_634 = tpu.vector_load %arg9[%swap3A_632, %swap3A_633] {strides = array<i32>} : memref<8x1024xf32, #tpu.memory_space<vmem>>, vector<1x16xf32>,
      %swap3A_635 = vector.shape_cast %swap3A_634 : vector<1x16xf32> to vector<16xf32>
      %swap3A_636 = vector.shape_cast %get3A_606 : vector<16xf32> to vector<1x16xf32>
      tpu.vector_store %arg9[%swap3A_632, %swap3A_633], %swap3A_636 {strides = array<i32>} : memref<8x1024xf32, #tpu.memory_space<vmem>>, vector<1x16xf32>,
      %swap3A_637 = arith.constant 6 : i32
      %swap3A_638 = arith.index_cast %swap3A_637 : i32 to index
      %swap3A_639 = arith.constant 192 : index
      %swap3A_640 = tpu.vector_load %arg9[%swap3A_638, %swap3A_639] {strides = array<i32>} : memref<8x1024xf32, #tpu.memory_space<vmem>>, vector<1x16xf32>,
      %swap3A_641 = vector.shape_cast %swap3A_640 : vector<1x16xf32> to vector<16xf32>
      %swap3A_642 = vector.shape_cast %get3A_606 : vector<16xf32> to vector<1x16xf32>
      tpu.vector_store %arg9[%swap3A_638, %swap3A_639], %swap3A_642 {strides = array<i32>} : memref<8x1024xf32, #tpu.memory_space<vmem>>, vector<1x16xf32>,
      %swap3A_643 = arith.constant 7 : i32
      %swap3A_644 = arith.index_cast %swap3A_643 : i32 to index
      %swap3A_645 = arith.constant 192 : index
      %swap3A_646 = tpu.vector_load %arg9[%swap3A_644, %swap3A_645] {strides = array<i32>} : memref<8x1024xf32, #tpu.memory_space<vmem>>, vector<1x16xf32>,
      %swap3A_647 = vector.shape_cast %swap3A_646 : vector<1x16xf32> to vector<16xf32>
      %swap3A_648 = vector.shape_cast %get3A_606 : vector<16xf32> to vector<1x16xf32>
      tpu.vector_store %arg9[%swap3A_644, %swap3A_645], %swap3A_648 {strides = array<i32>} : memref<8x1024xf32, #tpu.memory_space<vmem>>, vector<1x16xf32>,
      %get3A_649 = arith.constant 0 : i32
      %get3A_650 = arith.index_cast %get3A_649 : i32 to index
      %get3A_651 = arith.constant 208 : index
      %get3A_652 = tpu.vector_load %arg9[%get3A_650, %get3A_651] {strides = array<i32>} : memref<8x1024xf32, #tpu.memory_space<vmem>>, vector<1x16xf32>,
      %get3A_653 = vector.shape_cast %get3A_652 : vector<1x16xf32> to vector<16xf32>
      %swap3A_654 = arith.constant 1 : i32
      %swap3A_655 = arith.index_cast %swap3A_654 : i32 to index
      %swap3A_656 = arith.constant 208 : index
      %swap3A_657 = tpu.vector_load %arg9[%swap3A_655, %swap3A_656] {strides = array<i32>} : memref<8x1024xf32, #tpu.memory_space<vmem>>, vector<1x16xf32>,
      %swap3A_658 = vector.shape_cast %swap3A_657 : vector<1x16xf32> to vector<16xf32>
      %swap3A_659 = vector.shape_cast %get3A_653 : vector<16xf32> to vector<1x16xf32>
      tpu.vector_store %arg9[%swap3A_655, %swap3A_656], %swap3A_659 {strides = array<i32>} : memref<8x1024xf32, #tpu.memory_space<vmem>>, vector<1x16xf32>,
      %swap3A_660 = arith.constant 2 : i32
      %swap3A_661 = arith.index_cast %swap3A_660 : i32 to index
      %swap3A_662 = arith.constant 208 : index
      %swap3A_663 = tpu.vector_load %arg9[%swap3A_661, %swap3A_662] {strides = array<i32>} : memref<8x1024xf32, #tpu.memory_space<vmem>>, vector<1x16xf32>,
      %swap3A_664 = vector.shape_cast %swap3A_663 : vector<1x16xf32> to vector<16xf32>
      %swap3A_665 = vector.shape_cast %get3A_653 : vector<16xf32> to vector<1x16xf32>
      tpu.vector_store %arg9[%swap3A_661, %swap3A_662], %swap3A_665 {strides = array<i32>} : memref<8x1024xf32, #tpu.memory_space<vmem>>, vector<1x16xf32>,
      %swap3A_666 = arith.constant 3 : i32
      %swap3A_667 = arith.index_cast %swap3A_666 : i32 to index
      %swap3A_668 = arith.constant 208 : index
      %swap3A_669 = tpu.vector_load %arg9[%swap3A_667, %swap3A_668] {strides = array<i32>} : memref<8x1024xf32, #tpu.memory_space<vmem>>, vector<1x16xf32>,
      %swap3A_670 = vector.shape_cast %swap3A_669 : vector<1x16xf32> to vector<16xf32>
      %swap3A_671 = vector.shape_cast %get3A_653 : vector<16xf32> to vector<1x16xf32>
      tpu.vector_store %arg9[%swap3A_667, %swap3A_668], %swap3A_671 {strides = array<i32>} : memref<8x1024xf32, #tpu.memory_space<vmem>>, vector<1x16xf32>,
      %swap3A_672 = arith.constant 4 : i32
      %swap3A_673 = arith.index_cast %swap3A_672 : i32 to index
      %swap3A_674 = arith.constant 208 : index
      %swap3A_675 = tpu.vector_load %arg9[%swap3A_673, %swap3A_674] {strides = array<i32>} : memref<8x1024xf32, #tpu.memory_space<vmem>>, vector<1x16xf32>,
      %swap3A_676 = vector.shape_cast %swap3A_675 : vector<1x16xf32> to vector<16xf32>
      %swap3A_677 = vector.shape_cast %get3A_653 : vector<16xf32> to vector<1x16xf32>
      tpu.vector_store %arg9[%swap3A_673, %swap3A_674], %swap3A_677 {strides = array<i32>} : memref<8x1024xf32, #tpu.memory_space<vmem>>, vector<1x16xf32>,
      %swap3A_678 = arith.constant 5 : i32
      %swap3A_679 = arith.index_cast %swap3A_678 : i32 to index
      %swap3A_680 = arith.constant 208 : index
      %swap3A_681 = tpu.vector_load %arg9[%swap3A_679, %swap3A_680] {strides = array<i32>} : memref<8x1024xf32, #tpu.memory_space<vmem>>, vector<1x16xf32>,
      %swap3A_682 = vector.shape_cast %swap3A_681 : vector<1x16xf32> to vector<16xf32>
      %swap3A_683 = vector.shape_cast %get3A_653 : vector<16xf32> to vector<1x16xf32>
      tpu.vector_store %arg9[%swap3A_679, %swap3A_680], %swap3A_683 {strides = array<i32>} : memref<8x1024xf32, #tpu.memory_space<vmem>>, vector<1x16xf32>,
      %swap3A_684 = arith.constant 6 : i32
      %swap3A_685 = arith.index_cast %swap3A_684 : i32 to index
      %swap3A_686 = arith.constant 208 : index
      %swap3A_687 = tpu.vector_load %arg9[%swap3A_685, %swap3A_686] {strides = array<i32>} : memref<8x1024xf32, #tpu.memory_space<vmem>>, vector<1x16xf32>,
      %swap3A_688 = vector.shape_cast %swap3A_687 : vector<1x16xf32> to vector<16xf32>
      %swap3A_689 = vector.shape_cast %get3A_653 : vector<16xf32> to vector<1x16xf32>
      tpu.vector_store %arg9[%swap3A_685, %swap3A_686], %swap3A_689 {strides = array<i32>} : memref<8x1024xf32, #tpu.memory_space<vmem>>, vector<1x16xf32>,
      %swap3A_690 = arith.constant 7 : i32
      %swap3A_691 = arith.index_cast %swap3A_690 : i32 to index
      %swap3A_692 = arith.constant 208 : index
      %swap3A_693 = tpu.vector_load %arg9[%swap3A_691, %swap3A_692] {strides = array<i32>} : memref<8x1024xf32, #tpu.memory_space<vmem>>, vector<1x16xf32>,
      %swap3A_694 = vector.shape_cast %swap3A_693 : vector<1x16xf32> to vector<16xf32>
      %swap3A_695 = vector.shape_cast %get3A_653 : vector<16xf32> to vector<1x16xf32>
      tpu.vector_store %arg9[%swap3A_691, %swap3A_692], %swap3A_695 {strides = array<i32>} : memref<8x1024xf32, #tpu.memory_space<vmem>>, vector<1x16xf32>,
      %get3A_696 = arith.constant 0 : i32
      %get3A_697 = arith.index_cast %get3A_696 : i32 to index
      %get3A_698 = arith.constant 224 : index
      %get3A_699 = tpu.vector_load %arg9[%get3A_697, %get3A_698] {strides = array<i32>} : memref<8x1024xf32, #tpu.memory_space<vmem>>, vector<1x16xf32>,
      %get3A_700 = vector.shape_cast %get3A_699 : vector<1x16xf32> to vector<16xf32>
      %swap3A_701 = arith.constant 1 : i32
      %swap3A_702 = arith.index_cast %swap3A_701 : i32 to index
      %swap3A_703 = arith.constant 224 : index
      %swap3A_704 = tpu.vector_load %arg9[%swap3A_702, %swap3A_703] {strides = array<i32>} : memref<8x1024xf32, #tpu.memory_space<vmem>>, vector<1x16xf32>,
      %swap3A_705 = vector.shape_cast %swap3A_704 : vector<1x16xf32> to vector<16xf32>
      %swap3A_706 = vector.shape_cast %get3A_700 : vector<16xf32> to vector<1x16xf32>
      tpu.vector_store %arg9[%swap3A_702, %swap3A_703], %swap3A_706 {strides = array<i32>} : memref<8x1024xf32, #tpu.memory_space<vmem>>, vector<1x16xf32>,
      %swap3A_707 = arith.constant 2 : i32
      %swap3A_708 = arith.index_cast %swap3A_707 : i32 to index
      %swap3A_709 = arith.constant 224 : index
      %swap3A_710 = tpu.vector_load %arg9[%swap3A_708, %swap3A_709] {strides = array<i32>} : memref<8x1024xf32, #tpu.memory_space<vmem>>, vector<1x16xf32>,
      %swap3A_711 = vector.shape_cast %swap3A_710 : vector<1x16xf32> to vector<16xf32>
      %swap3A_712 = vector.shape_cast %get3A_700 : vector<16xf32> to vector<1x16xf32>
      tpu.vector_store %arg9[%swap3A_708, %swap3A_709], %swap3A_712 {strides = array<i32>} : memref<8x1024xf32, #tpu.memory_space<vmem>>, vector<1x16xf32>,
      %swap3A_713 = arith.constant 3 : i32
      %swap3A_714 = arith.index_cast %swap3A_713 : i32 to index
      %swap3A_715 = arith.constant 224 : index
      %swap3A_716 = tpu.vector_load %arg9[%swap3A_714, %swap3A_715] {strides = array<i32>} : memref<8x1024xf32, #tpu.memory_space<vmem>>, vector<1x16xf32>,
      %swap3A_717 = vector.shape_cast %swap3A_716 : vector<1x16xf32> to vector<16xf32>
      %swap3A_718 = vector.shape_cast %get3A_700 : vector<16xf32> to vector<1x16xf32>
      tpu.vector_store %arg9[%swap3A_714, %swap3A_715], %swap3A_718 {strides = array<i32>} : memref<8x1024xf32, #tpu.memory_space<vmem>>, vector<1x16xf32>,
      %swap3A_719 = arith.constant 4 : i32
      %swap3A_720 = arith.index_cast %swap3A_719 : i32 to index
      %swap3A_721 = arith.constant 224 : index
      %swap3A_722 = tpu.vector_load %arg9[%swap3A_720, %swap3A_721] {strides = array<i32>} : memref<8x1024xf32, #tpu.memory_space<vmem>>, vector<1x16xf32>,
      %swap3A_723 = vector.shape_cast %swap3A_722 : vector<1x16xf32> to vector<16xf32>
      %swap3A_724 = vector.shape_cast %get3A_700 : vector<16xf32> to vector<1x16xf32>
      tpu.vector_store %arg9[%swap3A_720, %swap3A_721], %swap3A_724 {strides = array<i32>} : memref<8x1024xf32, #tpu.memory_space<vmem>>, vector<1x16xf32>,
      %swap3A_725 = arith.constant 5 : i32
      %swap3A_726 = arith.index_cast %swap3A_725 : i32 to index
      %swap3A_727 = arith.constant 224 : index
      %swap3A_728 = tpu.vector_load %arg9[%swap3A_726, %swap3A_727] {strides = array<i32>} : memref<8x1024xf32, #tpu.memory_space<vmem>>, vector<1x16xf32>,
      %swap3A_729 = vector.shape_cast %swap3A_728 : vector<1x16xf32> to vector<16xf32>
      %swap3A_730 = vector.shape_cast %get3A_700 : vector<16xf32> to vector<1x16xf32>
      tpu.vector_store %arg9[%swap3A_726, %swap3A_727], %swap3A_730 {strides = array<i32>} : memref<8x1024xf32, #tpu.memory_space<vmem>>, vector<1x16xf32>,
      %swap3A_731 = arith.constant 6 : i32
      %swap3A_732 = arith.index_cast %swap3A_731 : i32 to index
      %swap3A_733 = arith.constant 224 : index
      %swap3A_734 = tpu.vector_load %arg9[%swap3A_732, %swap3A_733] {strides = array<i32>} : memref<8x1024xf32, #tpu.memory_space<vmem>>, vector<1x16xf32>,
      %swap3A_735 = vector.shape_cast %swap3A_734 : vector<1x16xf32> to vector<16xf32>
      %swap3A_736 = vector.shape_cast %get3A_700 : vector<16xf32> to vector<1x16xf32>
      tpu.vector_store %arg9[%swap3A_732, %swap3A_733], %swap3A_736 {strides = array<i32>} : memref<8x1024xf32, #tpu.memory_space<vmem>>, vector<1x16xf32>,
      %swap3A_737 = arith.constant 7 : i32
      %swap3A_738 = arith.index_cast %swap3A_737 : i32 to index
      %swap3A_739 = arith.constant 224 : index
      %swap3A_740 = tpu.vector_load %arg9[%swap3A_738, %swap3A_739] {strides = array<i32>} : memref<8x1024xf32, #tpu.memory_space<vmem>>, vector<1x16xf32>,
      %swap3A_741 = vector.shape_cast %swap3A_740 : vector<1x16xf32> to vector<16xf32>
      %swap3A_742 = vector.shape_cast %get3A_700 : vector<16xf32> to vector<1x16xf32>
      tpu.vector_store %arg9[%swap3A_738, %swap3A_739], %swap3A_742 {strides = array<i32>} : memref<8x1024xf32, #tpu.memory_space<vmem>>, vector<1x16xf32>,
      %get3A_743 = arith.constant 0 : i32
      %get3A_744 = arith.index_cast %get3A_743 : i32 to index
      %get3A_745 = arith.constant 240 : index
      %get3A_746 = tpu.vector_load %arg9[%get3A_744, %get3A_745] {strides = array<i32>} : memref<8x1024xf32, #tpu.memory_space<vmem>>, vector<1x16xf32>,
      %get3A_747 = vector.shape_cast %get3A_746 : vector<1x16xf32> to vector<16xf32>
      %swap3A_748 = arith.constant 1 : i32
      %swap3A_749 = arith.index_cast %swap3A_748 : i32 to index
      %swap3A_750 = arith.constant 240 : index
      %swap3A_751 = tpu.vector_load %arg9[%swap3A_749, %swap3A_750] {strides = array<i32>} : memref<8x1024xf32, #tpu.memory_space<vmem>>, vector<1x16xf32>,
      %swap3A_752 = vector.shape_cast %swap3A_751 : vector<1x16xf32> to vector<16xf32>
      %swap3A_753 = vector.shape_cast %get3A_747 : vector<16xf32> to vector<1x16xf32>
      tpu.vector_store %arg9[%swap3A_749, %swap3A_750], %swap3A_753 {strides = array<i32>} : memref<8x1024xf32, #tpu.memory_space<vmem>>, vector<1x16xf32>,
      %swap3A_754 = arith.constant 2 : i32
      %swap3A_755 = arith.index_cast %swap3A_754 : i32 to index
      %swap3A_756 = arith.constant 240 : index
      %swap3A_757 = tpu.vector_load %arg9[%swap3A_755, %swap3A_756] {strides = array<i32>} : memref<8x1024xf32, #tpu.memory_space<vmem>>, vector<1x16xf32>,
      %swap3A_758 = vector.shape_cast %swap3A_757 : vector<1x16xf32> to vector<16xf32>
      %swap3A_759 = vector.shape_cast %get3A_747 : vector<16xf32> to vector<1x16xf32>
      tpu.vector_store %arg9[%swap3A_755, %swap3A_756], %swap3A_759 {strides = array<i32>} : memref<8x1024xf32, #tpu.memory_space<vmem>>, vector<1x16xf32>,
      %swap3A_760 = arith.constant 3 : i32
      %swap3A_761 = arith.index_cast %swap3A_760 : i32 to index
      %swap3A_762 = arith.constant 240 : index
      %swap3A_763 = tpu.vector_load %arg9[%swap3A_761, %swap3A_762] {strides = array<i32>} : memref<8x1024xf32, #tpu.memory_space<vmem>>, vector<1x16xf32>,
      %swap3A_764 = vector.shape_cast %swap3A_763 : vector<1x16xf32> to vector<16xf32>
      %swap3A_765 = vector.shape_cast %get3A_747 : vector<16xf32> to vector<1x16xf32>
      tpu.vector_store %arg9[%swap3A_761, %swap3A_762], %swap3A_765 {strides = array<i32>} : memref<8x1024xf32, #tpu.memory_space<vmem>>, vector<1x16xf32>,
      %swap3A_766 = arith.constant 4 : i32
      %swap3A_767 = arith.index_cast %swap3A_766 : i32 to index
      %swap3A_768 = arith.constant 240 : index
      %swap3A_769 = tpu.vector_load %arg9[%swap3A_767, %swap3A_768] {strides = array<i32>} : memref<8x1024xf32, #tpu.memory_space<vmem>>, vector<1x16xf32>,
      %swap3A_770 = vector.shape_cast %swap3A_769 : vector<1x16xf32> to vector<16xf32>
      %swap3A_771 = vector.shape_cast %get3A_747 : vector<16xf32> to vector<1x16xf32>
      tpu.vector_store %arg9[%swap3A_767, %swap3A_768], %swap3A_771 {strides = array<i32>} : memref<8x1024xf32, #tpu.memory_space<vmem>>, vector<1x16xf32>,
      %swap3A_772 = arith.constant 5 : i32
      %swap3A_773 = arith.index_cast %swap3A_772 : i32 to index
      %swap3A_774 = arith.constant 240 : index
      %swap3A_775 = tpu.vector_load %arg9[%swap3A_773, %swap3A_774] {strides = array<i32>} : memref<8x1024xf32, #tpu.memory_space<vmem>>, vector<1x16xf32>,
      %swap3A_776 = vector.shape_cast %swap3A_775 : vector<1x16xf32> to vector<16xf32>
      %swap3A_777 = vector.shape_cast %get3A_747 : vector<16xf32> to vector<1x16xf32>
      tpu.vector_store %arg9[%swap3A_773, %swap3A_774], %swap3A_777 {strides = array<i32>} : memref<8x1024xf32, #tpu.memory_space<vmem>>, vector<1x16xf32>,
      %swap3A_778 = arith.constant 6 : i32
      %swap3A_779 = arith.index_cast %swap3A_778 : i32 to index
      %swap3A_780 = arith.constant 240 : index
      %swap3A_781 = tpu.vector_load %arg9[%swap3A_779, %swap3A_780] {strides = array<i32>} : memref<8x1024xf32, #tpu.memory_space<vmem>>, vector<1x16xf32>,
      %swap3A_782 = vector.shape_cast %swap3A_781 : vector<1x16xf32> to vector<16xf32>
      %swap3A_783 = vector.shape_cast %get3A_747 : vector<16xf32> to vector<1x16xf32>
      tpu.vector_store %arg9[%swap3A_779, %swap3A_780], %swap3A_783 {strides = array<i32>} : memref<8x1024xf32, #tpu.memory_space<vmem>>, vector<1x16xf32>,
      %swap3A_784 = arith.constant 7 : i32
      %swap3A_785 = arith.index_cast %swap3A_784 : i32 to index
      %swap3A_786 = arith.constant 240 : index
      %swap3A_787 = tpu.vector_load %arg9[%swap3A_785, %swap3A_786] {strides = array<i32>} : memref<8x1024xf32, #tpu.memory_space<vmem>>, vector<1x16xf32>,
      %swap3A_788 = vector.shape_cast %swap3A_787 : vector<1x16xf32> to vector<16xf32>
      %swap3A_789 = vector.shape_cast %get3A_747 : vector<16xf32> to vector<1x16xf32>
      tpu.vector_store %arg9[%swap3A_785, %swap3A_786], %swap3A_789 {strides = array<i32>} : memref<8x1024xf32, #tpu.memory_space<vmem>>, vector<1x16xf32>,
      %get3A_790 = arith.constant 0 : i32
      %get3A_791 = arith.index_cast %get3A_790 : i32 to index
      %get3A_792 = arith.constant 256 : index
      %get3A_793 = tpu.vector_load %arg9[%get3A_791, %get3A_792] {strides = array<i32>} : memref<8x1024xf32, #tpu.memory_space<vmem>>, vector<1x16xf32>,
      %get3A_794 = vector.shape_cast %get3A_793 : vector<1x16xf32> to vector<16xf32>
      %swap3A_795 = arith.constant 1 : i32
      %swap3A_796 = arith.index_cast %swap3A_795 : i32 to index
      %swap3A_797 = arith.constant 256 : index
      %swap3A_798 = tpu.vector_load %arg9[%swap3A_796, %swap3A_797] {strides = array<i32>} : memref<8x1024xf32, #tpu.memory_space<vmem>>, vector<1x16xf32>,
      %swap3A_799 = vector.shape_cast %swap3A_798 : vector<1x16xf32> to vector<16xf32>
      %swap3A_800 = vector.shape_cast %get3A_794 : vector<16xf32> to vector<1x16xf32>
      tpu.vector_store %arg9[%swap3A_796, %swap3A_797], %swap3A_800 {strides = array<i32>} : memref<8x1024xf32, #tpu.memory_space<vmem>>, vector<1x16xf32>,
      %swap3A_801 = arith.constant 2 : i32
      %swap3A_802 = arith.index_cast %swap3A_801 : i32 to index
      %swap3A_803 = arith.constant 256 : index
      %swap3A_804 = tpu.vector_load %arg9[%swap3A_802, %swap3A_803] {strides = array<i32>} : memref<8x1024xf32, #tpu.memory_space<vmem>>, vector<1x16xf32>,
      %swap3A_805 = vector.shape_cast %swap3A_804 : vector<1x16xf32> to vector<16xf32>
      %swap3A_806 = vector.shape_cast %get3A_794 : vector<16xf32> to vector<1x16xf32>
      tpu.vector_store %arg9[%swap3A_802, %swap3A_803], %swap3A_806 {strides = array<i32>} : memref<8x1024xf32, #tpu.memory_space<vmem>>, vector<1x16xf32>,
      %swap3A_807 = arith.constant 3 : i32
      %swap3A_808 = arith.index_cast %swap3A_807 : i32 to index
      %swap3A_809 = arith.constant 256 : index
      %swap3A_810 = tpu.vector_load %arg9[%swap3A_808, %swap3A_809] {strides = array<i32>} : memref<8x1024xf32, #tpu.memory_space<vmem>>, vector<1x16xf32>,
      %swap3A_811 = vector.shape_cast %swap3A_810 : vector<1x16xf32> to vector<16xf32>
      %swap3A_812 = vector.shape_cast %get3A_794 : vector<16xf32> to vector<1x16xf32>
      tpu.vector_store %arg9[%swap3A_808, %swap3A_809], %swap3A_812 {strides = array<i32>} : memref<8x1024xf32, #tpu.memory_space<vmem>>, vector<1x16xf32>,
      %swap3A_813 = arith.constant 4 : i32
      %swap3A_814 = arith.index_cast %swap3A_813 : i32 to index
      %swap3A_815 = arith.constant 256 : index
      %swap3A_816 = tpu.vector_load %arg9[%swap3A_814, %swap3A_815] {strides = array<i32>} : memref<8x1024xf32, #tpu.memory_space<vmem>>, vector<1x16xf32>,
      %swap3A_817 = vector.shape_cast %swap3A_816 : vector<1x16xf32> to vector<16xf32>
      %swap3A_818 = vector.shape_cast %get3A_794 : vector<16xf32> to vector<1x16xf32>
      tpu.vector_store %arg9[%swap3A_814, %swap3A_815], %swap3A_818 {strides = array<i32>} : memref<8x1024xf32, #tpu.memory_space<vmem>>, vector<1x16xf32>,
      %swap3A_819 = arith.constant 5 : i32
      %swap3A_820 = arith.index_cast %swap3A_819 : i32 to index
      %swap3A_821 = arith.constant 256 : index
      %swap3A_822 = tpu.vector_load %arg9[%swap3A_820, %swap3A_821] {strides = array<i32>} : memref<8x1024xf32, #tpu.memory_space<vmem>>, vector<1x16xf32>,
      %swap3A_823 = vector.shape_cast %swap3A_822 : vector<1x16xf32> to vector<16xf32>
      %swap3A_824 = vector.shape_cast %get3A_794 : vector<16xf32> to vector<1x16xf32>
      tpu.vector_store %arg9[%swap3A_820, %swap3A_821], %swap3A_824 {strides = array<i32>} : memref<8x1024xf32, #tpu.memory_space<vmem>>, vector<1x16xf32>,
      %swap3A_825 = arith.constant 6 : i32
      %swap3A_826 = arith.index_cast %swap3A_825 : i32 to index
      %swap3A_827 = arith.constant 256 : index
      %swap3A_828 = tpu.vector_load %arg9[%swap3A_826, %swap3A_827] {strides = array<i32>} : memref<8x1024xf32, #tpu.memory_space<vmem>>, vector<1x16xf32>,
      %swap3A_829 = vector.shape_cast %swap3A_828 : vector<1x16xf32> to vector<16xf32>
      %swap3A_830 = vector.shape_cast %get3A_794 : vector<16xf32> to vector<1x16xf32>
      tpu.vector_store %arg9[%swap3A_826, %swap3A_827], %swap3A_830 {strides = array<i32>} : memref<8x1024xf32, #tpu.memory_space<vmem>>, vector<1x16xf32>,
      %swap3A_831 = arith.constant 7 : i32
      %swap3A_832 = arith.index_cast %swap3A_831 : i32 to index
      %swap3A_833 = arith.constant 256 : index
      %swap3A_834 = tpu.vector_load %arg9[%swap3A_832, %swap3A_833] {strides = array<i32>} : memref<8x1024xf32, #tpu.memory_space<vmem>>, vector<1x16xf32>,
      %swap3A_835 = vector.shape_cast %swap3A_834 : vector<1x16xf32> to vector<16xf32>
      %swap3A_836 = vector.shape_cast %get3A_794 : vector<16xf32> to vector<1x16xf32>
      tpu.vector_store %arg9[%swap3A_832, %swap3A_833], %swap3A_836 {strides = array<i32>} : memref<8x1024xf32, #tpu.memory_space<vmem>>, vector<1x16xf32>,
      %get3A_837 = arith.constant 0 : i32
      %get3A_838 = arith.index_cast %get3A_837 : i32 to index
      %get3A_839 = arith.constant 272 : index
      %get3A_840 = tpu.vector_load %arg9[%get3A_838, %get3A_839] {strides = array<i32>} : memref<8x1024xf32, #tpu.memory_space<vmem>>, vector<1x16xf32>,
      %get3A_841 = vector.shape_cast %get3A_840 : vector<1x16xf32> to vector<16xf32>
      %swap3A_842 = arith.constant 1 : i32
      %swap3A_843 = arith.index_cast %swap3A_842 : i32 to index
      %swap3A_844 = arith.constant 272 : index
      %swap3A_845 = tpu.vector_load %arg9[%swap3A_843, %swap3A_844] {strides = array<i32>} : memref<8x1024xf32, #tpu.memory_space<vmem>>, vector<1x16xf32>,
      %swap3A_846 = vector.shape_cast %swap3A_845 : vector<1x16xf32> to vector<16xf32>
      %swap3A_847 = vector.shape_cast %get3A_841 : vector<16xf32> to vector<1x16xf32>
      tpu.vector_store %arg9[%swap3A_843, %swap3A_844], %swap3A_847 {strides = array<i32>} : memref<8x1024xf32, #tpu.memory_space<vmem>>, vector<1x16xf32>,
      %swap3A_848 = arith.constant 2 : i32
      %swap3A_849 = arith.index_cast %swap3A_848 : i32 to index
      %swap3A_850 = arith.constant 272 : index
      %swap3A_851 = tpu.vector_load %arg9[%swap3A_849, %swap3A_850] {strides = array<i32>} : memref<8x1024xf32, #tpu.memory_space<vmem>>, vector<1x16xf32>,
      %swap3A_852 = vector.shape_cast %swap3A_851 : vector<1x16xf32> to vector<16xf32>
      %swap3A_853 = vector.shape_cast %get3A_841 : vector<16xf32> to vector<1x16xf32>
      tpu.vector_store %arg9[%swap3A_849, %swap3A_850], %swap3A_853 {strides = array<i32>} : memref<8x1024xf32, #tpu.memory_space<vmem>>, vector<1x16xf32>,
      %swap3A_854 = arith.constant 3 : i32
      %swap3A_855 = arith.index_cast %swap3A_854 : i32 to index
      %swap3A_856 = arith.constant 272 : index
      %swap3A_857 = tpu.vector_load %arg9[%swap3A_855, %swap3A_856] {strides = array<i32>} : memref<8x1024xf32, #tpu.memory_space<vmem>>, vector<1x16xf32>,
      %swap3A_858 = vector.shape_cast %swap3A_857 : vector<1x16xf32> to vector<16xf32>
      %swap3A_859 = vector.shape_cast %get3A_841 : vector<16xf32> to vector<1x16xf32>
      tpu.vector_store %arg9[%swap3A_855, %swap3A_856], %swap3A_859 {strides = array<i32>} : memref<8x1024xf32, #tpu.memory_space<vmem>>, vector<1x16xf32>,
      %swap3A_860 = arith.constant 4 : i32
      %swap3A_861 = arith.index_cast %swap3A_860 : i32 to index
      %swap3A_862 = arith.constant 272 : index
      %swap3A_863 = tpu.vector_load %arg9[%swap3A_861, %swap3A_862] {strides = array<i32>} : memref<8x1024xf32, #tpu.memory_space<vmem>>, vector<1x16xf32>,
      %swap3A_864 = vector.shape_cast %swap3A_863 : vector<1x16xf32> to vector<16xf32>
      %swap3A_865 = vector.shape_cast %get3A_841 : vector<16xf32> to vector<1x16xf32>
      tpu.vector_store %arg9[%swap3A_861, %swap3A_862], %swap3A_865 {strides = array<i32>} : memref<8x1024xf32, #tpu.memory_space<vmem>>, vector<1x16xf32>,
      %swap3A_866 = arith.constant 5 : i32
      %swap3A_867 = arith.index_cast %swap3A_866 : i32 to index
      %swap3A_868 = arith.constant 272 : index
      %swap3A_869 = tpu.vector_load %arg9[%swap3A_867, %swap3A_868] {strides = array<i32>} : memref<8x1024xf32, #tpu.memory_space<vmem>>, vector<1x16xf32>,
      %swap3A_870 = vector.shape_cast %swap3A_869 : vector<1x16xf32> to vector<16xf32>
      %swap3A_871 = vector.shape_cast %get3A_841 : vector<16xf32> to vector<1x16xf32>
      tpu.vector_store %arg9[%swap3A_867, %swap3A_868], %swap3A_871 {strides = array<i32>} : memref<8x1024xf32, #tpu.memory_space<vmem>>, vector<1x16xf32>,
      %swap3A_872 = arith.constant 6 : i32
      %swap3A_873 = arith.index_cast %swap3A_872 : i32 to index
      %swap3A_874 = arith.constant 272 : index
      %swap3A_875 = tpu.vector_load %arg9[%swap3A_873, %swap3A_874] {strides = array<i32>} : memref<8x1024xf32, #tpu.memory_space<vmem>>, vector<1x16xf32>,
      %swap3A_876 = vector.shape_cast %swap3A_875 : vector<1x16xf32> to vector<16xf32>
      %swap3A_877 = vector.shape_cast %get3A_841 : vector<16xf32> to vector<1x16xf32>
      tpu.vector_store %arg9[%swap3A_873, %swap3A_874], %swap3A_877 {strides = array<i32>} : memref<8x1024xf32, #tpu.memory_space<vmem>>, vector<1x16xf32>,
      %swap3A_878 = arith.constant 7 : i32
      %swap3A_879 = arith.index_cast %swap3A_878 : i32 to index
      %swap3A_880 = arith.constant 272 : index
      %swap3A_881 = tpu.vector_load %arg9[%swap3A_879, %swap3A_880] {strides = array<i32>} : memref<8x1024xf32, #tpu.memory_space<vmem>>, vector<1x16xf32>,
      %swap3A_882 = vector.shape_cast %swap3A_881 : vector<1x16xf32> to vector<16xf32>
      %swap3A_883 = vector.shape_cast %get3A_841 : vector<16xf32> to vector<1x16xf32>
      tpu.vector_store %arg9[%swap3A_879, %swap3A_880], %swap3A_883 {strides = array<i32>} : memref<8x1024xf32, #tpu.memory_space<vmem>>, vector<1x16xf32>,
      %get3A_884 = arith.constant 0 : i32
      %get3A_885 = arith.index_cast %get3A_884 : i32 to index
      %get3A_886 = arith.constant 288 : index
      %get3A_887 = tpu.vector_load %arg9[%get3A_885, %get3A_886] {strides = array<i32>} : memref<8x1024xf32, #tpu.memory_space<vmem>>, vector<1x16xf32>,
      %get3A_888 = vector.shape_cast %get3A_887 : vector<1x16xf32> to vector<16xf32>
      %swap3A_889 = arith.constant 1 : i32
      %swap3A_890 = arith.index_cast %swap3A_889 : i32 to index
      %swap3A_891 = arith.constant 288 : index
      %swap3A_892 = tpu.vector_load %arg9[%swap3A_890, %swap3A_891] {strides = array<i32>} : memref<8x1024xf32, #tpu.memory_space<vmem>>, vector<1x16xf32>,
      %swap3A_893 = vector.shape_cast %swap3A_892 : vector<1x16xf32> to vector<16xf32>
      %swap3A_894 = vector.shape_cast %get3A_888 : vector<16xf32> to vector<1x16xf32>
      tpu.vector_store %arg9[%swap3A_890, %swap3A_891], %swap3A_894 {strides = array<i32>} : memref<8x1024xf32, #tpu.memory_space<vmem>>, vector<1x16xf32>,
      %swap3A_895 = arith.constant 2 : i32
      %swap3A_896 = arith.index_cast %swap3A_895 : i32 to index
      %swap3A_897 = arith.constant 288 : index
      %swap3A_898 = tpu.vector_load %arg9[%swap3A_896, %swap3A_897] {strides = array<i32>} : memref<8x1024xf32, #tpu.memory_space<vmem>>, vector<1x16xf32>,
      %swap3A_899 = vector.shape_cast %swap3A_898 : vector<1x16xf32> to vector<16xf32>
      %swap3A_900 = vector.shape_cast %get3A_888 : vector<16xf32> to vector<1x16xf32>
      tpu.vector_store %arg9[%swap3A_896, %swap3A_897], %swap3A_900 {strides = array<i32>} : memref<8x1024xf32, #tpu.memory_space<vmem>>, vector<1x16xf32>,
      %swap3A_901 = arith.constant 3 : i32
      %swap3A_902 = arith.index_cast %swap3A_901 : i32 to index
      %swap3A_903 = arith.constant 288 : index
      %swap3A_904 = tpu.vector_load %arg9[%swap3A_902, %swap3A_903] {strides = array<i32>} : memref<8x1024xf32, #tpu.memory_space<vmem>>, vector<1x16xf32>,
      %swap3A_905 = vector.shape_cast %swap3A_904 : vector<1x16xf32> to vector<16xf32>
      %swap3A_906 = vector.shape_cast %get3A_888 : vector<16xf32> to vector<1x16xf32>
      tpu.vector_store %arg9[%swap3A_902, %swap3A_903], %swap3A_906 {strides = array<i32>} : memref<8x1024xf32, #tpu.memory_space<vmem>>, vector<1x16xf32>,
      %swap3A_907 = arith.constant 4 : i32
      %swap3A_908 = arith.index_cast %swap3A_907 : i32 to index
      %swap3A_909 = arith.constant 288 : index
      %swap3A_910 = tpu.vector_load %arg9[%swap3A_908, %swap3A_909] {strides = array<i32>} : memref<8x1024xf32, #tpu.memory_space<vmem>>, vector<1x16xf32>,
      %swap3A_911 = vector.shape_cast %swap3A_910 : vector<1x16xf32> to vector<16xf32>
      %swap3A_912 = vector.shape_cast %get3A_888 : vector<16xf32> to vector<1x16xf32>
      tpu.vector_store %arg9[%swap3A_908, %swap3A_909], %swap3A_912 {strides = array<i32>} : memref<8x1024xf32, #tpu.memory_space<vmem>>, vector<1x16xf32>,
      %swap3A_913 = arith.constant 5 : i32
      %swap3A_914 = arith.index_cast %swap3A_913 : i32 to index
      %swap3A_915 = arith.constant 288 : index
      %swap3A_916 = tpu.vector_load %arg9[%swap3A_914, %swap3A_915] {strides = array<i32>} : memref<8x1024xf32, #tpu.memory_space<vmem>>, vector<1x16xf32>,
      %swap3A_917 = vector.shape_cast %swap3A_916 : vector<1x16xf32> to vector<16xf32>
      %swap3A_918 = vector.shape_cast %get3A_888 : vector<16xf32> to vector<1x16xf32>
      tpu.vector_store %arg9[%swap3A_914, %swap3A_915], %swap3A_918 {strides = array<i32>} : memref<8x1024xf32, #tpu.memory_space<vmem>>, vector<1x16xf32>,
      %swap3A_919 = arith.constant 6 : i32
      %swap3A_920 = arith.index_cast %swap3A_919 : i32 to index
      %swap3A_921 = arith.constant 288 : index
      %swap3A_922 = tpu.vector_load %arg9[%swap3A_920, %swap3A_921] {strides = array<i32>} : memref<8x1024xf32, #tpu.memory_space<vmem>>, vector<1x16xf32>,
      %swap3A_923 = vector.shape_cast %swap3A_922 : vector<1x16xf32> to vector<16xf32>
      %swap3A_924 = vector.shape_cast %get3A_888 : vector<16xf32> to vector<1x16xf32>
      tpu.vector_store %arg9[%swap3A_920, %swap3A_921], %swap3A_924 {strides = array<i32>} : memref<8x1024xf32, #tpu.memory_space<vmem>>, vector<1x16xf32>,
      %swap3A_925 = arith.constant 7 : i32
      %swap3A_926 = arith.index_cast %swap3A_925 : i32 to index
      %swap3A_927 = arith.constant 288 : index
      %swap3A_928 = tpu.vector_load %arg9[%swap3A_926, %swap3A_927] {strides = array<i32>} : memref<8x1024xf32, #tpu.memory_space<vmem>>, vector<1x16xf32>,
      %swap3A_929 = vector.shape_cast %swap3A_928 : vector<1x16xf32> to vector<16xf32>
      %swap3A_930 = vector.shape_cast %get3A_888 : vector<16xf32> to vector<1x16xf32>
      tpu.vector_store %arg9[%swap3A_926, %swap3A_927], %swap3A_930 {strides = array<i32>} : memref<8x1024xf32, #tpu.memory_space<vmem>>, vector<1x16xf32>,
      %get3A_931 = arith.constant 0 : i32
      %get3A_932 = arith.index_cast %get3A_931 : i32 to index
      %get3A_933 = arith.constant 304 : index
      %get3A_934 = tpu.vector_load %arg9[%get3A_932, %get3A_933] {strides = array<i32>} : memref<8x1024xf32, #tpu.memory_space<vmem>>, vector<1x16xf32>,
      %get3A_935 = vector.shape_cast %get3A_934 : vector<1x16xf32> to vector<16xf32>
      %swap3A_936 = arith.constant 1 : i32
      %swap3A_937 = arith.index_cast %swap3A_936 : i32 to index
      %swap3A_938 = arith.constant 304 : index
      %swap3A_939 = tpu.vector_load %arg9[%swap3A_937, %swap3A_938] {strides = array<i32>} : memref<8x1024xf32, #tpu.memory_space<vmem>>, vector<1x16xf32>,
      %swap3A_940 = vector.shape_cast %swap3A_939 : vector<1x16xf32> to vector<16xf32>
      %swap3A_941 = vector.shape_cast %get3A_935 : vector<16xf32> to vector<1x16xf32>
      tpu.vector_store %arg9[%swap3A_937, %swap3A_938], %swap3A_941 {strides = array<i32>} : memref<8x1024xf32, #tpu.memory_space<vmem>>, vector<1x16xf32>,
      %swap3A_942 = arith.constant 2 : i32
      %swap3A_943 = arith.index_cast %swap3A_942 : i32 to index
      %swap3A_944 = arith.constant 304 : index
      %swap3A_945 = tpu.vector_load %arg9[%swap3A_943, %swap3A_944] {strides = array<i32>} : memref<8x1024xf32, #tpu.memory_space<vmem>>, vector<1x16xf32>,
      %swap3A_946 = vector.shape_cast %swap3A_945 : vector<1x16xf32> to vector<16xf32>
      %swap3A_947 = vector.shape_cast %get3A_935 : vector<16xf32> to vector<1x16xf32>
      tpu.vector_store %arg9[%swap3A_943, %swap3A_944], %swap3A_947 {strides = array<i32>} : memref<8x1024xf32, #tpu.memory_space<vmem>>, vector<1x16xf32>,
      %swap3A_948 = arith.constant 3 : i32
      %swap3A_949 = arith.index_cast %swap3A_948 : i32 to index
      %swap3A_950 = arith.constant 304 : index
      %swap3A_951 = tpu.vector_load %arg9[%swap3A_949, %swap3A_950] {strides = array<i32>} : memref<8x1024xf32, #tpu.memory_space<vmem>>, vector<1x16xf32>,
      %swap3A_952 = vector.shape_cast %swap3A_951 : vector<1x16xf32> to vector<16xf32>
      %swap3A_953 = vector.shape_cast %get3A_935 : vector<16xf32> to vector<1x16xf32>
      tpu.vector_store %arg9[%swap3A_949, %swap3A_950], %swap3A_953 {strides = array<i32>} : memref<8x1024xf32, #tpu.memory_space<vmem>>, vector<1x16xf32>,
      %swap3A_954 = arith.constant 4 : i32
      %swap3A_955 = arith.index_cast %swap3A_954 : i32 to index
      %swap3A_956 = arith.constant 304 : index
      %swap3A_957 = tpu.vector_load %arg9[%swap3A_955, %swap3A_956] {strides = array<i32>} : memref<8x1024xf32, #tpu.memory_space<vmem>>, vector<1x16xf32>,
      %swap3A_958 = vector.shape_cast %swap3A_957 : vector<1x16xf32> to vector<16xf32>
      %swap3A_959 = vector.shape_cast %get3A_935 : vector<16xf32> to vector<1x16xf32>
      tpu.vector_store %arg9[%swap3A_955, %swap3A_956], %swap3A_959 {strides = array<i32>} : memref<8x1024xf32, #tpu.memory_space<vmem>>, vector<1x16xf32>,
      %swap3A_960 = arith.constant 5 : i32
      %swap3A_961 = arith.index_cast %swap3A_960 : i32 to index
      %swap3A_962 = arith.constant 304 : index
      %swap3A_963 = tpu.vector_load %arg9[%swap3A_961, %swap3A_962] {strides = array<i32>} : memref<8x1024xf32, #tpu.memory_space<vmem>>, vector<1x16xf32>,
      %swap3A_964 = vector.shape_cast %swap3A_963 : vector<1x16xf32> to vector<16xf32>
      %swap3A_965 = vector.shape_cast %get3A_935 : vector<16xf32> to vector<1x16xf32>
      tpu.vector_store %arg9[%swap3A_961, %swap3A_962], %swap3A_965 {strides = array<i32>} : memref<8x1024xf32, #tpu.memory_space<vmem>>, vector<1x16xf32>,
      %swap3A_966 = arith.constant 6 : i32
      %swap3A_967 = arith.index_cast %swap3A_966 : i32 to index
      %swap3A_968 = arith.constant 304 : index
      %swap3A_969 = tpu.vector_load %arg9[%swap3A_967, %swap3A_968] {strides = array<i32>} : memref<8x1024xf32, #tpu.memory_space<vmem>>, vector<1x16xf32>,
      %swap3A_970 = vector.shape_cast %swap3A_969 : vector<1x16xf32> to vector<16xf32>
      %swap3A_971 = vector.shape_cast %get3A_935 : vector<16xf32> to vector<1x16xf32>
      tpu.vector_store %arg9[%swap3A_967, %swap3A_968], %swap3A_971 {strides = array<i32>} : memref<8x1024xf32, #tpu.memory_space<vmem>>, vector<1x16xf32>,
      %swap3A_972 = arith.constant 7 : i32
      %swap3A_973 = arith.index_cast %swap3A_972 : i32 to index
      %swap3A_974 = arith.constant 304 : index
      %swap3A_975 = tpu.vector_load %arg9[%swap3A_973, %swap3A_974] {strides = array<i32>} : memref<8x1024xf32, #tpu.memory_space<vmem>>, vector<1x16xf32>,
      %swap3A_976 = vector.shape_cast %swap3A_975 : vector<1x16xf32> to vector<16xf32>
      %swap3A_977 = vector.shape_cast %get3A_935 : vector<16xf32> to vector<1x16xf32>
      tpu.vector_store %arg9[%swap3A_973, %swap3A_974], %swap3A_977 {strides = array<i32>} : memref<8x1024xf32, #tpu.memory_space<vmem>>, vector<1x16xf32>,
      %get3A_978 = arith.constant 0 : i32
      %get3A_979 = arith.index_cast %get3A_978 : i32 to index
      %get3A_980 = arith.constant 320 : index
      %get3A_981 = tpu.vector_load %arg9[%get3A_979, %get3A_980] {strides = array<i32>} : memref<8x1024xf32, #tpu.memory_space<vmem>>, vector<1x16xf32>,
      %get3A_982 = vector.shape_cast %get3A_981 : vector<1x16xf32> to vector<16xf32>
      %swap3A_983 = arith.constant 1 : i32
      %swap3A_984 = arith.index_cast %swap3A_983 : i32 to index
      %swap3A_985 = arith.constant 320 : index
      %swap3A_986 = tpu.vector_load %arg9[%swap3A_984, %swap3A_985] {strides = array<i32>} : memref<8x1024xf32, #tpu.memory_space<vmem>>, vector<1x16xf32>,
      %swap3A_987 = vector.shape_cast %swap3A_986 : vector<1x16xf32> to vector<16xf32>
      %swap3A_988 = vector.shape_cast %get3A_982 : vector<16xf32> to vector<1x16xf32>
      tpu.vector_store %arg9[%swap3A_984, %swap3A_985], %swap3A_988 {strides = array<i32>} : memref<8x1024xf32, #tpu.memory_space<vmem>>, vector<1x16xf32>,
      %swap3A_989 = arith.constant 2 : i32
      %swap3A_990 = arith.index_cast %swap3A_989 : i32 to index
      %swap3A_991 = arith.constant 320 : index
      %swap3A_992 = tpu.vector_load %arg9[%swap3A_990, %swap3A_991] {strides = array<i32>} : memref<8x1024xf32, #tpu.memory_space<vmem>>, vector<1x16xf32>,
      %swap3A_993 = vector.shape_cast %swap3A_992 : vector<1x16xf32> to vector<16xf32>
      %swap3A_994 = vector.shape_cast %get3A_982 : vector<16xf32> to vector<1x16xf32>
      tpu.vector_store %arg9[%swap3A_990, %swap3A_991], %swap3A_994 {strides = array<i32>} : memref<8x1024xf32, #tpu.memory_space<vmem>>, vector<1x16xf32>,
      %swap3A_995 = arith.constant 3 : i32
      %swap3A_996 = arith.index_cast %swap3A_995 : i32 to index
      %swap3A_997 = arith.constant 320 : index
      %swap3A_998 = tpu.vector_load %arg9[%swap3A_996, %swap3A_997] {strides = array<i32>} : memref<8x1024xf32, #tpu.memory_space<vmem>>, vector<1x16xf32>,
      %swap3A_999 = vector.shape_cast %swap3A_998 : vector<1x16xf32> to vector<16xf32>
      %swap3A_1000 = vector.shape_cast %get3A_982 : vector<16xf32> to vector<1x16xf32>
      tpu.vector_store %arg9[%swap3A_996, %swap3A_997], %swap3A_1000 {strides = array<i32>} : memref<8x1024xf32, #tpu.memory_space<vmem>>, vector<1x16xf32>,
      %swap3A_1001 = arith.constant 4 : i32
      %swap3A_1002 = arith.index_cast %swap3A_1001 : i32 to index
      %swap3A_1003 = arith.constant 320 : index
      %swap3A_1004 = tpu.vector_load %arg9[%swap3A_1002, %swap3A_1003] {strides = array<i32>} : memref<8x1024xf32, #tpu.memory_space<vmem>>, vector<1x16xf32>,
      %swap3A_1005 = vector.shape_cast %swap3A_1004 : vector<1x16xf32> to vector<16xf32>
      %swap3A_1006 = vector.shape_cast %get3A_982 : vector<16xf32> to vector<1x16xf32>
      tpu.vector_store %arg9[%swap3A_1002, %swap3A_1003], %swap3A_1006 {strides = array<i32>} : memref<8x1024xf32, #tpu.memory_space<vmem>>, vector<1x16xf32>,
      %swap3A_1007 = arith.constant 5 : i32
      %swap3A_1008 = arith.index_cast %swap3A_1007 : i32 to index
      %swap3A_1009 = arith.constant 320 : index
      %swap3A_1010 = tpu.vector_load %arg9[%swap3A_1008, %swap3A_1009] {strides = array<i32>} : memref<8x1024xf32, #tpu.memory_space<vmem>>, vector<1x16xf32>,
      %swap3A_1011 = vector.shape_cast %swap3A_1010 : vector<1x16xf32> to vector<16xf32>
      %swap3A_1012 = vector.shape_cast %get3A_982 : vector<16xf32> to vector<1x16xf32>
      tpu.vector_store %arg9[%swap3A_1008, %swap3A_1009], %swap3A_1012 {strides = array<i32>} : memref<8x1024xf32, #tpu.memory_space<vmem>>, vector<1x16xf32>,
      %swap3A_1013 = arith.constant 6 : i32
      %swap3A_1014 = arith.index_cast %swap3A_1013 : i32 to index
      %swap3A_1015 = arith.constant 320 : index
      %swap3A_1016 = tpu.vector_load %arg9[%swap3A_1014, %swap3A_1015] {strides = array<i32>} : memref<8x1024xf32, #tpu.memory_space<vmem>>, vector<1x16xf32>,
      %swap3A_1017 = vector.shape_cast %swap3A_1016 : vector<1x16xf32> to vector<16xf32>
      %swap3A_1018 = vector.shape_cast %get3A_982 : vector<16xf32> to vector<1x16xf32>
      tpu.vector_store %arg9[%swap3A_1014, %swap3A_1015], %swap3A_1018 {strides = array<i32>} : memref<8x1024xf32, #tpu.memory_space<vmem>>, vector<1x16xf32>,
      %swap3A_1019 = arith.constant 7 : i32
      %swap3A_1020 = arith.index_cast %swap3A_1019 : i32 to index
      %swap3A_1021 = arith.constant 320 : index
      %swap3A_1022 = tpu.vector_load %arg9[%swap3A_1020, %swap3A_1021] {strides = array<i32>} : memref<8x1024xf32, #tpu.memory_space<vmem>>, vector<1x16xf32>,
      %swap3A_1023 = vector.shape_cast %swap3A_1022 : vector<1x16xf32> to vector<16xf32>
      %swap3A_1024 = vector.shape_cast %get3A_982 : vector<16xf32> to vector<1x16xf32>
      tpu.vector_store %arg9[%swap3A_1020, %swap3A_1021], %swap3A_1024 {strides = array<i32>} : memref<8x1024xf32, #tpu.memory_space<vmem>>, vector<1x16xf32>,
      %get3A_1025 = arith.constant 0 : i32
      %get3A_1026 = arith.index_cast %get3A_1025 : i32 to index
      %get3A_1027 = arith.constant 336 : index
      %get3A_1028 = tpu.vector_load %arg9[%get3A_1026, %get3A_1027] {strides = array<i32>} : memref<8x1024xf32, #tpu.memory_space<vmem>>, vector<1x16xf32>,
      %get3A_1029 = vector.shape_cast %get3A_1028 : vector<1x16xf32> to vector<16xf32>
      %swap3A_1030 = arith.constant 1 : i32
      %swap3A_1031 = arith.index_cast %swap3A_1030 : i32 to index
      %swap3A_1032 = arith.constant 336 : index
      %swap3A_1033 = tpu.vector_load %arg9[%swap3A_1031, %swap3A_1032] {strides = array<i32>} : memref<8x1024xf32, #tpu.memory_space<vmem>>, vector<1x16xf32>,
      %swap3A_1034 = vector.shape_cast %swap3A_1033 : vector<1x16xf32> to vector<16xf32>
      %swap3A_1035 = vector.shape_cast %get3A_1029 : vector<16xf32> to vector<1x16xf32>
      tpu.vector_store %arg9[%swap3A_1031, %swap3A_1032], %swap3A_1035 {strides = array<i32>} : memref<8x1024xf32, #tpu.memory_space<vmem>>, vector<1x16xf32>,
      %swap3A_1036 = arith.constant 2 : i32
      %swap3A_1037 = arith.index_cast %swap3A_1036 : i32 to index
      %swap3A_1038 = arith.constant 336 : index
      %swap3A_1039 = tpu.vector_load %arg9[%swap3A_1037, %swap3A_1038] {strides = array<i32>} : memref<8x1024xf32, #tpu.memory_space<vmem>>, vector<1x16xf32>,
      %swap3A_1040 = vector.shape_cast %swap3A_1039 : vector<1x16xf32> to vector<16xf32>
      %swap3A_1041 = vector.shape_cast %get3A_1029 : vector<16xf32> to vector<1x16xf32>
      tpu.vector_store %arg9[%swap3A_1037, %swap3A_1038], %swap3A_1041 {strides = array<i32>} : memref<8x1024xf32, #tpu.memory_space<vmem>>, vector<1x16xf32>,
      %swap3A_1042 = arith.constant 3 : i32
      %swap3A_1043 = arith.index_cast %swap3A_1042 : i32 to index
      %swap3A_1044 = arith.constant 336 : index
      %swap3A_1045 = tpu.vector_load %arg9[%swap3A_1043, %swap3A_1044] {strides = array<i32>} : memref<8x1024xf32, #tpu.memory_space<vmem>>, vector<1x16xf32>,
      %swap3A_1046 = vector.shape_cast %swap3A_1045 : vector<1x16xf32> to vector<16xf32>
      %swap3A_1047 = vector.shape_cast %get3A_1029 : vector<16xf32> to vector<1x16xf32>
      tpu.vector_store %arg9[%swap3A_1043, %swap3A_1044], %swap3A_1047 {strides = array<i32>} : memref<8x1024xf32, #tpu.memory_space<vmem>>, vector<1x16xf32>,
      %swap3A_1048 = arith.constant 4 : i32
      %swap3A_1049 = arith.index_cast %swap3A_1048 : i32 to index
      %swap3A_1050 = arith.constant 336 : index
      %swap3A_1051 = tpu.vector_load %arg9[%swap3A_1049, %swap3A_1050] {strides = array<i32>} : memref<8x1024xf32, #tpu.memory_space<vmem>>, vector<1x16xf32>,
      %swap3A_1052 = vector.shape_cast %swap3A_1051 : vector<1x16xf32> to vector<16xf32>
      %swap3A_1053 = vector.shape_cast %get3A_1029 : vector<16xf32> to vector<1x16xf32>
      tpu.vector_store %arg9[%swap3A_1049, %swap3A_1050], %swap3A_1053 {strides = array<i32>} : memref<8x1024xf32, #tpu.memory_space<vmem>>, vector<1x16xf32>,
      %swap3A_1054 = arith.constant 5 : i32
      %swap3A_1055 = arith.index_cast %swap3A_1054 : i32 to index
      %swap3A_1056 = arith.constant 336 : index
      %swap3A_1057 = tpu.vector_load %arg9[%swap3A_1055, %swap3A_1056] {strides = array<i32>} : memref<8x1024xf32, #tpu.memory_space<vmem>>, vector<1x16xf32>,
      %swap3A_1058 = vector.shape_cast %swap3A_1057 : vector<1x16xf32> to vector<16xf32>
      %swap3A_1059 = vector.shape_cast %get3A_1029 : vector<16xf32> to vector<1x16xf32>
      tpu.vector_store %arg9[%swap3A_1055, %swap3A_1056], %swap3A_1059 {strides = array<i32>} : memref<8x1024xf32, #tpu.memory_space<vmem>>, vector<1x16xf32>,
      %swap3A_1060 = arith.constant 6 : i32
      %swap3A_1061 = arith.index_cast %swap3A_1060 : i32 to index
      %swap3A_1062 = arith.constant 336 : index
      %swap3A_1063 = tpu.vector_load %arg9[%swap3A_1061, %swap3A_1062] {strides = array<i32>} : memref<8x1024xf32, #tpu.memory_space<vmem>>, vector<1x16xf32>,
      %swap3A_1064 = vector.shape_cast %swap3A_1063 : vector<1x16xf32> to vector<16xf32>
      %swap3A_1065 = vector.shape_cast %get3A_1029 : vector<16xf32> to vector<1x16xf32>
      tpu.vector_store %arg9[%swap3A_1061, %swap3A_1062], %swap3A_1065 {strides = array<i32>} : memref<8x1024xf32, #tpu.memory_space<vmem>>, vector<1x16xf32>,
      %swap3A_1066 = arith.constant 7 : i32
      %swap3A_1067 = arith.index_cast %swap3A_1066 : i32 to index
      %swap3A_1068 = arith.constant 336 : index
      %swap3A_1069 = tpu.vector_load %arg9[%swap3A_1067, %swap3A_1068] {strides = array<i32>} : memref<8x1024xf32, #tpu.memory_space<vmem>>, vector<1x16xf32>,
      %swap3A_1070 = vector.shape_cast %swap3A_1069 : vector<1x16xf32> to vector<16xf32>
      %swap3A_1071 = vector.shape_cast %get3A_1029 : vector<16xf32> to vector<1x16xf32>
      tpu.vector_store %arg9[%swap3A_1067, %swap3A_1068], %swap3A_1071 {strides = array<i32>} : memref<8x1024xf32, #tpu.memory_space<vmem>>, vector<1x16xf32>,
      %get3A_1072 = arith.constant 0 : i32
      %get3A_1073 = arith.index_cast %get3A_1072 : i32 to index
      %get3A_1074 = arith.constant 352 : index
      %get3A_1075 = tpu.vector_load %arg9[%get3A_1073, %get3A_1074] {strides = array<i32>} : memref<8x1024xf32, #tpu.memory_space<vmem>>, vector<1x16xf32>,
      %get3A_1076 = vector.shape_cast %get3A_1075 : vector<1x16xf32> to vector<16xf32>
      %swap3A_1077 = arith.constant 1 : i32
      %swap3A_1078 = arith.index_cast %swap3A_1077 : i32 to index
      %swap3A_1079 = arith.constant 352 : index
      %swap3A_1080 = tpu.vector_load %arg9[%swap3A_1078, %swap3A_1079] {strides = array<i32>} : memref<8x1024xf32, #tpu.memory_space<vmem>>, vector<1x16xf32>,
      %swap3A_1081 = vector.shape_cast %swap3A_1080 : vector<1x16xf32> to vector<16xf32>
      %swap3A_1082 = vector.shape_cast %get3A_1076 : vector<16xf32> to vector<1x16xf32>
      tpu.vector_store %arg9[%swap3A_1078, %swap3A_1079], %swap3A_1082 {strides = array<i32>} : memref<8x1024xf32, #tpu.memory_space<vmem>>, vector<1x16xf32>,
      %swap3A_1083 = arith.constant 2 : i32
      %swap3A_1084 = arith.index_cast %swap3A_1083 : i32 to index
      %swap3A_1085 = arith.constant 352 : index
      %swap3A_1086 = tpu.vector_load %arg9[%swap3A_1084, %swap3A_1085] {strides = array<i32>} : memref<8x1024xf32, #tpu.memory_space<vmem>>, vector<1x16xf32>,
      %swap3A_1087 = vector.shape_cast %swap3A_1086 : vector<1x16xf32> to vector<16xf32>
      %swap3A_1088 = vector.shape_cast %get3A_1076 : vector<16xf32> to vector<1x16xf32>
      tpu.vector_store %arg9[%swap3A_1084, %swap3A_1085], %swap3A_1088 {strides = array<i32>} : memref<8x1024xf32, #tpu.memory_space<vmem>>, vector<1x16xf32>,
      %swap3A_1089 = arith.constant 3 : i32
      %swap3A_1090 = arith.index_cast %swap3A_1089 : i32 to index
      %swap3A_1091 = arith.constant 352 : index
      %swap3A_1092 = tpu.vector_load %arg9[%swap3A_1090, %swap3A_1091] {strides = array<i32>} : memref<8x1024xf32, #tpu.memory_space<vmem>>, vector<1x16xf32>,
      %swap3A_1093 = vector.shape_cast %swap3A_1092 : vector<1x16xf32> to vector<16xf32>
      %swap3A_1094 = vector.shape_cast %get3A_1076 : vector<16xf32> to vector<1x16xf32>
      tpu.vector_store %arg9[%swap3A_1090, %swap3A_1091], %swap3A_1094 {strides = array<i32>} : memref<8x1024xf32, #tpu.memory_space<vmem>>, vector<1x16xf32>,
      %swap3A_1095 = arith.constant 4 : i32
      %swap3A_1096 = arith.index_cast %swap3A_1095 : i32 to index
      %swap3A_1097 = arith.constant 352 : index
      %swap3A_1098 = tpu.vector_load %arg9[%swap3A_1096, %swap3A_1097] {strides = array<i32>} : memref<8x1024xf32, #tpu.memory_space<vmem>>, vector<1x16xf32>,
      %swap3A_1099 = vector.shape_cast %swap3A_1098 : vector<1x16xf32> to vector<16xf32>
      %swap3A_1100 = vector.shape_cast %get3A_1076 : vector<16xf32> to vector<1x16xf32>
      tpu.vector_store %arg9[%swap3A_1096, %swap3A_1097], %swap3A_1100 {strides = array<i32>} : memref<8x1024xf32, #tpu.memory_space<vmem>>, vector<1x16xf32>,
      %swap3A_1101 = arith.constant 5 : i32
      %swap3A_1102 = arith.index_cast %swap3A_1101 : i32 to index
      %swap3A_1103 = arith.constant 352 : index
      %swap3A_1104 = tpu.vector_load %arg9[%swap3A_1102, %swap3A_1103] {strides = array<i32>} : memref<8x1024xf32, #tpu.memory_space<vmem>>, vector<1x16xf32>,
      %swap3A_1105 = vector.shape_cast %swap3A_1104 : vector<1x16xf32> to vector<16xf32>
      %swap3A_1106 = vector.shape_cast %get3A_1076 : vector<16xf32> to vector<1x16xf32>
      tpu.vector_store %arg9[%swap3A_1102, %swap3A_1103], %swap3A_1106 {strides = array<i32>} : memref<8x1024xf32, #tpu.memory_space<vmem>>, vector<1x16xf32>,
      %swap3A_1107 = arith.constant 6 : i32
      %swap3A_1108 = arith.index_cast %swap3A_1107 : i32 to index
      %swap3A_1109 = arith.constant 352 : index
      %swap3A_1110 = tpu.vector_load %arg9[%swap3A_1108, %swap3A_1109] {strides = array<i32>} : memref<8x1024xf32, #tpu.memory_space<vmem>>, vector<1x16xf32>,
      %swap3A_1111 = vector.shape_cast %swap3A_1110 : vector<1x16xf32> to vector<16xf32>
      %swap3A_1112 = vector.shape_cast %get3A_1076 : vector<16xf32> to vector<1x16xf32>
      tpu.vector_store %arg9[%swap3A_1108, %swap3A_1109], %swap3A_1112 {strides = array<i32>} : memref<8x1024xf32, #tpu.memory_space<vmem>>, vector<1x16xf32>,
      %swap3A_1113 = arith.constant 7 : i32
      %swap3A_1114 = arith.index_cast %swap3A_1113 : i32 to index
      %swap3A_1115 = arith.constant 352 : index
      %swap3A_1116 = tpu.vector_load %arg9[%swap3A_1114, %swap3A_1115] {strides = array<i32>} : memref<8x1024xf32, #tpu.memory_space<vmem>>, vector<1x16xf32>,
      %swap3A_1117 = vector.shape_cast %swap3A_1116 : vector<1x16xf32> to vector<16xf32>
      %swap3A_1118 = vector.shape_cast %get3A_1076 : vector<16xf32> to vector<1x16xf32>
      tpu.vector_store %arg9[%swap3A_1114, %swap3A_1115], %swap3A_1118 {strides = array<i32>} : memref<8x1024xf32, #tpu.memory_space<vmem>>, vector<1x16xf32>,
      %get3A_1119 = arith.constant 0 : i32
      %get3A_1120 = arith.index_cast %get3A_1119 : i32 to index
      %get3A_1121 = arith.constant 368 : index
      %get3A_1122 = tpu.vector_load %arg9[%get3A_1120, %get3A_1121] {strides = array<i32>} : memref<8x1024xf32, #tpu.memory_space<vmem>>, vector<1x16xf32>,
      %get3A_1123 = vector.shape_cast %get3A_1122 : vector<1x16xf32> to vector<16xf32>
      %swap3A_1124 = arith.constant 1 : i32
      %swap3A_1125 = arith.index_cast %swap3A_1124 : i32 to index
      %swap3A_1126 = arith.constant 368 : index
      %swap3A_1127 = tpu.vector_load %arg9[%swap3A_1125, %swap3A_1126] {strides = array<i32>} : memref<8x1024xf32, #tpu.memory_space<vmem>>, vector<1x16xf32>,
      %swap3A_1128 = vector.shape_cast %swap3A_1127 : vector<1x16xf32> to vector<16xf32>
      %swap3A_1129 = vector.shape_cast %get3A_1123 : vector<16xf32> to vector<1x16xf32>
      tpu.vector_store %arg9[%swap3A_1125, %swap3A_1126], %swap3A_1129 {strides = array<i32>} : memref<8x1024xf32, #tpu.memory_space<vmem>>, vector<1x16xf32>,
      %swap3A_1130 = arith.constant 2 : i32
      %swap3A_1131 = arith.index_cast %swap3A_1130 : i32 to index
      %swap3A_1132 = arith.constant 368 : index
      %swap3A_1133 = tpu.vector_load %arg9[%swap3A_1131, %swap3A_1132] {strides = array<i32>} : memref<8x1024xf32, #tpu.memory_space<vmem>>, vector<1x16xf32>,
      %swap3A_1134 = vector.shape_cast %swap3A_1133 : vector<1x16xf32> to vector<16xf32>
      %swap3A_1135 = vector.shape_cast %get3A_1123 : vector<16xf32> to vector<1x16xf32>
      tpu.vector_store %arg9[%swap3A_1131, %swap3A_1132], %swap3A_1135 {strides = array<i32>} : memref<8x1024xf32, #tpu.memory_space<vmem>>, vector<1x16xf32>,
      %swap3A_1136 = arith.constant 3 : i32
      %swap3A_1137 = arith.index_cast %swap3A_1136 : i32 to index
      %swap3A_1138 = arith.constant 368 : index
      %swap3A_1139 = tpu.vector_load %arg9[%swap3A_1137, %swap3A_1138] {strides = array<i32>} : memref<8x1024xf32, #tpu.memory_space<vmem>>, vector<1x16xf32>,
      %swap3A_1140 = vector.shape_cast %swap3A_1139 : vector<1x16xf32> to vector<16xf32>
      %swap3A_1141 = vector.shape_cast %get3A_1123 : vector<16xf32> to vector<1x16xf32>
      tpu.vector_store %arg9[%swap3A_1137, %swap3A_1138], %swap3A_1141 {strides = array<i32>} : memref<8x1024xf32, #tpu.memory_space<vmem>>, vector<1x16xf32>,
      %swap3A_1142 = arith.constant 4 : i32
      %swap3A_1143 = arith.index_cast %swap3A_1142 : i32 to index
      %swap3A_1144 = arith.constant 368 : index
      %swap3A_1145 = tpu.vector_load %arg9[%swap3A_1143, %swap3A_1144] {strides = array<i32>} : memref<8x1024xf32, #tpu.memory_space<vmem>>, vector<1x16xf32>,
      %swap3A_1146 = vector.shape_cast %swap3A_1145 : vector<1x16xf32> to vector<16xf32>
      %swap3A_1147 = vector.shape_cast %get3A_1123 : vector<16xf32> to vector<1x16xf32>
      tpu.vector_store %arg9[%swap3A_1143, %swap3A_1144], %swap3A_1147 {strides = array<i32>} : memref<8x1024xf32, #tpu.memory_space<vmem>>, vector<1x16xf32>,
      %swap3A_1148 = arith.constant 5 : i32
      %swap3A_1149 = arith.index_cast %swap3A_1148 : i32 to index
      %swap3A_1150 = arith.constant 368 : index
      %swap3A_1151 = tpu.vector_load %arg9[%swap3A_1149, %swap3A_1150] {strides = array<i32>} : memref<8x1024xf32, #tpu.memory_space<vmem>>, vector<1x16xf32>,
      %swap3A_1152 = vector.shape_cast %swap3A_1151 : vector<1x16xf32> to vector<16xf32>
      %swap3A_1153 = vector.shape_cast %get3A_1123 : vector<16xf32> to vector<1x16xf32>
      tpu.vector_store %arg9[%swap3A_1149, %swap3A_1150], %swap3A_1153 {strides = array<i32>} : memref<8x1024xf32, #tpu.memory_space<vmem>>, vector<1x16xf32>,
      %swap3A_1154 = arith.constant 6 : i32
      %swap3A_1155 = arith.index_cast %swap3A_1154 : i32 to index
      %swap3A_1156 = arith.constant 368 : index
      %swap3A_1157 = tpu.vector_load %arg9[%swap3A_1155, %swap3A_1156] {strides = array<i32>} : memref<8x1024xf32, #tpu.memory_space<vmem>>, vector<1x16xf32>,
      %swap3A_1158 = vector.shape_cast %swap3A_1157 : vector<1x16xf32> to vector<16xf32>
      %swap3A_1159 = vector.shape_cast %get3A_1123 : vector<16xf32> to vector<1x16xf32>
      tpu.vector_store %arg9[%swap3A_1155, %swap3A_1156], %swap3A_1159 {strides = array<i32>} : memref<8x1024xf32, #tpu.memory_space<vmem>>, vector<1x16xf32>,
      %swap3A_1160 = arith.constant 7 : i32
      %swap3A_1161 = arith.index_cast %swap3A_1160 : i32 to index
      %swap3A_1162 = arith.constant 368 : index
      %swap3A_1163 = tpu.vector_load %arg9[%swap3A_1161, %swap3A_1162] {strides = array<i32>} : memref<8x1024xf32, #tpu.memory_space<vmem>>, vector<1x16xf32>,
      %swap3A_1164 = vector.shape_cast %swap3A_1163 : vector<1x16xf32> to vector<16xf32>
      %swap3A_1165 = vector.shape_cast %get3A_1123 : vector<16xf32> to vector<1x16xf32>
      tpu.vector_store %arg9[%swap3A_1161, %swap3A_1162], %swap3A_1165 {strides = array<i32>} : memref<8x1024xf32, #tpu.memory_space<vmem>>, vector<1x16xf32>,
      %get3A_1166 = arith.constant 0 : i32
      %get3A_1167 = arith.index_cast %get3A_1166 : i32 to index
      %get3A_1168 = arith.constant 384 : index
      %get3A_1169 = tpu.vector_load %arg9[%get3A_1167, %get3A_1168] {strides = array<i32>} : memref<8x1024xf32, #tpu.memory_space<vmem>>, vector<1x16xf32>,
      %get3A_1170 = vector.shape_cast %get3A_1169 : vector<1x16xf32> to vector<16xf32>
      %swap3A_1171 = arith.constant 1 : i32
      %swap3A_1172 = arith.index_cast %swap3A_1171 : i32 to index
      %swap3A_1173 = arith.constant 384 : index
      %swap3A_1174 = tpu.vector_load %arg9[%swap3A_1172, %swap3A_1173] {strides = array<i32>} : memref<8x1024xf32, #tpu.memory_space<vmem>>, vector<1x16xf32>,
      %swap3A_1175 = vector.shape_cast %swap3A_1174 : vector<1x16xf32> to vector<16xf32>
      %swap3A_1176 = vector.shape_cast %get3A_1170 : vector<16xf32> to vector<1x16xf32>
      tpu.vector_store %arg9[%swap3A_1172, %swap3A_1173], %swap3A_1176 {strides = array<i32>} : memref<8x1024xf32, #tpu.memory_space<vmem>>, vector<1x16xf32>,
      %swap3A_1177 = arith.constant 2 : i32
      %swap3A_1178 = arith.index_cast %swap3A_1177 : i32 to index
      %swap3A_1179 = arith.constant 384 : index
      %swap3A_1180 = tpu.vector_load %arg9[%swap3A_1178, %swap3A_1179] {strides = array<i32>} : memref<8x1024xf32, #tpu.memory_space<vmem>>, vector<1x16xf32>,
      %swap3A_1181 = vector.shape_cast %swap3A_1180 : vector<1x16xf32> to vector<16xf32>
      %swap3A_1182 = vector.shape_cast %get3A_1170 : vector<16xf32> to vector<1x16xf32>
      tpu.vector_store %arg9[%swap3A_1178, %swap3A_1179], %swap3A_1182 {strides = array<i32>} : memref<8x1024xf32, #tpu.memory_space<vmem>>, vector<1x16xf32>,
      %swap3A_1183 = arith.constant 3 : i32
      %swap3A_1184 = arith.index_cast %swap3A_1183 : i32 to index
      %swap3A_1185 = arith.constant 384 : index
      %swap3A_1186 = tpu.vector_load %arg9[%swap3A_1184, %swap3A_1185] {strides = array<i32>} : memref<8x1024xf32, #tpu.memory_space<vmem>>, vector<1x16xf32>,
      %swap3A_1187 = vector.shape_cast %swap3A_1186 : vector<1x16xf32> to vector<16xf32>
      %swap3A_1188 = vector.shape_cast %get3A_1170 : vector<16xf32> to vector<1x16xf32>
      tpu.vector_store %arg9[%swap3A_1184, %swap3A_1185], %swap3A_1188 {strides = array<i32>} : memref<8x1024xf32, #tpu.memory_space<vmem>>, vector<1x16xf32>,
      %swap3A_1189 = arith.constant 4 : i32
      %swap3A_1190 = arith.index_cast %swap3A_1189 : i32 to index
      %swap3A_1191 = arith.constant 384 : index
      %swap3A_1192 = tpu.vector_load %arg9[%swap3A_1190, %swap3A_1191] {strides = array<i32>} : memref<8x1024xf32, #tpu.memory_space<vmem>>, vector<1x16xf32>,
      %swap3A_1193 = vector.shape_cast %swap3A_1192 : vector<1x16xf32> to vector<16xf32>
      %swap3A_1194 = vector.shape_cast %get3A_1170 : vector<16xf32> to vector<1x16xf32>
      tpu.vector_store %arg9[%swap3A_1190, %swap3A_1191], %swap3A_1194 {strides = array<i32>} : memref<8x1024xf32, #tpu.memory_space<vmem>>, vector<1x16xf32>,
      %swap3A_1195 = arith.constant 5 : i32
      %swap3A_1196 = arith.index_cast %swap3A_1195 : i32 to index
      %swap3A_1197 = arith.constant 384 : index
      %swap3A_1198 = tpu.vector_load %arg9[%swap3A_1196, %swap3A_1197] {strides = array<i32>} : memref<8x1024xf32, #tpu.memory_space<vmem>>, vector<1x16xf32>,
      %swap3A_1199 = vector.shape_cast %swap3A_1198 : vector<1x16xf32> to vector<16xf32>
      %swap3A_1200 = vector.shape_cast %get3A_1170 : vector<16xf32> to vector<1x16xf32>
      tpu.vector_store %arg9[%swap3A_1196, %swap3A_1197], %swap3A_1200 {strides = array<i32>} : memref<8x1024xf32, #tpu.memory_space<vmem>>, vector<1x16xf32>,
      %swap3A_1201 = arith.constant 6 : i32
      %swap3A_1202 = arith.index_cast %swap3A_1201 : i32 to index
      %swap3A_1203 = arith.constant 384 : index
      %swap3A_1204 = tpu.vector_load %arg9[%swap3A_1202, %swap3A_1203] {strides = array<i32>} : memref<8x1024xf32, #tpu.memory_space<vmem>>, vector<1x16xf32>,
      %swap3A_1205 = vector.shape_cast %swap3A_1204 : vector<1x16xf32> to vector<16xf32>
      %swap3A_1206 = vector.shape_cast %get3A_1170 : vector<16xf32> to vector<1x16xf32>
      tpu.vector_store %arg9[%swap3A_1202, %swap3A_1203], %swap3A_1206 {strides = array<i32>} : memref<8x1024xf32, #tpu.memory_space<vmem>>, vector<1x16xf32>,
      %swap3A_1207 = arith.constant 7 : i32
      %swap3A_1208 = arith.index_cast %swap3A_1207 : i32 to index
      %swap3A_1209 = arith.constant 384 : index
      %swap3A_1210 = tpu.vector_load %arg9[%swap3A_1208, %swap3A_1209] {strides = array<i32>} : memref<8x1024xf32, #tpu.memory_space<vmem>>, vector<1x16xf32>,
      %swap3A_1211 = vector.shape_cast %swap3A_1210 : vector<1x16xf32> to vector<16xf32>
      %swap3A_1212 = vector.shape_cast %get3A_1170 : vector<16xf32> to vector<1x16xf32>
      tpu.vector_store %arg9[%swap3A_1208, %swap3A_1209], %swap3A_1212 {strides = array<i32>} : memref<8x1024xf32, #tpu.memory_space<vmem>>, vector<1x16xf32>,
      %get3A_1213 = arith.constant 0 : i32
      %get3A_1214 = arith.index_cast %get3A_1213 : i32 to index
      %get3A_1215 = arith.constant 400 : index
      %get3A_1216 = tpu.vector_load %arg9[%get3A_1214, %get3A_1215] {strides = array<i32>} : memref<8x1024xf32, #tpu.memory_space<vmem>>, vector<1x16xf32>,
      %get3A_1217 = vector.shape_cast %get3A_1216 : vector<1x16xf32> to vector<16xf32>
      %swap3A_1218 = arith.constant 1 : i32
      %swap3A_1219 = arith.index_cast %swap3A_1218 : i32 to index
      %swap3A_1220 = arith.constant 400 : index
      %swap3A_1221 = tpu.vector_load %arg9[%swap3A_1219, %swap3A_1220] {strides = array<i32>} : memref<8x1024xf32, #tpu.memory_space<vmem>>, vector<1x16xf32>,
      %swap3A_1222 = vector.shape_cast %swap3A_1221 : vector<1x16xf32> to vector<16xf32>
      %swap3A_1223 = vector.shape_cast %get3A_1217 : vector<16xf32> to vector<1x16xf32>
      tpu.vector_store %arg9[%swap3A_1219, %swap3A_1220], %swap3A_1223 {strides = array<i32>} : memref<8x1024xf32, #tpu.memory_space<vmem>>, vector<1x16xf32>,
      %swap3A_1224 = arith.constant 2 : i32
      %swap3A_1225 = arith.index_cast %swap3A_1224 : i32 to index
      %swap3A_1226 = arith.constant 400 : index
      %swap3A_1227 = tpu.vector_load %arg9[%swap3A_1225, %swap3A_1226] {strides = array<i32>} : memref<8x1024xf32, #tpu.memory_space<vmem>>, vector<1x16xf32>,
      %swap3A_1228 = vector.shape_cast %swap3A_1227 : vector<1x16xf32> to vector<16xf32>
      %swap3A_1229 = vector.shape_cast %get3A_1217 : vector<16xf32> to vector<1x16xf32>
      tpu.vector_store %arg9[%swap3A_1225, %swap3A_1226], %swap3A_1229 {strides = array<i32>} : memref<8x1024xf32, #tpu.memory_space<vmem>>, vector<1x16xf32>,
      %swap3A_1230 = arith.constant 3 : i32
      %swap3A_1231 = arith.index_cast %swap3A_1230 : i32 to index
      %swap3A_1232 = arith.constant 400 : index
      %swap3A_1233 = tpu.vector_load %arg9[%swap3A_1231, %swap3A_1232] {strides = array<i32>} : memref<8x1024xf32, #tpu.memory_space<vmem>>, vector<1x16xf32>,
      %swap3A_1234 = vector.shape_cast %swap3A_1233 : vector<1x16xf32> to vector<16xf32>
      %swap3A_1235 = vector.shape_cast %get3A_1217 : vector<16xf32> to vector<1x16xf32>
      tpu.vector_store %arg9[%swap3A_1231, %swap3A_1232], %swap3A_1235 {strides = array<i32>} : memref<8x1024xf32, #tpu.memory_space<vmem>>, vector<1x16xf32>,
      %swap3A_1236 = arith.constant 4 : i32
      %swap3A_1237 = arith.index_cast %swap3A_1236 : i32 to index
      %swap3A_1238 = arith.constant 400 : index
      %swap3A_1239 = tpu.vector_load %arg9[%swap3A_1237, %swap3A_1238] {strides = array<i32>} : memref<8x1024xf32, #tpu.memory_space<vmem>>, vector<1x16xf32>,
      %swap3A_1240 = vector.shape_cast %swap3A_1239 : vector<1x16xf32> to vector<16xf32>
      %swap3A_1241 = vector.shape_cast %get3A_1217 : vector<16xf32> to vector<1x16xf32>
      tpu.vector_store %arg9[%swap3A_1237, %swap3A_1238], %swap3A_1241 {strides = array<i32>} : memref<8x1024xf32, #tpu.memory_space<vmem>>, vector<1x16xf32>,
      %swap3A_1242 = arith.constant 5 : i32
      %swap3A_1243 = arith.index_cast %swap3A_1242 : i32 to index
      %swap3A_1244 = arith.constant 400 : index
      %swap3A_1245 = tpu.vector_load %arg9[%swap3A_1243, %swap3A_1244] {strides = array<i32>} : memref<8x1024xf32, #tpu.memory_space<vmem>>, vector<1x16xf32>,
      %swap3A_1246 = vector.shape_cast %swap3A_1245 : vector<1x16xf32> to vector<16xf32>
      %swap3A_1247 = vector.shape_cast %get3A_1217 : vector<16xf32> to vector<1x16xf32>
      tpu.vector_store %arg9[%swap3A_1243, %swap3A_1244], %swap3A_1247 {strides = array<i32>} : memref<8x1024xf32, #tpu.memory_space<vmem>>, vector<1x16xf32>,
      %swap3A_1248 = arith.constant 6 : i32
      %swap3A_1249 = arith.index_cast %swap3A_1248 : i32 to index
      %swap3A_1250 = arith.constant 400 : index
      %swap3A_1251 = tpu.vector_load %arg9[%swap3A_1249, %swap3A_1250] {strides = array<i32>} : memref<8x1024xf32, #tpu.memory_space<vmem>>, vector<1x16xf32>,
      %swap3A_1252 = vector.shape_cast %swap3A_1251 : vector<1x16xf32> to vector<16xf32>
      %swap3A_1253 = vector.shape_cast %get3A_1217 : vector<16xf32> to vector<1x16xf32>
      tpu.vector_store %arg9[%swap3A_1249, %swap3A_1250], %swap3A_1253 {strides = array<i32>} : memref<8x1024xf32, #tpu.memory_space<vmem>>, vector<1x16xf32>,
      %swap3A_1254 = arith.constant 7 : i32
      %swap3A_1255 = arith.index_cast %swap3A_1254 : i32 to index
      %swap3A_1256 = arith.constant 400 : index
      %swap3A_1257 = tpu.vector_load %arg9[%swap3A_1255, %swap3A_1256] {strides = array<i32>} : memref<8x1024xf32, #tpu.memory_space<vmem>>, vector<1x16xf32>,
      %swap3A_1258 = vector.shape_cast %swap3A_1257 : vector<1x16xf32> to vector<16xf32>
      %swap3A_1259 = vector.shape_cast %get3A_1217 : vector<16xf32> to vector<1x16xf32>
      tpu.vector_store %arg9[%swap3A_1255, %swap3A_1256], %swap3A_1259 {strides = array<i32>} : memref<8x1024xf32, #tpu.memory_space<vmem>>, vector<1x16xf32>,
      %get3A_1260 = arith.constant 0 : i32
      %get3A_1261 = arith.index_cast %get3A_1260 : i32 to index
      %get3A_1262 = arith.constant 416 : index
      %get3A_1263 = tpu.vector_load %arg9[%get3A_1261, %get3A_1262] {strides = array<i32>} : memref<8x1024xf32, #tpu.memory_space<vmem>>, vector<1x16xf32>,
      %get3A_1264 = vector.shape_cast %get3A_1263 : vector<1x16xf32> to vector<16xf32>
      %swap3A_1265 = arith.constant 1 : i32
      %swap3A_1266 = arith.index_cast %swap3A_1265 : i32 to index
      %swap3A_1267 = arith.constant 416 : index
      %swap3A_1268 = tpu.vector_load %arg9[%swap3A_1266, %swap3A_1267] {strides = array<i32>} : memref<8x1024xf32, #tpu.memory_space<vmem>>, vector<1x16xf32>,
      %swap3A_1269 = vector.shape_cast %swap3A_1268 : vector<1x16xf32> to vector<16xf32>
      %swap3A_1270 = vector.shape_cast %get3A_1264 : vector<16xf32> to vector<1x16xf32>
      tpu.vector_store %arg9[%swap3A_1266, %swap3A_1267], %swap3A_1270 {strides = array<i32>} : memref<8x1024xf32, #tpu.memory_space<vmem>>, vector<1x16xf32>,
      %swap3A_1271 = arith.constant 2 : i32
      %swap3A_1272 = arith.index_cast %swap3A_1271 : i32 to index
      %swap3A_1273 = arith.constant 416 : index
      %swap3A_1274 = tpu.vector_load %arg9[%swap3A_1272, %swap3A_1273] {strides = array<i32>} : memref<8x1024xf32, #tpu.memory_space<vmem>>, vector<1x16xf32>,
      %swap3A_1275 = vector.shape_cast %swap3A_1274 : vector<1x16xf32> to vector<16xf32>
      %swap3A_1276 = vector.shape_cast %get3A_1264 : vector<16xf32> to vector<1x16xf32>
      tpu.vector_store %arg9[%swap3A_1272, %swap3A_1273], %swap3A_1276 {strides = array<i32>} : memref<8x1024xf32, #tpu.memory_space<vmem>>, vector<1x16xf32>,
      %swap3A_1277 = arith.constant 3 : i32
      %swap3A_1278 = arith.index_cast %swap3A_1277 : i32 to index
      %swap3A_1279 = arith.constant 416 : index
      %swap3A_1280 = tpu.vector_load %arg9[%swap3A_1278, %swap3A_1279] {strides = array<i32>} : memref<8x1024xf32, #tpu.memory_space<vmem>>, vector<1x16xf32>,
      %swap3A_1281 = vector.shape_cast %swap3A_1280 : vector<1x16xf32> to vector<16xf32>
      %swap3A_1282 = vector.shape_cast %get3A_1264 : vector<16xf32> to vector<1x16xf32>
      tpu.vector_store %arg9[%swap3A_1278, %swap3A_1279], %swap3A_1282 {strides = array<i32>} : memref<8x1024xf32, #tpu.memory_space<vmem>>, vector<1x16xf32>,
      %swap3A_1283 = arith.constant 4 : i32
      %swap3A_1284 = arith.index_cast %swap3A_1283 : i32 to index
      %swap3A_1285 = arith.constant 416 : index
      %swap3A_1286 = tpu.vector_load %arg9[%swap3A_1284, %swap3A_1285] {strides = array<i32>} : memref<8x1024xf32, #tpu.memory_space<vmem>>, vector<1x16xf32>,
      %swap3A_1287 = vector.shape_cast %swap3A_1286 : vector<1x16xf32> to vector<16xf32>
      %swap3A_1288 = vector.shape_cast %get3A_1264 : vector<16xf32> to vector<1x16xf32>
      tpu.vector_store %arg9[%swap3A_1284, %swap3A_1285], %swap3A_1288 {strides = array<i32>} : memref<8x1024xf32, #tpu.memory_space<vmem>>, vector<1x16xf32>,
      %swap3A_1289 = arith.constant 5 : i32
      %swap3A_1290 = arith.index_cast %swap3A_1289 : i32 to index
      %swap3A_1291 = arith.constant 416 : index
      %swap3A_1292 = tpu.vector_load %arg9[%swap3A_1290, %swap3A_1291] {strides = array<i32>} : memref<8x1024xf32, #tpu.memory_space<vmem>>, vector<1x16xf32>,
      %swap3A_1293 = vector.shape_cast %swap3A_1292 : vector<1x16xf32> to vector<16xf32>
      %swap3A_1294 = vector.shape_cast %get3A_1264 : vector<16xf32> to vector<1x16xf32>
      tpu.vector_store %arg9[%swap3A_1290, %swap3A_1291], %swap3A_1294 {strides = array<i32>} : memref<8x1024xf32, #tpu.memory_space<vmem>>, vector<1x16xf32>,
      %swap3A_1295 = arith.constant 6 : i32
      %swap3A_1296 = arith.index_cast %swap3A_1295 : i32 to index
      %swap3A_1297 = arith.constant 416 : index
      %swap3A_1298 = tpu.vector_load %arg9[%swap3A_1296, %swap3A_1297] {strides = array<i32>} : memref<8x1024xf32, #tpu.memory_space<vmem>>, vector<1x16xf32>,
      %swap3A_1299 = vector.shape_cast %swap3A_1298 : vector<1x16xf32> to vector<16xf32>
      %swap3A_1300 = vector.shape_cast %get3A_1264 : vector<16xf32> to vector<1x16xf32>
      tpu.vector_store %arg9[%swap3A_1296, %swap3A_1297], %swap3A_1300 {strides = array<i32>} : memref<8x1024xf32, #tpu.memory_space<vmem>>, vector<1x16xf32>,
      %swap3A_1301 = arith.constant 7 : i32
      %swap3A_1302 = arith.index_cast %swap3A_1301 : i32 to index
      %swap3A_1303 = arith.constant 416 : index
      %swap3A_1304 = tpu.vector_load %arg9[%swap3A_1302, %swap3A_1303] {strides = array<i32>} : memref<8x1024xf32, #tpu.memory_space<vmem>>, vector<1x16xf32>,
      %swap3A_1305 = vector.shape_cast %swap3A_1304 : vector<1x16xf32> to vector<16xf32>
      %swap3A_1306 = vector.shape_cast %get3A_1264 : vector<16xf32> to vector<1x16xf32>
      tpu.vector_store %arg9[%swap3A_1302, %swap3A_1303], %swap3A_1306 {strides = array<i32>} : memref<8x1024xf32, #tpu.memory_space<vmem>>, vector<1x16xf32>,
      %get3A_1307 = arith.constant 0 : i32
      %get3A_1308 = arith.index_cast %get3A_1307 : i32 to index
      %get3A_1309 = arith.constant 432 : index
      %get3A_1310 = tpu.vector_load %arg9[%get3A_1308, %get3A_1309] {strides = array<i32>} : memref<8x1024xf32, #tpu.memory_space<vmem>>, vector<1x16xf32>,
      %get3A_1311 = vector.shape_cast %get3A_1310 : vector<1x16xf32> to vector<16xf32>
      %swap3A_1312 = arith.constant 1 : i32
      %swap3A_1313 = arith.index_cast %swap3A_1312 : i32 to index
      %swap3A_1314 = arith.constant 432 : index
      %swap3A_1315 = tpu.vector_load %arg9[%swap3A_1313, %swap3A_1314] {strides = array<i32>} : memref<8x1024xf32, #tpu.memory_space<vmem>>, vector<1x16xf32>,
      %swap3A_1316 = vector.shape_cast %swap3A_1315 : vector<1x16xf32> to vector<16xf32>
      %swap3A_1317 = vector.shape_cast %get3A_1311 : vector<16xf32> to vector<1x16xf32>
      tpu.vector_store %arg9[%swap3A_1313, %swap3A_1314], %swap3A_1317 {strides = array<i32>} : memref<8x1024xf32, #tpu.memory_space<vmem>>, vector<1x16xf32>,
      %swap3A_1318 = arith.constant 2 : i32
      %swap3A_1319 = arith.index_cast %swap3A_1318 : i32 to index
      %swap3A_1320 = arith.constant 432 : index
      %swap3A_1321 = tpu.vector_load %arg9[%swap3A_1319, %swap3A_1320] {strides = array<i32>} : memref<8x1024xf32, #tpu.memory_space<vmem>>, vector<1x16xf32>,
      %swap3A_1322 = vector.shape_cast %swap3A_1321 : vector<1x16xf32> to vector<16xf32>
      %swap3A_1323 = vector.shape_cast %get3A_1311 : vector<16xf32> to vector<1x16xf32>
      tpu.vector_store %arg9[%swap3A_1319, %swap3A_1320], %swap3A_1323 {strides = array<i32>} : memref<8x1024xf32, #tpu.memory_space<vmem>>, vector<1x16xf32>,
      %swap3A_1324 = arith.constant 3 : i32
      %swap3A_1325 = arith.index_cast %swap3A_1324 : i32 to index
      %swap3A_1326 = arith.constant 432 : index
      %swap3A_1327 = tpu.vector_load %arg9[%swap3A_1325, %swap3A_1326] {strides = array<i32>} : memref<8x1024xf32, #tpu.memory_space<vmem>>, vector<1x16xf32>,
      %swap3A_1328 = vector.shape_cast %swap3A_1327 : vector<1x16xf32> to vector<16xf32>
      %swap3A_1329 = vector.shape_cast %get3A_1311 : vector<16xf32> to vector<1x16xf32>
      tpu.vector_store %arg9[%swap3A_1325, %swap3A_1326], %swap3A_1329 {strides = array<i32>} : memref<8x1024xf32, #tpu.memory_space<vmem>>, vector<1x16xf32>,
      %swap3A_1330 = arith.constant 4 : i32
      %swap3A_1331 = arith.index_cast %swap3A_1330 : i32 to index
      %swap3A_1332 = arith.constant 432 : index
      %swap3A_1333 = tpu.vector_load %arg9[%swap3A_1331, %swap3A_1332] {strides = array<i32>} : memref<8x1024xf32, #tpu.memory_space<vmem>>, vector<1x16xf32>,
      %swap3A_1334 = vector.shape_cast %swap3A_1333 : vector<1x16xf32> to vector<16xf32>
      %swap3A_1335 = vector.shape_cast %get3A_1311 : vector<16xf32> to vector<1x16xf32>
      tpu.vector_store %arg9[%swap3A_1331, %swap3A_1332], %swap3A_1335 {strides = array<i32>} : memref<8x1024xf32, #tpu.memory_space<vmem>>, vector<1x16xf32>,
      %swap3A_1336 = arith.constant 5 : i32
      %swap3A_1337 = arith.index_cast %swap3A_1336 : i32 to index
      %swap3A_1338 = arith.constant 432 : index
      %swap3A_1339 = tpu.vector_load %arg9[%swap3A_1337, %swap3A_1338] {strides = array<i32>} : memref<8x1024xf32, #tpu.memory_space<vmem>>, vector<1x16xf32>,
      %swap3A_1340 = vector.shape_cast %swap3A_1339 : vector<1x16xf32> to vector<16xf32>
      %swap3A_1341 = vector.shape_cast %get3A_1311 : vector<16xf32> to vector<1x16xf32>
      tpu.vector_store %arg9[%swap3A_1337, %swap3A_1338], %swap3A_1341 {strides = array<i32>} : memref<8x1024xf32, #tpu.memory_space<vmem>>, vector<1x16xf32>,
      %swap3A_1342 = arith.constant 6 : i32
      %swap3A_1343 = arith.index_cast %swap3A_1342 : i32 to index
      %swap3A_1344 = arith.constant 432 : index
      %swap3A_1345 = tpu.vector_load %arg9[%swap3A_1343, %swap3A_1344] {strides = array<i32>} : memref<8x1024xf32, #tpu.memory_space<vmem>>, vector<1x16xf32>,
      %swap3A_1346 = vector.shape_cast %swap3A_1345 : vector<1x16xf32> to vector<16xf32>
      %swap3A_1347 = vector.shape_cast %get3A_1311 : vector<16xf32> to vector<1x16xf32>
      tpu.vector_store %arg9[%swap3A_1343, %swap3A_1344], %swap3A_1347 {strides = array<i32>} : memref<8x1024xf32, #tpu.memory_space<vmem>>, vector<1x16xf32>,
      %swap3A_1348 = arith.constant 7 : i32
      %swap3A_1349 = arith.index_cast %swap3A_1348 : i32 to index
      %swap3A_1350 = arith.constant 432 : index
      %swap3A_1351 = tpu.vector_load %arg9[%swap3A_1349, %swap3A_1350] {strides = array<i32>} : memref<8x1024xf32, #tpu.memory_space<vmem>>, vector<1x16xf32>,
      %swap3A_1352 = vector.shape_cast %swap3A_1351 : vector<1x16xf32> to vector<16xf32>
      %swap3A_1353 = vector.shape_cast %get3A_1311 : vector<16xf32> to vector<1x16xf32>
      tpu.vector_store %arg9[%swap3A_1349, %swap3A_1350], %swap3A_1353 {strides = array<i32>} : memref<8x1024xf32, #tpu.memory_space<vmem>>, vector<1x16xf32>,
      %get3A_1354 = arith.constant 0 : i32
      %get3A_1355 = arith.index_cast %get3A_1354 : i32 to index
      %get3A_1356 = arith.constant 448 : index
      %get3A_1357 = tpu.vector_load %arg9[%get3A_1355, %get3A_1356] {strides = array<i32>} : memref<8x1024xf32, #tpu.memory_space<vmem>>, vector<1x16xf32>,
      %get3A_1358 = vector.shape_cast %get3A_1357 : vector<1x16xf32> to vector<16xf32>
      %swap3A_1359 = arith.constant 1 : i32
      %swap3A_1360 = arith.index_cast %swap3A_1359 : i32 to index
      %swap3A_1361 = arith.constant 448 : index
      %swap3A_1362 = tpu.vector_load %arg9[%swap3A_1360, %swap3A_1361] {strides = array<i32>} : memref<8x1024xf32, #tpu.memory_space<vmem>>, vector<1x16xf32>,
      %swap3A_1363 = vector.shape_cast %swap3A_1362 : vector<1x16xf32> to vector<16xf32>
      %swap3A_1364 = vector.shape_cast %get3A_1358 : vector<16xf32> to vector<1x16xf32>
      tpu.vector_store %arg9[%swap3A_1360, %swap3A_1361], %swap3A_1364 {strides = array<i32>} : memref<8x1024xf32, #tpu.memory_space<vmem>>, vector<1x16xf32>,
      %swap3A_1365 = arith.constant 2 : i32
      %swap3A_1366 = arith.index_cast %swap3A_1365 : i32 to index
      %swap3A_1367 = arith.constant 448 : index
      %swap3A_1368 = tpu.vector_load %arg9[%swap3A_1366, %swap3A_1367] {strides = array<i32>} : memref<8x1024xf32, #tpu.memory_space<vmem>>, vector<1x16xf32>,
      %swap3A_1369 = vector.shape_cast %swap3A_1368 : vector<1x16xf32> to vector<16xf32>
      %swap3A_1370 = vector.shape_cast %get3A_1358 : vector<16xf32> to vector<1x16xf32>
      tpu.vector_store %arg9[%swap3A_1366, %swap3A_1367], %swap3A_1370 {strides = array<i32>} : memref<8x1024xf32, #tpu.memory_space<vmem>>, vector<1x16xf32>,
      %swap3A_1371 = arith.constant 3 : i32
      %swap3A_1372 = arith.index_cast %swap3A_1371 : i32 to index
      %swap3A_1373 = arith.constant 448 : index
      %swap3A_1374 = tpu.vector_load %arg9[%swap3A_1372, %swap3A_1373] {strides = array<i32>} : memref<8x1024xf32, #tpu.memory_space<vmem>>, vector<1x16xf32>,
      %swap3A_1375 = vector.shape_cast %swap3A_1374 : vector<1x16xf32> to vector<16xf32>
      %swap3A_1376 = vector.shape_cast %get3A_1358 : vector<16xf32> to vector<1x16xf32>
      tpu.vector_store %arg9[%swap3A_1372, %swap3A_1373], %swap3A_1376 {strides = array<i32>} : memref<8x1024xf32, #tpu.memory_space<vmem>>, vector<1x16xf32>,
      %swap3A_1377 = arith.constant 4 : i32
      %swap3A_1378 = arith.index_cast %swap3A_1377 : i32 to index
      %swap3A_1379 = arith.constant 448 : index
      %swap3A_1380 = tpu.vector_load %arg9[%swap3A_1378, %swap3A_1379] {strides = array<i32>} : memref<8x1024xf32, #tpu.memory_space<vmem>>, vector<1x16xf32>,
      %swap3A_1381 = vector.shape_cast %swap3A_1380 : vector<1x16xf32> to vector<16xf32>
      %swap3A_1382 = vector.shape_cast %get3A_1358 : vector<16xf32> to vector<1x16xf32>
      tpu.vector_store %arg9[%swap3A_1378, %swap3A_1379], %swap3A_1382 {strides = array<i32>} : memref<8x1024xf32, #tpu.memory_space<vmem>>, vector<1x16xf32>,
      %swap3A_1383 = arith.constant 5 : i32
      %swap3A_1384 = arith.index_cast %swap3A_1383 : i32 to index
      %swap3A_1385 = arith.constant 448 : index
      %swap3A_1386 = tpu.vector_load %arg9[%swap3A_1384, %swap3A_1385] {strides = array<i32>} : memref<8x1024xf32, #tpu.memory_space<vmem>>, vector<1x16xf32>,
      %swap3A_1387 = vector.shape_cast %swap3A_1386 : vector<1x16xf32> to vector<16xf32>
      %swap3A_1388 = vector.shape_cast %get3A_1358 : vector<16xf32> to vector<1x16xf32>
      tpu.vector_store %arg9[%swap3A_1384, %swap3A_1385], %swap3A_1388 {strides = array<i32>} : memref<8x1024xf32, #tpu.memory_space<vmem>>, vector<1x16xf32>,
      %swap3A_1389 = arith.constant 6 : i32
      %swap3A_1390 = arith.index_cast %swap3A_1389 : i32 to index
      %swap3A_1391 = arith.constant 448 : index
      %swap3A_1392 = tpu.vector_load %arg9[%swap3A_1390, %swap3A_1391] {strides = array<i32>} : memref<8x1024xf32, #tpu.memory_space<vmem>>, vector<1x16xf32>,
      %swap3A_1393 = vector.shape_cast %swap3A_1392 : vector<1x16xf32> to vector<16xf32>
      %swap3A_1394 = vector.shape_cast %get3A_1358 : vector<16xf32> to vector<1x16xf32>
      tpu.vector_store %arg9[%swap3A_1390, %swap3A_1391], %swap3A_1394 {strides = array<i32>} : memref<8x1024xf32, #tpu.memory_space<vmem>>, vector<1x16xf32>,
      %swap3A_1395 = arith.constant 7 : i32
      %swap3A_1396 = arith.index_cast %swap3A_1395 : i32 to index
      %swap3A_1397 = arith.constant 448 : index
      %swap3A_1398 = tpu.vector_load %arg9[%swap3A_1396, %swap3A_1397] {strides = array<i32>} : memref<8x1024xf32, #tpu.memory_space<vmem>>, vector<1x16xf32>,
      %swap3A_1399 = vector.shape_cast %swap3A_1398 : vector<1x16xf32> to vector<16xf32>
      %swap3A_1400 = vector.shape_cast %get3A_1358 : vector<16xf32> to vector<1x16xf32>
      tpu.vector_store %arg9[%swap3A_1396, %swap3A_1397], %swap3A_1400 {strides = array<i32>} : memref<8x1024xf32, #tpu.memory_space<vmem>>, vector<1x16xf32>,
      %get3A_1401 = arith.constant 0 : i32
      %get3A_1402 = arith.index_cast %get3A_1401 : i32 to index
      %get3A_1403 = arith.constant 464 : index
      %get3A_1404 = tpu.vector_load %arg9[%get3A_1402, %get3A_1403] {strides = array<i32>} : memref<8x1024xf32, #tpu.memory_space<vmem>>, vector<1x16xf32>,
      %get3A_1405 = vector.shape_cast %get3A_1404 : vector<1x16xf32> to vector<16xf32>
      %swap3A_1406 = arith.constant 1 : i32
      %swap3A_1407 = arith.index_cast %swap3A_1406 : i32 to index
      %swap3A_1408 = arith.constant 464 : index
      %swap3A_1409 = tpu.vector_load %arg9[%swap3A_1407, %swap3A_1408] {strides = array<i32>} : memref<8x1024xf32, #tpu.memory_space<vmem>>, vector<1x16xf32>,
      %swap3A_1410 = vector.shape_cast %swap3A_1409 : vector<1x16xf32> to vector<16xf32>
      %swap3A_1411 = vector.shape_cast %get3A_1405 : vector<16xf32> to vector<1x16xf32>
      tpu.vector_store %arg9[%swap3A_1407, %swap3A_1408], %swap3A_1411 {strides = array<i32>} : memref<8x1024xf32, #tpu.memory_space<vmem>>, vector<1x16xf32>,
      %swap3A_1412 = arith.constant 2 : i32
      %swap3A_1413 = arith.index_cast %swap3A_1412 : i32 to index
      %swap3A_1414 = arith.constant 464 : index
      %swap3A_1415 = tpu.vector_load %arg9[%swap3A_1413, %swap3A_1414] {strides = array<i32>} : memref<8x1024xf32, #tpu.memory_space<vmem>>, vector<1x16xf32>,
      %swap3A_1416 = vector.shape_cast %swap3A_1415 : vector<1x16xf32> to vector<16xf32>
      %swap3A_1417 = vector.shape_cast %get3A_1405 : vector<16xf32> to vector<1x16xf32>
      tpu.vector_store %arg9[%swap3A_1413, %swap3A_1414], %swap3A_1417 {strides = array<i32>} : memref<8x1024xf32, #tpu.memory_space<vmem>>, vector<1x16xf32>,
      %swap3A_1418 = arith.constant 3 : i32
      %swap3A_1419 = arith.index_cast %swap3A_1418 : i32 to index
      %swap3A_1420 = arith.constant 464 : index
      %swap3A_1421 = tpu.vector_load %arg9[%swap3A_1419, %swap3A_1420] {strides = array<i32>} : memref<8x1024xf32, #tpu.memory_space<vmem>>, vector<1x16xf32>,
      %swap3A_1422 = vector.shape_cast %swap3A_1421 : vector<1x16xf32> to vector<16xf32>
      %swap3A_1423 = vector.shape_cast %get3A_1405 : vector<16xf32> to vector<1x16xf32>
      tpu.vector_store %arg9[%swap3A_1419, %swap3A_1420], %swap3A_1423 {strides = array<i32>} : memref<8x1024xf32, #tpu.memory_space<vmem>>, vector<1x16xf32>,
      %swap3A_1424 = arith.constant 4 : i32
      %swap3A_1425 = arith.index_cast %swap3A_1424 : i32 to index
      %swap3A_1426 = arith.constant 464 : index
      %swap3A_1427 = tpu.vector_load %arg9[%swap3A_1425, %swap3A_1426] {strides = array<i32>} : memref<8x1024xf32, #tpu.memory_space<vmem>>, vector<1x16xf32>,
      %swap3A_1428 = vector.shape_cast %swap3A_1427 : vector<1x16xf32> to vector<16xf32>
      %swap3A_1429 = vector.shape_cast %get3A_1405 : vector<16xf32> to vector<1x16xf32>
      tpu.vector_store %arg9[%swap3A_1425, %swap3A_1426], %swap3A_1429 {strides = array<i32>} : memref<8x1024xf32, #tpu.memory_space<vmem>>, vector<1x16xf32>,
      %swap3A_1430 = arith.constant 5 : i32
      %swap3A_1431 = arith.index_cast %swap3A_1430 : i32 to index
      %swap3A_1432 = arith.constant 464 : index
      %swap3A_1433 = tpu.vector_load %arg9[%swap3A_1431, %swap3A_1432] {strides = array<i32>} : memref<8x1024xf32, #tpu.memory_space<vmem>>, vector<1x16xf32>,
      %swap3A_1434 = vector.shape_cast %swap3A_1433 : vector<1x16xf32> to vector<16xf32>
      %swap3A_1435 = vector.shape_cast %get3A_1405 : vector<16xf32> to vector<1x16xf32>
      tpu.vector_store %arg9[%swap3A_1431, %swap3A_1432], %swap3A_1435 {strides = array<i32>} : memref<8x1024xf32, #tpu.memory_space<vmem>>, vector<1x16xf32>,
      %swap3A_1436 = arith.constant 6 : i32
      %swap3A_1437 = arith.index_cast %swap3A_1436 : i32 to index
      %swap3A_1438 = arith.constant 464 : index
      %swap3A_1439 = tpu.vector_load %arg9[%swap3A_1437, %swap3A_1438] {strides = array<i32>} : memref<8x1024xf32, #tpu.memory_space<vmem>>, vector<1x16xf32>,
      %swap3A_1440 = vector.shape_cast %swap3A_1439 : vector<1x16xf32> to vector<16xf32>
      %swap3A_1441 = vector.shape_cast %get3A_1405 : vector<16xf32> to vector<1x16xf32>
      tpu.vector_store %arg9[%swap3A_1437, %swap3A_1438], %swap3A_1441 {strides = array<i32>} : memref<8x1024xf32, #tpu.memory_space<vmem>>, vector<1x16xf32>,
      %swap3A_1442 = arith.constant 7 : i32
      %swap3A_1443 = arith.index_cast %swap3A_1442 : i32 to index
      %swap3A_1444 = arith.constant 464 : index
      %swap3A_1445 = tpu.vector_load %arg9[%swap3A_1443, %swap3A_1444] {strides = array<i32>} : memref<8x1024xf32, #tpu.memory_space<vmem>>, vector<1x16xf32>,
      %swap3A_1446 = vector.shape_cast %swap3A_1445 : vector<1x16xf32> to vector<16xf32>
      %swap3A_1447 = vector.shape_cast %get3A_1405 : vector<16xf32> to vector<1x16xf32>
      tpu.vector_store %arg9[%swap3A_1443, %swap3A_1444], %swap3A_1447 {strides = array<i32>} : memref<8x1024xf32, #tpu.memory_space<vmem>>, vector<1x16xf32>,
      %get3A_1448 = arith.constant 0 : i32
      %get3A_1449 = arith.index_cast %get3A_1448 : i32 to index
      %get3A_1450 = arith.constant 480 : index
      %get3A_1451 = tpu.vector_load %arg9[%get3A_1449, %get3A_1450] {strides = array<i32>} : memref<8x1024xf32, #tpu.memory_space<vmem>>, vector<1x16xf32>,
      %get3A_1452 = vector.shape_cast %get3A_1451 : vector<1x16xf32> to vector<16xf32>
      %swap3A_1453 = arith.constant 1 : i32
      %swap3A_1454 = arith.index_cast %swap3A_1453 : i32 to index
      %swap3A_1455 = arith.constant 480 : index
      %swap3A_1456 = tpu.vector_load %arg9[%swap3A_1454, %swap3A_1455] {strides = array<i32>} : memref<8x1024xf32, #tpu.memory_space<vmem>>, vector<1x16xf32>,
      %swap3A_1457 = vector.shape_cast %swap3A_1456 : vector<1x16xf32> to vector<16xf32>
      %swap3A_1458 = vector.shape_cast %get3A_1452 : vector<16xf32> to vector<1x16xf32>
      tpu.vector_store %arg9[%swap3A_1454, %swap3A_1455], %swap3A_1458 {strides = array<i32>} : memref<8x1024xf32, #tpu.memory_space<vmem>>, vector<1x16xf32>,
      %swap3A_1459 = arith.constant 2 : i32
      %swap3A_1460 = arith.index_cast %swap3A_1459 : i32 to index
      %swap3A_1461 = arith.constant 480 : index
      %swap3A_1462 = tpu.vector_load %arg9[%swap3A_1460, %swap3A_1461] {strides = array<i32>} : memref<8x1024xf32, #tpu.memory_space<vmem>>, vector<1x16xf32>,
      %swap3A_1463 = vector.shape_cast %swap3A_1462 : vector<1x16xf32> to vector<16xf32>
      %swap3A_1464 = vector.shape_cast %get3A_1452 : vector<16xf32> to vector<1x16xf32>
      tpu.vector_store %arg9[%swap3A_1460, %swap3A_1461], %swap3A_1464 {strides = array<i32>} : memref<8x1024xf32, #tpu.memory_space<vmem>>, vector<1x16xf32>,
      %swap3A_1465 = arith.constant 3 : i32
      %swap3A_1466 = arith.index_cast %swap3A_1465 : i32 to index
      %swap3A_1467 = arith.constant 480 : index
      %swap3A_1468 = tpu.vector_load %arg9[%swap3A_1466, %swap3A_1467] {strides = array<i32>} : memref<8x1024xf32, #tpu.memory_space<vmem>>, vector<1x16xf32>,
      %swap3A_1469 = vector.shape_cast %swap3A_1468 : vector<1x16xf32> to vector<16xf32>
      %swap3A_1470 = vector.shape_cast %get3A_1452 : vector<16xf32> to vector<1x16xf32>
      tpu.vector_store %arg9[%swap3A_1466, %swap3A_1467], %swap3A_1470 {strides = array<i32>} : memref<8x1024xf32, #tpu.memory_space<vmem>>, vector<1x16xf32>,
      %swap3A_1471 = arith.constant 4 : i32
      %swap3A_1472 = arith.index_cast %swap3A_1471 : i32 to index
      %swap3A_1473 = arith.constant 480 : index
      %swap3A_1474 = tpu.vector_load %arg9[%swap3A_1472, %swap3A_1473] {strides = array<i32>} : memref<8x1024xf32, #tpu.memory_space<vmem>>, vector<1x16xf32>,
      %swap3A_1475 = vector.shape_cast %swap3A_1474 : vector<1x16xf32> to vector<16xf32>
      %swap3A_1476 = vector.shape_cast %get3A_1452 : vector<16xf32> to vector<1x16xf32>
      tpu.vector_store %arg9[%swap3A_1472, %swap3A_1473], %swap3A_1476 {strides = array<i32>} : memref<8x1024xf32, #tpu.memory_space<vmem>>, vector<1x16xf32>,
      %swap3A_1477 = arith.constant 5 : i32
      %swap3A_1478 = arith.index_cast %swap3A_1477 : i32 to index
      %swap3A_1479 = arith.constant 480 : index
      %swap3A_1480 = tpu.vector_load %arg9[%swap3A_1478, %swap3A_1479] {strides = array<i32>} : memref<8x1024xf32, #tpu.memory_space<vmem>>, vector<1x16xf32>,
      %swap3A_1481 = vector.shape_cast %swap3A_1480 : vector<1x16xf32> to vector<16xf32>
      %swap3A_1482 = vector.shape_cast %get3A_1452 : vector<16xf32> to vector<1x16xf32>
      tpu.vector_store %arg9[%swap3A_1478, %swap3A_1479], %swap3A_1482 {strides = array<i32>} : memref<8x1024xf32, #tpu.memory_space<vmem>>, vector<1x16xf32>,
      %swap3A_1483 = arith.constant 6 : i32
      %swap3A_1484 = arith.index_cast %swap3A_1483 : i32 to index
      %swap3A_1485 = arith.constant 480 : index
      %swap3A_1486 = tpu.vector_load %arg9[%swap3A_1484, %swap3A_1485] {strides = array<i32>} : memref<8x1024xf32, #tpu.memory_space<vmem>>, vector<1x16xf32>,
      %swap3A_1487 = vector.shape_cast %swap3A_1486 : vector<1x16xf32> to vector<16xf32>
      %swap3A_1488 = vector.shape_cast %get3A_1452 : vector<16xf32> to vector<1x16xf32>
      tpu.vector_store %arg9[%swap3A_1484, %swap3A_1485], %swap3A_1488 {strides = array<i32>} : memref<8x1024xf32, #tpu.memory_space<vmem>>, vector<1x16xf32>,
      %swap3A_1489 = arith.constant 7 : i32
      %swap3A_1490 = arith.index_cast %swap3A_1489 : i32 to index
      %swap3A_1491 = arith.constant 480 : index
      %swap3A_1492 = tpu.vector_load %arg9[%swap3A_1490, %swap3A_1491] {strides = array<i32>} : memref<8x1024xf32, #tpu.memory_space<vmem>>, vector<1x16xf32>,
      %swap3A_1493 = vector.shape_cast %swap3A_1492 : vector<1x16xf32> to vector<16xf32>
      %swap3A_1494 = vector.shape_cast %get3A_1452 : vector<16xf32> to vector<1x16xf32>
      tpu.vector_store %arg9[%swap3A_1490, %swap3A_1491], %swap3A_1494 {strides = array<i32>} : memref<8x1024xf32, #tpu.memory_space<vmem>>, vector<1x16xf32>,
      %get3A_1495 = arith.constant 0 : i32
      %get3A_1496 = arith.index_cast %get3A_1495 : i32 to index
      %get3A_1497 = arith.constant 496 : index
      %get3A_1498 = tpu.vector_load %arg9[%get3A_1496, %get3A_1497] {strides = array<i32>} : memref<8x1024xf32, #tpu.memory_space<vmem>>, vector<1x16xf32>,
      %get3A_1499 = vector.shape_cast %get3A_1498 : vector<1x16xf32> to vector<16xf32>
      %swap3A_1500 = arith.constant 1 : i32
      %swap3A_1501 = arith.index_cast %swap3A_1500 : i32 to index
      %swap3A_1502 = arith.constant 496 : index
      %swap3A_1503 = tpu.vector_load %arg9[%swap3A_1501, %swap3A_1502] {strides = array<i32>} : memref<8x1024xf32, #tpu.memory_space<vmem>>, vector<1x16xf32>,
      %swap3A_1504 = vector.shape_cast %swap3A_1503 : vector<1x16xf32> to vector<16xf32>
      %swap3A_1505 = vector.shape_cast %get3A_1499 : vector<16xf32> to vector<1x16xf32>
      tpu.vector_store %arg9[%swap3A_1501, %swap3A_1502], %swap3A_1505 {strides = array<i32>} : memref<8x1024xf32, #tpu.memory_space<vmem>>, vector<1x16xf32>,
      %swap3A_1506 = arith.constant 2 : i32
      %swap3A_1507 = arith.index_cast %swap3A_1506 : i32 to index
      %swap3A_1508 = arith.constant 496 : index
      %swap3A_1509 = tpu.vector_load %arg9[%swap3A_1507, %swap3A_1508] {strides = array<i32>} : memref<8x1024xf32, #tpu.memory_space<vmem>>, vector<1x16xf32>,
      %swap3A_1510 = vector.shape_cast %swap3A_1509 : vector<1x16xf32> to vector<16xf32>
      %swap3A_1511 = vector.shape_cast %get3A_1499 : vector<16xf32> to vector<1x16xf32>
      tpu.vector_store %arg9[%swap3A_1507, %swap3A_1508], %swap3A_1511 {strides = array<i32>} : memref<8x1024xf32, #tpu.memory_space<vmem>>, vector<1x16xf32>,
      %swap3A_1512 = arith.constant 3 : i32
      %swap3A_1513 = arith.index_cast %swap3A_1512 : i32 to index
      %swap3A_1514 = arith.constant 496 : index
      %swap3A_1515 = tpu.vector_load %arg9[%swap3A_1513, %swap3A_1514] {strides = array<i32>} : memref<8x1024xf32, #tpu.memory_space<vmem>>, vector<1x16xf32>,
      %swap3A_1516 = vector.shape_cast %swap3A_1515 : vector<1x16xf32> to vector<16xf32>
      %swap3A_1517 = vector.shape_cast %get3A_1499 : vector<16xf32> to vector<1x16xf32>
      tpu.vector_store %arg9[%swap3A_1513, %swap3A_1514], %swap3A_1517 {strides = array<i32>} : memref<8x1024xf32, #tpu.memory_space<vmem>>, vector<1x16xf32>,
      %swap3A_1518 = arith.constant 4 : i32
      %swap3A_1519 = arith.index_cast %swap3A_1518 : i32 to index
      %swap3A_1520 = arith.constant 496 : index
      %swap3A_1521 = tpu.vector_load %arg9[%swap3A_1519, %swap3A_1520] {strides = array<i32>} : memref<8x1024xf32, #tpu.memory_space<vmem>>, vector<1x16xf32>,
      %swap3A_1522 = vector.shape_cast %swap3A_1521 : vector<1x16xf32> to vector<16xf32>
      %swap3A_1523 = vector.shape_cast %get3A_1499 : vector<16xf32> to vector<1x16xf32>
      tpu.vector_store %arg9[%swap3A_1519, %swap3A_1520], %swap3A_1523 {strides = array<i32>} : memref<8x1024xf32, #tpu.memory_space<vmem>>, vector<1x16xf32>,
      %swap3A_1524 = arith.constant 5 : i32
      %swap3A_1525 = arith.index_cast %swap3A_1524 : i32 to index
      %swap3A_1526 = arith.constant 496 : index
      %swap3A_1527 = tpu.vector_load %arg9[%swap3A_1525, %swap3A_1526] {strides = array<i32>} : memref<8x1024xf32, #tpu.memory_space<vmem>>, vector<1x16xf32>,
      %swap3A_1528 = vector.shape_cast %swap3A_1527 : vector<1x16xf32> to vector<16xf32>
      %swap3A_1529 = vector.shape_cast %get3A_1499 : vector<16xf32> to vector<1x16xf32>
      tpu.vector_store %arg9[%swap3A_1525, %swap3A_1526], %swap3A_1529 {strides = array<i32>} : memref<8x1024xf32, #tpu.memory_space<vmem>>, vector<1x16xf32>,
      %swap3A_1530 = arith.constant 6 : i32
      %swap3A_1531 = arith.index_cast %swap3A_1530 : i32 to index
      %swap3A_1532 = arith.constant 496 : index
      %swap3A_1533 = tpu.vector_load %arg9[%swap3A_1531, %swap3A_1532] {strides = array<i32>} : memref<8x1024xf32, #tpu.memory_space<vmem>>, vector<1x16xf32>,
      %swap3A_1534 = vector.shape_cast %swap3A_1533 : vector<1x16xf32> to vector<16xf32>
      %swap3A_1535 = vector.shape_cast %get3A_1499 : vector<16xf32> to vector<1x16xf32>
      tpu.vector_store %arg9[%swap3A_1531, %swap3A_1532], %swap3A_1535 {strides = array<i32>} : memref<8x1024xf32, #tpu.memory_space<vmem>>, vector<1x16xf32>,
      %swap3A_1536 = arith.constant 7 : i32
      %swap3A_1537 = arith.index_cast %swap3A_1536 : i32 to index
      %swap3A_1538 = arith.constant 496 : index
      %swap3A_1539 = tpu.vector_load %arg9[%swap3A_1537, %swap3A_1538] {strides = array<i32>} : memref<8x1024xf32, #tpu.memory_space<vmem>>, vector<1x16xf32>,
      %swap3A_1540 = vector.shape_cast %swap3A_1539 : vector<1x16xf32> to vector<16xf32>
      %swap3A_1541 = vector.shape_cast %get3A_1499 : vector<16xf32> to vector<1x16xf32>
      tpu.vector_store %arg9[%swap3A_1537, %swap3A_1538], %swap3A_1541 {strides = array<i32>} : memref<8x1024xf32, #tpu.memory_space<vmem>>, vector<1x16xf32>,
      %get3A_1542 = arith.constant 0 : i32
      %get3A_1543 = arith.index_cast %get3A_1542 : i32 to index
      %get3A_1544 = arith.constant 512 : index
      %get3A_1545 = tpu.vector_load %arg9[%get3A_1543, %get3A_1544] {strides = array<i32>} : memref<8x1024xf32, #tpu.memory_space<vmem>>, vector<1x16xf32>,
      %get3A_1546 = vector.shape_cast %get3A_1545 : vector<1x16xf32> to vector<16xf32>
      %swap3A_1547 = arith.constant 1 : i32
      %swap3A_1548 = arith.index_cast %swap3A_1547 : i32 to index
      %swap3A_1549 = arith.constant 512 : index
      %swap3A_1550 = tpu.vector_load %arg9[%swap3A_1548, %swap3A_1549] {strides = array<i32>} : memref<8x1024xf32, #tpu.memory_space<vmem>>, vector<1x16xf32>,
      %swap3A_1551 = vector.shape_cast %swap3A_1550 : vector<1x16xf32> to vector<16xf32>
      %swap3A_1552 = vector.shape_cast %get3A_1546 : vector<16xf32> to vector<1x16xf32>
      tpu.vector_store %arg9[%swap3A_1548, %swap3A_1549], %swap3A_1552 {strides = array<i32>} : memref<8x1024xf32, #tpu.memory_space<vmem>>, vector<1x16xf32>,
      %swap3A_1553 = arith.constant 2 : i32
      %swap3A_1554 = arith.index_cast %swap3A_1553 : i32 to index
      %swap3A_1555 = arith.constant 512 : index
      %swap3A_1556 = tpu.vector_load %arg9[%swap3A_1554, %swap3A_1555] {strides = array<i32>} : memref<8x1024xf32, #tpu.memory_space<vmem>>, vector<1x16xf32>,
      %swap3A_1557 = vector.shape_cast %swap3A_1556 : vector<1x16xf32> to vector<16xf32>
      %swap3A_1558 = vector.shape_cast %get3A_1546 : vector<16xf32> to vector<1x16xf32>
      tpu.vector_store %arg9[%swap3A_1554, %swap3A_1555], %swap3A_1558 {strides = array<i32>} : memref<8x1024xf32, #tpu.memory_space<vmem>>, vector<1x16xf32>,
      %swap3A_1559 = arith.constant 3 : i32
      %swap3A_1560 = arith.index_cast %swap3A_1559 : i32 to index
      %swap3A_1561 = arith.constant 512 : index
      %swap3A_1562 = tpu.vector_load %arg9[%swap3A_1560, %swap3A_1561] {strides = array<i32>} : memref<8x1024xf32, #tpu.memory_space<vmem>>, vector<1x16xf32>,
      %swap3A_1563 = vector.shape_cast %swap3A_1562 : vector<1x16xf32> to vector<16xf32>
      %swap3A_1564 = vector.shape_cast %get3A_1546 : vector<16xf32> to vector<1x16xf32>
      tpu.vector_store %arg9[%swap3A_1560, %swap3A_1561], %swap3A_1564 {strides = array<i32>} : memref<8x1024xf32, #tpu.memory_space<vmem>>, vector<1x16xf32>,
      %swap3A_1565 = arith.constant 4 : i32
      %swap3A_1566 = arith.index_cast %swap3A_1565 : i32 to index
      %swap3A_1567 = arith.constant 512 : index
      %swap3A_1568 = tpu.vector_load %arg9[%swap3A_1566, %swap3A_1567] {strides = array<i32>} : memref<8x1024xf32, #tpu.memory_space<vmem>>, vector<1x16xf32>,
      %swap3A_1569 = vector.shape_cast %swap3A_1568 : vector<1x16xf32> to vector<16xf32>
      %swap3A_1570 = vector.shape_cast %get3A_1546 : vector<16xf32> to vector<1x16xf32>
      tpu.vector_store %arg9[%swap3A_1566, %swap3A_1567], %swap3A_1570 {strides = array<i32>} : memref<8x1024xf32, #tpu.memory_space<vmem>>, vector<1x16xf32>,
      %swap3A_1571 = arith.constant 5 : i32
      %swap3A_1572 = arith.index_cast %swap3A_1571 : i32 to index
      %swap3A_1573 = arith.constant 512 : index
      %swap3A_1574 = tpu.vector_load %arg9[%swap3A_1572, %swap3A_1573] {strides = array<i32>} : memref<8x1024xf32, #tpu.memory_space<vmem>>, vector<1x16xf32>,
      %swap3A_1575 = vector.shape_cast %swap3A_1574 : vector<1x16xf32> to vector<16xf32>
      %swap3A_1576 = vector.shape_cast %get3A_1546 : vector<16xf32> to vector<1x16xf32>
      tpu.vector_store %arg9[%swap3A_1572, %swap3A_1573], %swap3A_1576 {strides = array<i32>} : memref<8x1024xf32, #tpu.memory_space<vmem>>, vector<1x16xf32>,
      %swap3A_1577 = arith.constant 6 : i32
      %swap3A_1578 = arith.index_cast %swap3A_1577 : i32 to index
      %swap3A_1579 = arith.constant 512 : index
      %swap3A_1580 = tpu.vector_load %arg9[%swap3A_1578, %swap3A_1579] {strides = array<i32>} : memref<8x1024xf32, #tpu.memory_space<vmem>>, vector<1x16xf32>,
      %swap3A_1581 = vector.shape_cast %swap3A_1580 : vector<1x16xf32> to vector<16xf32>
      %swap3A_1582 = vector.shape_cast %get3A_1546 : vector<16xf32> to vector<1x16xf32>
      tpu.vector_store %arg9[%swap3A_1578, %swap3A_1579], %swap3A_1582 {strides = array<i32>} : memref<8x1024xf32, #tpu.memory_space<vmem>>, vector<1x16xf32>,
      %swap3A_1583 = arith.constant 7 : i32
      %swap3A_1584 = arith.index_cast %swap3A_1583 : i32 to index
      %swap3A_1585 = arith.constant 512 : index
      %swap3A_1586 = tpu.vector_load %arg9[%swap3A_1584, %swap3A_1585] {strides = array<i32>} : memref<8x1024xf32, #tpu.memory_space<vmem>>, vector<1x16xf32>,
      %swap3A_1587 = vector.shape_cast %swap3A_1586 : vector<1x16xf32> to vector<16xf32>
      %swap3A_1588 = vector.shape_cast %get3A_1546 : vector<16xf32> to vector<1x16xf32>
      tpu.vector_store %arg9[%swap3A_1584, %swap3A_1585], %swap3A_1588 {strides = array<i32>} : memref<8x1024xf32, #tpu.memory_space<vmem>>, vector<1x16xf32>,
      %get3A_1589 = arith.constant 0 : i32
      %get3A_1590 = arith.index_cast %get3A_1589 : i32 to index
      %get3A_1591 = arith.constant 528 : index
      %get3A_1592 = tpu.vector_load %arg9[%get3A_1590, %get3A_1591] {strides = array<i32>} : memref<8x1024xf32, #tpu.memory_space<vmem>>, vector<1x16xf32>,
      %get3A_1593 = vector.shape_cast %get3A_1592 : vector<1x16xf32> to vector<16xf32>
      %swap3A_1594 = arith.constant 1 : i32
      %swap3A_1595 = arith.index_cast %swap3A_1594 : i32 to index
      %swap3A_1596 = arith.constant 528 : index
      %swap3A_1597 = tpu.vector_load %arg9[%swap3A_1595, %swap3A_1596] {strides = array<i32>} : memref<8x1024xf32, #tpu.memory_space<vmem>>, vector<1x16xf32>,
      %swap3A_1598 = vector.shape_cast %swap3A_1597 : vector<1x16xf32> to vector<16xf32>
      %swap3A_1599 = vector.shape_cast %get3A_1593 : vector<16xf32> to vector<1x16xf32>
      tpu.vector_store %arg9[%swap3A_1595, %swap3A_1596], %swap3A_1599 {strides = array<i32>} : memref<8x1024xf32, #tpu.memory_space<vmem>>, vector<1x16xf32>,
      %swap3A_1600 = arith.constant 2 : i32
      %swap3A_1601 = arith.index_cast %swap3A_1600 : i32 to index
      %swap3A_1602 = arith.constant 528 : index
      %swap3A_1603 = tpu.vector_load %arg9[%swap3A_1601, %swap3A_1602] {strides = array<i32>} : memref<8x1024xf32, #tpu.memory_space<vmem>>, vector<1x16xf32>,
      %swap3A_1604 = vector.shape_cast %swap3A_1603 : vector<1x16xf32> to vector<16xf32>
      %swap3A_1605 = vector.shape_cast %get3A_1593 : vector<16xf32> to vector<1x16xf32>
      tpu.vector_store %arg9[%swap3A_1601, %swap3A_1602], %swap3A_1605 {strides = array<i32>} : memref<8x1024xf32, #tpu.memory_space<vmem>>, vector<1x16xf32>,
      %swap3A_1606 = arith.constant 3 : i32
      %swap3A_1607 = arith.index_cast %swap3A_1606 : i32 to index
      %swap3A_1608 = arith.constant 528 : index
      %swap3A_1609 = tpu.vector_load %arg9[%swap3A_1607, %swap3A_1608] {strides = array<i32>} : memref<8x1024xf32, #tpu.memory_space<vmem>>, vector<1x16xf32>,
      %swap3A_1610 = vector.shape_cast %swap3A_1609 : vector<1x16xf32> to vector<16xf32>
      %swap3A_1611 = vector.shape_cast %get3A_1593 : vector<16xf32> to vector<1x16xf32>
      tpu.vector_store %arg9[%swap3A_1607, %swap3A_1608], %swap3A_1611 {strides = array<i32>} : memref<8x1024xf32, #tpu.memory_space<vmem>>, vector<1x16xf32>,
      %swap3A_1612 = arith.constant 4 : i32
      %swap3A_1613 = arith.index_cast %swap3A_1612 : i32 to index
      %swap3A_1614 = arith.constant 528 : index
      %swap3A_1615 = tpu.vector_load %arg9[%swap3A_1613, %swap3A_1614] {strides = array<i32>} : memref<8x1024xf32, #tpu.memory_space<vmem>>, vector<1x16xf32>,
      %swap3A_1616 = vector.shape_cast %swap3A_1615 : vector<1x16xf32> to vector<16xf32>
      %swap3A_1617 = vector.shape_cast %get3A_1593 : vector<16xf32> to vector<1x16xf32>
      tpu.vector_store %arg9[%swap3A_1613, %swap3A_1614], %swap3A_1617 {strides = array<i32>} : memref<8x1024xf32, #tpu.memory_space<vmem>>, vector<1x16xf32>,
      %swap3A_1618 = arith.constant 5 : i32
      %swap3A_1619 = arith.index_cast %swap3A_1618 : i32 to index
      %swap3A_1620 = arith.constant 528 : index
      %swap3A_1621 = tpu.vector_load %arg9[%swap3A_1619, %swap3A_1620] {strides = array<i32>} : memref<8x1024xf32, #tpu.memory_space<vmem>>, vector<1x16xf32>,
      %swap3A_1622 = vector.shape_cast %swap3A_1621 : vector<1x16xf32> to vector<16xf32>
      %swap3A_1623 = vector.shape_cast %get3A_1593 : vector<16xf32> to vector<1x16xf32>
      tpu.vector_store %arg9[%swap3A_1619, %swap3A_1620], %swap3A_1623 {strides = array<i32>} : memref<8x1024xf32, #tpu.memory_space<vmem>>, vector<1x16xf32>,
      %swap3A_1624 = arith.constant 6 : i32
      %swap3A_1625 = arith.index_cast %swap3A_1624 : i32 to index
      %swap3A_1626 = arith.constant 528 : index
      %swap3A_1627 = tpu.vector_load %arg9[%swap3A_1625, %swap3A_1626] {strides = array<i32>} : memref<8x1024xf32, #tpu.memory_space<vmem>>, vector<1x16xf32>,
      %swap3A_1628 = vector.shape_cast %swap3A_1627 : vector<1x16xf32> to vector<16xf32>
      %swap3A_1629 = vector.shape_cast %get3A_1593 : vector<16xf32> to vector<1x16xf32>
      tpu.vector_store %arg9[%swap3A_1625, %swap3A_1626], %swap3A_1629 {strides = array<i32>} : memref<8x1024xf32, #tpu.memory_space<vmem>>, vector<1x16xf32>,
      %swap3A_1630 = arith.constant 7 : i32
      %swap3A_1631 = arith.index_cast %swap3A_1630 : i32 to index
      %swap3A_1632 = arith.constant 528 : index
      %swap3A_1633 = tpu.vector_load %arg9[%swap3A_1631, %swap3A_1632] {strides = array<i32>} : memref<8x1024xf32, #tpu.memory_space<vmem>>, vector<1x16xf32>,
      %swap3A_1634 = vector.shape_cast %swap3A_1633 : vector<1x16xf32> to vector<16xf32>
      %swap3A_1635 = vector.shape_cast %get3A_1593 : vector<16xf32> to vector<1x16xf32>
      tpu.vector_store %arg9[%swap3A_1631, %swap3A_1632], %swap3A_1635 {strides = array<i32>} : memref<8x1024xf32, #tpu.memory_space<vmem>>, vector<1x16xf32>,
      %get3A_1636 = arith.constant 0 : i32
      %get3A_1637 = arith.index_cast %get3A_1636 : i32 to index
      %get3A_1638 = arith.constant 544 : index
      %get3A_1639 = tpu.vector_load %arg9[%get3A_1637, %get3A_1638] {strides = array<i32>} : memref<8x1024xf32, #tpu.memory_space<vmem>>, vector<1x16xf32>,
      %get3A_1640 = vector.shape_cast %get3A_1639 : vector<1x16xf32> to vector<16xf32>
      %swap3A_1641 = arith.constant 1 : i32
      %swap3A_1642 = arith.index_cast %swap3A_1641 : i32 to index
      %swap3A_1643 = arith.constant 544 : index
      %swap3A_1644 = tpu.vector_load %arg9[%swap3A_1642, %swap3A_1643] {strides = array<i32>} : memref<8x1024xf32, #tpu.memory_space<vmem>>, vector<1x16xf32>,
      %swap3A_1645 = vector.shape_cast %swap3A_1644 : vector<1x16xf32> to vector<16xf32>
      %swap3A_1646 = vector.shape_cast %get3A_1640 : vector<16xf32> to vector<1x16xf32>
      tpu.vector_store %arg9[%swap3A_1642, %swap3A_1643], %swap3A_1646 {strides = array<i32>} : memref<8x1024xf32, #tpu.memory_space<vmem>>, vector<1x16xf32>,
      %swap3A_1647 = arith.constant 2 : i32
      %swap3A_1648 = arith.index_cast %swap3A_1647 : i32 to index
      %swap3A_1649 = arith.constant 544 : index
      %swap3A_1650 = tpu.vector_load %arg9[%swap3A_1648, %swap3A_1649] {strides = array<i32>} : memref<8x1024xf32, #tpu.memory_space<vmem>>, vector<1x16xf32>,
      %swap3A_1651 = vector.shape_cast %swap3A_1650 : vector<1x16xf32> to vector<16xf32>
      %swap3A_1652 = vector.shape_cast %get3A_1640 : vector<16xf32> to vector<1x16xf32>
      tpu.vector_store %arg9[%swap3A_1648, %swap3A_1649], %swap3A_1652 {strides = array<i32>} : memref<8x1024xf32, #tpu.memory_space<vmem>>, vector<1x16xf32>,
      %swap3A_1653 = arith.constant 3 : i32
      %swap3A_1654 = arith.index_cast %swap3A_1653 : i32 to index
      %swap3A_1655 = arith.constant 544 : index
      %swap3A_1656 = tpu.vector_load %arg9[%swap3A_1654, %swap3A_1655] {strides = array<i32>} : memref<8x1024xf32, #tpu.memory_space<vmem>>, vector<1x16xf32>,
      %swap3A_1657 = vector.shape_cast %swap3A_1656 : vector<1x16xf32> to vector<16xf32>
      %swap3A_1658 = vector.shape_cast %get3A_1640 : vector<16xf32> to vector<1x16xf32>
      tpu.vector_store %arg9[%swap3A_1654, %swap3A_1655], %swap3A_1658 {strides = array<i32>} : memref<8x1024xf32, #tpu.memory_space<vmem>>, vector<1x16xf32>,
      %swap3A_1659 = arith.constant 4 : i32
      %swap3A_1660 = arith.index_cast %swap3A_1659 : i32 to index
      %swap3A_1661 = arith.constant 544 : index
      %swap3A_1662 = tpu.vector_load %arg9[%swap3A_1660, %swap3A_1661] {strides = array<i32>} : memref<8x1024xf32, #tpu.memory_space<vmem>>, vector<1x16xf32>,
      %swap3A_1663 = vector.shape_cast %swap3A_1662 : vector<1x16xf32> to vector<16xf32>
      %swap3A_1664 = vector.shape_cast %get3A_1640 : vector<16xf32> to vector<1x16xf32>
      tpu.vector_store %arg9[%swap3A_1660, %swap3A_1661], %swap3A_1664 {strides = array<i32>} : memref<8x1024xf32, #tpu.memory_space<vmem>>, vector<1x16xf32>,
      %swap3A_1665 = arith.constant 5 : i32
      %swap3A_1666 = arith.index_cast %swap3A_1665 : i32 to index
      %swap3A_1667 = arith.constant 544 : index
      %swap3A_1668 = tpu.vector_load %arg9[%swap3A_1666, %swap3A_1667] {strides = array<i32>} : memref<8x1024xf32, #tpu.memory_space<vmem>>, vector<1x16xf32>,
      %swap3A_1669 = vector.shape_cast %swap3A_1668 : vector<1x16xf32> to vector<16xf32>
      %swap3A_1670 = vector.shape_cast %get3A_1640 : vector<16xf32> to vector<1x16xf32>
      tpu.vector_store %arg9[%swap3A_1666, %swap3A_1667], %swap3A_1670 {strides = array<i32>} : memref<8x1024xf32, #tpu.memory_space<vmem>>, vector<1x16xf32>,
      %swap3A_1671 = arith.constant 6 : i32
      %swap3A_1672 = arith.index_cast %swap3A_1671 : i32 to index
      %swap3A_1673 = arith.constant 544 : index
      %swap3A_1674 = tpu.vector_load %arg9[%swap3A_1672, %swap3A_1673] {strides = array<i32>} : memref<8x1024xf32, #tpu.memory_space<vmem>>, vector<1x16xf32>,
      %swap3A_1675 = vector.shape_cast %swap3A_1674 : vector<1x16xf32> to vector<16xf32>
      %swap3A_1676 = vector.shape_cast %get3A_1640 : vector<16xf32> to vector<1x16xf32>
      tpu.vector_store %arg9[%swap3A_1672, %swap3A_1673], %swap3A_1676 {strides = array<i32>} : memref<8x1024xf32, #tpu.memory_space<vmem>>, vector<1x16xf32>,
      %swap3A_1677 = arith.constant 7 : i32
      %swap3A_1678 = arith.index_cast %swap3A_1677 : i32 to index
      %swap3A_1679 = arith.constant 544 : index
      %swap3A_1680 = tpu.vector_load %arg9[%swap3A_1678, %swap3A_1679] {strides = array<i32>} : memref<8x1024xf32, #tpu.memory_space<vmem>>, vector<1x16xf32>,
      %swap3A_1681 = vector.shape_cast %swap3A_1680 : vector<1x16xf32> to vector<16xf32>
      %swap3A_1682 = vector.shape_cast %get3A_1640 : vector<16xf32> to vector<1x16xf32>
      tpu.vector_store %arg9[%swap3A_1678, %swap3A_1679], %swap3A_1682 {strides = array<i32>} : memref<8x1024xf32, #tpu.memory_space<vmem>>, vector<1x16xf32>,
      %get3A_1683 = arith.constant 0 : i32
      %get3A_1684 = arith.index_cast %get3A_1683 : i32 to index
      %get3A_1685 = arith.constant 560 : index
      %get3A_1686 = tpu.vector_load %arg9[%get3A_1684, %get3A_1685] {strides = array<i32>} : memref<8x1024xf32, #tpu.memory_space<vmem>>, vector<1x16xf32>,
      %get3A_1687 = vector.shape_cast %get3A_1686 : vector<1x16xf32> to vector<16xf32>
      %swap3A_1688 = arith.constant 1 : i32
      %swap3A_1689 = arith.index_cast %swap3A_1688 : i32 to index
      %swap3A_1690 = arith.constant 560 : index
      %swap3A_1691 = tpu.vector_load %arg9[%swap3A_1689, %swap3A_1690] {strides = array<i32>} : memref<8x1024xf32, #tpu.memory_space<vmem>>, vector<1x16xf32>,
      %swap3A_1692 = vector.shape_cast %swap3A_1691 : vector<1x16xf32> to vector<16xf32>
      %swap3A_1693 = vector.shape_cast %get3A_1687 : vector<16xf32> to vector<1x16xf32>
      tpu.vector_store %arg9[%swap3A_1689, %swap3A_1690], %swap3A_1693 {strides = array<i32>} : memref<8x1024xf32, #tpu.memory_space<vmem>>, vector<1x16xf32>,
      %swap3A_1694 = arith.constant 2 : i32
      %swap3A_1695 = arith.index_cast %swap3A_1694 : i32 to index
      %swap3A_1696 = arith.constant 560 : index
      %swap3A_1697 = tpu.vector_load %arg9[%swap3A_1695, %swap3A_1696] {strides = array<i32>} : memref<8x1024xf32, #tpu.memory_space<vmem>>, vector<1x16xf32>,
      %swap3A_1698 = vector.shape_cast %swap3A_1697 : vector<1x16xf32> to vector<16xf32>
      %swap3A_1699 = vector.shape_cast %get3A_1687 : vector<16xf32> to vector<1x16xf32>
      tpu.vector_store %arg9[%swap3A_1695, %swap3A_1696], %swap3A_1699 {strides = array<i32>} : memref<8x1024xf32, #tpu.memory_space<vmem>>, vector<1x16xf32>,
      %swap3A_1700 = arith.constant 3 : i32
      %swap3A_1701 = arith.index_cast %swap3A_1700 : i32 to index
      %swap3A_1702 = arith.constant 560 : index
      %swap3A_1703 = tpu.vector_load %arg9[%swap3A_1701, %swap3A_1702] {strides = array<i32>} : memref<8x1024xf32, #tpu.memory_space<vmem>>, vector<1x16xf32>,
      %swap3A_1704 = vector.shape_cast %swap3A_1703 : vector<1x16xf32> to vector<16xf32>
      %swap3A_1705 = vector.shape_cast %get3A_1687 : vector<16xf32> to vector<1x16xf32>
      tpu.vector_store %arg9[%swap3A_1701, %swap3A_1702], %swap3A_1705 {strides = array<i32>} : memref<8x1024xf32, #tpu.memory_space<vmem>>, vector<1x16xf32>,
      %swap3A_1706 = arith.constant 4 : i32
      %swap3A_1707 = arith.index_cast %swap3A_1706 : i32 to index
      %swap3A_1708 = arith.constant 560 : index
      %swap3A_1709 = tpu.vector_load %arg9[%swap3A_1707, %swap3A_1708] {strides = array<i32>} : memref<8x1024xf32, #tpu.memory_space<vmem>>, vector<1x16xf32>,
      %swap3A_1710 = vector.shape_cast %swap3A_1709 : vector<1x16xf32> to vector<16xf32>
      %swap3A_1711 = vector.shape_cast %get3A_1687 : vector<16xf32> to vector<1x16xf32>
      tpu.vector_store %arg9[%swap3A_1707, %swap3A_1708], %swap3A_1711 {strides = array<i32>} : memref<8x1024xf32, #tpu.memory_space<vmem>>, vector<1x16xf32>,
      %swap3A_1712 = arith.constant 5 : i32
      %swap3A_1713 = arith.index_cast %swap3A_1712 : i32 to index
      %swap3A_1714 = arith.constant 560 : index
      %swap3A_1715 = tpu.vector_load %arg9[%swap3A_1713, %swap3A_1714] {strides = array<i32>} : memref<8x1024xf32, #tpu.memory_space<vmem>>, vector<1x16xf32>,
      %swap3A_1716 = vector.shape_cast %swap3A_1715 : vector<1x16xf32> to vector<16xf32>
      %swap3A_1717 = vector.shape_cast %get3A_1687 : vector<16xf32> to vector<1x16xf32>
      tpu.vector_store %arg9[%swap3A_1713, %swap3A_1714], %swap3A_1717 {strides = array<i32>} : memref<8x1024xf32, #tpu.memory_space<vmem>>, vector<1x16xf32>,
      %swap3A_1718 = arith.constant 6 : i32
      %swap3A_1719 = arith.index_cast %swap3A_1718 : i32 to index
      %swap3A_1720 = arith.constant 560 : index
      %swap3A_1721 = tpu.vector_load %arg9[%swap3A_1719, %swap3A_1720] {strides = array<i32>} : memref<8x1024xf32, #tpu.memory_space<vmem>>, vector<1x16xf32>,
      %swap3A_1722 = vector.shape_cast %swap3A_1721 : vector<1x16xf32> to vector<16xf32>
      %swap3A_1723 = vector.shape_cast %get3A_1687 : vector<16xf32> to vector<1x16xf32>
      tpu.vector_store %arg9[%swap3A_1719, %swap3A_1720], %swap3A_1723 {strides = array<i32>} : memref<8x1024xf32, #tpu.memory_space<vmem>>, vector<1x16xf32>,
      %swap3A_1724 = arith.constant 7 : i32
      %swap3A_1725 = arith.index_cast %swap3A_1724 : i32 to index
      %swap3A_1726 = arith.constant 560 : index
      %swap3A_1727 = tpu.vector_load %arg9[%swap3A_1725, %swap3A_1726] {strides = array<i32>} : memref<8x1024xf32, #tpu.memory_space<vmem>>, vector<1x16xf32>,
      %swap3A_1728 = vector.shape_cast %swap3A_1727 : vector<1x16xf32> to vector<16xf32>
      %swap3A_1729 = vector.shape_cast %get3A_1687 : vector<16xf32> to vector<1x16xf32>
      tpu.vector_store %arg9[%swap3A_1725, %swap3A_1726], %swap3A_1729 {strides = array<i32>} : memref<8x1024xf32, #tpu.memory_space<vmem>>, vector<1x16xf32>,
      %get3A_1730 = arith.constant 0 : i32
      %get3A_1731 = arith.index_cast %get3A_1730 : i32 to index
      %get3A_1732 = arith.constant 576 : index
      %get3A_1733 = tpu.vector_load %arg9[%get3A_1731, %get3A_1732] {strides = array<i32>} : memref<8x1024xf32, #tpu.memory_space<vmem>>, vector<1x16xf32>,
      %get3A_1734 = vector.shape_cast %get3A_1733 : vector<1x16xf32> to vector<16xf32>
      %swap3A_1735 = arith.constant 1 : i32
      %swap3A_1736 = arith.index_cast %swap3A_1735 : i32 to index
      %swap3A_1737 = arith.constant 576 : index
      %swap3A_1738 = tpu.vector_load %arg9[%swap3A_1736, %swap3A_1737] {strides = array<i32>} : memref<8x1024xf32, #tpu.memory_space<vmem>>, vector<1x16xf32>,
      %swap3A_1739 = vector.shape_cast %swap3A_1738 : vector<1x16xf32> to vector<16xf32>
      %swap3A_1740 = vector.shape_cast %get3A_1734 : vector<16xf32> to vector<1x16xf32>
      tpu.vector_store %arg9[%swap3A_1736, %swap3A_1737], %swap3A_1740 {strides = array<i32>} : memref<8x1024xf32, #tpu.memory_space<vmem>>, vector<1x16xf32>,
      %swap3A_1741 = arith.constant 2 : i32
      %swap3A_1742 = arith.index_cast %swap3A_1741 : i32 to index
      %swap3A_1743 = arith.constant 576 : index
      %swap3A_1744 = tpu.vector_load %arg9[%swap3A_1742, %swap3A_1743] {strides = array<i32>} : memref<8x1024xf32, #tpu.memory_space<vmem>>, vector<1x16xf32>,
      %swap3A_1745 = vector.shape_cast %swap3A_1744 : vector<1x16xf32> to vector<16xf32>
      %swap3A_1746 = vector.shape_cast %get3A_1734 : vector<16xf32> to vector<1x16xf32>
      tpu.vector_store %arg9[%swap3A_1742, %swap3A_1743], %swap3A_1746 {strides = array<i32>} : memref<8x1024xf32, #tpu.memory_space<vmem>>, vector<1x16xf32>,
      %swap3A_1747 = arith.constant 3 : i32
      %swap3A_1748 = arith.index_cast %swap3A_1747 : i32 to index
      %swap3A_1749 = arith.constant 576 : index
      %swap3A_1750 = tpu.vector_load %arg9[%swap3A_1748, %swap3A_1749] {strides = array<i32>} : memref<8x1024xf32, #tpu.memory_space<vmem>>, vector<1x16xf32>,
      %swap3A_1751 = vector.shape_cast %swap3A_1750 : vector<1x16xf32> to vector<16xf32>
      %swap3A_1752 = vector.shape_cast %get3A_1734 : vector<16xf32> to vector<1x16xf32>
      tpu.vector_store %arg9[%swap3A_1748, %swap3A_1749], %swap3A_1752 {strides = array<i32>} : memref<8x1024xf32, #tpu.memory_space<vmem>>, vector<1x16xf32>,
      %swap3A_1753 = arith.constant 4 : i32
      %swap3A_1754 = arith.index_cast %swap3A_1753 : i32 to index
      %swap3A_1755 = arith.constant 576 : index
      %swap3A_1756 = tpu.vector_load %arg9[%swap3A_1754, %swap3A_1755] {strides = array<i32>} : memref<8x1024xf32, #tpu.memory_space<vmem>>, vector<1x16xf32>,
      %swap3A_1757 = vector.shape_cast %swap3A_1756 : vector<1x16xf32> to vector<16xf32>
      %swap3A_1758 = vector.shape_cast %get3A_1734 : vector<16xf32> to vector<1x16xf32>
      tpu.vector_store %arg9[%swap3A_1754, %swap3A_1755], %swap3A_1758 {strides = array<i32>} : memref<8x1024xf32, #tpu.memory_space<vmem>>, vector<1x16xf32>,
      %swap3A_1759 = arith.constant 5 : i32
      %swap3A_1760 = arith.index_cast %swap3A_1759 : i32 to index
      %swap3A_1761 = arith.constant 576 : index
      %swap3A_1762 = tpu.vector_load %arg9[%swap3A_1760, %swap3A_1761] {strides = array<i32>} : memref<8x1024xf32, #tpu.memory_space<vmem>>, vector<1x16xf32>,
      %swap3A_1763 = vector.shape_cast %swap3A_1762 : vector<1x16xf32> to vector<16xf32>
      %swap3A_1764 = vector.shape_cast %get3A_1734 : vector<16xf32> to vector<1x16xf32>
      tpu.vector_store %arg9[%swap3A_1760, %swap3A_1761], %swap3A_1764 {strides = array<i32>} : memref<8x1024xf32, #tpu.memory_space<vmem>>, vector<1x16xf32>,
      %swap3A_1765 = arith.constant 6 : i32
      %swap3A_1766 = arith.index_cast %swap3A_1765 : i32 to index
      %swap3A_1767 = arith.constant 576 : index
      %swap3A_1768 = tpu.vector_load %arg9[%swap3A_1766, %swap3A_1767] {strides = array<i32>} : memref<8x1024xf32, #tpu.memory_space<vmem>>, vector<1x16xf32>,
      %swap3A_1769 = vector.shape_cast %swap3A_1768 : vector<1x16xf32> to vector<16xf32>
      %swap3A_1770 = vector.shape_cast %get3A_1734 : vector<16xf32> to vector<1x16xf32>
      tpu.vector_store %arg9[%swap3A_1766, %swap3A_1767], %swap3A_1770 {strides = array<i32>} : memref<8x1024xf32, #tpu.memory_space<vmem>>, vector<1x16xf32>,
      %swap3A_1771 = arith.constant 7 : i32
      %swap3A_1772 = arith.index_cast %swap3A_1771 : i32 to index
      %swap3A_1773 = arith.constant 576 : index
      %swap3A_1774 = tpu.vector_load %arg9[%swap3A_1772, %swap3A_1773] {strides = array<i32>} : memref<8x1024xf32, #tpu.memory_space<vmem>>, vector<1x16xf32>,
      %swap3A_1775 = vector.shape_cast %swap3A_1774 : vector<1x16xf32> to vector<16xf32>
      %swap3A_1776 = vector.shape_cast %get3A_1734 : vector<16xf32> to vector<1x16xf32>
      tpu.vector_store %arg9[%swap3A_1772, %swap3A_1773], %swap3A_1776 {strides = array<i32>} : memref<8x1024xf32, #tpu.memory_space<vmem>>, vector<1x16xf32>,
      %get3A_1777 = arith.constant 0 : i32
      %get3A_1778 = arith.index_cast %get3A_1777 : i32 to index
      %get3A_1779 = arith.constant 592 : index
      %get3A_1780 = tpu.vector_load %arg9[%get3A_1778, %get3A_1779] {strides = array<i32>} : memref<8x1024xf32, #tpu.memory_space<vmem>>, vector<1x16xf32>,
      %get3A_1781 = vector.shape_cast %get3A_1780 : vector<1x16xf32> to vector<16xf32>
      %swap3A_1782 = arith.constant 1 : i32
      %swap3A_1783 = arith.index_cast %swap3A_1782 : i32 to index
      %swap3A_1784 = arith.constant 592 : index
      %swap3A_1785 = tpu.vector_load %arg9[%swap3A_1783, %swap3A_1784] {strides = array<i32>} : memref<8x1024xf32, #tpu.memory_space<vmem>>, vector<1x16xf32>,
      %swap3A_1786 = vector.shape_cast %swap3A_1785 : vector<1x16xf32> to vector<16xf32>
      %swap3A_1787 = vector.shape_cast %get3A_1781 : vector<16xf32> to vector<1x16xf32>
      tpu.vector_store %arg9[%swap3A_1783, %swap3A_1784], %swap3A_1787 {strides = array<i32>} : memref<8x1024xf32, #tpu.memory_space<vmem>>, vector<1x16xf32>,
      %swap3A_1788 = arith.constant 2 : i32
      %swap3A_1789 = arith.index_cast %swap3A_1788 : i32 to index
      %swap3A_1790 = arith.constant 592 : index
      %swap3A_1791 = tpu.vector_load %arg9[%swap3A_1789, %swap3A_1790] {strides = array<i32>} : memref<8x1024xf32, #tpu.memory_space<vmem>>, vector<1x16xf32>,
      %swap3A_1792 = vector.shape_cast %swap3A_1791 : vector<1x16xf32> to vector<16xf32>
      %swap3A_1793 = vector.shape_cast %get3A_1781 : vector<16xf32> to vector<1x16xf32>
      tpu.vector_store %arg9[%swap3A_1789, %swap3A_1790], %swap3A_1793 {strides = array<i32>} : memref<8x1024xf32, #tpu.memory_space<vmem>>, vector<1x16xf32>,
      %swap3A_1794 = arith.constant 3 : i32
      %swap3A_1795 = arith.index_cast %swap3A_1794 : i32 to index
      %swap3A_1796 = arith.constant 592 : index
      %swap3A_1797 = tpu.vector_load %arg9[%swap3A_1795, %swap3A_1796] {strides = array<i32>} : memref<8x1024xf32, #tpu.memory_space<vmem>>, vector<1x16xf32>,
      %swap3A_1798 = vector.shape_cast %swap3A_1797 : vector<1x16xf32> to vector<16xf32>
      %swap3A_1799 = vector.shape_cast %get3A_1781 : vector<16xf32> to vector<1x16xf32>
      tpu.vector_store %arg9[%swap3A_1795, %swap3A_1796], %swap3A_1799 {strides = array<i32>} : memref<8x1024xf32, #tpu.memory_space<vmem>>, vector<1x16xf32>,
      %swap3A_1800 = arith.constant 4 : i32
      %swap3A_1801 = arith.index_cast %swap3A_1800 : i32 to index
      %swap3A_1802 = arith.constant 592 : index
      %swap3A_1803 = tpu.vector_load %arg9[%swap3A_1801, %swap3A_1802] {strides = array<i32>} : memref<8x1024xf32, #tpu.memory_space<vmem>>, vector<1x16xf32>,
      %swap3A_1804 = vector.shape_cast %swap3A_1803 : vector<1x16xf32> to vector<16xf32>
      %swap3A_1805 = vector.shape_cast %get3A_1781 : vector<16xf32> to vector<1x16xf32>
      tpu.vector_store %arg9[%swap3A_1801, %swap3A_1802], %swap3A_1805 {strides = array<i32>} : memref<8x1024xf32, #tpu.memory_space<vmem>>, vector<1x16xf32>,
      %swap3A_1806 = arith.constant 5 : i32
      %swap3A_1807 = arith.index_cast %swap3A_1806 : i32 to index
      %swap3A_1808 = arith.constant 592 : index
      %swap3A_1809 = tpu.vector_load %arg9[%swap3A_1807, %swap3A_1808] {strides = array<i32>} : memref<8x1024xf32, #tpu.memory_space<vmem>>, vector<1x16xf32>,
      %swap3A_1810 = vector.shape_cast %swap3A_1809 : vector<1x16xf32> to vector<16xf32>
      %swap3A_1811 = vector.shape_cast %get3A_1781 : vector<16xf32> to vector<1x16xf32>
      tpu.vector_store %arg9[%swap3A_1807, %swap3A_1808], %swap3A_1811 {strides = array<i32>} : memref<8x1024xf32, #tpu.memory_space<vmem>>, vector<1x16xf32>,
      %swap3A_1812 = arith.constant 6 : i32
      %swap3A_1813 = arith.index_cast %swap3A_1812 : i32 to index
      %swap3A_1814 = arith.constant 592 : index
      %swap3A_1815 = tpu.vector_load %arg9[%swap3A_1813, %swap3A_1814] {strides = array<i32>} : memref<8x1024xf32, #tpu.memory_space<vmem>>, vector<1x16xf32>,
      %swap3A_1816 = vector.shape_cast %swap3A_1815 : vector<1x16xf32> to vector<16xf32>
      %swap3A_1817 = vector.shape_cast %get3A_1781 : vector<16xf32> to vector<1x16xf32>
      tpu.vector_store %arg9[%swap3A_1813, %swap3A_1814], %swap3A_1817 {strides = array<i32>} : memref<8x1024xf32, #tpu.memory_space<vmem>>, vector<1x16xf32>,
      %swap3A_1818 = arith.constant 7 : i32
      %swap3A_1819 = arith.index_cast %swap3A_1818 : i32 to index
      %swap3A_1820 = arith.constant 592 : index
      %swap3A_1821 = tpu.vector_load %arg9[%swap3A_1819, %swap3A_1820] {strides = array<i32>} : memref<8x1024xf32, #tpu.memory_space<vmem>>, vector<1x16xf32>,
      %swap3A_1822 = vector.shape_cast %swap3A_1821 : vector<1x16xf32> to vector<16xf32>
      %swap3A_1823 = vector.shape_cast %get3A_1781 : vector<16xf32> to vector<1x16xf32>
      tpu.vector_store %arg9[%swap3A_1819, %swap3A_1820], %swap3A_1823 {strides = array<i32>} : memref<8x1024xf32, #tpu.memory_space<vmem>>, vector<1x16xf32>,
      %get3A_1824 = arith.constant 0 : i32
      %get3A_1825 = arith.index_cast %get3A_1824 : i32 to index
      %get3A_1826 = arith.constant 608 : index
      %get3A_1827 = tpu.vector_load %arg9[%get3A_1825, %get3A_1826] {strides = array<i32>} : memref<8x1024xf32, #tpu.memory_space<vmem>>, vector<1x16xf32>,
      %get3A_1828 = vector.shape_cast %get3A_1827 : vector<1x16xf32> to vector<16xf32>
      %swap3A_1829 = arith.constant 1 : i32
      %swap3A_1830 = arith.index_cast %swap3A_1829 : i32 to index
      %swap3A_1831 = arith.constant 608 : index
      %swap3A_1832 = tpu.vector_load %arg9[%swap3A_1830, %swap3A_1831] {strides = array<i32>} : memref<8x1024xf32, #tpu.memory_space<vmem>>, vector<1x16xf32>,
      %swap3A_1833 = vector.shape_cast %swap3A_1832 : vector<1x16xf32> to vector<16xf32>
      %swap3A_1834 = vector.shape_cast %get3A_1828 : vector<16xf32> to vector<1x16xf32>
      tpu.vector_store %arg9[%swap3A_1830, %swap3A_1831], %swap3A_1834 {strides = array<i32>} : memref<8x1024xf32, #tpu.memory_space<vmem>>, vector<1x16xf32>,
      %swap3A_1835 = arith.constant 2 : i32
      %swap3A_1836 = arith.index_cast %swap3A_1835 : i32 to index
      %swap3A_1837 = arith.constant 608 : index
      %swap3A_1838 = tpu.vector_load %arg9[%swap3A_1836, %swap3A_1837] {strides = array<i32>} : memref<8x1024xf32, #tpu.memory_space<vmem>>, vector<1x16xf32>,
      %swap3A_1839 = vector.shape_cast %swap3A_1838 : vector<1x16xf32> to vector<16xf32>
      %swap3A_1840 = vector.shape_cast %get3A_1828 : vector<16xf32> to vector<1x16xf32>
      tpu.vector_store %arg9[%swap3A_1836, %swap3A_1837], %swap3A_1840 {strides = array<i32>} : memref<8x1024xf32, #tpu.memory_space<vmem>>, vector<1x16xf32>,
      %swap3A_1841 = arith.constant 3 : i32
      %swap3A_1842 = arith.index_cast %swap3A_1841 : i32 to index
      %swap3A_1843 = arith.constant 608 : index
      %swap3A_1844 = tpu.vector_load %arg9[%swap3A_1842, %swap3A_1843] {strides = array<i32>} : memref<8x1024xf32, #tpu.memory_space<vmem>>, vector<1x16xf32>,
      %swap3A_1845 = vector.shape_cast %swap3A_1844 : vector<1x16xf32> to vector<16xf32>
      %swap3A_1846 = vector.shape_cast %get3A_1828 : vector<16xf32> to vector<1x16xf32>
      tpu.vector_store %arg9[%swap3A_1842, %swap3A_1843], %swap3A_1846 {strides = array<i32>} : memref<8x1024xf32, #tpu.memory_space<vmem>>, vector<1x16xf32>,
      %swap3A_1847 = arith.constant 4 : i32
      %swap3A_1848 = arith.index_cast %swap3A_1847 : i32 to index
      %swap3A_1849 = arith.constant 608 : index
      %swap3A_1850 = tpu.vector_load %arg9[%swap3A_1848, %swap3A_1849] {strides = array<i32>} : memref<8x1024xf32, #tpu.memory_space<vmem>>, vector<1x16xf32>,
      %swap3A_1851 = vector.shape_cast %swap3A_1850 : vector<1x16xf32> to vector<16xf32>
      %swap3A_1852 = vector.shape_cast %get3A_1828 : vector<16xf32> to vector<1x16xf32>
      tpu.vector_store %arg9[%swap3A_1848, %swap3A_1849], %swap3A_1852 {strides = array<i32>} : memref<8x1024xf32, #tpu.memory_space<vmem>>, vector<1x16xf32>,
      %swap3A_1853 = arith.constant 5 : i32
      %swap3A_1854 = arith.index_cast %swap3A_1853 : i32 to index
      %swap3A_1855 = arith.constant 608 : index
      %swap3A_1856 = tpu.vector_load %arg9[%swap3A_1854, %swap3A_1855] {strides = array<i32>} : memref<8x1024xf32, #tpu.memory_space<vmem>>, vector<1x16xf32>,
      %swap3A_1857 = vector.shape_cast %swap3A_1856 : vector<1x16xf32> to vector<16xf32>
      %swap3A_1858 = vector.shape_cast %get3A_1828 : vector<16xf32> to vector<1x16xf32>
      tpu.vector_store %arg9[%swap3A_1854, %swap3A_1855], %swap3A_1858 {strides = array<i32>} : memref<8x1024xf32, #tpu.memory_space<vmem>>, vector<1x16xf32>,
      %swap3A_1859 = arith.constant 6 : i32
      %swap3A_1860 = arith.index_cast %swap3A_1859 : i32 to index
      %swap3A_1861 = arith.constant 608 : index
      %swap3A_1862 = tpu.vector_load %arg9[%swap3A_1860, %swap3A_1861] {strides = array<i32>} : memref<8x1024xf32, #tpu.memory_space<vmem>>, vector<1x16xf32>,
      %swap3A_1863 = vector.shape_cast %swap3A_1862 : vector<1x16xf32> to vector<16xf32>
      %swap3A_1864 = vector.shape_cast %get3A_1828 : vector<16xf32> to vector<1x16xf32>
      tpu.vector_store %arg9[%swap3A_1860, %swap3A_1861], %swap3A_1864 {strides = array<i32>} : memref<8x1024xf32, #tpu.memory_space<vmem>>, vector<1x16xf32>,
      %swap3A_1865 = arith.constant 7 : i32
      %swap3A_1866 = arith.index_cast %swap3A_1865 : i32 to index
      %swap3A_1867 = arith.constant 608 : index
      %swap3A_1868 = tpu.vector_load %arg9[%swap3A_1866, %swap3A_1867] {strides = array<i32>} : memref<8x1024xf32, #tpu.memory_space<vmem>>, vector<1x16xf32>,
      %swap3A_1869 = vector.shape_cast %swap3A_1868 : vector<1x16xf32> to vector<16xf32>
      %swap3A_1870 = vector.shape_cast %get3A_1828 : vector<16xf32> to vector<1x16xf32>
      tpu.vector_store %arg9[%swap3A_1866, %swap3A_1867], %swap3A_1870 {strides = array<i32>} : memref<8x1024xf32, #tpu.memory_space<vmem>>, vector<1x16xf32>,
      %get3A_1871 = arith.constant 0 : i32
      %get3A_1872 = arith.index_cast %get3A_1871 : i32 to index
      %get3A_1873 = arith.constant 624 : index
      %get3A_1874 = tpu.vector_load %arg9[%get3A_1872, %get3A_1873] {strides = array<i32>} : memref<8x1024xf32, #tpu.memory_space<vmem>>, vector<1x16xf32>,
      %get3A_1875 = vector.shape_cast %get3A_1874 : vector<1x16xf32> to vector<16xf32>
      %swap3A_1876 = arith.constant 1 : i32
      %swap3A_1877 = arith.index_cast %swap3A_1876 : i32 to index
      %swap3A_1878 = arith.constant 624 : index
      %swap3A_1879 = tpu.vector_load %arg9[%swap3A_1877, %swap3A_1878] {strides = array<i32>} : memref<8x1024xf32, #tpu.memory_space<vmem>>, vector<1x16xf32>,
      %swap3A_1880 = vector.shape_cast %swap3A_1879 : vector<1x16xf32> to vector<16xf32>
      %swap3A_1881 = vector.shape_cast %get3A_1875 : vector<16xf32> to vector<1x16xf32>
      tpu.vector_store %arg9[%swap3A_1877, %swap3A_1878], %swap3A_1881 {strides = array<i32>} : memref<8x1024xf32, #tpu.memory_space<vmem>>, vector<1x16xf32>,
      %swap3A_1882 = arith.constant 2 : i32
      %swap3A_1883 = arith.index_cast %swap3A_1882 : i32 to index
      %swap3A_1884 = arith.constant 624 : index
      %swap3A_1885 = tpu.vector_load %arg9[%swap3A_1883, %swap3A_1884] {strides = array<i32>} : memref<8x1024xf32, #tpu.memory_space<vmem>>, vector<1x16xf32>,
      %swap3A_1886 = vector.shape_cast %swap3A_1885 : vector<1x16xf32> to vector<16xf32>
      %swap3A_1887 = vector.shape_cast %get3A_1875 : vector<16xf32> to vector<1x16xf32>
      tpu.vector_store %arg9[%swap3A_1883, %swap3A_1884], %swap3A_1887 {strides = array<i32>} : memref<8x1024xf32, #tpu.memory_space<vmem>>, vector<1x16xf32>,
      %swap3A_1888 = arith.constant 3 : i32
      %swap3A_1889 = arith.index_cast %swap3A_1888 : i32 to index
      %swap3A_1890 = arith.constant 624 : index
      %swap3A_1891 = tpu.vector_load %arg9[%swap3A_1889, %swap3A_1890] {strides = array<i32>} : memref<8x1024xf32, #tpu.memory_space<vmem>>, vector<1x16xf32>,
      %swap3A_1892 = vector.shape_cast %swap3A_1891 : vector<1x16xf32> to vector<16xf32>
      %swap3A_1893 = vector.shape_cast %get3A_1875 : vector<16xf32> to vector<1x16xf32>
      tpu.vector_store %arg9[%swap3A_1889, %swap3A_1890], %swap3A_1893 {strides = array<i32>} : memref<8x1024xf32, #tpu.memory_space<vmem>>, vector<1x16xf32>,
      %swap3A_1894 = arith.constant 4 : i32
      %swap3A_1895 = arith.index_cast %swap3A_1894 : i32 to index
      %swap3A_1896 = arith.constant 624 : index
      %swap3A_1897 = tpu.vector_load %arg9[%swap3A_1895, %swap3A_1896] {strides = array<i32>} : memref<8x1024xf32, #tpu.memory_space<vmem>>, vector<1x16xf32>,
      %swap3A_1898 = vector.shape_cast %swap3A_1897 : vector<1x16xf32> to vector<16xf32>
      %swap3A_1899 = vector.shape_cast %get3A_1875 : vector<16xf32> to vector<1x16xf32>
      tpu.vector_store %arg9[%swap3A_1895, %swap3A_1896], %swap3A_1899 {strides = array<i32>} : memref<8x1024xf32, #tpu.memory_space<vmem>>, vector<1x16xf32>,
      %swap3A_1900 = arith.constant 5 : i32
      %swap3A_1901 = arith.index_cast %swap3A_1900 : i32 to index
      %swap3A_1902 = arith.constant 624 : index
      %swap3A_1903 = tpu.vector_load %arg9[%swap3A_1901, %swap3A_1902] {strides = array<i32>} : memref<8x1024xf32, #tpu.memory_space<vmem>>, vector<1x16xf32>,
      %swap3A_1904 = vector.shape_cast %swap3A_1903 : vector<1x16xf32> to vector<16xf32>
      %swap3A_1905 = vector.shape_cast %get3A_1875 : vector<16xf32> to vector<1x16xf32>
      tpu.vector_store %arg9[%swap3A_1901, %swap3A_1902], %swap3A_1905 {strides = array<i32>} : memref<8x1024xf32, #tpu.memory_space<vmem>>, vector<1x16xf32>,
      %swap3A_1906 = arith.constant 6 : i32
      %swap3A_1907 = arith.index_cast %swap3A_1906 : i32 to index
      %swap3A_1908 = arith.constant 624 : index
      %swap3A_1909 = tpu.vector_load %arg9[%swap3A_1907, %swap3A_1908] {strides = array<i32>} : memref<8x1024xf32, #tpu.memory_space<vmem>>, vector<1x16xf32>,
      %swap3A_1910 = vector.shape_cast %swap3A_1909 : vector<1x16xf32> to vector<16xf32>
      %swap3A_1911 = vector.shape_cast %get3A_1875 : vector<16xf32> to vector<1x16xf32>
      tpu.vector_store %arg9[%swap3A_1907, %swap3A_1908], %swap3A_1911 {strides = array<i32>} : memref<8x1024xf32, #tpu.memory_space<vmem>>, vector<1x16xf32>,
      %swap3A_1912 = arith.constant 7 : i32
      %swap3A_1913 = arith.index_cast %swap3A_1912 : i32 to index
      %swap3A_1914 = arith.constant 624 : index
      %swap3A_1915 = tpu.vector_load %arg9[%swap3A_1913, %swap3A_1914] {strides = array<i32>} : memref<8x1024xf32, #tpu.memory_space<vmem>>, vector<1x16xf32>,
      %swap3A_1916 = vector.shape_cast %swap3A_1915 : vector<1x16xf32> to vector<16xf32>
      %swap3A_1917 = vector.shape_cast %get3A_1875 : vector<16xf32> to vector<1x16xf32>
      tpu.vector_store %arg9[%swap3A_1913, %swap3A_1914], %swap3A_1917 {strides = array<i32>} : memref<8x1024xf32, #tpu.memory_space<vmem>>, vector<1x16xf32>,
      %get3A_1918 = arith.constant 0 : i32
      %get3A_1919 = arith.index_cast %get3A_1918 : i32 to index
      %get3A_1920 = arith.constant 640 : index
      %get3A_1921 = tpu.vector_load %arg9[%get3A_1919, %get3A_1920] {strides = array<i32>} : memref<8x1024xf32, #tpu.memory_space<vmem>>, vector<1x16xf32>,
      %get3A_1922 = vector.shape_cast %get3A_1921 : vector<1x16xf32> to vector<16xf32>
      %swap3A_1923 = arith.constant 1 : i32
      %swap3A_1924 = arith.index_cast %swap3A_1923 : i32 to index
      %swap3A_1925 = arith.constant 640 : index
      %swap3A_1926 = tpu.vector_load %arg9[%swap3A_1924, %swap3A_1925] {strides = array<i32>} : memref<8x1024xf32, #tpu.memory_space<vmem>>, vector<1x16xf32>,
      %swap3A_1927 = vector.shape_cast %swap3A_1926 : vector<1x16xf32> to vector<16xf32>
      %swap3A_1928 = vector.shape_cast %get3A_1922 : vector<16xf32> to vector<1x16xf32>
      tpu.vector_store %arg9[%swap3A_1924, %swap3A_1925], %swap3A_1928 {strides = array<i32>} : memref<8x1024xf32, #tpu.memory_space<vmem>>, vector<1x16xf32>,
      %swap3A_1929 = arith.constant 2 : i32
      %swap3A_1930 = arith.index_cast %swap3A_1929 : i32 to index
      %swap3A_1931 = arith.constant 640 : index
      %swap3A_1932 = tpu.vector_load %arg9[%swap3A_1930, %swap3A_1931] {strides = array<i32>} : memref<8x1024xf32, #tpu.memory_space<vmem>>, vector<1x16xf32>,
      %swap3A_1933 = vector.shape_cast %swap3A_1932 : vector<1x16xf32> to vector<16xf32>
      %swap3A_1934 = vector.shape_cast %get3A_1922 : vector<16xf32> to vector<1x16xf32>
      tpu.vector_store %arg9[%swap3A_1930, %swap3A_1931], %swap3A_1934 {strides = array<i32>} : memref<8x1024xf32, #tpu.memory_space<vmem>>, vector<1x16xf32>,
      %swap3A_1935 = arith.constant 3 : i32
      %swap3A_1936 = arith.index_cast %swap3A_1935 : i32 to index
      %swap3A_1937 = arith.constant 640 : index
      %swap3A_1938 = tpu.vector_load %arg9[%swap3A_1936, %swap3A_1937] {strides = array<i32>} : memref<8x1024xf32, #tpu.memory_space<vmem>>, vector<1x16xf32>,
      %swap3A_1939 = vector.shape_cast %swap3A_1938 : vector<1x16xf32> to vector<16xf32>
      %swap3A_1940 = vector.shape_cast %get3A_1922 : vector<16xf32> to vector<1x16xf32>
      tpu.vector_store %arg9[%swap3A_1936, %swap3A_1937], %swap3A_1940 {strides = array<i32>} : memref<8x1024xf32, #tpu.memory_space<vmem>>, vector<1x16xf32>,
      %swap3A_1941 = arith.constant 4 : i32
      %swap3A_1942 = arith.index_cast %swap3A_1941 : i32 to index
      %swap3A_1943 = arith.constant 640 : index
      %swap3A_1944 = tpu.vector_load %arg9[%swap3A_1942, %swap3A_1943] {strides = array<i32>} : memref<8x1024xf32, #tpu.memory_space<vmem>>, vector<1x16xf32>,
      %swap3A_1945 = vector.shape_cast %swap3A_1944 : vector<1x16xf32> to vector<16xf32>
      %swap3A_1946 = vector.shape_cast %get3A_1922 : vector<16xf32> to vector<1x16xf32>
      tpu.vector_store %arg9[%swap3A_1942, %swap3A_1943], %swap3A_1946 {strides = array<i32>} : memref<8x1024xf32, #tpu.memory_space<vmem>>, vector<1x16xf32>,
      %swap3A_1947 = arith.constant 5 : i32
      %swap3A_1948 = arith.index_cast %swap3A_1947 : i32 to index
      %swap3A_1949 = arith.constant 640 : index
      %swap3A_1950 = tpu.vector_load %arg9[%swap3A_1948, %swap3A_1949] {strides = array<i32>} : memref<8x1024xf32, #tpu.memory_space<vmem>>, vector<1x16xf32>,
      %swap3A_1951 = vector.shape_cast %swap3A_1950 : vector<1x16xf32> to vector<16xf32>
      %swap3A_1952 = vector.shape_cast %get3A_1922 : vector<16xf32> to vector<1x16xf32>
      tpu.vector_store %arg9[%swap3A_1948, %swap3A_1949], %swap3A_1952 {strides = array<i32>} : memref<8x1024xf32, #tpu.memory_space<vmem>>, vector<1x16xf32>,
      %swap3A_1953 = arith.constant 6 : i32
      %swap3A_1954 = arith.index_cast %swap3A_1953 : i32 to index
      %swap3A_1955 = arith.constant 640 : index
      %swap3A_1956 = tpu.vector_load %arg9[%swap3A_1954, %swap3A_1955] {strides = array<i32>} : memref<8x1024xf32, #tpu.memory_space<vmem>>, vector<1x16xf32>,
      %swap3A_1957 = vector.shape_cast %swap3A_1956 : vector<1x16xf32> to vector<16xf32>
      %swap3A_1958 = vector.shape_cast %get3A_1922 : vector<16xf32> to vector<1x16xf32>
      tpu.vector_store %arg9[%swap3A_1954, %swap3A_1955], %swap3A_1958 {strides = array<i32>} : memref<8x1024xf32, #tpu.memory_space<vmem>>, vector<1x16xf32>,
      %swap3A_1959 = arith.constant 7 : i32
      %swap3A_1960 = arith.index_cast %swap3A_1959 : i32 to index
      %swap3A_1961 = arith.constant 640 : index
      %swap3A_1962 = tpu.vector_load %arg9[%swap3A_1960, %swap3A_1961] {strides = array<i32>} : memref<8x1024xf32, #tpu.memory_space<vmem>>, vector<1x16xf32>,
      %swap3A_1963 = vector.shape_cast %swap3A_1962 : vector<1x16xf32> to vector<16xf32>
      %swap3A_1964 = vector.shape_cast %get3A_1922 : vector<16xf32> to vector<1x16xf32>
      tpu.vector_store %arg9[%swap3A_1960, %swap3A_1961], %swap3A_1964 {strides = array<i32>} : memref<8x1024xf32, #tpu.memory_space<vmem>>, vector<1x16xf32>,
      %get3A_1965 = arith.constant 0 : i32
      %get3A_1966 = arith.index_cast %get3A_1965 : i32 to index
      %get3A_1967 = arith.constant 656 : index
      %get3A_1968 = tpu.vector_load %arg9[%get3A_1966, %get3A_1967] {strides = array<i32>} : memref<8x1024xf32, #tpu.memory_space<vmem>>, vector<1x16xf32>,
      %get3A_1969 = vector.shape_cast %get3A_1968 : vector<1x16xf32> to vector<16xf32>
      %swap3A_1970 = arith.constant 1 : i32
      %swap3A_1971 = arith.index_cast %swap3A_1970 : i32 to index
      %swap3A_1972 = arith.constant 656 : index
      %swap3A_1973 = tpu.vector_load %arg9[%swap3A_1971, %swap3A_1972] {strides = array<i32>} : memref<8x1024xf32, #tpu.memory_space<vmem>>, vector<1x16xf32>,
      %swap3A_1974 = vector.shape_cast %swap3A_1973 : vector<1x16xf32> to vector<16xf32>
      %swap3A_1975 = vector.shape_cast %get3A_1969 : vector<16xf32> to vector<1x16xf32>
      tpu.vector_store %arg9[%swap3A_1971, %swap3A_1972], %swap3A_1975 {strides = array<i32>} : memref<8x1024xf32, #tpu.memory_space<vmem>>, vector<1x16xf32>,
      %swap3A_1976 = arith.constant 2 : i32
      %swap3A_1977 = arith.index_cast %swap3A_1976 : i32 to index
      %swap3A_1978 = arith.constant 656 : index
      %swap3A_1979 = tpu.vector_load %arg9[%swap3A_1977, %swap3A_1978] {strides = array<i32>} : memref<8x1024xf32, #tpu.memory_space<vmem>>, vector<1x16xf32>,
      %swap3A_1980 = vector.shape_cast %swap3A_1979 : vector<1x16xf32> to vector<16xf32>
      %swap3A_1981 = vector.shape_cast %get3A_1969 : vector<16xf32> to vector<1x16xf32>
      tpu.vector_store %arg9[%swap3A_1977, %swap3A_1978], %swap3A_1981 {strides = array<i32>} : memref<8x1024xf32, #tpu.memory_space<vmem>>, vector<1x16xf32>,
      %swap3A_1982 = arith.constant 3 : i32
      %swap3A_1983 = arith.index_cast %swap3A_1982 : i32 to index
      %swap3A_1984 = arith.constant 656 : index
      %swap3A_1985 = tpu.vector_load %arg9[%swap3A_1983, %swap3A_1984] {strides = array<i32>} : memref<8x1024xf32, #tpu.memory_space<vmem>>, vector<1x16xf32>,
      %swap3A_1986 = vector.shape_cast %swap3A_1985 : vector<1x16xf32> to vector<16xf32>
      %swap3A_1987 = vector.shape_cast %get3A_1969 : vector<16xf32> to vector<1x16xf32>
      tpu.vector_store %arg9[%swap3A_1983, %swap3A_1984], %swap3A_1987 {strides = array<i32>} : memref<8x1024xf32, #tpu.memory_space<vmem>>, vector<1x16xf32>,
      %swap3A_1988 = arith.constant 4 : i32
      %swap3A_1989 = arith.index_cast %swap3A_1988 : i32 to index
      %swap3A_1990 = arith.constant 656 : index
      %swap3A_1991 = tpu.vector_load %arg9[%swap3A_1989, %swap3A_1990] {strides = array<i32>} : memref<8x1024xf32, #tpu.memory_space<vmem>>, vector<1x16xf32>,
      %swap3A_1992 = vector.shape_cast %swap3A_1991 : vector<1x16xf32> to vector<16xf32>
      %swap3A_1993 = vector.shape_cast %get3A_1969 : vector<16xf32> to vector<1x16xf32>
      tpu.vector_store %arg9[%swap3A_1989, %swap3A_1990], %swap3A_1993 {strides = array<i32>} : memref<8x1024xf32, #tpu.memory_space<vmem>>, vector<1x16xf32>,
      %swap3A_1994 = arith.constant 5 : i32
      %swap3A_1995 = arith.index_cast %swap3A_1994 : i32 to index
      %swap3A_1996 = arith.constant 656 : index
      %swap3A_1997 = tpu.vector_load %arg9[%swap3A_1995, %swap3A_1996] {strides = array<i32>} : memref<8x1024xf32, #tpu.memory_space<vmem>>, vector<1x16xf32>,
      %swap3A_1998 = vector.shape_cast %swap3A_1997 : vector<1x16xf32> to vector<16xf32>
      %swap3A_1999 = vector.shape_cast %get3A_1969 : vector<16xf32> to vector<1x16xf32>
      tpu.vector_store %arg9[%swap3A_1995, %swap3A_1996], %swap3A_1999 {strides = array<i32>} : memref<8x1024xf32, #tpu.memory_space<vmem>>, vector<1x16xf32>,
      %swap3A_2000 = arith.constant 6 : i32
      %swap3A_2001 = arith.index_cast %swap3A_2000 : i32 to index
      %swap3A_2002 = arith.constant 656 : index
      %swap3A_2003 = tpu.vector_load %arg9[%swap3A_2001, %swap3A_2002] {strides = array<i32>} : memref<8x1024xf32, #tpu.memory_space<vmem>>, vector<1x16xf32>,
      %swap3A_2004 = vector.shape_cast %swap3A_2003 : vector<1x16xf32> to vector<16xf32>
      %swap3A_2005 = vector.shape_cast %get3A_1969 : vector<16xf32> to vector<1x16xf32>
      tpu.vector_store %arg9[%swap3A_2001, %swap3A_2002], %swap3A_2005 {strides = array<i32>} : memref<8x1024xf32, #tpu.memory_space<vmem>>, vector<1x16xf32>,
      %swap3A_2006 = arith.constant 7 : i32
      %swap3A_2007 = arith.index_cast %swap3A_2006 : i32 to index
      %swap3A_2008 = arith.constant 656 : index
      %swap3A_2009 = tpu.vector_load %arg9[%swap3A_2007, %swap3A_2008] {strides = array<i32>} : memref<8x1024xf32, #tpu.memory_space<vmem>>, vector<1x16xf32>,
      %swap3A_2010 = vector.shape_cast %swap3A_2009 : vector<1x16xf32> to vector<16xf32>
      %swap3A_2011 = vector.shape_cast %get3A_1969 : vector<16xf32> to vector<1x16xf32>
      tpu.vector_store %arg9[%swap3A_2007, %swap3A_2008], %swap3A_2011 {strides = array<i32>} : memref<8x1024xf32, #tpu.memory_space<vmem>>, vector<1x16xf32>,
      %get3A_2012 = arith.constant 0 : i32
      %get3A_2013 = arith.index_cast %get3A_2012 : i32 to index
      %get3A_2014 = arith.constant 672 : index
      %get3A_2015 = tpu.vector_load %arg9[%get3A_2013, %get3A_2014] {strides = array<i32>} : memref<8x1024xf32, #tpu.memory_space<vmem>>, vector<1x16xf32>,
      %get3A_2016 = vector.shape_cast %get3A_2015 : vector<1x16xf32> to vector<16xf32>
      %swap3A_2017 = arith.constant 1 : i32
      %swap3A_2018 = arith.index_cast %swap3A_2017 : i32 to index
      %swap3A_2019 = arith.constant 672 : index
      %swap3A_2020 = tpu.vector_load %arg9[%swap3A_2018, %swap3A_2019] {strides = array<i32>} : memref<8x1024xf32, #tpu.memory_space<vmem>>, vector<1x16xf32>,
      %swap3A_2021 = vector.shape_cast %swap3A_2020 : vector<1x16xf32> to vector<16xf32>
      %swap3A_2022 = vector.shape_cast %get3A_2016 : vector<16xf32> to vector<1x16xf32>
      tpu.vector_store %arg9[%swap3A_2018, %swap3A_2019], %swap3A_2022 {strides = array<i32>} : memref<8x1024xf32, #tpu.memory_space<vmem>>, vector<1x16xf32>,
      %swap3A_2023 = arith.constant 2 : i32
      %swap3A_2024 = arith.index_cast %swap3A_2023 : i32 to index
      %swap3A_2025 = arith.constant 672 : index
      %swap3A_2026 = tpu.vector_load %arg9[%swap3A_2024, %swap3A_2025] {strides = array<i32>} : memref<8x1024xf32, #tpu.memory_space<vmem>>, vector<1x16xf32>,
      %swap3A_2027 = vector.shape_cast %swap3A_2026 : vector<1x16xf32> to vector<16xf32>
      %swap3A_2028 = vector.shape_cast %get3A_2016 : vector<16xf32> to vector<1x16xf32>
      tpu.vector_store %arg9[%swap3A_2024, %swap3A_2025], %swap3A_2028 {strides = array<i32>} : memref<8x1024xf32, #tpu.memory_space<vmem>>, vector<1x16xf32>,
      %swap3A_2029 = arith.constant 3 : i32
      %swap3A_2030 = arith.index_cast %swap3A_2029 : i32 to index
      %swap3A_2031 = arith.constant 672 : index
      %swap3A_2032 = tpu.vector_load %arg9[%swap3A_2030, %swap3A_2031] {strides = array<i32>} : memref<8x1024xf32, #tpu.memory_space<vmem>>, vector<1x16xf32>,
      %swap3A_2033 = vector.shape_cast %swap3A_2032 : vector<1x16xf32> to vector<16xf32>
      %swap3A_2034 = vector.shape_cast %get3A_2016 : vector<16xf32> to vector<1x16xf32>
      tpu.vector_store %arg9[%swap3A_2030, %swap3A_2031], %swap3A_2034 {strides = array<i32>} : memref<8x1024xf32, #tpu.memory_space<vmem>>, vector<1x16xf32>,
      %swap3A_2035 = arith.constant 4 : i32
      %swap3A_2036 = arith.index_cast %swap3A_2035 : i32 to index
      %swap3A_2037 = arith.constant 672 : index
      %swap3A_2038 = tpu.vector_load %arg9[%swap3A_2036, %swap3A_2037] {strides = array<i32>} : memref<8x1024xf32, #tpu.memory_space<vmem>>, vector<1x16xf32>,
      %swap3A_2039 = vector.shape_cast %swap3A_2038 : vector<1x16xf32> to vector<16xf32>
      %swap3A_2040 = vector.shape_cast %get3A_2016 : vector<16xf32> to vector<1x16xf32>
      tpu.vector_store %arg9[%swap3A_2036, %swap3A_2037], %swap3A_2040 {strides = array<i32>} : memref<8x1024xf32, #tpu.memory_space<vmem>>, vector<1x16xf32>,
      %swap3A_2041 = arith.constant 5 : i32
      %swap3A_2042 = arith.index_cast %swap3A_2041 : i32 to index
      %swap3A_2043 = arith.constant 672 : index
      %swap3A_2044 = tpu.vector_load %arg9[%swap3A_2042, %swap3A_2043] {strides = array<i32>} : memref<8x1024xf32, #tpu.memory_space<vmem>>, vector<1x16xf32>,
      %swap3A_2045 = vector.shape_cast %swap3A_2044 : vector<1x16xf32> to vector<16xf32>
      %swap3A_2046 = vector.shape_cast %get3A_2016 : vector<16xf32> to vector<1x16xf32>
      tpu.vector_store %arg9[%swap3A_2042, %swap3A_2043], %swap3A_2046 {strides = array<i32>} : memref<8x1024xf32, #tpu.memory_space<vmem>>, vector<1x16xf32>,
      %swap3A_2047 = arith.constant 6 : i32
      %swap3A_2048 = arith.index_cast %swap3A_2047 : i32 to index
      %swap3A_2049 = arith.constant 672 : index
      %swap3A_2050 = tpu.vector_load %arg9[%swap3A_2048, %swap3A_2049] {strides = array<i32>} : memref<8x1024xf32, #tpu.memory_space<vmem>>, vector<1x16xf32>,
      %swap3A_2051 = vector.shape_cast %swap3A_2050 : vector<1x16xf32> to vector<16xf32>
      %swap3A_2052 = vector.shape_cast %get3A_2016 : vector<16xf32> to vector<1x16xf32>
      tpu.vector_store %arg9[%swap3A_2048, %swap3A_2049], %swap3A_2052 {strides = array<i32>} : memref<8x1024xf32, #tpu.memory_space<vmem>>, vector<1x16xf32>,
      %swap3A_2053 = arith.constant 7 : i32
      %swap3A_2054 = arith.index_cast %swap3A_2053 : i32 to index
      %swap3A_2055 = arith.constant 672 : index
      %swap3A_2056 = tpu.vector_load %arg9[%swap3A_2054, %swap3A_2055] {strides = array<i32>} : memref<8x1024xf32, #tpu.memory_space<vmem>>, vector<1x16xf32>,
      %swap3A_2057 = vector.shape_cast %swap3A_2056 : vector<1x16xf32> to vector<16xf32>
      %swap3A_2058 = vector.shape_cast %get3A_2016 : vector<16xf32> to vector<1x16xf32>
      tpu.vector_store %arg9[%swap3A_2054, %swap3A_2055], %swap3A_2058 {strides = array<i32>} : memref<8x1024xf32, #tpu.memory_space<vmem>>, vector<1x16xf32>,
      %get3A_2059 = arith.constant 0 : i32
      %get3A_2060 = arith.index_cast %get3A_2059 : i32 to index
      %get3A_2061 = arith.constant 688 : index
      %get3A_2062 = tpu.vector_load %arg9[%get3A_2060, %get3A_2061] {strides = array<i32>} : memref<8x1024xf32, #tpu.memory_space<vmem>>, vector<1x16xf32>,
      %get3A_2063 = vector.shape_cast %get3A_2062 : vector<1x16xf32> to vector<16xf32>
      %swap3A_2064 = arith.constant 1 : i32
      %swap3A_2065 = arith.index_cast %swap3A_2064 : i32 to index
      %swap3A_2066 = arith.constant 688 : index
      %swap3A_2067 = tpu.vector_load %arg9[%swap3A_2065, %swap3A_2066] {strides = array<i32>} : memref<8x1024xf32, #tpu.memory_space<vmem>>, vector<1x16xf32>,
      %swap3A_2068 = vector.shape_cast %swap3A_2067 : vector<1x16xf32> to vector<16xf32>
      %swap3A_2069 = vector.shape_cast %get3A_2063 : vector<16xf32> to vector<1x16xf32>
      tpu.vector_store %arg9[%swap3A_2065, %swap3A_2066], %swap3A_2069 {strides = array<i32>} : memref<8x1024xf32, #tpu.memory_space<vmem>>, vector<1x16xf32>,
      %swap3A_2070 = arith.constant 2 : i32
      %swap3A_2071 = arith.index_cast %swap3A_2070 : i32 to index
      %swap3A_2072 = arith.constant 688 : index
      %swap3A_2073 = tpu.vector_load %arg9[%swap3A_2071, %swap3A_2072] {strides = array<i32>} : memref<8x1024xf32, #tpu.memory_space<vmem>>, vector<1x16xf32>,
      %swap3A_2074 = vector.shape_cast %swap3A_2073 : vector<1x16xf32> to vector<16xf32>
      %swap3A_2075 = vector.shape_cast %get3A_2063 : vector<16xf32> to vector<1x16xf32>
      tpu.vector_store %arg9[%swap3A_2071, %swap3A_2072], %swap3A_2075 {strides = array<i32>} : memref<8x1024xf32, #tpu.memory_space<vmem>>, vector<1x16xf32>,
      %swap3A_2076 = arith.constant 3 : i32
      %swap3A_2077 = arith.index_cast %swap3A_2076 : i32 to index
      %swap3A_2078 = arith.constant 688 : index
      %swap3A_2079 = tpu.vector_load %arg9[%swap3A_2077, %swap3A_2078] {strides = array<i32>} : memref<8x1024xf32, #tpu.memory_space<vmem>>, vector<1x16xf32>,
      %swap3A_2080 = vector.shape_cast %swap3A_2079 : vector<1x16xf32> to vector<16xf32>
      %swap3A_2081 = vector.shape_cast %get3A_2063 : vector<16xf32> to vector<1x16xf32>
      tpu.vector_store %arg9[%swap3A_2077, %swap3A_2078], %swap3A_2081 {strides = array<i32>} : memref<8x1024xf32, #tpu.memory_space<vmem>>, vector<1x16xf32>,
      %swap3A_2082 = arith.constant 4 : i32
      %swap3A_2083 = arith.index_cast %swap3A_2082 : i32 to index
      %swap3A_2084 = arith.constant 688 : index
      %swap3A_2085 = tpu.vector_load %arg9[%swap3A_2083, %swap3A_2084] {strides = array<i32>} : memref<8x1024xf32, #tpu.memory_space<vmem>>, vector<1x16xf32>,
      %swap3A_2086 = vector.shape_cast %swap3A_2085 : vector<1x16xf32> to vector<16xf32>
      %swap3A_2087 = vector.shape_cast %get3A_2063 : vector<16xf32> to vector<1x16xf32>
      tpu.vector_store %arg9[%swap3A_2083, %swap3A_2084], %swap3A_2087 {strides = array<i32>} : memref<8x1024xf32, #tpu.memory_space<vmem>>, vector<1x16xf32>,
      %swap3A_2088 = arith.constant 5 : i32
      %swap3A_2089 = arith.index_cast %swap3A_2088 : i32 to index
      %swap3A_2090 = arith.constant 688 : index
      %swap3A_2091 = tpu.vector_load %arg9[%swap3A_2089, %swap3A_2090] {strides = array<i32>} : memref<8x1024xf32, #tpu.memory_space<vmem>>, vector<1x16xf32>,
      %swap3A_2092 = vector.shape_cast %swap3A_2091 : vector<1x16xf32> to vector<16xf32>
      %swap3A_2093 = vector.shape_cast %get3A_2063 : vector<16xf32> to vector<1x16xf32>
      tpu.vector_store %arg9[%swap3A_2089, %swap3A_2090], %swap3A_2093 {strides = array<i32>} : memref<8x1024xf32, #tpu.memory_space<vmem>>, vector<1x16xf32>,
      %swap3A_2094 = arith.constant 6 : i32
      %swap3A_2095 = arith.index_cast %swap3A_2094 : i32 to index
      %swap3A_2096 = arith.constant 688 : index
      %swap3A_2097 = tpu.vector_load %arg9[%swap3A_2095, %swap3A_2096] {strides = array<i32>} : memref<8x1024xf32, #tpu.memory_space<vmem>>, vector<1x16xf32>,
      %swap3A_2098 = vector.shape_cast %swap3A_2097 : vector<1x16xf32> to vector<16xf32>
      %swap3A_2099 = vector.shape_cast %get3A_2063 : vector<16xf32> to vector<1x16xf32>
      tpu.vector_store %arg9[%swap3A_2095, %swap3A_2096], %swap3A_2099 {strides = array<i32>} : memref<8x1024xf32, #tpu.memory_space<vmem>>, vector<1x16xf32>,
      %swap3A_2100 = arith.constant 7 : i32
      %swap3A_2101 = arith.index_cast %swap3A_2100 : i32 to index
      %swap3A_2102 = arith.constant 688 : index
      %swap3A_2103 = tpu.vector_load %arg9[%swap3A_2101, %swap3A_2102] {strides = array<i32>} : memref<8x1024xf32, #tpu.memory_space<vmem>>, vector<1x16xf32>,
      %swap3A_2104 = vector.shape_cast %swap3A_2103 : vector<1x16xf32> to vector<16xf32>
      %swap3A_2105 = vector.shape_cast %get3A_2063 : vector<16xf32> to vector<1x16xf32>
      tpu.vector_store %arg9[%swap3A_2101, %swap3A_2102], %swap3A_2105 {strides = array<i32>} : memref<8x1024xf32, #tpu.memory_space<vmem>>, vector<1x16xf32>,
      %get3A_2106 = arith.constant 0 : i32
      %get3A_2107 = arith.index_cast %get3A_2106 : i32 to index
      %get3A_2108 = arith.constant 704 : index
      %get3A_2109 = tpu.vector_load %arg9[%get3A_2107, %get3A_2108] {strides = array<i32>} : memref<8x1024xf32, #tpu.memory_space<vmem>>, vector<1x16xf32>,
      %get3A_2110 = vector.shape_cast %get3A_2109 : vector<1x16xf32> to vector<16xf32>
      %swap3A_2111 = arith.constant 1 : i32
      %swap3A_2112 = arith.index_cast %swap3A_2111 : i32 to index
      %swap3A_2113 = arith.constant 704 : index
      %swap3A_2114 = tpu.vector_load %arg9[%swap3A_2112, %swap3A_2113] {strides = array<i32>} : memref<8x1024xf32, #tpu.memory_space<vmem>>, vector<1x16xf32>,
      %swap3A_2115 = vector.shape_cast %swap3A_2114 : vector<1x16xf32> to vector<16xf32>
      %swap3A_2116 = vector.shape_cast %get3A_2110 : vector<16xf32> to vector<1x16xf32>
      tpu.vector_store %arg9[%swap3A_2112, %swap3A_2113], %swap3A_2116 {strides = array<i32>} : memref<8x1024xf32, #tpu.memory_space<vmem>>, vector<1x16xf32>,
      %swap3A_2117 = arith.constant 2 : i32
      %swap3A_2118 = arith.index_cast %swap3A_2117 : i32 to index
      %swap3A_2119 = arith.constant 704 : index
      %swap3A_2120 = tpu.vector_load %arg9[%swap3A_2118, %swap3A_2119] {strides = array<i32>} : memref<8x1024xf32, #tpu.memory_space<vmem>>, vector<1x16xf32>,
      %swap3A_2121 = vector.shape_cast %swap3A_2120 : vector<1x16xf32> to vector<16xf32>
      %swap3A_2122 = vector.shape_cast %get3A_2110 : vector<16xf32> to vector<1x16xf32>
      tpu.vector_store %arg9[%swap3A_2118, %swap3A_2119], %swap3A_2122 {strides = array<i32>} : memref<8x1024xf32, #tpu.memory_space<vmem>>, vector<1x16xf32>,
      %swap3A_2123 = arith.constant 3 : i32
      %swap3A_2124 = arith.index_cast %swap3A_2123 : i32 to index
      %swap3A_2125 = arith.constant 704 : index
      %swap3A_2126 = tpu.vector_load %arg9[%swap3A_2124, %swap3A_2125] {strides = array<i32>} : memref<8x1024xf32, #tpu.memory_space<vmem>>, vector<1x16xf32>,
      %swap3A_2127 = vector.shape_cast %swap3A_2126 : vector<1x16xf32> to vector<16xf32>
      %swap3A_2128 = vector.shape_cast %get3A_2110 : vector<16xf32> to vector<1x16xf32>
      tpu.vector_store %arg9[%swap3A_2124, %swap3A_2125], %swap3A_2128 {strides = array<i32>} : memref<8x1024xf32, #tpu.memory_space<vmem>>, vector<1x16xf32>,
      %swap3A_2129 = arith.constant 4 : i32
      %swap3A_2130 = arith.index_cast %swap3A_2129 : i32 to index
      %swap3A_2131 = arith.constant 704 : index
      %swap3A_2132 = tpu.vector_load %arg9[%swap3A_2130, %swap3A_2131] {strides = array<i32>} : memref<8x1024xf32, #tpu.memory_space<vmem>>, vector<1x16xf32>,
      %swap3A_2133 = vector.shape_cast %swap3A_2132 : vector<1x16xf32> to vector<16xf32>
      %swap3A_2134 = vector.shape_cast %get3A_2110 : vector<16xf32> to vector<1x16xf32>
      tpu.vector_store %arg9[%swap3A_2130, %swap3A_2131], %swap3A_2134 {strides = array<i32>} : memref<8x1024xf32, #tpu.memory_space<vmem>>, vector<1x16xf32>,
      %swap3A_2135 = arith.constant 5 : i32
      %swap3A_2136 = arith.index_cast %swap3A_2135 : i32 to index
      %swap3A_2137 = arith.constant 704 : index
      %swap3A_2138 = tpu.vector_load %arg9[%swap3A_2136, %swap3A_2137] {strides = array<i32>} : memref<8x1024xf32, #tpu.memory_space<vmem>>, vector<1x16xf32>,
      %swap3A_2139 = vector.shape_cast %swap3A_2138 : vector<1x16xf32> to vector<16xf32>
      %swap3A_2140 = vector.shape_cast %get3A_2110 : vector<16xf32> to vector<1x16xf32>
      tpu.vector_store %arg9[%swap3A_2136, %swap3A_2137], %swap3A_2140 {strides = array<i32>} : memref<8x1024xf32, #tpu.memory_space<vmem>>, vector<1x16xf32>,
      %swap3A_2141 = arith.constant 6 : i32
      %swap3A_2142 = arith.index_cast %swap3A_2141 : i32 to index
      %swap3A_2143 = arith.constant 704 : index
      %swap3A_2144 = tpu.vector_load %arg9[%swap3A_2142, %swap3A_2143] {strides = array<i32>} : memref<8x1024xf32, #tpu.memory_space<vmem>>, vector<1x16xf32>,
      %swap3A_2145 = vector.shape_cast %swap3A_2144 : vector<1x16xf32> to vector<16xf32>
      %swap3A_2146 = vector.shape_cast %get3A_2110 : vector<16xf32> to vector<1x16xf32>
      tpu.vector_store %arg9[%swap3A_2142, %swap3A_2143], %swap3A_2146 {strides = array<i32>} : memref<8x1024xf32, #tpu.memory_space<vmem>>, vector<1x16xf32>,
      %swap3A_2147 = arith.constant 7 : i32
      %swap3A_2148 = arith.index_cast %swap3A_2147 : i32 to index
      %swap3A_2149 = arith.constant 704 : index
      %swap3A_2150 = tpu.vector_load %arg9[%swap3A_2148, %swap3A_2149] {strides = array<i32>} : memref<8x1024xf32, #tpu.memory_space<vmem>>, vector<1x16xf32>,
      %swap3A_2151 = vector.shape_cast %swap3A_2150 : vector<1x16xf32> to vector<16xf32>
      %swap3A_2152 = vector.shape_cast %get3A_2110 : vector<16xf32> to vector<1x16xf32>
      tpu.vector_store %arg9[%swap3A_2148, %swap3A_2149], %swap3A_2152 {strides = array<i32>} : memref<8x1024xf32, #tpu.memory_space<vmem>>, vector<1x16xf32>,
      %get3A_2153 = arith.constant 0 : i32
      %get3A_2154 = arith.index_cast %get3A_2153 : i32 to index
      %get3A_2155 = arith.constant 720 : index
      %get3A_2156 = tpu.vector_load %arg9[%get3A_2154, %get3A_2155] {strides = array<i32>} : memref<8x1024xf32, #tpu.memory_space<vmem>>, vector<1x16xf32>,
      %get3A_2157 = vector.shape_cast %get3A_2156 : vector<1x16xf32> to vector<16xf32>
      %swap3A_2158 = arith.constant 1 : i32
      %swap3A_2159 = arith.index_cast %swap3A_2158 : i32 to index
      %swap3A_2160 = arith.constant 720 : index
      %swap3A_2161 = tpu.vector_load %arg9[%swap3A_2159, %swap3A_2160] {strides = array<i32>} : memref<8x1024xf32, #tpu.memory_space<vmem>>, vector<1x16xf32>,
      %swap3A_2162 = vector.shape_cast %swap3A_2161 : vector<1x16xf32> to vector<16xf32>
      %swap3A_2163 = vector.shape_cast %get3A_2157 : vector<16xf32> to vector<1x16xf32>
      tpu.vector_store %arg9[%swap3A_2159, %swap3A_2160], %swap3A_2163 {strides = array<i32>} : memref<8x1024xf32, #tpu.memory_space<vmem>>, vector<1x16xf32>,
      %swap3A_2164 = arith.constant 2 : i32
      %swap3A_2165 = arith.index_cast %swap3A_2164 : i32 to index
      %swap3A_2166 = arith.constant 720 : index
      %swap3A_2167 = tpu.vector_load %arg9[%swap3A_2165, %swap3A_2166] {strides = array<i32>} : memref<8x1024xf32, #tpu.memory_space<vmem>>, vector<1x16xf32>,
      %swap3A_2168 = vector.shape_cast %swap3A_2167 : vector<1x16xf32> to vector<16xf32>
      %swap3A_2169 = vector.shape_cast %get3A_2157 : vector<16xf32> to vector<1x16xf32>
      tpu.vector_store %arg9[%swap3A_2165, %swap3A_2166], %swap3A_2169 {strides = array<i32>} : memref<8x1024xf32, #tpu.memory_space<vmem>>, vector<1x16xf32>,
      %swap3A_2170 = arith.constant 3 : i32
      %swap3A_2171 = arith.index_cast %swap3A_2170 : i32 to index
      %swap3A_2172 = arith.constant 720 : index
      %swap3A_2173 = tpu.vector_load %arg9[%swap3A_2171, %swap3A_2172] {strides = array<i32>} : memref<8x1024xf32, #tpu.memory_space<vmem>>, vector<1x16xf32>,
      %swap3A_2174 = vector.shape_cast %swap3A_2173 : vector<1x16xf32> to vector<16xf32>
      %swap3A_2175 = vector.shape_cast %get3A_2157 : vector<16xf32> to vector<1x16xf32>
      tpu.vector_store %arg9[%swap3A_2171, %swap3A_2172], %swap3A_2175 {strides = array<i32>} : memref<8x1024xf32, #tpu.memory_space<vmem>>, vector<1x16xf32>,
      %swap3A_2176 = arith.constant 4 : i32
      %swap3A_2177 = arith.index_cast %swap3A_2176 : i32 to index
      %swap3A_2178 = arith.constant 720 : index
      %swap3A_2179 = tpu.vector_load %arg9[%swap3A_2177, %swap3A_2178] {strides = array<i32>} : memref<8x1024xf32, #tpu.memory_space<vmem>>, vector<1x16xf32>,
      %swap3A_2180 = vector.shape_cast %swap3A_2179 : vector<1x16xf32> to vector<16xf32>
      %swap3A_2181 = vector.shape_cast %get3A_2157 : vector<16xf32> to vector<1x16xf32>
      tpu.vector_store %arg9[%swap3A_2177, %swap3A_2178], %swap3A_2181 {strides = array<i32>} : memref<8x1024xf32, #tpu.memory_space<vmem>>, vector<1x16xf32>,
      %swap3A_2182 = arith.constant 5 : i32
      %swap3A_2183 = arith.index_cast %swap3A_2182 : i32 to index
      %swap3A_2184 = arith.constant 720 : index
      %swap3A_2185 = tpu.vector_load %arg9[%swap3A_2183, %swap3A_2184] {strides = array<i32>} : memref<8x1024xf32, #tpu.memory_space<vmem>>, vector<1x16xf32>,
      %swap3A_2186 = vector.shape_cast %swap3A_2185 : vector<1x16xf32> to vector<16xf32>
      %swap3A_2187 = vector.shape_cast %get3A_2157 : vector<16xf32> to vector<1x16xf32>
      tpu.vector_store %arg9[%swap3A_2183, %swap3A_2184], %swap3A_2187 {strides = array<i32>} : memref<8x1024xf32, #tpu.memory_space<vmem>>, vector<1x16xf32>,
      %swap3A_2188 = arith.constant 6 : i32
      %swap3A_2189 = arith.index_cast %swap3A_2188 : i32 to index
      %swap3A_2190 = arith.constant 720 : index
      %swap3A_2191 = tpu.vector_load %arg9[%swap3A_2189, %swap3A_2190] {strides = array<i32>} : memref<8x1024xf32, #tpu.memory_space<vmem>>, vector<1x16xf32>,
      %swap3A_2192 = vector.shape_cast %swap3A_2191 : vector<1x16xf32> to vector<16xf32>
      %swap3A_2193 = vector.shape_cast %get3A_2157 : vector<16xf32> to vector<1x16xf32>
      tpu.vector_store %arg9[%swap3A_2189, %swap3A_2190], %swap3A_2193 {strides = array<i32>} : memref<8x1024xf32, #tpu.memory_space<vmem>>, vector<1x16xf32>,
      %swap3A_2194 = arith.constant 7 : i32
      %swap3A_2195 = arith.index_cast %swap3A_2194 : i32 to index
      %swap3A_2196 = arith.constant 720 : index
      %swap3A_2197 = tpu.vector_load %arg9[%swap3A_2195, %swap3A_2196] {strides = array<i32>} : memref<8x1024xf32, #tpu.memory_space<vmem>>, vector<1x16xf32>,
      %swap3A_2198 = vector.shape_cast %swap3A_2197 : vector<1x16xf32> to vector<16xf32>
      %swap3A_2199 = vector.shape_cast %get3A_2157 : vector<16xf32> to vector<1x16xf32>
      tpu.vector_store %arg9[%swap3A_2195, %swap3A_2196], %swap3A_2199 {strides = array<i32>} : memref<8x1024xf32, #tpu.memory_space<vmem>>, vector<1x16xf32>,
      %get3A_2200 = arith.constant 0 : i32
      %get3A_2201 = arith.index_cast %get3A_2200 : i32 to index
      %get3A_2202 = arith.constant 736 : index
      %get3A_2203 = tpu.vector_load %arg9[%get3A_2201, %get3A_2202] {strides = array<i32>} : memref<8x1024xf32, #tpu.memory_space<vmem>>, vector<1x16xf32>,
      %get3A_2204 = vector.shape_cast %get3A_2203 : vector<1x16xf32> to vector<16xf32>
      %swap3A_2205 = arith.constant 1 : i32
      %swap3A_2206 = arith.index_cast %swap3A_2205 : i32 to index
      %swap3A_2207 = arith.constant 736 : index
      %swap3A_2208 = tpu.vector_load %arg9[%swap3A_2206, %swap3A_2207] {strides = array<i32>} : memref<8x1024xf32, #tpu.memory_space<vmem>>, vector<1x16xf32>,
      %swap3A_2209 = vector.shape_cast %swap3A_2208 : vector<1x16xf32> to vector<16xf32>
      %swap3A_2210 = vector.shape_cast %get3A_2204 : vector<16xf32> to vector<1x16xf32>
      tpu.vector_store %arg9[%swap3A_2206, %swap3A_2207], %swap3A_2210 {strides = array<i32>} : memref<8x1024xf32, #tpu.memory_space<vmem>>, vector<1x16xf32>,
      %swap3A_2211 = arith.constant 2 : i32
      %swap3A_2212 = arith.index_cast %swap3A_2211 : i32 to index
      %swap3A_2213 = arith.constant 736 : index
      %swap3A_2214 = tpu.vector_load %arg9[%swap3A_2212, %swap3A_2213] {strides = array<i32>} : memref<8x1024xf32, #tpu.memory_space<vmem>>, vector<1x16xf32>,
      %swap3A_2215 = vector.shape_cast %swap3A_2214 : vector<1x16xf32> to vector<16xf32>
      %swap3A_2216 = vector.shape_cast %get3A_2204 : vector<16xf32> to vector<1x16xf32>
      tpu.vector_store %arg9[%swap3A_2212, %swap3A_2213], %swap3A_2216 {strides = array<i32>} : memref<8x1024xf32, #tpu.memory_space<vmem>>, vector<1x16xf32>,
      %swap3A_2217 = arith.constant 3 : i32
      %swap3A_2218 = arith.index_cast %swap3A_2217 : i32 to index
      %swap3A_2219 = arith.constant 736 : index
      %swap3A_2220 = tpu.vector_load %arg9[%swap3A_2218, %swap3A_2219] {strides = array<i32>} : memref<8x1024xf32, #tpu.memory_space<vmem>>, vector<1x16xf32>,
      %swap3A_2221 = vector.shape_cast %swap3A_2220 : vector<1x16xf32> to vector<16xf32>
      %swap3A_2222 = vector.shape_cast %get3A_2204 : vector<16xf32> to vector<1x16xf32>
      tpu.vector_store %arg9[%swap3A_2218, %swap3A_2219], %swap3A_2222 {strides = array<i32>} : memref<8x1024xf32, #tpu.memory_space<vmem>>, vector<1x16xf32>,
      %swap3A_2223 = arith.constant 4 : i32
      %swap3A_2224 = arith.index_cast %swap3A_2223 : i32 to index
      %swap3A_2225 = arith.constant 736 : index
      %swap3A_2226 = tpu.vector_load %arg9[%swap3A_2224, %swap3A_2225] {strides = array<i32>} : memref<8x1024xf32, #tpu.memory_space<vmem>>, vector<1x16xf32>,
      %swap3A_2227 = vector.shape_cast %swap3A_2226 : vector<1x16xf32> to vector<16xf32>
      %swap3A_2228 = vector.shape_cast %get3A_2204 : vector<16xf32> to vector<1x16xf32>
      tpu.vector_store %arg9[%swap3A_2224, %swap3A_2225], %swap3A_2228 {strides = array<i32>} : memref<8x1024xf32, #tpu.memory_space<vmem>>, vector<1x16xf32>,
      %swap3A_2229 = arith.constant 5 : i32
      %swap3A_2230 = arith.index_cast %swap3A_2229 : i32 to index
      %swap3A_2231 = arith.constant 736 : index
      %swap3A_2232 = tpu.vector_load %arg9[%swap3A_2230, %swap3A_2231] {strides = array<i32>} : memref<8x1024xf32, #tpu.memory_space<vmem>>, vector<1x16xf32>,
      %swap3A_2233 = vector.shape_cast %swap3A_2232 : vector<1x16xf32> to vector<16xf32>
      %swap3A_2234 = vector.shape_cast %get3A_2204 : vector<16xf32> to vector<1x16xf32>
      tpu.vector_store %arg9[%swap3A_2230, %swap3A_2231], %swap3A_2234 {strides = array<i32>} : memref<8x1024xf32, #tpu.memory_space<vmem>>, vector<1x16xf32>,
      %swap3A_2235 = arith.constant 6 : i32
      %swap3A_2236 = arith.index_cast %swap3A_2235 : i32 to index
      %swap3A_2237 = arith.constant 736 : index
      %swap3A_2238 = tpu.vector_load %arg9[%swap3A_2236, %swap3A_2237] {strides = array<i32>} : memref<8x1024xf32, #tpu.memory_space<vmem>>, vector<1x16xf32>,
      %swap3A_2239 = vector.shape_cast %swap3A_2238 : vector<1x16xf32> to vector<16xf32>
      %swap3A_2240 = vector.shape_cast %get3A_2204 : vector<16xf32> to vector<1x16xf32>
      tpu.vector_store %arg9[%swap3A_2236, %swap3A_2237], %swap3A_2240 {strides = array<i32>} : memref<8x1024xf32, #tpu.memory_space<vmem>>, vector<1x16xf32>,
      %swap3A_2241 = arith.constant 7 : i32
      %swap3A_2242 = arith.index_cast %swap3A_2241 : i32 to index
      %swap3A_2243 = arith.constant 736 : index
      %swap3A_2244 = tpu.vector_load %arg9[%swap3A_2242, %swap3A_2243] {strides = array<i32>} : memref<8x1024xf32, #tpu.memory_space<vmem>>, vector<1x16xf32>,
      %swap3A_2245 = vector.shape_cast %swap3A_2244 : vector<1x16xf32> to vector<16xf32>
      %swap3A_2246 = vector.shape_cast %get3A_2204 : vector<16xf32> to vector<1x16xf32>
      tpu.vector_store %arg9[%swap3A_2242, %swap3A_2243], %swap3A_2246 {strides = array<i32>} : memref<8x1024xf32, #tpu.memory_space<vmem>>, vector<1x16xf32>,
      %get3A_2247 = arith.constant 0 : i32
      %get3A_2248 = arith.index_cast %get3A_2247 : i32 to index
      %get3A_2249 = arith.constant 752 : index
      %get3A_2250 = tpu.vector_load %arg9[%get3A_2248, %get3A_2249] {strides = array<i32>} : memref<8x1024xf32, #tpu.memory_space<vmem>>, vector<1x16xf32>,
      %get3A_2251 = vector.shape_cast %get3A_2250 : vector<1x16xf32> to vector<16xf32>
      %swap3A_2252 = arith.constant 1 : i32
      %swap3A_2253 = arith.index_cast %swap3A_2252 : i32 to index
      %swap3A_2254 = arith.constant 752 : index
      %swap3A_2255 = tpu.vector_load %arg9[%swap3A_2253, %swap3A_2254] {strides = array<i32>} : memref<8x1024xf32, #tpu.memory_space<vmem>>, vector<1x16xf32>,
      %swap3A_2256 = vector.shape_cast %swap3A_2255 : vector<1x16xf32> to vector<16xf32>
      %swap3A_2257 = vector.shape_cast %get3A_2251 : vector<16xf32> to vector<1x16xf32>
      tpu.vector_store %arg9[%swap3A_2253, %swap3A_2254], %swap3A_2257 {strides = array<i32>} : memref<8x1024xf32, #tpu.memory_space<vmem>>, vector<1x16xf32>,
      %swap3A_2258 = arith.constant 2 : i32
      %swap3A_2259 = arith.index_cast %swap3A_2258 : i32 to index
      %swap3A_2260 = arith.constant 752 : index
      %swap3A_2261 = tpu.vector_load %arg9[%swap3A_2259, %swap3A_2260] {strides = array<i32>} : memref<8x1024xf32, #tpu.memory_space<vmem>>, vector<1x16xf32>,
      %swap3A_2262 = vector.shape_cast %swap3A_2261 : vector<1x16xf32> to vector<16xf32>
      %swap3A_2263 = vector.shape_cast %get3A_2251 : vector<16xf32> to vector<1x16xf32>
      tpu.vector_store %arg9[%swap3A_2259, %swap3A_2260], %swap3A_2263 {strides = array<i32>} : memref<8x1024xf32, #tpu.memory_space<vmem>>, vector<1x16xf32>,
      %swap3A_2264 = arith.constant 3 : i32
      %swap3A_2265 = arith.index_cast %swap3A_2264 : i32 to index
      %swap3A_2266 = arith.constant 752 : index
      %swap3A_2267 = tpu.vector_load %arg9[%swap3A_2265, %swap3A_2266] {strides = array<i32>} : memref<8x1024xf32, #tpu.memory_space<vmem>>, vector<1x16xf32>,
      %swap3A_2268 = vector.shape_cast %swap3A_2267 : vector<1x16xf32> to vector<16xf32>
      %swap3A_2269 = vector.shape_cast %get3A_2251 : vector<16xf32> to vector<1x16xf32>
      tpu.vector_store %arg9[%swap3A_2265, %swap3A_2266], %swap3A_2269 {strides = array<i32>} : memref<8x1024xf32, #tpu.memory_space<vmem>>, vector<1x16xf32>,
      %swap3A_2270 = arith.constant 4 : i32
      %swap3A_2271 = arith.index_cast %swap3A_2270 : i32 to index
      %swap3A_2272 = arith.constant 752 : index
      %swap3A_2273 = tpu.vector_load %arg9[%swap3A_2271, %swap3A_2272] {strides = array<i32>} : memref<8x1024xf32, #tpu.memory_space<vmem>>, vector<1x16xf32>,
      %swap3A_2274 = vector.shape_cast %swap3A_2273 : vector<1x16xf32> to vector<16xf32>
      %swap3A_2275 = vector.shape_cast %get3A_2251 : vector<16xf32> to vector<1x16xf32>
      tpu.vector_store %arg9[%swap3A_2271, %swap3A_2272], %swap3A_2275 {strides = array<i32>} : memref<8x1024xf32, #tpu.memory_space<vmem>>, vector<1x16xf32>,
      %swap3A_2276 = arith.constant 5 : i32
      %swap3A_2277 = arith.index_cast %swap3A_2276 : i32 to index
      %swap3A_2278 = arith.constant 752 : index
      %swap3A_2279 = tpu.vector_load %arg9[%swap3A_2277, %swap3A_2278] {strides = array<i32>} : memref<8x1024xf32, #tpu.memory_space<vmem>>, vector<1x16xf32>,
      %swap3A_2280 = vector.shape_cast %swap3A_2279 : vector<1x16xf32> to vector<16xf32>
      %swap3A_2281 = vector.shape_cast %get3A_2251 : vector<16xf32> to vector<1x16xf32>
      tpu.vector_store %arg9[%swap3A_2277, %swap3A_2278], %swap3A_2281 {strides = array<i32>} : memref<8x1024xf32, #tpu.memory_space<vmem>>, vector<1x16xf32>,
      %swap3A_2282 = arith.constant 6 : i32
      %swap3A_2283 = arith.index_cast %swap3A_2282 : i32 to index
      %swap3A_2284 = arith.constant 752 : index
      %swap3A_2285 = tpu.vector_load %arg9[%swap3A_2283, %swap3A_2284] {strides = array<i32>} : memref<8x1024xf32, #tpu.memory_space<vmem>>, vector<1x16xf32>,
      %swap3A_2286 = vector.shape_cast %swap3A_2285 : vector<1x16xf32> to vector<16xf32>
      %swap3A_2287 = vector.shape_cast %get3A_2251 : vector<16xf32> to vector<1x16xf32>
      tpu.vector_store %arg9[%swap3A_2283, %swap3A_2284], %swap3A_2287 {strides = array<i32>} : memref<8x1024xf32, #tpu.memory_space<vmem>>, vector<1x16xf32>,
      %swap3A_2288 = arith.constant 7 : i32
      %swap3A_2289 = arith.index_cast %swap3A_2288 : i32 to index
      %swap3A_2290 = arith.constant 752 : index
      %swap3A_2291 = tpu.vector_load %arg9[%swap3A_2289, %swap3A_2290] {strides = array<i32>} : memref<8x1024xf32, #tpu.memory_space<vmem>>, vector<1x16xf32>,
      %swap3A_2292 = vector.shape_cast %swap3A_2291 : vector<1x16xf32> to vector<16xf32>
      %swap3A_2293 = vector.shape_cast %get3A_2251 : vector<16xf32> to vector<1x16xf32>
      tpu.vector_store %arg9[%swap3A_2289, %swap3A_2290], %swap3A_2293 {strides = array<i32>} : memref<8x1024xf32, #tpu.memory_space<vmem>>, vector<1x16xf32>,
      %get3A_2294 = arith.constant 0 : i32
      %get3A_2295 = arith.index_cast %get3A_2294 : i32 to index
      %get3A_2296 = arith.constant 768 : index
      %get3A_2297 = tpu.vector_load %arg9[%get3A_2295, %get3A_2296] {strides = array<i32>} : memref<8x1024xf32, #tpu.memory_space<vmem>>, vector<1x16xf32>,
      %get3A_2298 = vector.shape_cast %get3A_2297 : vector<1x16xf32> to vector<16xf32>
      %swap3A_2299 = arith.constant 1 : i32
      %swap3A_2300 = arith.index_cast %swap3A_2299 : i32 to index
      %swap3A_2301 = arith.constant 768 : index
      %swap3A_2302 = tpu.vector_load %arg9[%swap3A_2300, %swap3A_2301] {strides = array<i32>} : memref<8x1024xf32, #tpu.memory_space<vmem>>, vector<1x16xf32>,
      %swap3A_2303 = vector.shape_cast %swap3A_2302 : vector<1x16xf32> to vector<16xf32>
      %swap3A_2304 = vector.shape_cast %get3A_2298 : vector<16xf32> to vector<1x16xf32>
      tpu.vector_store %arg9[%swap3A_2300, %swap3A_2301], %swap3A_2304 {strides = array<i32>} : memref<8x1024xf32, #tpu.memory_space<vmem>>, vector<1x16xf32>,
      %swap3A_2305 = arith.constant 2 : i32
      %swap3A_2306 = arith.index_cast %swap3A_2305 : i32 to index
      %swap3A_2307 = arith.constant 768 : index
      %swap3A_2308 = tpu.vector_load %arg9[%swap3A_2306, %swap3A_2307] {strides = array<i32>} : memref<8x1024xf32, #tpu.memory_space<vmem>>, vector<1x16xf32>,
      %swap3A_2309 = vector.shape_cast %swap3A_2308 : vector<1x16xf32> to vector<16xf32>
      %swap3A_2310 = vector.shape_cast %get3A_2298 : vector<16xf32> to vector<1x16xf32>
      tpu.vector_store %arg9[%swap3A_2306, %swap3A_2307], %swap3A_2310 {strides = array<i32>} : memref<8x1024xf32, #tpu.memory_space<vmem>>, vector<1x16xf32>,
      %swap3A_2311 = arith.constant 3 : i32
      %swap3A_2312 = arith.index_cast %swap3A_2311 : i32 to index
      %swap3A_2313 = arith.constant 768 : index
      %swap3A_2314 = tpu.vector_load %arg9[%swap3A_2312, %swap3A_2313] {strides = array<i32>} : memref<8x1024xf32, #tpu.memory_space<vmem>>, vector<1x16xf32>,
      %swap3A_2315 = vector.shape_cast %swap3A_2314 : vector<1x16xf32> to vector<16xf32>
      %swap3A_2316 = vector.shape_cast %get3A_2298 : vector<16xf32> to vector<1x16xf32>
      tpu.vector_store %arg9[%swap3A_2312, %swap3A_2313], %swap3A_2316 {strides = array<i32>} : memref<8x1024xf32, #tpu.memory_space<vmem>>, vector<1x16xf32>,
      %swap3A_2317 = arith.constant 4 : i32
      %swap3A_2318 = arith.index_cast %swap3A_2317 : i32 to index
      %swap3A_2319 = arith.constant 768 : index
      %swap3A_2320 = tpu.vector_load %arg9[%swap3A_2318, %swap3A_2319] {strides = array<i32>} : memref<8x1024xf32, #tpu.memory_space<vmem>>, vector<1x16xf32>,
      %swap3A_2321 = vector.shape_cast %swap3A_2320 : vector<1x16xf32> to vector<16xf32>
      %swap3A_2322 = vector.shape_cast %get3A_2298 : vector<16xf32> to vector<1x16xf32>
      tpu.vector_store %arg9[%swap3A_2318, %swap3A_2319], %swap3A_2322 {strides = array<i32>} : memref<8x1024xf32, #tpu.memory_space<vmem>>, vector<1x16xf32>,
      %swap3A_2323 = arith.constant 5 : i32
      %swap3A_2324 = arith.index_cast %swap3A_2323 : i32 to index
      %swap3A_2325 = arith.constant 768 : index
      %swap3A_2326 = tpu.vector_load %arg9[%swap3A_2324, %swap3A_2325] {strides = array<i32>} : memref<8x1024xf32, #tpu.memory_space<vmem>>, vector<1x16xf32>,
      %swap3A_2327 = vector.shape_cast %swap3A_2326 : vector<1x16xf32> to vector<16xf32>
      %swap3A_2328 = vector.shape_cast %get3A_2298 : vector<16xf32> to vector<1x16xf32>
      tpu.vector_store %arg9[%swap3A_2324, %swap3A_2325], %swap3A_2328 {strides = array<i32>} : memref<8x1024xf32, #tpu.memory_space<vmem>>, vector<1x16xf32>,
      %swap3A_2329 = arith.constant 6 : i32
      %swap3A_2330 = arith.index_cast %swap3A_2329 : i32 to index
      %swap3A_2331 = arith.constant 768 : index
      %swap3A_2332 = tpu.vector_load %arg9[%swap3A_2330, %swap3A_2331] {strides = array<i32>} : memref<8x1024xf32, #tpu.memory_space<vmem>>, vector<1x16xf32>,
      %swap3A_2333 = vector.shape_cast %swap3A_2332 : vector<1x16xf32> to vector<16xf32>
      %swap3A_2334 = vector.shape_cast %get3A_2298 : vector<16xf32> to vector<1x16xf32>
      tpu.vector_store %arg9[%swap3A_2330, %swap3A_2331], %swap3A_2334 {strides = array<i32>} : memref<8x1024xf32, #tpu.memory_space<vmem>>, vector<1x16xf32>,
      %swap3A_2335 = arith.constant 7 : i32
      %swap3A_2336 = arith.index_cast %swap3A_2335 : i32 to index
      %swap3A_2337 = arith.constant 768 : index
      %swap3A_2338 = tpu.vector_load %arg9[%swap3A_2336, %swap3A_2337] {strides = array<i32>} : memref<8x1024xf32, #tpu.memory_space<vmem>>, vector<1x16xf32>,
      %swap3A_2339 = vector.shape_cast %swap3A_2338 : vector<1x16xf32> to vector<16xf32>
      %swap3A_2340 = vector.shape_cast %get3A_2298 : vector<16xf32> to vector<1x16xf32>
      tpu.vector_store %arg9[%swap3A_2336, %swap3A_2337], %swap3A_2340 {strides = array<i32>} : memref<8x1024xf32, #tpu.memory_space<vmem>>, vector<1x16xf32>,
      %get3A_2341 = arith.constant 0 : i32
      %get3A_2342 = arith.index_cast %get3A_2341 : i32 to index
      %get3A_2343 = arith.constant 784 : index
      %get3A_2344 = tpu.vector_load %arg9[%get3A_2342, %get3A_2343] {strides = array<i32>} : memref<8x1024xf32, #tpu.memory_space<vmem>>, vector<1x16xf32>,
      %get3A_2345 = vector.shape_cast %get3A_2344 : vector<1x16xf32> to vector<16xf32>
      %swap3A_2346 = arith.constant 1 : i32
      %swap3A_2347 = arith.index_cast %swap3A_2346 : i32 to index
      %swap3A_2348 = arith.constant 784 : index
      %swap3A_2349 = tpu.vector_load %arg9[%swap3A_2347, %swap3A_2348] {strides = array<i32>} : memref<8x1024xf32, #tpu.memory_space<vmem>>, vector<1x16xf32>,
      %swap3A_2350 = vector.shape_cast %swap3A_2349 : vector<1x16xf32> to vector<16xf32>
      %swap3A_2351 = vector.shape_cast %get3A_2345 : vector<16xf32> to vector<1x16xf32>
      tpu.vector_store %arg9[%swap3A_2347, %swap3A_2348], %swap3A_2351 {strides = array<i32>} : memref<8x1024xf32, #tpu.memory_space<vmem>>, vector<1x16xf32>,
      %swap3A_2352 = arith.constant 2 : i32
      %swap3A_2353 = arith.index_cast %swap3A_2352 : i32 to index
      %swap3A_2354 = arith.constant 784 : index
      %swap3A_2355 = tpu.vector_load %arg9[%swap3A_2353, %swap3A_2354] {strides = array<i32>} : memref<8x1024xf32, #tpu.memory_space<vmem>>, vector<1x16xf32>,
      %swap3A_2356 = vector.shape_cast %swap3A_2355 : vector<1x16xf32> to vector<16xf32>
      %swap3A_2357 = vector.shape_cast %get3A_2345 : vector<16xf32> to vector<1x16xf32>
      tpu.vector_store %arg9[%swap3A_2353, %swap3A_2354], %swap3A_2357 {strides = array<i32>} : memref<8x1024xf32, #tpu.memory_space<vmem>>, vector<1x16xf32>,
      %swap3A_2358 = arith.constant 3 : i32
      %swap3A_2359 = arith.index_cast %swap3A_2358 : i32 to index
      %swap3A_2360 = arith.constant 784 : index
      %swap3A_2361 = tpu.vector_load %arg9[%swap3A_2359, %swap3A_2360] {strides = array<i32>} : memref<8x1024xf32, #tpu.memory_space<vmem>>, vector<1x16xf32>,
      %swap3A_2362 = vector.shape_cast %swap3A_2361 : vector<1x16xf32> to vector<16xf32>
      %swap3A_2363 = vector.shape_cast %get3A_2345 : vector<16xf32> to vector<1x16xf32>
      tpu.vector_store %arg9[%swap3A_2359, %swap3A_2360], %swap3A_2363 {strides = array<i32>} : memref<8x1024xf32, #tpu.memory_space<vmem>>, vector<1x16xf32>,
      %swap3A_2364 = arith.constant 4 : i32
      %swap3A_2365 = arith.index_cast %swap3A_2364 : i32 to index
      %swap3A_2366 = arith.constant 784 : index
      %swap3A_2367 = tpu.vector_load %arg9[%swap3A_2365, %swap3A_2366] {strides = array<i32>} : memref<8x1024xf32, #tpu.memory_space<vmem>>, vector<1x16xf32>,
      %swap3A_2368 = vector.shape_cast %swap3A_2367 : vector<1x16xf32> to vector<16xf32>
      %swap3A_2369 = vector.shape_cast %get3A_2345 : vector<16xf32> to vector<1x16xf32>
      tpu.vector_store %arg9[%swap3A_2365, %swap3A_2366], %swap3A_2369 {strides = array<i32>} : memref<8x1024xf32, #tpu.memory_space<vmem>>, vector<1x16xf32>,
      %swap3A_2370 = arith.constant 5 : i32
      %swap3A_2371 = arith.index_cast %swap3A_2370 : i32 to index
      %swap3A_2372 = arith.constant 784 : index
      %swap3A_2373 = tpu.vector_load %arg9[%swap3A_2371, %swap3A_2372] {strides = array<i32>} : memref<8x1024xf32, #tpu.memory_space<vmem>>, vector<1x16xf32>,
      %swap3A_2374 = vector.shape_cast %swap3A_2373 : vector<1x16xf32> to vector<16xf32>
      %swap3A_2375 = vector.shape_cast %get3A_2345 : vector<16xf32> to vector<1x16xf32>
      tpu.vector_store %arg9[%swap3A_2371, %swap3A_2372], %swap3A_2375 {strides = array<i32>} : memref<8x1024xf32, #tpu.memory_space<vmem>>, vector<1x16xf32>,
      %swap3A_2376 = arith.constant 6 : i32
      %swap3A_2377 = arith.index_cast %swap3A_2376 : i32 to index
      %swap3A_2378 = arith.constant 784 : index
      %swap3A_2379 = tpu.vector_load %arg9[%swap3A_2377, %swap3A_2378] {strides = array<i32>} : memref<8x1024xf32, #tpu.memory_space<vmem>>, vector<1x16xf32>,
      %swap3A_2380 = vector.shape_cast %swap3A_2379 : vector<1x16xf32> to vector<16xf32>
      %swap3A_2381 = vector.shape_cast %get3A_2345 : vector<16xf32> to vector<1x16xf32>
      tpu.vector_store %arg9[%swap3A_2377, %swap3A_2378], %swap3A_2381 {strides = array<i32>} : memref<8x1024xf32, #tpu.memory_space<vmem>>, vector<1x16xf32>,
      %swap3A_2382 = arith.constant 7 : i32
      %swap3A_2383 = arith.index_cast %swap3A_2382 : i32 to index
      %swap3A_2384 = arith.constant 784 : index
      %swap3A_2385 = tpu.vector_load %arg9[%swap3A_2383, %swap3A_2384] {strides = array<i32>} : memref<8x1024xf32, #tpu.memory_space<vmem>>, vector<1x16xf32>,
      %swap3A_2386 = vector.shape_cast %swap3A_2385 : vector<1x16xf32> to vector<16xf32>
      %swap3A_2387 = vector.shape_cast %get3A_2345 : vector<16xf32> to vector<1x16xf32>
      tpu.vector_store %arg9[%swap3A_2383, %swap3A_2384], %swap3A_2387 {strides = array<i32>} : memref<8x1024xf32, #tpu.memory_space<vmem>>, vector<1x16xf32>,
      %get3A_2388 = arith.constant 0 : i32
      %get3A_2389 = arith.index_cast %get3A_2388 : i32 to index
      %get3A_2390 = arith.constant 800 : index
      %get3A_2391 = tpu.vector_load %arg9[%get3A_2389, %get3A_2390] {strides = array<i32>} : memref<8x1024xf32, #tpu.memory_space<vmem>>, vector<1x16xf32>,
      %get3A_2392 = vector.shape_cast %get3A_2391 : vector<1x16xf32> to vector<16xf32>
      %swap3A_2393 = arith.constant 1 : i32
      %swap3A_2394 = arith.index_cast %swap3A_2393 : i32 to index
      %swap3A_2395 = arith.constant 800 : index
      %swap3A_2396 = tpu.vector_load %arg9[%swap3A_2394, %swap3A_2395] {strides = array<i32>} : memref<8x1024xf32, #tpu.memory_space<vmem>>, vector<1x16xf32>,
      %swap3A_2397 = vector.shape_cast %swap3A_2396 : vector<1x16xf32> to vector<16xf32>
      %swap3A_2398 = vector.shape_cast %get3A_2392 : vector<16xf32> to vector<1x16xf32>
      tpu.vector_store %arg9[%swap3A_2394, %swap3A_2395], %swap3A_2398 {strides = array<i32>} : memref<8x1024xf32, #tpu.memory_space<vmem>>, vector<1x16xf32>,
      %swap3A_2399 = arith.constant 2 : i32
      %swap3A_2400 = arith.index_cast %swap3A_2399 : i32 to index
      %swap3A_2401 = arith.constant 800 : index
      %swap3A_2402 = tpu.vector_load %arg9[%swap3A_2400, %swap3A_2401] {strides = array<i32>} : memref<8x1024xf32, #tpu.memory_space<vmem>>, vector<1x16xf32>,
      %swap3A_2403 = vector.shape_cast %swap3A_2402 : vector<1x16xf32> to vector<16xf32>
      %swap3A_2404 = vector.shape_cast %get3A_2392 : vector<16xf32> to vector<1x16xf32>
      tpu.vector_store %arg9[%swap3A_2400, %swap3A_2401], %swap3A_2404 {strides = array<i32>} : memref<8x1024xf32, #tpu.memory_space<vmem>>, vector<1x16xf32>,
      %swap3A_2405 = arith.constant 3 : i32
      %swap3A_2406 = arith.index_cast %swap3A_2405 : i32 to index
      %swap3A_2407 = arith.constant 800 : index
      %swap3A_2408 = tpu.vector_load %arg9[%swap3A_2406, %swap3A_2407] {strides = array<i32>} : memref<8x1024xf32, #tpu.memory_space<vmem>>, vector<1x16xf32>,
      %swap3A_2409 = vector.shape_cast %swap3A_2408 : vector<1x16xf32> to vector<16xf32>
      %swap3A_2410 = vector.shape_cast %get3A_2392 : vector<16xf32> to vector<1x16xf32>
      tpu.vector_store %arg9[%swap3A_2406, %swap3A_2407], %swap3A_2410 {strides = array<i32>} : memref<8x1024xf32, #tpu.memory_space<vmem>>, vector<1x16xf32>,
      %swap3A_2411 = arith.constant 4 : i32
      %swap3A_2412 = arith.index_cast %swap3A_2411 : i32 to index
      %swap3A_2413 = arith.constant 800 : index
      %swap3A_2414 = tpu.vector_load %arg9[%swap3A_2412, %swap3A_2413] {strides = array<i32>} : memref<8x1024xf32, #tpu.memory_space<vmem>>, vector<1x16xf32>,
      %swap3A_2415 = vector.shape_cast %swap3A_2414 : vector<1x16xf32> to vector<16xf32>
      %swap3A_2416 = vector.shape_cast %get3A_2392 : vector<16xf32> to vector<1x16xf32>
      tpu.vector_store %arg9[%swap3A_2412, %swap3A_2413], %swap3A_2416 {strides = array<i32>} : memref<8x1024xf32, #tpu.memory_space<vmem>>, vector<1x16xf32>,
      %swap3A_2417 = arith.constant 5 : i32
      %swap3A_2418 = arith.index_cast %swap3A_2417 : i32 to index
      %swap3A_2419 = arith.constant 800 : index
      %swap3A_2420 = tpu.vector_load %arg9[%swap3A_2418, %swap3A_2419] {strides = array<i32>} : memref<8x1024xf32, #tpu.memory_space<vmem>>, vector<1x16xf32>,
      %swap3A_2421 = vector.shape_cast %swap3A_2420 : vector<1x16xf32> to vector<16xf32>
      %swap3A_2422 = vector.shape_cast %get3A_2392 : vector<16xf32> to vector<1x16xf32>
      tpu.vector_store %arg9[%swap3A_2418, %swap3A_2419], %swap3A_2422 {strides = array<i32>} : memref<8x1024xf32, #tpu.memory_space<vmem>>, vector<1x16xf32>,
      %swap3A_2423 = arith.constant 6 : i32
      %swap3A_2424 = arith.index_cast %swap3A_2423 : i32 to index
      %swap3A_2425 = arith.constant 800 : index
      %swap3A_2426 = tpu.vector_load %arg9[%swap3A_2424, %swap3A_2425] {strides = array<i32>} : memref<8x1024xf32, #tpu.memory_space<vmem>>, vector<1x16xf32>,
      %swap3A_2427 = vector.shape_cast %swap3A_2426 : vector<1x16xf32> to vector<16xf32>
      %swap3A_2428 = vector.shape_cast %get3A_2392 : vector<16xf32> to vector<1x16xf32>
      tpu.vector_store %arg9[%swap3A_2424, %swap3A_2425], %swap3A_2428 {strides = array<i32>} : memref<8x1024xf32, #tpu.memory_space<vmem>>, vector<1x16xf32>,
      %swap3A_2429 = arith.constant 7 : i32
      %swap3A_2430 = arith.index_cast %swap3A_2429 : i32 to index
      %swap3A_2431 = arith.constant 800 : index
      %swap3A_2432 = tpu.vector_load %arg9[%swap3A_2430, %swap3A_2431] {strides = array<i32>} : memref<8x1024xf32, #tpu.memory_space<vmem>>, vector<1x16xf32>,
      %swap3A_2433 = vector.shape_cast %swap3A_2432 : vector<1x16xf32> to vector<16xf32>
      %swap3A_2434 = vector.shape_cast %get3A_2392 : vector<16xf32> to vector<1x16xf32>
      tpu.vector_store %arg9[%swap3A_2430, %swap3A_2431], %swap3A_2434 {strides = array<i32>} : memref<8x1024xf32, #tpu.memory_space<vmem>>, vector<1x16xf32>,
      %get3A_2435 = arith.constant 0 : i32
      %get3A_2436 = arith.index_cast %get3A_2435 : i32 to index
      %get3A_2437 = arith.constant 816 : index
      %get3A_2438 = tpu.vector_load %arg9[%get3A_2436, %get3A_2437] {strides = array<i32>} : memref<8x1024xf32, #tpu.memory_space<vmem>>, vector<1x16xf32>,
      %get3A_2439 = vector.shape_cast %get3A_2438 : vector<1x16xf32> to vector<16xf32>
      %swap3A_2440 = arith.constant 1 : i32
      %swap3A_2441 = arith.index_cast %swap3A_2440 : i32 to index
      %swap3A_2442 = arith.constant 816 : index
      %swap3A_2443 = tpu.vector_load %arg9[%swap3A_2441, %swap3A_2442] {strides = array<i32>} : memref<8x1024xf32, #tpu.memory_space<vmem>>, vector<1x16xf32>,
      %swap3A_2444 = vector.shape_cast %swap3A_2443 : vector<1x16xf32> to vector<16xf32>
      %swap3A_2445 = vector.shape_cast %get3A_2439 : vector<16xf32> to vector<1x16xf32>
      tpu.vector_store %arg9[%swap3A_2441, %swap3A_2442], %swap3A_2445 {strides = array<i32>} : memref<8x1024xf32, #tpu.memory_space<vmem>>, vector<1x16xf32>,
      %swap3A_2446 = arith.constant 2 : i32
      %swap3A_2447 = arith.index_cast %swap3A_2446 : i32 to index
      %swap3A_2448 = arith.constant 816 : index
      %swap3A_2449 = tpu.vector_load %arg9[%swap3A_2447, %swap3A_2448] {strides = array<i32>} : memref<8x1024xf32, #tpu.memory_space<vmem>>, vector<1x16xf32>,
      %swap3A_2450 = vector.shape_cast %swap3A_2449 : vector<1x16xf32> to vector<16xf32>
      %swap3A_2451 = vector.shape_cast %get3A_2439 : vector<16xf32> to vector<1x16xf32>
      tpu.vector_store %arg9[%swap3A_2447, %swap3A_2448], %swap3A_2451 {strides = array<i32>} : memref<8x1024xf32, #tpu.memory_space<vmem>>, vector<1x16xf32>,
      %swap3A_2452 = arith.constant 3 : i32
      %swap3A_2453 = arith.index_cast %swap3A_2452 : i32 to index
      %swap3A_2454 = arith.constant 816 : index
      %swap3A_2455 = tpu.vector_load %arg9[%swap3A_2453, %swap3A_2454] {strides = array<i32>} : memref<8x1024xf32, #tpu.memory_space<vmem>>, vector<1x16xf32>,
      %swap3A_2456 = vector.shape_cast %swap3A_2455 : vector<1x16xf32> to vector<16xf32>
      %swap3A_2457 = vector.shape_cast %get3A_2439 : vector<16xf32> to vector<1x16xf32>
      tpu.vector_store %arg9[%swap3A_2453, %swap3A_2454], %swap3A_2457 {strides = array<i32>} : memref<8x1024xf32, #tpu.memory_space<vmem>>, vector<1x16xf32>,
      %swap3A_2458 = arith.constant 4 : i32
      %swap3A_2459 = arith.index_cast %swap3A_2458 : i32 to index
      %swap3A_2460 = arith.constant 816 : index
      %swap3A_2461 = tpu.vector_load %arg9[%swap3A_2459, %swap3A_2460] {strides = array<i32>} : memref<8x1024xf32, #tpu.memory_space<vmem>>, vector<1x16xf32>,
      %swap3A_2462 = vector.shape_cast %swap3A_2461 : vector<1x16xf32> to vector<16xf32>
      %swap3A_2463 = vector.shape_cast %get3A_2439 : vector<16xf32> to vector<1x16xf32>
      tpu.vector_store %arg9[%swap3A_2459, %swap3A_2460], %swap3A_2463 {strides = array<i32>} : memref<8x1024xf32, #tpu.memory_space<vmem>>, vector<1x16xf32>,
      %swap3A_2464 = arith.constant 5 : i32
      %swap3A_2465 = arith.index_cast %swap3A_2464 : i32 to index
      %swap3A_2466 = arith.constant 816 : index
      %swap3A_2467 = tpu.vector_load %arg9[%swap3A_2465, %swap3A_2466] {strides = array<i32>} : memref<8x1024xf32, #tpu.memory_space<vmem>>, vector<1x16xf32>,
      %swap3A_2468 = vector.shape_cast %swap3A_2467 : vector<1x16xf32> to vector<16xf32>
      %swap3A_2469 = vector.shape_cast %get3A_2439 : vector<16xf32> to vector<1x16xf32>
      tpu.vector_store %arg9[%swap3A_2465, %swap3A_2466], %swap3A_2469 {strides = array<i32>} : memref<8x1024xf32, #tpu.memory_space<vmem>>, vector<1x16xf32>,
      %swap3A_2470 = arith.constant 6 : i32
      %swap3A_2471 = arith.index_cast %swap3A_2470 : i32 to index
      %swap3A_2472 = arith.constant 816 : index
      %swap3A_2473 = tpu.vector_load %arg9[%swap3A_2471, %swap3A_2472] {strides = array<i32>} : memref<8x1024xf32, #tpu.memory_space<vmem>>, vector<1x16xf32>,
      %swap3A_2474 = vector.shape_cast %swap3A_2473 : vector<1x16xf32> to vector<16xf32>
      %swap3A_2475 = vector.shape_cast %get3A_2439 : vector<16xf32> to vector<1x16xf32>
      tpu.vector_store %arg9[%swap3A_2471, %swap3A_2472], %swap3A_2475 {strides = array<i32>} : memref<8x1024xf32, #tpu.memory_space<vmem>>, vector<1x16xf32>,
      %swap3A_2476 = arith.constant 7 : i32
      %swap3A_2477 = arith.index_cast %swap3A_2476 : i32 to index
      %swap3A_2478 = arith.constant 816 : index
      %swap3A_2479 = tpu.vector_load %arg9[%swap3A_2477, %swap3A_2478] {strides = array<i32>} : memref<8x1024xf32, #tpu.memory_space<vmem>>, vector<1x16xf32>,
      %swap3A_2480 = vector.shape_cast %swap3A_2479 : vector<1x16xf32> to vector<16xf32>
      %swap3A_2481 = vector.shape_cast %get3A_2439 : vector<16xf32> to vector<1x16xf32>
      tpu.vector_store %arg9[%swap3A_2477, %swap3A_2478], %swap3A_2481 {strides = array<i32>} : memref<8x1024xf32, #tpu.memory_space<vmem>>, vector<1x16xf32>,
      %get3A_2482 = arith.constant 0 : i32
      %get3A_2483 = arith.index_cast %get3A_2482 : i32 to index
      %get3A_2484 = arith.constant 832 : index
      %get3A_2485 = tpu.vector_load %arg9[%get3A_2483, %get3A_2484] {strides = array<i32>} : memref<8x1024xf32, #tpu.memory_space<vmem>>, vector<1x16xf32>,
      %get3A_2486 = vector.shape_cast %get3A_2485 : vector<1x16xf32> to vector<16xf32>
      %swap3A_2487 = arith.constant 1 : i32
      %swap3A_2488 = arith.index_cast %swap3A_2487 : i32 to index
      %swap3A_2489 = arith.constant 832 : index
      %swap3A_2490 = tpu.vector_load %arg9[%swap3A_2488, %swap3A_2489] {strides = array<i32>} : memref<8x1024xf32, #tpu.memory_space<vmem>>, vector<1x16xf32>,
      %swap3A_2491 = vector.shape_cast %swap3A_2490 : vector<1x16xf32> to vector<16xf32>
      %swap3A_2492 = vector.shape_cast %get3A_2486 : vector<16xf32> to vector<1x16xf32>
      tpu.vector_store %arg9[%swap3A_2488, %swap3A_2489], %swap3A_2492 {strides = array<i32>} : memref<8x1024xf32, #tpu.memory_space<vmem>>, vector<1x16xf32>,
      %swap3A_2493 = arith.constant 2 : i32
      %swap3A_2494 = arith.index_cast %swap3A_2493 : i32 to index
      %swap3A_2495 = arith.constant 832 : index
      %swap3A_2496 = tpu.vector_load %arg9[%swap3A_2494, %swap3A_2495] {strides = array<i32>} : memref<8x1024xf32, #tpu.memory_space<vmem>>, vector<1x16xf32>,
      %swap3A_2497 = vector.shape_cast %swap3A_2496 : vector<1x16xf32> to vector<16xf32>
      %swap3A_2498 = vector.shape_cast %get3A_2486 : vector<16xf32> to vector<1x16xf32>
      tpu.vector_store %arg9[%swap3A_2494, %swap3A_2495], %swap3A_2498 {strides = array<i32>} : memref<8x1024xf32, #tpu.memory_space<vmem>>, vector<1x16xf32>,
      %swap3A_2499 = arith.constant 3 : i32
      %swap3A_2500 = arith.index_cast %swap3A_2499 : i32 to index
      %swap3A_2501 = arith.constant 832 : index
      %swap3A_2502 = tpu.vector_load %arg9[%swap3A_2500, %swap3A_2501] {strides = array<i32>} : memref<8x1024xf32, #tpu.memory_space<vmem>>, vector<1x16xf32>,
      %swap3A_2503 = vector.shape_cast %swap3A_2502 : vector<1x16xf32> to vector<16xf32>
      %swap3A_2504 = vector.shape_cast %get3A_2486 : vector<16xf32> to vector<1x16xf32>
      tpu.vector_store %arg9[%swap3A_2500, %swap3A_2501], %swap3A_2504 {strides = array<i32>} : memref<8x1024xf32, #tpu.memory_space<vmem>>, vector<1x16xf32>,
      %swap3A_2505 = arith.constant 4 : i32
      %swap3A_2506 = arith.index_cast %swap3A_2505 : i32 to index
      %swap3A_2507 = arith.constant 832 : index
      %swap3A_2508 = tpu.vector_load %arg9[%swap3A_2506, %swap3A_2507] {strides = array<i32>} : memref<8x1024xf32, #tpu.memory_space<vmem>>, vector<1x16xf32>,
      %swap3A_2509 = vector.shape_cast %swap3A_2508 : vector<1x16xf32> to vector<16xf32>
      %swap3A_2510 = vector.shape_cast %get3A_2486 : vector<16xf32> to vector<1x16xf32>
      tpu.vector_store %arg9[%swap3A_2506, %swap3A_2507], %swap3A_2510 {strides = array<i32>} : memref<8x1024xf32, #tpu.memory_space<vmem>>, vector<1x16xf32>,
      %swap3A_2511 = arith.constant 5 : i32
      %swap3A_2512 = arith.index_cast %swap3A_2511 : i32 to index
      %swap3A_2513 = arith.constant 832 : index
      %swap3A_2514 = tpu.vector_load %arg9[%swap3A_2512, %swap3A_2513] {strides = array<i32>} : memref<8x1024xf32, #tpu.memory_space<vmem>>, vector<1x16xf32>,
      %swap3A_2515 = vector.shape_cast %swap3A_2514 : vector<1x16xf32> to vector<16xf32>
      %swap3A_2516 = vector.shape_cast %get3A_2486 : vector<16xf32> to vector<1x16xf32>
      tpu.vector_store %arg9[%swap3A_2512, %swap3A_2513], %swap3A_2516 {strides = array<i32>} : memref<8x1024xf32, #tpu.memory_space<vmem>>, vector<1x16xf32>,
      %swap3A_2517 = arith.constant 6 : i32
      %swap3A_2518 = arith.index_cast %swap3A_2517 : i32 to index
      %swap3A_2519 = arith.constant 832 : index
      %swap3A_2520 = tpu.vector_load %arg9[%swap3A_2518, %swap3A_2519] {strides = array<i32>} : memref<8x1024xf32, #tpu.memory_space<vmem>>, vector<1x16xf32>,
      %swap3A_2521 = vector.shape_cast %swap3A_2520 : vector<1x16xf32> to vector<16xf32>
      %swap3A_2522 = vector.shape_cast %get3A_2486 : vector<16xf32> to vector<1x16xf32>
      tpu.vector_store %arg9[%swap3A_2518, %swap3A_2519], %swap3A_2522 {strides = array<i32>} : memref<8x1024xf32, #tpu.memory_space<vmem>>, vector<1x16xf32>,
      %swap3A_2523 = arith.constant 7 : i32
      %swap3A_2524 = arith.index_cast %swap3A_2523 : i32 to index
      %swap3A_2525 = arith.constant 832 : index
      %swap3A_2526 = tpu.vector_load %arg9[%swap3A_2524, %swap3A_2525] {strides = array<i32>} : memref<8x1024xf32, #tpu.memory_space<vmem>>, vector<1x16xf32>,
      %swap3A_2527 = vector.shape_cast %swap3A_2526 : vector<1x16xf32> to vector<16xf32>
      %swap3A_2528 = vector.shape_cast %get3A_2486 : vector<16xf32> to vector<1x16xf32>
      tpu.vector_store %arg9[%swap3A_2524, %swap3A_2525], %swap3A_2528 {strides = array<i32>} : memref<8x1024xf32, #tpu.memory_space<vmem>>, vector<1x16xf32>,
      %get3A_2529 = arith.constant 0 : i32
      %get3A_2530 = arith.index_cast %get3A_2529 : i32 to index
      %get3A_2531 = arith.constant 848 : index
      %get3A_2532 = tpu.vector_load %arg9[%get3A_2530, %get3A_2531] {strides = array<i32>} : memref<8x1024xf32, #tpu.memory_space<vmem>>, vector<1x16xf32>,
      %get3A_2533 = vector.shape_cast %get3A_2532 : vector<1x16xf32> to vector<16xf32>
      %swap3A_2534 = arith.constant 1 : i32
      %swap3A_2535 = arith.index_cast %swap3A_2534 : i32 to index
      %swap3A_2536 = arith.constant 848 : index
      %swap3A_2537 = tpu.vector_load %arg9[%swap3A_2535, %swap3A_2536] {strides = array<i32>} : memref<8x1024xf32, #tpu.memory_space<vmem>>, vector<1x16xf32>,
      %swap3A_2538 = vector.shape_cast %swap3A_2537 : vector<1x16xf32> to vector<16xf32>
      %swap3A_2539 = vector.shape_cast %get3A_2533 : vector<16xf32> to vector<1x16xf32>
      tpu.vector_store %arg9[%swap3A_2535, %swap3A_2536], %swap3A_2539 {strides = array<i32>} : memref<8x1024xf32, #tpu.memory_space<vmem>>, vector<1x16xf32>,
      %swap3A_2540 = arith.constant 2 : i32
      %swap3A_2541 = arith.index_cast %swap3A_2540 : i32 to index
      %swap3A_2542 = arith.constant 848 : index
      %swap3A_2543 = tpu.vector_load %arg9[%swap3A_2541, %swap3A_2542] {strides = array<i32>} : memref<8x1024xf32, #tpu.memory_space<vmem>>, vector<1x16xf32>,
      %swap3A_2544 = vector.shape_cast %swap3A_2543 : vector<1x16xf32> to vector<16xf32>
      %swap3A_2545 = vector.shape_cast %get3A_2533 : vector<16xf32> to vector<1x16xf32>
      tpu.vector_store %arg9[%swap3A_2541, %swap3A_2542], %swap3A_2545 {strides = array<i32>} : memref<8x1024xf32, #tpu.memory_space<vmem>>, vector<1x16xf32>,
      %swap3A_2546 = arith.constant 3 : i32
      %swap3A_2547 = arith.index_cast %swap3A_2546 : i32 to index
      %swap3A_2548 = arith.constant 848 : index
      %swap3A_2549 = tpu.vector_load %arg9[%swap3A_2547, %swap3A_2548] {strides = array<i32>} : memref<8x1024xf32, #tpu.memory_space<vmem>>, vector<1x16xf32>,
      %swap3A_2550 = vector.shape_cast %swap3A_2549 : vector<1x16xf32> to vector<16xf32>
      %swap3A_2551 = vector.shape_cast %get3A_2533 : vector<16xf32> to vector<1x16xf32>
      tpu.vector_store %arg9[%swap3A_2547, %swap3A_2548], %swap3A_2551 {strides = array<i32>} : memref<8x1024xf32, #tpu.memory_space<vmem>>, vector<1x16xf32>,
      %swap3A_2552 = arith.constant 4 : i32
      %swap3A_2553 = arith.index_cast %swap3A_2552 : i32 to index
      %swap3A_2554 = arith.constant 848 : index
      %swap3A_2555 = tpu.vector_load %arg9[%swap3A_2553, %swap3A_2554] {strides = array<i32>} : memref<8x1024xf32, #tpu.memory_space<vmem>>, vector<1x16xf32>,
      %swap3A_2556 = vector.shape_cast %swap3A_2555 : vector<1x16xf32> to vector<16xf32>
      %swap3A_2557 = vector.shape_cast %get3A_2533 : vector<16xf32> to vector<1x16xf32>
      tpu.vector_store %arg9[%swap3A_2553, %swap3A_2554], %swap3A_2557 {strides = array<i32>} : memref<8x1024xf32, #tpu.memory_space<vmem>>, vector<1x16xf32>,
      %swap3A_2558 = arith.constant 5 : i32
      %swap3A_2559 = arith.index_cast %swap3A_2558 : i32 to index
      %swap3A_2560 = arith.constant 848 : index
      %swap3A_2561 = tpu.vector_load %arg9[%swap3A_2559, %swap3A_2560] {strides = array<i32>} : memref<8x1024xf32, #tpu.memory_space<vmem>>, vector<1x16xf32>,
      %swap3A_2562 = vector.shape_cast %swap3A_2561 : vector<1x16xf32> to vector<16xf32>
      %swap3A_2563 = vector.shape_cast %get3A_2533 : vector<16xf32> to vector<1x16xf32>
      tpu.vector_store %arg9[%swap3A_2559, %swap3A_2560], %swap3A_2563 {strides = array<i32>} : memref<8x1024xf32, #tpu.memory_space<vmem>>, vector<1x16xf32>,
      %swap3A_2564 = arith.constant 6 : i32
      %swap3A_2565 = arith.index_cast %swap3A_2564 : i32 to index
      %swap3A_2566 = arith.constant 848 : index
      %swap3A_2567 = tpu.vector_load %arg9[%swap3A_2565, %swap3A_2566] {strides = array<i32>} : memref<8x1024xf32, #tpu.memory_space<vmem>>, vector<1x16xf32>,
      %swap3A_2568 = vector.shape_cast %swap3A_2567 : vector<1x16xf32> to vector<16xf32>
      %swap3A_2569 = vector.shape_cast %get3A_2533 : vector<16xf32> to vector<1x16xf32>
      tpu.vector_store %arg9[%swap3A_2565, %swap3A_2566], %swap3A_2569 {strides = array<i32>} : memref<8x1024xf32, #tpu.memory_space<vmem>>, vector<1x16xf32>,
      %swap3A_2570 = arith.constant 7 : i32
      %swap3A_2571 = arith.index_cast %swap3A_2570 : i32 to index
      %swap3A_2572 = arith.constant 848 : index
      %swap3A_2573 = tpu.vector_load %arg9[%swap3A_2571, %swap3A_2572] {strides = array<i32>} : memref<8x1024xf32, #tpu.memory_space<vmem>>, vector<1x16xf32>,
      %swap3A_2574 = vector.shape_cast %swap3A_2573 : vector<1x16xf32> to vector<16xf32>
      %swap3A_2575 = vector.shape_cast %get3A_2533 : vector<16xf32> to vector<1x16xf32>
      tpu.vector_store %arg9[%swap3A_2571, %swap3A_2572], %swap3A_2575 {strides = array<i32>} : memref<8x1024xf32, #tpu.memory_space<vmem>>, vector<1x16xf32>,
      %get3A_2576 = arith.constant 0 : i32
      %get3A_2577 = arith.index_cast %get3A_2576 : i32 to index
      %get3A_2578 = arith.constant 864 : index
      %get3A_2579 = tpu.vector_load %arg9[%get3A_2577, %get3A_2578] {strides = array<i32>} : memref<8x1024xf32, #tpu.memory_space<vmem>>, vector<1x16xf32>,
      %get3A_2580 = vector.shape_cast %get3A_2579 : vector<1x16xf32> to vector<16xf32>
      %swap3A_2581 = arith.constant 1 : i32
      %swap3A_2582 = arith.index_cast %swap3A_2581 : i32 to index
      %swap3A_2583 = arith.constant 864 : index
      %swap3A_2584 = tpu.vector_load %arg9[%swap3A_2582, %swap3A_2583] {strides = array<i32>} : memref<8x1024xf32, #tpu.memory_space<vmem>>, vector<1x16xf32>,
      %swap3A_2585 = vector.shape_cast %swap3A_2584 : vector<1x16xf32> to vector<16xf32>
      %swap3A_2586 = vector.shape_cast %get3A_2580 : vector<16xf32> to vector<1x16xf32>
      tpu.vector_store %arg9[%swap3A_2582, %swap3A_2583], %swap3A_2586 {strides = array<i32>} : memref<8x1024xf32, #tpu.memory_space<vmem>>, vector<1x16xf32>,
      %swap3A_2587 = arith.constant 2 : i32
      %swap3A_2588 = arith.index_cast %swap3A_2587 : i32 to index
      %swap3A_2589 = arith.constant 864 : index
      %swap3A_2590 = tpu.vector_load %arg9[%swap3A_2588, %swap3A_2589] {strides = array<i32>} : memref<8x1024xf32, #tpu.memory_space<vmem>>, vector<1x16xf32>,
      %swap3A_2591 = vector.shape_cast %swap3A_2590 : vector<1x16xf32> to vector<16xf32>
      %swap3A_2592 = vector.shape_cast %get3A_2580 : vector<16xf32> to vector<1x16xf32>
      tpu.vector_store %arg9[%swap3A_2588, %swap3A_2589], %swap3A_2592 {strides = array<i32>} : memref<8x1024xf32, #tpu.memory_space<vmem>>, vector<1x16xf32>,
      %swap3A_2593 = arith.constant 3 : i32
      %swap3A_2594 = arith.index_cast %swap3A_2593 : i32 to index
      %swap3A_2595 = arith.constant 864 : index
      %swap3A_2596 = tpu.vector_load %arg9[%swap3A_2594, %swap3A_2595] {strides = array<i32>} : memref<8x1024xf32, #tpu.memory_space<vmem>>, vector<1x16xf32>,
      %swap3A_2597 = vector.shape_cast %swap3A_2596 : vector<1x16xf32> to vector<16xf32>
      %swap3A_2598 = vector.shape_cast %get3A_2580 : vector<16xf32> to vector<1x16xf32>
      tpu.vector_store %arg9[%swap3A_2594, %swap3A_2595], %swap3A_2598 {strides = array<i32>} : memref<8x1024xf32, #tpu.memory_space<vmem>>, vector<1x16xf32>,
      %swap3A_2599 = arith.constant 4 : i32
      %swap3A_2600 = arith.index_cast %swap3A_2599 : i32 to index
      %swap3A_2601 = arith.constant 864 : index
      %swap3A_2602 = tpu.vector_load %arg9[%swap3A_2600, %swap3A_2601] {strides = array<i32>} : memref<8x1024xf32, #tpu.memory_space<vmem>>, vector<1x16xf32>,
      %swap3A_2603 = vector.shape_cast %swap3A_2602 : vector<1x16xf32> to vector<16xf32>
      %swap3A_2604 = vector.shape_cast %get3A_2580 : vector<16xf32> to vector<1x16xf32>
      tpu.vector_store %arg9[%swap3A_2600, %swap3A_2601], %swap3A_2604 {strides = array<i32>} : memref<8x1024xf32, #tpu.memory_space<vmem>>, vector<1x16xf32>,
      %swap3A_2605 = arith.constant 5 : i32
      %swap3A_2606 = arith.index_cast %swap3A_2605 : i32 to index
      %swap3A_2607 = arith.constant 864 : index
      %swap3A_2608 = tpu.vector_load %arg9[%swap3A_2606, %swap3A_2607] {strides = array<i32>} : memref<8x1024xf32, #tpu.memory_space<vmem>>, vector<1x16xf32>,
      %swap3A_2609 = vector.shape_cast %swap3A_2608 : vector<1x16xf32> to vector<16xf32>
      %swap3A_2610 = vector.shape_cast %get3A_2580 : vector<16xf32> to vector<1x16xf32>
      tpu.vector_store %arg9[%swap3A_2606, %swap3A_2607], %swap3A_2610 {strides = array<i32>} : memref<8x1024xf32, #tpu.memory_space<vmem>>, vector<1x16xf32>,
      %swap3A_2611 = arith.constant 6 : i32
      %swap3A_2612 = arith.index_cast %swap3A_2611 : i32 to index
      %swap3A_2613 = arith.constant 864 : index
      %swap3A_2614 = tpu.vector_load %arg9[%swap3A_2612, %swap3A_2613] {strides = array<i32>} : memref<8x1024xf32, #tpu.memory_space<vmem>>, vector<1x16xf32>,
      %swap3A_2615 = vector.shape_cast %swap3A_2614 : vector<1x16xf32> to vector<16xf32>
      %swap3A_2616 = vector.shape_cast %get3A_2580 : vector<16xf32> to vector<1x16xf32>
      tpu.vector_store %arg9[%swap3A_2612, %swap3A_2613], %swap3A_2616 {strides = array<i32>} : memref<8x1024xf32, #tpu.memory_space<vmem>>, vector<1x16xf32>,
      %swap3A_2617 = arith.constant 7 : i32
      %swap3A_2618 = arith.index_cast %swap3A_2617 : i32 to index
      %swap3A_2619 = arith.constant 864 : index
      %swap3A_2620 = tpu.vector_load %arg9[%swap3A_2618, %swap3A_2619] {strides = array<i32>} : memref<8x1024xf32, #tpu.memory_space<vmem>>, vector<1x16xf32>,
      %swap3A_2621 = vector.shape_cast %swap3A_2620 : vector<1x16xf32> to vector<16xf32>
      %swap3A_2622 = vector.shape_cast %get3A_2580 : vector<16xf32> to vector<1x16xf32>
      tpu.vector_store %arg9[%swap3A_2618, %swap3A_2619], %swap3A_2622 {strides = array<i32>} : memref<8x1024xf32, #tpu.memory_space<vmem>>, vector<1x16xf32>,
      %get3A_2623 = arith.constant 0 : i32
      %get3A_2624 = arith.index_cast %get3A_2623 : i32 to index
      %get3A_2625 = arith.constant 880 : index
      %get3A_2626 = tpu.vector_load %arg9[%get3A_2624, %get3A_2625] {strides = array<i32>} : memref<8x1024xf32, #tpu.memory_space<vmem>>, vector<1x16xf32>,
      %get3A_2627 = vector.shape_cast %get3A_2626 : vector<1x16xf32> to vector<16xf32>
      %swap3A_2628 = arith.constant 1 : i32
      %swap3A_2629 = arith.index_cast %swap3A_2628 : i32 to index
      %swap3A_2630 = arith.constant 880 : index
      %swap3A_2631 = tpu.vector_load %arg9[%swap3A_2629, %swap3A_2630] {strides = array<i32>} : memref<8x1024xf32, #tpu.memory_space<vmem>>, vector<1x16xf32>,
      %swap3A_2632 = vector.shape_cast %swap3A_2631 : vector<1x16xf32> to vector<16xf32>
      %swap3A_2633 = vector.shape_cast %get3A_2627 : vector<16xf32> to vector<1x16xf32>
      tpu.vector_store %arg9[%swap3A_2629, %swap3A_2630], %swap3A_2633 {strides = array<i32>} : memref<8x1024xf32, #tpu.memory_space<vmem>>, vector<1x16xf32>,
      %swap3A_2634 = arith.constant 2 : i32
      %swap3A_2635 = arith.index_cast %swap3A_2634 : i32 to index
      %swap3A_2636 = arith.constant 880 : index
      %swap3A_2637 = tpu.vector_load %arg9[%swap3A_2635, %swap3A_2636] {strides = array<i32>} : memref<8x1024xf32, #tpu.memory_space<vmem>>, vector<1x16xf32>,
      %swap3A_2638 = vector.shape_cast %swap3A_2637 : vector<1x16xf32> to vector<16xf32>
      %swap3A_2639 = vector.shape_cast %get3A_2627 : vector<16xf32> to vector<1x16xf32>
      tpu.vector_store %arg9[%swap3A_2635, %swap3A_2636], %swap3A_2639 {strides = array<i32>} : memref<8x1024xf32, #tpu.memory_space<vmem>>, vector<1x16xf32>,
      %swap3A_2640 = arith.constant 3 : i32
      %swap3A_2641 = arith.index_cast %swap3A_2640 : i32 to index
      %swap3A_2642 = arith.constant 880 : index
      %swap3A_2643 = tpu.vector_load %arg9[%swap3A_2641, %swap3A_2642] {strides = array<i32>} : memref<8x1024xf32, #tpu.memory_space<vmem>>, vector<1x16xf32>,
      %swap3A_2644 = vector.shape_cast %swap3A_2643 : vector<1x16xf32> to vector<16xf32>
      %swap3A_2645 = vector.shape_cast %get3A_2627 : vector<16xf32> to vector<1x16xf32>
      tpu.vector_store %arg9[%swap3A_2641, %swap3A_2642], %swap3A_2645 {strides = array<i32>} : memref<8x1024xf32, #tpu.memory_space<vmem>>, vector<1x16xf32>,
      %swap3A_2646 = arith.constant 4 : i32
      %swap3A_2647 = arith.index_cast %swap3A_2646 : i32 to index
      %swap3A_2648 = arith.constant 880 : index
      %swap3A_2649 = tpu.vector_load %arg9[%swap3A_2647, %swap3A_2648] {strides = array<i32>} : memref<8x1024xf32, #tpu.memory_space<vmem>>, vector<1x16xf32>,
      %swap3A_2650 = vector.shape_cast %swap3A_2649 : vector<1x16xf32> to vector<16xf32>
      %swap3A_2651 = vector.shape_cast %get3A_2627 : vector<16xf32> to vector<1x16xf32>
      tpu.vector_store %arg9[%swap3A_2647, %swap3A_2648], %swap3A_2651 {strides = array<i32>} : memref<8x1024xf32, #tpu.memory_space<vmem>>, vector<1x16xf32>,
      %swap3A_2652 = arith.constant 5 : i32
      %swap3A_2653 = arith.index_cast %swap3A_2652 : i32 to index
      %swap3A_2654 = arith.constant 880 : index
      %swap3A_2655 = tpu.vector_load %arg9[%swap3A_2653, %swap3A_2654] {strides = array<i32>} : memref<8x1024xf32, #tpu.memory_space<vmem>>, vector<1x16xf32>,
      %swap3A_2656 = vector.shape_cast %swap3A_2655 : vector<1x16xf32> to vector<16xf32>
      %swap3A_2657 = vector.shape_cast %get3A_2627 : vector<16xf32> to vector<1x16xf32>
      tpu.vector_store %arg9[%swap3A_2653, %swap3A_2654], %swap3A_2657 {strides = array<i32>} : memref<8x1024xf32, #tpu.memory_space<vmem>>, vector<1x16xf32>,
      %swap3A_2658 = arith.constant 6 : i32
      %swap3A_2659 = arith.index_cast %swap3A_2658 : i32 to index
      %swap3A_2660 = arith.constant 880 : index
      %swap3A_2661 = tpu.vector_load %arg9[%swap3A_2659, %swap3A_2660] {strides = array<i32>} : memref<8x1024xf32, #tpu.memory_space<vmem>>, vector<1x16xf32>,
      %swap3A_2662 = vector.shape_cast %swap3A_2661 : vector<1x16xf32> to vector<16xf32>
      %swap3A_2663 = vector.shape_cast %get3A_2627 : vector<16xf32> to vector<1x16xf32>
      tpu.vector_store %arg9[%swap3A_2659, %swap3A_2660], %swap3A_2663 {strides = array<i32>} : memref<8x1024xf32, #tpu.memory_space<vmem>>, vector<1x16xf32>,
      %swap3A_2664 = arith.constant 7 : i32
      %swap3A_2665 = arith.index_cast %swap3A_2664 : i32 to index
      %swap3A_2666 = arith.constant 880 : index
      %swap3A_2667 = tpu.vector_load %arg9[%swap3A_2665, %swap3A_2666] {strides = array<i32>} : memref<8x1024xf32, #tpu.memory_space<vmem>>, vector<1x16xf32>,
      %swap3A_2668 = vector.shape_cast %swap3A_2667 : vector<1x16xf32> to vector<16xf32>
      %swap3A_2669 = vector.shape_cast %get3A_2627 : vector<16xf32> to vector<1x16xf32>
      tpu.vector_store %arg9[%swap3A_2665, %swap3A_2666], %swap3A_2669 {strides = array<i32>} : memref<8x1024xf32, #tpu.memory_space<vmem>>, vector<1x16xf32>,
      %get3A_2670 = arith.constant 0 : i32
      %get3A_2671 = arith.index_cast %get3A_2670 : i32 to index
      %get3A_2672 = arith.constant 896 : index
      %get3A_2673 = tpu.vector_load %arg9[%get3A_2671, %get3A_2672] {strides = array<i32>} : memref<8x1024xf32, #tpu.memory_space<vmem>>, vector<1x16xf32>,
      %get3A_2674 = vector.shape_cast %get3A_2673 : vector<1x16xf32> to vector<16xf32>
      %swap3A_2675 = arith.constant 1 : i32
      %swap3A_2676 = arith.index_cast %swap3A_2675 : i32 to index
      %swap3A_2677 = arith.constant 896 : index
      %swap3A_2678 = tpu.vector_load %arg9[%swap3A_2676, %swap3A_2677] {strides = array<i32>} : memref<8x1024xf32, #tpu.memory_space<vmem>>, vector<1x16xf32>,
      %swap3A_2679 = vector.shape_cast %swap3A_2678 : vector<1x16xf32> to vector<16xf32>
      %swap3A_2680 = vector.shape_cast %get3A_2674 : vector<16xf32> to vector<1x16xf32>
      tpu.vector_store %arg9[%swap3A_2676, %swap3A_2677], %swap3A_2680 {strides = array<i32>} : memref<8x1024xf32, #tpu.memory_space<vmem>>, vector<1x16xf32>,
      %swap3A_2681 = arith.constant 2 : i32
      %swap3A_2682 = arith.index_cast %swap3A_2681 : i32 to index
      %swap3A_2683 = arith.constant 896 : index
      %swap3A_2684 = tpu.vector_load %arg9[%swap3A_2682, %swap3A_2683] {strides = array<i32>} : memref<8x1024xf32, #tpu.memory_space<vmem>>, vector<1x16xf32>,
      %swap3A_2685 = vector.shape_cast %swap3A_2684 : vector<1x16xf32> to vector<16xf32>
      %swap3A_2686 = vector.shape_cast %get3A_2674 : vector<16xf32> to vector<1x16xf32>
      tpu.vector_store %arg9[%swap3A_2682, %swap3A_2683], %swap3A_2686 {strides = array<i32>} : memref<8x1024xf32, #tpu.memory_space<vmem>>, vector<1x16xf32>,
      %swap3A_2687 = arith.constant 3 : i32
      %swap3A_2688 = arith.index_cast %swap3A_2687 : i32 to index
      %swap3A_2689 = arith.constant 896 : index
      %swap3A_2690 = tpu.vector_load %arg9[%swap3A_2688, %swap3A_2689] {strides = array<i32>} : memref<8x1024xf32, #tpu.memory_space<vmem>>, vector<1x16xf32>,
      %swap3A_2691 = vector.shape_cast %swap3A_2690 : vector<1x16xf32> to vector<16xf32>
      %swap3A_2692 = vector.shape_cast %get3A_2674 : vector<16xf32> to vector<1x16xf32>
      tpu.vector_store %arg9[%swap3A_2688, %swap3A_2689], %swap3A_2692 {strides = array<i32>} : memref<8x1024xf32, #tpu.memory_space<vmem>>, vector<1x16xf32>,
      %swap3A_2693 = arith.constant 4 : i32
      %swap3A_2694 = arith.index_cast %swap3A_2693 : i32 to index
      %swap3A_2695 = arith.constant 896 : index
      %swap3A_2696 = tpu.vector_load %arg9[%swap3A_2694, %swap3A_2695] {strides = array<i32>} : memref<8x1024xf32, #tpu.memory_space<vmem>>, vector<1x16xf32>,
      %swap3A_2697 = vector.shape_cast %swap3A_2696 : vector<1x16xf32> to vector<16xf32>
      %swap3A_2698 = vector.shape_cast %get3A_2674 : vector<16xf32> to vector<1x16xf32>
      tpu.vector_store %arg9[%swap3A_2694, %swap3A_2695], %swap3A_2698 {strides = array<i32>} : memref<8x1024xf32, #tpu.memory_space<vmem>>, vector<1x16xf32>,
      %swap3A_2699 = arith.constant 5 : i32
      %swap3A_2700 = arith.index_cast %swap3A_2699 : i32 to index
      %swap3A_2701 = arith.constant 896 : index
      %swap3A_2702 = tpu.vector_load %arg9[%swap3A_2700, %swap3A_2701] {strides = array<i32>} : memref<8x1024xf32, #tpu.memory_space<vmem>>, vector<1x16xf32>,
      %swap3A_2703 = vector.shape_cast %swap3A_2702 : vector<1x16xf32> to vector<16xf32>
      %swap3A_2704 = vector.shape_cast %get3A_2674 : vector<16xf32> to vector<1x16xf32>
      tpu.vector_store %arg9[%swap3A_2700, %swap3A_2701], %swap3A_2704 {strides = array<i32>} : memref<8x1024xf32, #tpu.memory_space<vmem>>, vector<1x16xf32>,
      %swap3A_2705 = arith.constant 6 : i32
      %swap3A_2706 = arith.index_cast %swap3A_2705 : i32 to index
      %swap3A_2707 = arith.constant 896 : index
      %swap3A_2708 = tpu.vector_load %arg9[%swap3A_2706, %swap3A_2707] {strides = array<i32>} : memref<8x1024xf32, #tpu.memory_space<vmem>>, vector<1x16xf32>,
      %swap3A_2709 = vector.shape_cast %swap3A_2708 : vector<1x16xf32> to vector<16xf32>
      %swap3A_2710 = vector.shape_cast %get3A_2674 : vector<16xf32> to vector<1x16xf32>
      tpu.vector_store %arg9[%swap3A_2706, %swap3A_2707], %swap3A_2710 {strides = array<i32>} : memref<8x1024xf32, #tpu.memory_space<vmem>>, vector<1x16xf32>,
      %swap3A_2711 = arith.constant 7 : i32
      %swap3A_2712 = arith.index_cast %swap3A_2711 : i32 to index
      %swap3A_2713 = arith.constant 896 : index
      %swap3A_2714 = tpu.vector_load %arg9[%swap3A_2712, %swap3A_2713] {strides = array<i32>} : memref<8x1024xf32, #tpu.memory_space<vmem>>, vector<1x16xf32>,
      %swap3A_2715 = vector.shape_cast %swap3A_2714 : vector<1x16xf32> to vector<16xf32>
      %swap3A_2716 = vector.shape_cast %get3A_2674 : vector<16xf32> to vector<1x16xf32>
      tpu.vector_store %arg9[%swap3A_2712, %swap3A_2713], %swap3A_2716 {strides = array<i32>} : memref<8x1024xf32, #tpu.memory_space<vmem>>, vector<1x16xf32>,
      %get3A_2717 = arith.constant 0 : i32
      %get3A_2718 = arith.index_cast %get3A_2717 : i32 to index
      %get3A_2719 = arith.constant 912 : index
      %get3A_2720 = tpu.vector_load %arg9[%get3A_2718, %get3A_2719] {strides = array<i32>} : memref<8x1024xf32, #tpu.memory_space<vmem>>, vector<1x16xf32>,
      %get3A_2721 = vector.shape_cast %get3A_2720 : vector<1x16xf32> to vector<16xf32>
      %swap3A_2722 = arith.constant 1 : i32
      %swap3A_2723 = arith.index_cast %swap3A_2722 : i32 to index
      %swap3A_2724 = arith.constant 912 : index
      %swap3A_2725 = tpu.vector_load %arg9[%swap3A_2723, %swap3A_2724] {strides = array<i32>} : memref<8x1024xf32, #tpu.memory_space<vmem>>, vector<1x16xf32>,
      %swap3A_2726 = vector.shape_cast %swap3A_2725 : vector<1x16xf32> to vector<16xf32>
      %swap3A_2727 = vector.shape_cast %get3A_2721 : vector<16xf32> to vector<1x16xf32>
      tpu.vector_store %arg9[%swap3A_2723, %swap3A_2724], %swap3A_2727 {strides = array<i32>} : memref<8x1024xf32, #tpu.memory_space<vmem>>, vector<1x16xf32>,
      %swap3A_2728 = arith.constant 2 : i32
      %swap3A_2729 = arith.index_cast %swap3A_2728 : i32 to index
      %swap3A_2730 = arith.constant 912 : index
      %swap3A_2731 = tpu.vector_load %arg9[%swap3A_2729, %swap3A_2730] {strides = array<i32>} : memref<8x1024xf32, #tpu.memory_space<vmem>>, vector<1x16xf32>,
      %swap3A_2732 = vector.shape_cast %swap3A_2731 : vector<1x16xf32> to vector<16xf32>
      %swap3A_2733 = vector.shape_cast %get3A_2721 : vector<16xf32> to vector<1x16xf32>
      tpu.vector_store %arg9[%swap3A_2729, %swap3A_2730], %swap3A_2733 {strides = array<i32>} : memref<8x1024xf32, #tpu.memory_space<vmem>>, vector<1x16xf32>,
      %swap3A_2734 = arith.constant 3 : i32
      %swap3A_2735 = arith.index_cast %swap3A_2734 : i32 to index
      %swap3A_2736 = arith.constant 912 : index
      %swap3A_2737 = tpu.vector_load %arg9[%swap3A_2735, %swap3A_2736] {strides = array<i32>} : memref<8x1024xf32, #tpu.memory_space<vmem>>, vector<1x16xf32>,
      %swap3A_2738 = vector.shape_cast %swap3A_2737 : vector<1x16xf32> to vector<16xf32>
      %swap3A_2739 = vector.shape_cast %get3A_2721 : vector<16xf32> to vector<1x16xf32>
      tpu.vector_store %arg9[%swap3A_2735, %swap3A_2736], %swap3A_2739 {strides = array<i32>} : memref<8x1024xf32, #tpu.memory_space<vmem>>, vector<1x16xf32>,
      %swap3A_2740 = arith.constant 4 : i32
      %swap3A_2741 = arith.index_cast %swap3A_2740 : i32 to index
      %swap3A_2742 = arith.constant 912 : index
      %swap3A_2743 = tpu.vector_load %arg9[%swap3A_2741, %swap3A_2742] {strides = array<i32>} : memref<8x1024xf32, #tpu.memory_space<vmem>>, vector<1x16xf32>,
      %swap3A_2744 = vector.shape_cast %swap3A_2743 : vector<1x16xf32> to vector<16xf32>
      %swap3A_2745 = vector.shape_cast %get3A_2721 : vector<16xf32> to vector<1x16xf32>
      tpu.vector_store %arg9[%swap3A_2741, %swap3A_2742], %swap3A_2745 {strides = array<i32>} : memref<8x1024xf32, #tpu.memory_space<vmem>>, vector<1x16xf32>,
      %swap3A_2746 = arith.constant 5 : i32
      %swap3A_2747 = arith.index_cast %swap3A_2746 : i32 to index
      %swap3A_2748 = arith.constant 912 : index
      %swap3A_2749 = tpu.vector_load %arg9[%swap3A_2747, %swap3A_2748] {strides = array<i32>} : memref<8x1024xf32, #tpu.memory_space<vmem>>, vector<1x16xf32>,
      %swap3A_2750 = vector.shape_cast %swap3A_2749 : vector<1x16xf32> to vector<16xf32>
      %swap3A_2751 = vector.shape_cast %get3A_2721 : vector<16xf32> to vector<1x16xf32>
      tpu.vector_store %arg9[%swap3A_2747, %swap3A_2748], %swap3A_2751 {strides = array<i32>} : memref<8x1024xf32, #tpu.memory_space<vmem>>, vector<1x16xf32>,
      %swap3A_2752 = arith.constant 6 : i32
      %swap3A_2753 = arith.index_cast %swap3A_2752 : i32 to index
      %swap3A_2754 = arith.constant 912 : index
      %swap3A_2755 = tpu.vector_load %arg9[%swap3A_2753, %swap3A_2754] {strides = array<i32>} : memref<8x1024xf32, #tpu.memory_space<vmem>>, vector<1x16xf32>,
      %swap3A_2756 = vector.shape_cast %swap3A_2755 : vector<1x16xf32> to vector<16xf32>
      %swap3A_2757 = vector.shape_cast %get3A_2721 : vector<16xf32> to vector<1x16xf32>
      tpu.vector_store %arg9[%swap3A_2753, %swap3A_2754], %swap3A_2757 {strides = array<i32>} : memref<8x1024xf32, #tpu.memory_space<vmem>>, vector<1x16xf32>,
      %swap3A_2758 = arith.constant 7 : i32
      %swap3A_2759 = arith.index_cast %swap3A_2758 : i32 to index
      %swap3A_2760 = arith.constant 912 : index
      %swap3A_2761 = tpu.vector_load %arg9[%swap3A_2759, %swap3A_2760] {strides = array<i32>} : memref<8x1024xf32, #tpu.memory_space<vmem>>, vector<1x16xf32>,
      %swap3A_2762 = vector.shape_cast %swap3A_2761 : vector<1x16xf32> to vector<16xf32>
      %swap3A_2763 = vector.shape_cast %get3A_2721 : vector<16xf32> to vector<1x16xf32>
      tpu.vector_store %arg9[%swap3A_2759, %swap3A_2760], %swap3A_2763 {strides = array<i32>} : memref<8x1024xf32, #tpu.memory_space<vmem>>, vector<1x16xf32>,
      %get3A_2764 = arith.constant 0 : i32
      %get3A_2765 = arith.index_cast %get3A_2764 : i32 to index
      %get3A_2766 = arith.constant 928 : index
      %get3A_2767 = tpu.vector_load %arg9[%get3A_2765, %get3A_2766] {strides = array<i32>} : memref<8x1024xf32, #tpu.memory_space<vmem>>, vector<1x16xf32>,
      %get3A_2768 = vector.shape_cast %get3A_2767 : vector<1x16xf32> to vector<16xf32>
      %swap3A_2769 = arith.constant 1 : i32
      %swap3A_2770 = arith.index_cast %swap3A_2769 : i32 to index
      %swap3A_2771 = arith.constant 928 : index
      %swap3A_2772 = tpu.vector_load %arg9[%swap3A_2770, %swap3A_2771] {strides = array<i32>} : memref<8x1024xf32, #tpu.memory_space<vmem>>, vector<1x16xf32>,
      %swap3A_2773 = vector.shape_cast %swap3A_2772 : vector<1x16xf32> to vector<16xf32>
      %swap3A_2774 = vector.shape_cast %get3A_2768 : vector<16xf32> to vector<1x16xf32>
      tpu.vector_store %arg9[%swap3A_2770, %swap3A_2771], %swap3A_2774 {strides = array<i32>} : memref<8x1024xf32, #tpu.memory_space<vmem>>, vector<1x16xf32>,
      %swap3A_2775 = arith.constant 2 : i32
      %swap3A_2776 = arith.index_cast %swap3A_2775 : i32 to index
      %swap3A_2777 = arith.constant 928 : index
      %swap3A_2778 = tpu.vector_load %arg9[%swap3A_2776, %swap3A_2777] {strides = array<i32>} : memref<8x1024xf32, #tpu.memory_space<vmem>>, vector<1x16xf32>,
      %swap3A_2779 = vector.shape_cast %swap3A_2778 : vector<1x16xf32> to vector<16xf32>
      %swap3A_2780 = vector.shape_cast %get3A_2768 : vector<16xf32> to vector<1x16xf32>
      tpu.vector_store %arg9[%swap3A_2776, %swap3A_2777], %swap3A_2780 {strides = array<i32>} : memref<8x1024xf32, #tpu.memory_space<vmem>>, vector<1x16xf32>,
      %swap3A_2781 = arith.constant 3 : i32
      %swap3A_2782 = arith.index_cast %swap3A_2781 : i32 to index
      %swap3A_2783 = arith.constant 928 : index
      %swap3A_2784 = tpu.vector_load %arg9[%swap3A_2782, %swap3A_2783] {strides = array<i32>} : memref<8x1024xf32, #tpu.memory_space<vmem>>, vector<1x16xf32>,
      %swap3A_2785 = vector.shape_cast %swap3A_2784 : vector<1x16xf32> to vector<16xf32>
      %swap3A_2786 = vector.shape_cast %get3A_2768 : vector<16xf32> to vector<1x16xf32>
      tpu.vector_store %arg9[%swap3A_2782, %swap3A_2783], %swap3A_2786 {strides = array<i32>} : memref<8x1024xf32, #tpu.memory_space<vmem>>, vector<1x16xf32>,
      %swap3A_2787 = arith.constant 4 : i32
      %swap3A_2788 = arith.index_cast %swap3A_2787 : i32 to index
      %swap3A_2789 = arith.constant 928 : index
      %swap3A_2790 = tpu.vector_load %arg9[%swap3A_2788, %swap3A_2789] {strides = array<i32>} : memref<8x1024xf32, #tpu.memory_space<vmem>>, vector<1x16xf32>,
      %swap3A_2791 = vector.shape_cast %swap3A_2790 : vector<1x16xf32> to vector<16xf32>
      %swap3A_2792 = vector.shape_cast %get3A_2768 : vector<16xf32> to vector<1x16xf32>
      tpu.vector_store %arg9[%swap3A_2788, %swap3A_2789], %swap3A_2792 {strides = array<i32>} : memref<8x1024xf32, #tpu.memory_space<vmem>>, vector<1x16xf32>,
      %swap3A_2793 = arith.constant 5 : i32
      %swap3A_2794 = arith.index_cast %swap3A_2793 : i32 to index
      %swap3A_2795 = arith.constant 928 : index
      %swap3A_2796 = tpu.vector_load %arg9[%swap3A_2794, %swap3A_2795] {strides = array<i32>} : memref<8x1024xf32, #tpu.memory_space<vmem>>, vector<1x16xf32>,
      %swap3A_2797 = vector.shape_cast %swap3A_2796 : vector<1x16xf32> to vector<16xf32>
      %swap3A_2798 = vector.shape_cast %get3A_2768 : vector<16xf32> to vector<1x16xf32>
      tpu.vector_store %arg9[%swap3A_2794, %swap3A_2795], %swap3A_2798 {strides = array<i32>} : memref<8x1024xf32, #tpu.memory_space<vmem>>, vector<1x16xf32>,
      %swap3A_2799 = arith.constant 6 : i32
      %swap3A_2800 = arith.index_cast %swap3A_2799 : i32 to index
      %swap3A_2801 = arith.constant 928 : index
      %swap3A_2802 = tpu.vector_load %arg9[%swap3A_2800, %swap3A_2801] {strides = array<i32>} : memref<8x1024xf32, #tpu.memory_space<vmem>>, vector<1x16xf32>,
      %swap3A_2803 = vector.shape_cast %swap3A_2802 : vector<1x16xf32> to vector<16xf32>
      %swap3A_2804 = vector.shape_cast %get3A_2768 : vector<16xf32> to vector<1x16xf32>
      tpu.vector_store %arg9[%swap3A_2800, %swap3A_2801], %swap3A_2804 {strides = array<i32>} : memref<8x1024xf32, #tpu.memory_space<vmem>>, vector<1x16xf32>,
      %swap3A_2805 = arith.constant 7 : i32
      %swap3A_2806 = arith.index_cast %swap3A_2805 : i32 to index
      %swap3A_2807 = arith.constant 928 : index
      %swap3A_2808 = tpu.vector_load %arg9[%swap3A_2806, %swap3A_2807] {strides = array<i32>} : memref<8x1024xf32, #tpu.memory_space<vmem>>, vector<1x16xf32>,
      %swap3A_2809 = vector.shape_cast %swap3A_2808 : vector<1x16xf32> to vector<16xf32>
      %swap3A_2810 = vector.shape_cast %get3A_2768 : vector<16xf32> to vector<1x16xf32>
      tpu.vector_store %arg9[%swap3A_2806, %swap3A_2807], %swap3A_2810 {strides = array<i32>} : memref<8x1024xf32, #tpu.memory_space<vmem>>, vector<1x16xf32>,
      %get3A_2811 = arith.constant 0 : i32
      %get3A_2812 = arith.index_cast %get3A_2811 : i32 to index
      %get3A_2813 = arith.constant 944 : index
      %get3A_2814 = tpu.vector_load %arg9[%get3A_2812, %get3A_2813] {strides = array<i32>} : memref<8x1024xf32, #tpu.memory_space<vmem>>, vector<1x16xf32>,
      %get3A_2815 = vector.shape_cast %get3A_2814 : vector<1x16xf32> to vector<16xf32>
      %swap3A_2816 = arith.constant 1 : i32
      %swap3A_2817 = arith.index_cast %swap3A_2816 : i32 to index
      %swap3A_2818 = arith.constant 944 : index
      %swap3A_2819 = tpu.vector_load %arg9[%swap3A_2817, %swap3A_2818] {strides = array<i32>} : memref<8x1024xf32, #tpu.memory_space<vmem>>, vector<1x16xf32>,
      %swap3A_2820 = vector.shape_cast %swap3A_2819 : vector<1x16xf32> to vector<16xf32>
      %swap3A_2821 = vector.shape_cast %get3A_2815 : vector<16xf32> to vector<1x16xf32>
      tpu.vector_store %arg9[%swap3A_2817, %swap3A_2818], %swap3A_2821 {strides = array<i32>} : memref<8x1024xf32, #tpu.memory_space<vmem>>, vector<1x16xf32>,
      %swap3A_2822 = arith.constant 2 : i32
      %swap3A_2823 = arith.index_cast %swap3A_2822 : i32 to index
      %swap3A_2824 = arith.constant 944 : index
      %swap3A_2825 = tpu.vector_load %arg9[%swap3A_2823, %swap3A_2824] {strides = array<i32>} : memref<8x1024xf32, #tpu.memory_space<vmem>>, vector<1x16xf32>,
      %swap3A_2826 = vector.shape_cast %swap3A_2825 : vector<1x16xf32> to vector<16xf32>
      %swap3A_2827 = vector.shape_cast %get3A_2815 : vector<16xf32> to vector<1x16xf32>
      tpu.vector_store %arg9[%swap3A_2823, %swap3A_2824], %swap3A_2827 {strides = array<i32>} : memref<8x1024xf32, #tpu.memory_space<vmem>>, vector<1x16xf32>,
      %swap3A_2828 = arith.constant 3 : i32
      %swap3A_2829 = arith.index_cast %swap3A_2828 : i32 to index
      %swap3A_2830 = arith.constant 944 : index
      %swap3A_2831 = tpu.vector_load %arg9[%swap3A_2829, %swap3A_2830] {strides = array<i32>} : memref<8x1024xf32, #tpu.memory_space<vmem>>, vector<1x16xf32>,
      %swap3A_2832 = vector.shape_cast %swap3A_2831 : vector<1x16xf32> to vector<16xf32>
      %swap3A_2833 = vector.shape_cast %get3A_2815 : vector<16xf32> to vector<1x16xf32>
      tpu.vector_store %arg9[%swap3A_2829, %swap3A_2830], %swap3A_2833 {strides = array<i32>} : memref<8x1024xf32, #tpu.memory_space<vmem>>, vector<1x16xf32>,
      %swap3A_2834 = arith.constant 4 : i32
      %swap3A_2835 = arith.index_cast %swap3A_2834 : i32 to index
      %swap3A_2836 = arith.constant 944 : index
      %swap3A_2837 = tpu.vector_load %arg9[%swap3A_2835, %swap3A_2836] {strides = array<i32>} : memref<8x1024xf32, #tpu.memory_space<vmem>>, vector<1x16xf32>,
      %swap3A_2838 = vector.shape_cast %swap3A_2837 : vector<1x16xf32> to vector<16xf32>
      %swap3A_2839 = vector.shape_cast %get3A_2815 : vector<16xf32> to vector<1x16xf32>
      tpu.vector_store %arg9[%swap3A_2835, %swap3A_2836], %swap3A_2839 {strides = array<i32>} : memref<8x1024xf32, #tpu.memory_space<vmem>>, vector<1x16xf32>,
      %swap3A_2840 = arith.constant 5 : i32
      %swap3A_2841 = arith.index_cast %swap3A_2840 : i32 to index
      %swap3A_2842 = arith.constant 944 : index
      %swap3A_2843 = tpu.vector_load %arg9[%swap3A_2841, %swap3A_2842] {strides = array<i32>} : memref<8x1024xf32, #tpu.memory_space<vmem>>, vector<1x16xf32>,
      %swap3A_2844 = vector.shape_cast %swap3A_2843 : vector<1x16xf32> to vector<16xf32>
      %swap3A_2845 = vector.shape_cast %get3A_2815 : vector<16xf32> to vector<1x16xf32>
      tpu.vector_store %arg9[%swap3A_2841, %swap3A_2842], %swap3A_2845 {strides = array<i32>} : memref<8x1024xf32, #tpu.memory_space<vmem>>, vector<1x16xf32>,
      %swap3A_2846 = arith.constant 6 : i32
      %swap3A_2847 = arith.index_cast %swap3A_2846 : i32 to index
      %swap3A_2848 = arith.constant 944 : index
      %swap3A_2849 = tpu.vector_load %arg9[%swap3A_2847, %swap3A_2848] {strides = array<i32>} : memref<8x1024xf32, #tpu.memory_space<vmem>>, vector<1x16xf32>,
      %swap3A_2850 = vector.shape_cast %swap3A_2849 : vector<1x16xf32> to vector<16xf32>
      %swap3A_2851 = vector.shape_cast %get3A_2815 : vector<16xf32> to vector<1x16xf32>
      tpu.vector_store %arg9[%swap3A_2847, %swap3A_2848], %swap3A_2851 {strides = array<i32>} : memref<8x1024xf32, #tpu.memory_space<vmem>>, vector<1x16xf32>,
      %swap3A_2852 = arith.constant 7 : i32
      %swap3A_2853 = arith.index_cast %swap3A_2852 : i32 to index
      %swap3A_2854 = arith.constant 944 : index
      %swap3A_2855 = tpu.vector_load %arg9[%swap3A_2853, %swap3A_2854] {strides = array<i32>} : memref<8x1024xf32, #tpu.memory_space<vmem>>, vector<1x16xf32>,
      %swap3A_2856 = vector.shape_cast %swap3A_2855 : vector<1x16xf32> to vector<16xf32>
      %swap3A_2857 = vector.shape_cast %get3A_2815 : vector<16xf32> to vector<1x16xf32>
      tpu.vector_store %arg9[%swap3A_2853, %swap3A_2854], %swap3A_2857 {strides = array<i32>} : memref<8x1024xf32, #tpu.memory_space<vmem>>, vector<1x16xf32>,
      %get3A_2858 = arith.constant 0 : i32
      %get3A_2859 = arith.index_cast %get3A_2858 : i32 to index
      %get3A_2860 = arith.constant 960 : index
      %get3A_2861 = tpu.vector_load %arg9[%get3A_2859, %get3A_2860] {strides = array<i32>} : memref<8x1024xf32, #tpu.memory_space<vmem>>, vector<1x16xf32>,
      %get3A_2862 = vector.shape_cast %get3A_2861 : vector<1x16xf32> to vector<16xf32>
      %swap3A_2863 = arith.constant 1 : i32
      %swap3A_2864 = arith.index_cast %swap3A_2863 : i32 to index
      %swap3A_2865 = arith.constant 960 : index
      %swap3A_2866 = tpu.vector_load %arg9[%swap3A_2864, %swap3A_2865] {strides = array<i32>} : memref<8x1024xf32, #tpu.memory_space<vmem>>, vector<1x16xf32>,
      %swap3A_2867 = vector.shape_cast %swap3A_2866 : vector<1x16xf32> to vector<16xf32>
      %swap3A_2868 = vector.shape_cast %get3A_2862 : vector<16xf32> to vector<1x16xf32>
      tpu.vector_store %arg9[%swap3A_2864, %swap3A_2865], %swap3A_2868 {strides = array<i32>} : memref<8x1024xf32, #tpu.memory_space<vmem>>, vector<1x16xf32>,
      %swap3A_2869 = arith.constant 2 : i32
      %swap3A_2870 = arith.index_cast %swap3A_2869 : i32 to index
      %swap3A_2871 = arith.constant 960 : index
      %swap3A_2872 = tpu.vector_load %arg9[%swap3A_2870, %swap3A_2871] {strides = array<i32>} : memref<8x1024xf32, #tpu.memory_space<vmem>>, vector<1x16xf32>,
      %swap3A_2873 = vector.shape_cast %swap3A_2872 : vector<1x16xf32> to vector<16xf32>
      %swap3A_2874 = vector.shape_cast %get3A_2862 : vector<16xf32> to vector<1x16xf32>
      tpu.vector_store %arg9[%swap3A_2870, %swap3A_2871], %swap3A_2874 {strides = array<i32>} : memref<8x1024xf32, #tpu.memory_space<vmem>>, vector<1x16xf32>,
      %swap3A_2875 = arith.constant 3 : i32
      %swap3A_2876 = arith.index_cast %swap3A_2875 : i32 to index
      %swap3A_2877 = arith.constant 960 : index
      %swap3A_2878 = tpu.vector_load %arg9[%swap3A_2876, %swap3A_2877] {strides = array<i32>} : memref<8x1024xf32, #tpu.memory_space<vmem>>, vector<1x16xf32>,
      %swap3A_2879 = vector.shape_cast %swap3A_2878 : vector<1x16xf32> to vector<16xf32>
      %swap3A_2880 = vector.shape_cast %get3A_2862 : vector<16xf32> to vector<1x16xf32>
      tpu.vector_store %arg9[%swap3A_2876, %swap3A_2877], %swap3A_2880 {strides = array<i32>} : memref<8x1024xf32, #tpu.memory_space<vmem>>, vector<1x16xf32>,
      %swap3A_2881 = arith.constant 4 : i32
      %swap3A_2882 = arith.index_cast %swap3A_2881 : i32 to index
      %swap3A_2883 = arith.constant 960 : index
      %swap3A_2884 = tpu.vector_load %arg9[%swap3A_2882, %swap3A_2883] {strides = array<i32>} : memref<8x1024xf32, #tpu.memory_space<vmem>>, vector<1x16xf32>,
      %swap3A_2885 = vector.shape_cast %swap3A_2884 : vector<1x16xf32> to vector<16xf32>
      %swap3A_2886 = vector.shape_cast %get3A_2862 : vector<16xf32> to vector<1x16xf32>
      tpu.vector_store %arg9[%swap3A_2882, %swap3A_2883], %swap3A_2886 {strides = array<i32>} : memref<8x1024xf32, #tpu.memory_space<vmem>>, vector<1x16xf32>,
      %swap3A_2887 = arith.constant 5 : i32
      %swap3A_2888 = arith.index_cast %swap3A_2887 : i32 to index
      %swap3A_2889 = arith.constant 960 : index
      %swap3A_2890 = tpu.vector_load %arg9[%swap3A_2888, %swap3A_2889] {strides = array<i32>} : memref<8x1024xf32, #tpu.memory_space<vmem>>, vector<1x16xf32>,
      %swap3A_2891 = vector.shape_cast %swap3A_2890 : vector<1x16xf32> to vector<16xf32>
      %swap3A_2892 = vector.shape_cast %get3A_2862 : vector<16xf32> to vector<1x16xf32>
      tpu.vector_store %arg9[%swap3A_2888, %swap3A_2889], %swap3A_2892 {strides = array<i32>} : memref<8x1024xf32, #tpu.memory_space<vmem>>, vector<1x16xf32>,
      %swap3A_2893 = arith.constant 6 : i32
      %swap3A_2894 = arith.index_cast %swap3A_2893 : i32 to index
      %swap3A_2895 = arith.constant 960 : index
      %swap3A_2896 = tpu.vector_load %arg9[%swap3A_2894, %swap3A_2895] {strides = array<i32>} : memref<8x1024xf32, #tpu.memory_space<vmem>>, vector<1x16xf32>,
      %swap3A_2897 = vector.shape_cast %swap3A_2896 : vector<1x16xf32> to vector<16xf32>
      %swap3A_2898 = vector.shape_cast %get3A_2862 : vector<16xf32> to vector<1x16xf32>
      tpu.vector_store %arg9[%swap3A_2894, %swap3A_2895], %swap3A_2898 {strides = array<i32>} : memref<8x1024xf32, #tpu.memory_space<vmem>>, vector<1x16xf32>,
      %swap3A_2899 = arith.constant 7 : i32
      %swap3A_2900 = arith.index_cast %swap3A_2899 : i32 to index
      %swap3A_2901 = arith.constant 960 : index
      %swap3A_2902 = tpu.vector_load %arg9[%swap3A_2900, %swap3A_2901] {strides = array<i32>} : memref<8x1024xf32, #tpu.memory_space<vmem>>, vector<1x16xf32>,
      %swap3A_2903 = vector.shape_cast %swap3A_2902 : vector<1x16xf32> to vector<16xf32>
      %swap3A_2904 = vector.shape_cast %get3A_2862 : vector<16xf32> to vector<1x16xf32>
      tpu.vector_store %arg9[%swap3A_2900, %swap3A_2901], %swap3A_2904 {strides = array<i32>} : memref<8x1024xf32, #tpu.memory_space<vmem>>, vector<1x16xf32>,
      %get3A_2905 = arith.constant 0 : i32
      %get3A_2906 = arith.index_cast %get3A_2905 : i32 to index
      %get3A_2907 = arith.constant 976 : index
      %get3A_2908 = tpu.vector_load %arg9[%get3A_2906, %get3A_2907] {strides = array<i32>} : memref<8x1024xf32, #tpu.memory_space<vmem>>, vector<1x16xf32>,
      %get3A_2909 = vector.shape_cast %get3A_2908 : vector<1x16xf32> to vector<16xf32>
      %swap3A_2910 = arith.constant 1 : i32
      %swap3A_2911 = arith.index_cast %swap3A_2910 : i32 to index
      %swap3A_2912 = arith.constant 976 : index
      %swap3A_2913 = tpu.vector_load %arg9[%swap3A_2911, %swap3A_2912] {strides = array<i32>} : memref<8x1024xf32, #tpu.memory_space<vmem>>, vector<1x16xf32>,
      %swap3A_2914 = vector.shape_cast %swap3A_2913 : vector<1x16xf32> to vector<16xf32>
      %swap3A_2915 = vector.shape_cast %get3A_2909 : vector<16xf32> to vector<1x16xf32>
      tpu.vector_store %arg9[%swap3A_2911, %swap3A_2912], %swap3A_2915 {strides = array<i32>} : memref<8x1024xf32, #tpu.memory_space<vmem>>, vector<1x16xf32>,
      %swap3A_2916 = arith.constant 2 : i32
      %swap3A_2917 = arith.index_cast %swap3A_2916 : i32 to index
      %swap3A_2918 = arith.constant 976 : index
      %swap3A_2919 = tpu.vector_load %arg9[%swap3A_2917, %swap3A_2918] {strides = array<i32>} : memref<8x1024xf32, #tpu.memory_space<vmem>>, vector<1x16xf32>,
      %swap3A_2920 = vector.shape_cast %swap3A_2919 : vector<1x16xf32> to vector<16xf32>
      %swap3A_2921 = vector.shape_cast %get3A_2909 : vector<16xf32> to vector<1x16xf32>
      tpu.vector_store %arg9[%swap3A_2917, %swap3A_2918], %swap3A_2921 {strides = array<i32>} : memref<8x1024xf32, #tpu.memory_space<vmem>>, vector<1x16xf32>,
      %swap3A_2922 = arith.constant 3 : i32
      %swap3A_2923 = arith.index_cast %swap3A_2922 : i32 to index
      %swap3A_2924 = arith.constant 976 : index
      %swap3A_2925 = tpu.vector_load %arg9[%swap3A_2923, %swap3A_2924] {strides = array<i32>} : memref<8x1024xf32, #tpu.memory_space<vmem>>, vector<1x16xf32>,
      %swap3A_2926 = vector.shape_cast %swap3A_2925 : vector<1x16xf32> to vector<16xf32>
      %swap3A_2927 = vector.shape_cast %get3A_2909 : vector<16xf32> to vector<1x16xf32>
      tpu.vector_store %arg9[%swap3A_2923, %swap3A_2924], %swap3A_2927 {strides = array<i32>} : memref<8x1024xf32, #tpu.memory_space<vmem>>, vector<1x16xf32>,
      %swap3A_2928 = arith.constant 4 : i32
      %swap3A_2929 = arith.index_cast %swap3A_2928 : i32 to index
      %swap3A_2930 = arith.constant 976 : index
      %swap3A_2931 = tpu.vector_load %arg9[%swap3A_2929, %swap3A_2930] {strides = array<i32>} : memref<8x1024xf32, #tpu.memory_space<vmem>>, vector<1x16xf32>,
      %swap3A_2932 = vector.shape_cast %swap3A_2931 : vector<1x16xf32> to vector<16xf32>
      %swap3A_2933 = vector.shape_cast %get3A_2909 : vector<16xf32> to vector<1x16xf32>
      tpu.vector_store %arg9[%swap3A_2929, %swap3A_2930], %swap3A_2933 {strides = array<i32>} : memref<8x1024xf32, #tpu.memory_space<vmem>>, vector<1x16xf32>,
      %swap3A_2934 = arith.constant 5 : i32
      %swap3A_2935 = arith.index_cast %swap3A_2934 : i32 to index
      %swap3A_2936 = arith.constant 976 : index
      %swap3A_2937 = tpu.vector_load %arg9[%swap3A_2935, %swap3A_2936] {strides = array<i32>} : memref<8x1024xf32, #tpu.memory_space<vmem>>, vector<1x16xf32>,
      %swap3A_2938 = vector.shape_cast %swap3A_2937 : vector<1x16xf32> to vector<16xf32>
      %swap3A_2939 = vector.shape_cast %get3A_2909 : vector<16xf32> to vector<1x16xf32>
      tpu.vector_store %arg9[%swap3A_2935, %swap3A_2936], %swap3A_2939 {strides = array<i32>} : memref<8x1024xf32, #tpu.memory_space<vmem>>, vector<1x16xf32>,
      %swap3A_2940 = arith.constant 6 : i32
      %swap3A_2941 = arith.index_cast %swap3A_2940 : i32 to index
      %swap3A_2942 = arith.constant 976 : index
      %swap3A_2943 = tpu.vector_load %arg9[%swap3A_2941, %swap3A_2942] {strides = array<i32>} : memref<8x1024xf32, #tpu.memory_space<vmem>>, vector<1x16xf32>,
      %swap3A_2944 = vector.shape_cast %swap3A_2943 : vector<1x16xf32> to vector<16xf32>
      %swap3A_2945 = vector.shape_cast %get3A_2909 : vector<16xf32> to vector<1x16xf32>
      tpu.vector_store %arg9[%swap3A_2941, %swap3A_2942], %swap3A_2945 {strides = array<i32>} : memref<8x1024xf32, #tpu.memory_space<vmem>>, vector<1x16xf32>,
      %swap3A_2946 = arith.constant 7 : i32
      %swap3A_2947 = arith.index_cast %swap3A_2946 : i32 to index
      %swap3A_2948 = arith.constant 976 : index
      %swap3A_2949 = tpu.vector_load %arg9[%swap3A_2947, %swap3A_2948] {strides = array<i32>} : memref<8x1024xf32, #tpu.memory_space<vmem>>, vector<1x16xf32>,
      %swap3A_2950 = vector.shape_cast %swap3A_2949 : vector<1x16xf32> to vector<16xf32>
      %swap3A_2951 = vector.shape_cast %get3A_2909 : vector<16xf32> to vector<1x16xf32>
      tpu.vector_store %arg9[%swap3A_2947, %swap3A_2948], %swap3A_2951 {strides = array<i32>} : memref<8x1024xf32, #tpu.memory_space<vmem>>, vector<1x16xf32>,
      %get3A_2952 = arith.constant 0 : i32
      %get3A_2953 = arith.index_cast %get3A_2952 : i32 to index
      %get3A_2954 = arith.constant 992 : index
      %get3A_2955 = tpu.vector_load %arg9[%get3A_2953, %get3A_2954] {strides = array<i32>} : memref<8x1024xf32, #tpu.memory_space<vmem>>, vector<1x16xf32>,
      %get3A_2956 = vector.shape_cast %get3A_2955 : vector<1x16xf32> to vector<16xf32>
      %swap3A_2957 = arith.constant 1 : i32
      %swap3A_2958 = arith.index_cast %swap3A_2957 : i32 to index
      %swap3A_2959 = arith.constant 992 : index
      %swap3A_2960 = tpu.vector_load %arg9[%swap3A_2958, %swap3A_2959] {strides = array<i32>} : memref<8x1024xf32, #tpu.memory_space<vmem>>, vector<1x16xf32>,
      %swap3A_2961 = vector.shape_cast %swap3A_2960 : vector<1x16xf32> to vector<16xf32>
      %swap3A_2962 = vector.shape_cast %get3A_2956 : vector<16xf32> to vector<1x16xf32>
      tpu.vector_store %arg9[%swap3A_2958, %swap3A_2959], %swap3A_2962 {strides = array<i32>} : memref<8x1024xf32, #tpu.memory_space<vmem>>, vector<1x16xf32>,
      %swap3A_2963 = arith.constant 2 : i32
      %swap3A_2964 = arith.index_cast %swap3A_2963 : i32 to index
      %swap3A_2965 = arith.constant 992 : index
      %swap3A_2966 = tpu.vector_load %arg9[%swap3A_2964, %swap3A_2965] {strides = array<i32>} : memref<8x1024xf32, #tpu.memory_space<vmem>>, vector<1x16xf32>,
      %swap3A_2967 = vector.shape_cast %swap3A_2966 : vector<1x16xf32> to vector<16xf32>
      %swap3A_2968 = vector.shape_cast %get3A_2956 : vector<16xf32> to vector<1x16xf32>
      tpu.vector_store %arg9[%swap3A_2964, %swap3A_2965], %swap3A_2968 {strides = array<i32>} : memref<8x1024xf32, #tpu.memory_space<vmem>>, vector<1x16xf32>,
      %swap3A_2969 = arith.constant 3 : i32
      %swap3A_2970 = arith.index_cast %swap3A_2969 : i32 to index
      %swap3A_2971 = arith.constant 992 : index
      %swap3A_2972 = tpu.vector_load %arg9[%swap3A_2970, %swap3A_2971] {strides = array<i32>} : memref<8x1024xf32, #tpu.memory_space<vmem>>, vector<1x16xf32>,
      %swap3A_2973 = vector.shape_cast %swap3A_2972 : vector<1x16xf32> to vector<16xf32>
      %swap3A_2974 = vector.shape_cast %get3A_2956 : vector<16xf32> to vector<1x16xf32>
      tpu.vector_store %arg9[%swap3A_2970, %swap3A_2971], %swap3A_2974 {strides = array<i32>} : memref<8x1024xf32, #tpu.memory_space<vmem>>, vector<1x16xf32>,
      %swap3A_2975 = arith.constant 4 : i32
      %swap3A_2976 = arith.index_cast %swap3A_2975 : i32 to index
      %swap3A_2977 = arith.constant 992 : index
      %swap3A_2978 = tpu.vector_load %arg9[%swap3A_2976, %swap3A_2977] {strides = array<i32>} : memref<8x1024xf32, #tpu.memory_space<vmem>>, vector<1x16xf32>,
      %swap3A_2979 = vector.shape_cast %swap3A_2978 : vector<1x16xf32> to vector<16xf32>
      %swap3A_2980 = vector.shape_cast %get3A_2956 : vector<16xf32> to vector<1x16xf32>
      tpu.vector_store %arg9[%swap3A_2976, %swap3A_2977], %swap3A_2980 {strides = array<i32>} : memref<8x1024xf32, #tpu.memory_space<vmem>>, vector<1x16xf32>,
      %swap3A_2981 = arith.constant 5 : i32
      %swap3A_2982 = arith.index_cast %swap3A_2981 : i32 to index
      %swap3A_2983 = arith.constant 992 : index
      %swap3A_2984 = tpu.vector_load %arg9[%swap3A_2982, %swap3A_2983] {strides = array<i32>} : memref<8x1024xf32, #tpu.memory_space<vmem>>, vector<1x16xf32>,
      %swap3A_2985 = vector.shape_cast %swap3A_2984 : vector<1x16xf32> to vector<16xf32>
      %swap3A_2986 = vector.shape_cast %get3A_2956 : vector<16xf32> to vector<1x16xf32>
      tpu.vector_store %arg9[%swap3A_2982, %swap3A_2983], %swap3A_2986 {strides = array<i32>} : memref<8x1024xf32, #tpu.memory_space<vmem>>, vector<1x16xf32>,
      %swap3A_2987 = arith.constant 6 : i32
      %swap3A_2988 = arith.index_cast %swap3A_2987 : i32 to index
      %swap3A_2989 = arith.constant 992 : index
      %swap3A_2990 = tpu.vector_load %arg9[%swap3A_2988, %swap3A_2989] {strides = array<i32>} : memref<8x1024xf32, #tpu.memory_space<vmem>>, vector<1x16xf32>,
      %swap3A_2991 = vector.shape_cast %swap3A_2990 : vector<1x16xf32> to vector<16xf32>
      %swap3A_2992 = vector.shape_cast %get3A_2956 : vector<16xf32> to vector<1x16xf32>
      tpu.vector_store %arg9[%swap3A_2988, %swap3A_2989], %swap3A_2992 {strides = array<i32>} : memref<8x1024xf32, #tpu.memory_space<vmem>>, vector<1x16xf32>,
      %swap3A_2993 = arith.constant 7 : i32
      %swap3A_2994 = arith.index_cast %swap3A_2993 : i32 to index
      %swap3A_2995 = arith.constant 992 : index
      %swap3A_2996 = tpu.vector_load %arg9[%swap3A_2994, %swap3A_2995] {strides = array<i32>} : memref<8x1024xf32, #tpu.memory_space<vmem>>, vector<1x16xf32>,
      %swap3A_2997 = vector.shape_cast %swap3A_2996 : vector<1x16xf32> to vector<16xf32>
      %swap3A_2998 = vector.shape_cast %get3A_2956 : vector<16xf32> to vector<1x16xf32>
      tpu.vector_store %arg9[%swap3A_2994, %swap3A_2995], %swap3A_2998 {strides = array<i32>} : memref<8x1024xf32, #tpu.memory_space<vmem>>, vector<1x16xf32>,
      %get3A_2999 = arith.constant 0 : i32
      %get3A_3000 = arith.index_cast %get3A_2999 : i32 to index
      %get3A_3001 = arith.constant 1008 : index
      %get3A_3002 = tpu.vector_load %arg9[%get3A_3000, %get3A_3001] {strides = array<i32>} : memref<8x1024xf32, #tpu.memory_space<vmem>>, vector<1x16xf32>,
      %get3A_3003 = vector.shape_cast %get3A_3002 : vector<1x16xf32> to vector<16xf32>
      %swap3A_3004 = arith.constant 1 : i32
      %swap3A_3005 = arith.index_cast %swap3A_3004 : i32 to index
      %swap3A_3006 = arith.constant 1008 : index
      %swap3A_3007 = tpu.vector_load %arg9[%swap3A_3005, %swap3A_3006] {strides = array<i32>} : memref<8x1024xf32, #tpu.memory_space<vmem>>, vector<1x16xf32>,
      %swap3A_3008 = vector.shape_cast %swap3A_3007 : vector<1x16xf32> to vector<16xf32>
      %swap3A_3009 = vector.shape_cast %get3A_3003 : vector<16xf32> to vector<1x16xf32>
      tpu.vector_store %arg9[%swap3A_3005, %swap3A_3006], %swap3A_3009 {strides = array<i32>} : memref<8x1024xf32, #tpu.memory_space<vmem>>, vector<1x16xf32>,
      %swap3A_3010 = arith.constant 2 : i32
      %swap3A_3011 = arith.index_cast %swap3A_3010 : i32 to index
      %swap3A_3012 = arith.constant 1008 : index
      %swap3A_3013 = tpu.vector_load %arg9[%swap3A_3011, %swap3A_3012] {strides = array<i32>} : memref<8x1024xf32, #tpu.memory_space<vmem>>, vector<1x16xf32>,
      %swap3A_3014 = vector.shape_cast %swap3A_3013 : vector<1x16xf32> to vector<16xf32>
      %swap3A_3015 = vector.shape_cast %get3A_3003 : vector<16xf32> to vector<1x16xf32>
      tpu.vector_store %arg9[%swap3A_3011, %swap3A_3012], %swap3A_3015 {strides = array<i32>} : memref<8x1024xf32, #tpu.memory_space<vmem>>, vector<1x16xf32>,
      %swap3A_3016 = arith.constant 3 : i32
      %swap3A_3017 = arith.index_cast %swap3A_3016 : i32 to index
      %swap3A_3018 = arith.constant 1008 : index
      %swap3A_3019 = tpu.vector_load %arg9[%swap3A_3017, %swap3A_3018] {strides = array<i32>} : memref<8x1024xf32, #tpu.memory_space<vmem>>, vector<1x16xf32>,
      %swap3A_3020 = vector.shape_cast %swap3A_3019 : vector<1x16xf32> to vector<16xf32>
      %swap3A_3021 = vector.shape_cast %get3A_3003 : vector<16xf32> to vector<1x16xf32>
      tpu.vector_store %arg9[%swap3A_3017, %swap3A_3018], %swap3A_3021 {strides = array<i32>} : memref<8x1024xf32, #tpu.memory_space<vmem>>, vector<1x16xf32>,
      %swap3A_3022 = arith.constant 4 : i32
      %swap3A_3023 = arith.index_cast %swap3A_3022 : i32 to index
      %swap3A_3024 = arith.constant 1008 : index
      %swap3A_3025 = tpu.vector_load %arg9[%swap3A_3023, %swap3A_3024] {strides = array<i32>} : memref<8x1024xf32, #tpu.memory_space<vmem>>, vector<1x16xf32>,
      %swap3A_3026 = vector.shape_cast %swap3A_3025 : vector<1x16xf32> to vector<16xf32>
      %swap3A_3027 = vector.shape_cast %get3A_3003 : vector<16xf32> to vector<1x16xf32>
      tpu.vector_store %arg9[%swap3A_3023, %swap3A_3024], %swap3A_3027 {strides = array<i32>} : memref<8x1024xf32, #tpu.memory_space<vmem>>, vector<1x16xf32>,
      %swap3A_3028 = arith.constant 5 : i32
      %swap3A_3029 = arith.index_cast %swap3A_3028 : i32 to index
      %swap3A_3030 = arith.constant 1008 : index
      %swap3A_3031 = tpu.vector_load %arg9[%swap3A_3029, %swap3A_3030] {strides = array<i32>} : memref<8x1024xf32, #tpu.memory_space<vmem>>, vector<1x16xf32>,
      %swap3A_3032 = vector.shape_cast %swap3A_3031 : vector<1x16xf32> to vector<16xf32>
      %swap3A_3033 = vector.shape_cast %get3A_3003 : vector<16xf32> to vector<1x16xf32>
      tpu.vector_store %arg9[%swap3A_3029, %swap3A_3030], %swap3A_3033 {strides = array<i32>} : memref<8x1024xf32, #tpu.memory_space<vmem>>, vector<1x16xf32>,
      %swap3A_3034 = arith.constant 6 : i32
      %swap3A_3035 = arith.index_cast %swap3A_3034 : i32 to index
      %swap3A_3036 = arith.constant 1008 : index
      %swap3A_3037 = tpu.vector_load %arg9[%swap3A_3035, %swap3A_3036] {strides = array<i32>} : memref<8x1024xf32, #tpu.memory_space<vmem>>, vector<1x16xf32>,
      %swap3A_3038 = vector.shape_cast %swap3A_3037 : vector<1x16xf32> to vector<16xf32>
      %swap3A_3039 = vector.shape_cast %get3A_3003 : vector<16xf32> to vector<1x16xf32>
      tpu.vector_store %arg9[%swap3A_3035, %swap3A_3036], %swap3A_3039 {strides = array<i32>} : memref<8x1024xf32, #tpu.memory_space<vmem>>, vector<1x16xf32>,
      %swap3A_3040 = arith.constant 7 : i32
      %swap3A_3041 = arith.index_cast %swap3A_3040 : i32 to index
      %swap3A_3042 = arith.constant 1008 : index
      %swap3A_3043 = tpu.vector_load %arg9[%swap3A_3041, %swap3A_3042] {strides = array<i32>} : memref<8x1024xf32, #tpu.memory_space<vmem>>, vector<1x16xf32>,
      %swap3A_3044 = vector.shape_cast %swap3A_3043 : vector<1x16xf32> to vector<16xf32>
      %swap3A_3045 = vector.shape_cast %get3A_3003 : vector<16xf32> to vector<1x16xf32>
      tpu.vector_store %arg9[%swap3A_3041, %swap3A_3042], %swap3A_3045 {strides = array<i32>} : memref<8x1024xf32, #tpu.memory_space<vmem>>, vector<1x16xf32>,
      %add3A_3046 = arith.constant 0 : i32
      %add3A_3047 = arith.addi %mul3A_2, %add3A_3046 : i32
      %dma_start3A = arith.constant 0 : i32
      %dma_start3A_3048 = tpu.memref_slice %arg4[%add3A_3047, %dma_start3A] : memref<4096x1024xf32, #tpu.memory_space<hbm>> -> memref<8x1024xf32, #tpu.memory_space<hbm>>
      %dma_start3A_3049 = arith.constant 0 : i32
      %dma_start3A_3050 = tpu.memref_slice %arg4[%add3A_3047, %dma_start3A_3049] : memref<4096x1024xf32, #tpu.memory_space<hbm>> -> memref<8x1024xf32, #tpu.memory_space<hbm>>
      tpu.enqueue_dma source(%arg9 : memref<8x1024xf32, #tpu.memory_space<vmem>>) target(%dma_start3A_3050 : memref<8x1024xf32, #tpu.memory_space<hbm>>) target_semaphore(%arg12 : memref<!tpu.dma_semaphore, #tpu.memory_space<semaphore_mem>>)
      %add3A_3051 = arith.constant 8 : i32
      %add3A_3052 = arith.addi %mul3A_2, %add3A_3051 : i32
      %dma_start3A_3053 = arith.constant 0 : i32
      %dma_start3A_3054 = tpu.memref_slice %arg4[%add3A_3052, %dma_start3A_3053] : memref<4096x1024xf32, #tpu.memory_space<hbm>> -> memref<8x1024xf32, #tpu.memory_space<hbm>>
      %dma_start3A_3055 = arith.constant 0 : i32
      %dma_start3A_3056 = tpu.memref_slice %arg4[%add3A_3052, %dma_start3A_3055] : memref<4096x1024xf32, #tpu.memory_space<hbm>> -> memref<8x1024xf32, #tpu.memory_space<hbm>>
      tpu.enqueue_dma source(%arg9 : memref<8x1024xf32, #tpu.memory_space<vmem>>) target(%dma_start3A_3056 : memref<8x1024xf32, #tpu.memory_space<hbm>>) target_semaphore(%arg12 : memref<!tpu.dma_semaphore, #tpu.memory_space<semaphore_mem>>)
      %add3A_3057 = arith.constant 16 : i32
      %add3A_3058 = arith.addi %mul3A_2, %add3A_3057 : i32
      %dma_start3A_3059 = arith.constant 0 : i32
      %dma_start3A_3060 = tpu.memref_slice %arg4[%add3A_3058, %dma_start3A_3059] : memref<4096x1024xf32, #tpu.memory_space<hbm>> -> memref<8x1024xf32, #tpu.memory_space<hbm>>
      %dma_start3A_3061 = arith.constant 0 : i32
      %dma_start3A_3062 = tpu.memref_slice %arg4[%add3A_3058, %dma_start3A_3061] : memref<4096x1024xf32, #tpu.memory_space<hbm>> -> memref<8x1024xf32, #tpu.memory_space<hbm>>
      tpu.enqueue_dma source(%arg9 : memref<8x1024xf32, #tpu.memory_space<vmem>>) target(%dma_start3A_3062 : memref<8x1024xf32, #tpu.memory_space<hbm>>) target_semaphore(%arg12 : memref<!tpu.dma_semaphore, #tpu.memory_space<semaphore_mem>>)
      %add3A_3063 = arith.constant 24 : i32
      %add3A_3064 = arith.addi %mul3A_2, %add3A_3063 : i32
      %dma_start3A_3065 = arith.constant 0 : i32
      %dma_start3A_3066 = tpu.memref_slice %arg4[%add3A_3064, %dma_start3A_3065] : memref<4096x1024xf32, #tpu.memory_space<hbm>> -> memref<8x1024xf32, #tpu.memory_space<hbm>>
      %dma_start3A_3067 = arith.constant 0 : i32
      %dma_start3A_3068 = tpu.memref_slice %arg4[%add3A_3064, %dma_start3A_3067] : memref<4096x1024xf32, #tpu.memory_space<hbm>> -> memref<8x1024xf32, #tpu.memory_space<hbm>>
      tpu.enqueue_dma source(%arg9 : memref<8x1024xf32, #tpu.memory_space<vmem>>) target(%dma_start3A_3068 : memref<8x1024xf32, #tpu.memory_space<hbm>>) target_semaphore(%arg12 : memref<!tpu.dma_semaphore, #tpu.memory_space<semaphore_mem>>)
      %dma_wait3A = arith.constant 0 : i32
      %dma_wait3A_3069 = tpu.memref_slice %arg4[%add3A_3047, %dma_wait3A] : memref<4096x1024xf32, #tpu.memory_space<hbm>> -> memref<8x1024xf32, #tpu.memory_space<hbm>>
      %dma_wait3A_3070 = arith.constant 0 : i32
      %dma_wait3A_3071 = tpu.memref_slice %arg4[%add3A_3047, %dma_wait3A_3070] : memref<4096x1024xf32, #tpu.memory_space<hbm>> -> memref<8x1024xf32, #tpu.memory_space<hbm>>
      tpu.wait_dma2 semaphore(%arg12 : memref<!tpu.dma_semaphore, #tpu.memory_space<semaphore_mem>>) src(%arg9 : memref<8x1024xf32, #tpu.memory_space<vmem>>) dst(%dma_wait3A_3071 : memref<8x1024xf32, #tpu.memory_space<hbm>>)
      %dma_wait3A_3072 = arith.constant 0 : i32
      %dma_wait3A_3073 = tpu.memref_slice %arg4[%add3A_3052, %dma_wait3A_3072] : memref<4096x1024xf32, #tpu.memory_space<hbm>> -> memref<8x1024xf32, #tpu.memory_space<hbm>>
      %dma_wait3A_3074 = arith.constant 0 : i32
      %dma_wait3A_3075 = tpu.memref_slice %arg4[%add3A_3052, %dma_wait3A_3074] : memref<4096x1024xf32, #tpu.memory_space<hbm>> -> memref<8x1024xf32, #tpu.memory_space<hbm>>
      tpu.wait_dma2 semaphore(%arg12 : memref<!tpu.dma_semaphore, #tpu.memory_space<semaphore_mem>>) src(%arg9 : memref<8x1024xf32, #tpu.memory_space<vmem>>) dst(%dma_wait3A_3075 : memref<8x1024xf32, #tpu.memory_space<hbm>>)
      %dma_wait3A_3076 = arith.constant 0 : i32
      %dma_wait3A_3077 = tpu.memref_slice %arg4[%add3A_3058, %dma_wait3A_3076] : memref<4096x1024xf32, #tpu.memory_space<hbm>> -> memref<8x1024xf32, #tpu.memory_space<hbm>>
      %dma_wait3A_3078 = arith.constant 0 : i32
      %dma_wait3A_3079 = tpu.memref_slice %arg4[%add3A_3058, %dma_wait3A_3078] : memref<4096x1024xf32, #tpu.memory_space<hbm>> -> memref<8x1024xf32, #tpu.memory_space<hbm>>
      tpu.wait_dma2 semaphore(%arg12 : memref<!tpu.dma_semaphore, #tpu.memory_space<semaphore_mem>>) src(%arg9 : memref<8x1024xf32, #tpu.memory_space<vmem>>) dst(%dma_wait3A_3079 : memref<8x1024xf32, #tpu.memory_space<hbm>>)
      %dma_wait3A_3080 = arith.constant 0 : i32
      %dma_wait3A_3081 = tpu.memref_slice %arg4[%add3A_3064, %dma_wait3A_3080] : memref<4096x1024xf32, #tpu.memory_space<hbm>> -> memref<8x1024xf32, #tpu.memory_space<hbm>>
      %dma_wait3A_3082 = arith.constant 0 : i32
      %dma_wait3A_3083 = tpu.memref_slice %arg4[%add3A_3064, %dma_wait3A_3082] : memref<4096x1024xf32, #tpu.memory_space<hbm>> -> memref<8x1024xf32, #tpu.memory_space<hbm>>
      tpu.wait_dma2 semaphore(%arg12 : memref<!tpu.dma_semaphore, #tpu.memory_space<semaphore_mem>>) src(%arg9 : memref<8x1024xf32, #tpu.memory_space<vmem>>) dst(%dma_wait3A_3083 : memref<8x1024xf32, #tpu.memory_space<hbm>>)
    } else {
    }
    %or3A_27 = arith.ori %and3A_22, %or3A : i1
    %not3A = arith.constant true
    %not3A_28 = arith.xori %or3A_27, %not3A : i1
    %convert_element_type3A_29 = arith.extui %not3A_28 : i1 to i32
    %cond3A_30 = arith.constant 0 : i32
    %cond3A_31 = arith.cmpi ne, %convert_element_type3A_29, %cond3A_30 : i32
    scf.if %cond3A_31 {
      %iota3A = tpu.iota {dimensions = array<i32: 0>} : vector<16xi32>
      %add3A_32 = arith.constant 0 : i32
      %add3A_33 = vector.broadcast %add3A_32 : i32 to vector<16xi32>
      %add3A_34 = arith.addi %iota3A, %add3A_33 : vector<16xi32>
      %add3A_35 = vector.broadcast %add3A_5 : i32 to vector<16xi32>
      %add3A_36 = arith.addi %add3A_34, %add3A_35 : vector<16xi32>
      %max3A = arith.constant 0 : i32
      %max3A_37 = vector.broadcast %max3A : i32 to vector<16xi32>
      %max3A_38 = arith.maxsi %add3A_36, %max3A_37 : vector<16xi32>
      %min3A = arith.constant 1024 : i32
      %min3A_39 = vector.broadcast %min3A : i32 to vector<16xi32>
      %min3A_40 = arith.minsi %max3A_38, %min3A_39 : vector<16xi32>
      %swap3A = arith.constant 0 : index
      %swap3A_41 = tpu.vector_load %arg6[%swap3A] {strides = array<i32>} : memref<32xi32, #tpu.memory_space<vmem>>, vector<16xi32>,
      %swap3A_42 = vector.shape_cast %swap3A_41 : vector<16xi32> to vector<16xi32>
      %swap3A_43 = vector.shape_cast %min3A_40 : vector<16xi32> to vector<16xi32>
      tpu.vector_store %arg6[%swap3A], %swap3A_43 {strides = array<i32>} : memref<32xi32, #tpu.memory_space<vmem>>, vector<16xi32>,
      %add3A_44 = arith.constant 16 : i32
      %add3A_45 = vector.broadcast %add3A_44 : i32 to vector<16xi32>
      %add3A_46 = arith.addi %iota3A, %add3A_45 : vector<16xi32>
      %add3A_47 = vector.broadcast %add3A_5 : i32 to vector<16xi32>
      %add3A_48 = arith.addi %add3A_46, %add3A_47 : vector<16xi32>
      %max3A_49 = arith.constant 0 : i32
      %max3A_50 = vector.broadcast %max3A_49 : i32 to vector<16xi32>
      %max3A_51 = arith.maxsi %add3A_48, %max3A_50 : vector<16xi32>
      %min3A_52 = arith.constant 1024 : i32
      %min3A_53 = vector.broadcast %min3A_52 : i32 to vector<16xi32>
      %min3A_54 = arith.minsi %max3A_51, %min3A_53 : vector<16xi32>
      %swap3A_55 = arith.constant 16 : index
      %swap3A_56 = tpu.vector_load %arg6[%swap3A_55] {strides = array<i32>} : memref<32xi32, #tpu.memory_space<vmem>>, vector<16xi32>,
      %swap3A_57 = vector.shape_cast %swap3A_56 : vector<16xi32> to vector<16xi32>
      %swap3A_58 = vector.shape_cast %min3A_54 : vector<16xi32> to vector<16xi32>
      tpu.vector_store %arg6[%swap3A_55], %swap3A_58 {strides = array<i32>} : memref<32xi32, #tpu.memory_space<vmem>>, vector<16xi32>,
      %dma_start3A = arith.constant 0 : i32
      %dma_start3A_59 = tpu.memref_slice %arg6[%dma_start3A] : memref<32xi32, #tpu.memory_space<vmem>> -> memref<16xi32, #tpu.memory_space<vmem>>
      %dma_start3A_60 = arith.constant 0 : i32
      %dma_start3A_61 = arith.constant 0 : i32
      %dma_start3A_62 = tpu.memref_slice %arg3[%dma_start3A_60, %dma_start3A_61] : memref<1025x1024xf32, #tpu.memory_space<hbm>> -> memref<1025x1024xf32, #tpu.memory_space<hbm>>
      tpu.enqueue_indirect_dma source(%dma_start3A_62 : memref<1025x1024xf32, #tpu.memory_space<hbm>>) target(%arg7 : memref<16x1024xf32, #tpu.memory_space<vmem>>) offsets(%dma_start3A_59 : memref<16xi32, #tpu.memory_space<vmem>>) semaphore(%arg10 : memref<!tpu.dma_semaphore, #tpu.memory_space<semaphore_mem>>)
      %dma_start3A_63 = arith.constant 16 : i32
      %dma_start3A_64 = tpu.memref_slice %arg6[%dma_start3A_63] : memref<32xi32, #tpu.memory_space<vmem>> -> memref<16xi32, #tpu.memory_space<vmem>>
      %dma_start3A_65 = arith.constant 0 : i32
      %dma_start3A_66 = arith.constant 0 : i32
      %dma_start3A_67 = tpu.memref_slice %arg3[%dma_start3A_65, %dma_start3A_66] : memref<1025x1024xf32, #tpu.memory_space<hbm>> -> memref<1025x1024xf32, #tpu.memory_space<hbm>>
      tpu.enqueue_indirect_dma source(%dma_start3A_67 : memref<1025x1024xf32, #tpu.memory_space<hbm>>) target(%arg8 : memref<16x1024xf32, #tpu.memory_space<vmem>>) offsets(%dma_start3A_64 : memref<16xi32, #tpu.memory_space<vmem>>) semaphore(%arg11 : memref<!tpu.dma_semaphore, #tpu.memory_space<semaphore_mem>>)
      %dma_wait3A = arith.constant 0 : i32
      %dma_wait3A_68 = tpu.memref_slice %arg6[%dma_wait3A] : memref<32xi32, #tpu.memory_space<vmem>> -> memref<16xi32, #tpu.memory_space<vmem>>
      %dma_wait3A_69 = arith.constant 0 : i32
      %dma_wait3A_70 = arith.constant 0 : i32
      %dma_wait3A_71 = tpu.memref_slice %arg3[%dma_wait3A_69, %dma_wait3A_70] : memref<1025x1024xf32, #tpu.memory_space<hbm>> -> memref<1025x1024xf32, #tpu.memory_space<hbm>>
      tpu.wait_indirect_dma semaphore(%arg10 : memref<!tpu.dma_semaphore, #tpu.memory_space<semaphore_mem>>) src(%dma_wait3A_71 : memref<1025x1024xf32, #tpu.memory_space<hbm>>) dst(%arg7 : memref<16x1024xf32, #tpu.memory_space<vmem>>)
      %add3A_72 = arith.constant 0 : i32
      %add3A_73 = arith.addi %mul3A_2, %add3A_72 : i32
      "tpu.region"() ({
        %run_scoped3A = tpu.sem_alloc : memref<!tpu.dma_semaphore, #tpu.memory_space<semaphore_mem>>
        %dma_start3A_81 = arith.constant 0 : i32
        %dma_start3A_82 = tpu.memref_slice %arg4[%add3A_73, %dma_start3A_81] : memref<4096x1024xf32, #tpu.memory_space<hbm>> -> memref<16x1024xf32, #tpu.memory_space<hbm>>
        %dma_start3A_83 = arith.constant 0 : i32
        %dma_start3A_84 = tpu.memref_slice %arg4[%add3A_73, %dma_start3A_83] : memref<4096x1024xf32, #tpu.memory_space<hbm>> -> memref<16x1024xf32, #tpu.memory_space<hbm>>
        tpu.enqueue_dma source(%arg7 : memref<16x1024xf32, #tpu.memory_space<vmem>>) target(%dma_start3A_84 : memref<16x1024xf32, #tpu.memory_space<hbm>>) target_semaphore(%run_scoped3A : memref<!tpu.dma_semaphore, #tpu.memory_space<semaphore_mem>>)
        %dma_wait3A_85 = arith.constant 0 : i32
        %dma_wait3A_86 = tpu.memref_slice %arg4[%add3A_73, %dma_wait3A_85] : memref<4096x1024xf32, #tpu.memory_space<hbm>> -> memref<16x1024xf32, #tpu.memory_space<hbm>>
        %dma_wait3A_87 = arith.constant 0 : i32
        %dma_wait3A_88 = tpu.memref_slice %arg4[%add3A_73, %dma_wait3A_87] : memref<4096x1024xf32, #tpu.memory_space<hbm>> -> memref<16x1024xf32, #tpu.memory_space<hbm>>
        tpu.wait_dma2 semaphore(%run_scoped3A : memref<!tpu.dma_semaphore, #tpu.memory_space<semaphore_mem>>) src(%arg7 : memref<16x1024xf32, #tpu.memory_space<vmem>>) dst(%dma_wait3A_88 : memref<16x1024xf32, #tpu.memory_space<hbm>>)
        tpu.yield
      }) : () -> ()
      %dma_wait3A_74 = arith.constant 16 : i32
      %dma_wait3A_75 = tpu.memref_slice %arg6[%dma_wait3A_74] : memref<32xi32, #tpu.memory_space<vmem>> -> memref<16xi32, #tpu.memory_space<vmem>>
      %dma_wait3A_76 = arith.constant 0 : i32
      %dma_wait3A_77 = arith.constant 0 : i32
      %dma_wait3A_78 = tpu.memref_slice %arg3[%dma_wait3A_76, %dma_wait3A_77] : memref<1025x1024xf32, #tpu.memory_space<hbm>> -> memref<1025x1024xf32, #tpu.memory_space<hbm>>
      tpu.wait_indirect_dma semaphore(%arg11 : memref<!tpu.dma_semaphore, #tpu.memory_space<semaphore_mem>>) src(%dma_wait3A_78 : memref<1025x1024xf32, #tpu.memory_space<hbm>>) dst(%arg8 : memref<16x1024xf32, #tpu.memory_space<vmem>>)
      %add3A_79 = arith.constant 16 : i32
      %add3A_80 = arith.addi %mul3A_2, %add3A_79 : i32
      "tpu.region"() ({
        %run_scoped3A = tpu.sem_alloc : memref<!tpu.dma_semaphore, #tpu.memory_space<semaphore_mem>>
        %dma_start3A_81 = arith.constant 0 : i32
        %dma_start3A_82 = tpu.memref_slice %arg4[%add3A_80, %dma_start3A_81] : memref<4096x1024xf32, #tpu.memory_space<hbm>> -> memref<16x1024xf32, #tpu.memory_space<hbm>>
        %dma_start3A_83 = arith.constant 0 : i32
        %dma_start3A_84 = tpu.memref_slice %arg4[%add3A_80, %dma_start3A_83] : memref<4096x1024xf32, #tpu.memory_space<hbm>> -> memref<16x1024xf32, #tpu.memory_space<hbm>>
        tpu.enqueue_dma source(%arg8 : memref<16x1024xf32, #tpu.memory_space<vmem>>) target(%dma_start3A_84 : memref<16x1024xf32, #tpu.memory_space<hbm>>) target_semaphore(%run_scoped3A : memref<!tpu.dma_semaphore, #tpu.memory_space<semaphore_mem>>)
        %dma_wait3A_85 = arith.constant 0 : i32
        %dma_wait3A_86 = tpu.memref_slice %arg4[%add3A_80, %dma_wait3A_85] : memref<4096x1024xf32, #tpu.memory_space<hbm>> -> memref<16x1024xf32, #tpu.memory_space<hbm>>
        %dma_wait3A_87 = arith.constant 0 : i32
        %dma_wait3A_88 = tpu.memref_slice %arg4[%add3A_80, %dma_wait3A_87] : memref<4096x1024xf32, #tpu.memory_space<hbm>> -> memref<16x1024xf32, #tpu.memory_space<hbm>>
        tpu.wait_dma2 semaphore(%run_scoped3A : memref<!tpu.dma_semaphore, #tpu.memory_space<semaphore_mem>>) src(%arg8 : memref<16x1024xf32, #tpu.memory_space<vmem>>) dst(%dma_wait3A_88 : memref<16x1024xf32, #tpu.memory_space<hbm>>)
        tpu.yield
      }) : () -> ()
    } else {
    }
    return
  }
}

module attributes {stable_mosaic.version = 14 : i64} {
  func.func @_tc_fill(%arg0: i32, %arg1: memref<1xi32, #tpu.memory_space<smem>>, %arg2: memref<1025x1024xf32, #tpu.memory_space<vmem>>, %arg3: memref<4096x1024xf32, #tpu.memory_space<any>>, %arg4: memref<512x1024xf32, #tpu.memory_space<vmem>>) attributes {dimension_semantics = [#tpu.dimension_semantics<arbitrary>], iteration_bounds = array<i64: 6>, scalar_prefetch = 0 : i64, scratch_operands = 0 : i64, tpu.core_type = #tpu.core_type<tc>, window_params = [{transform_indices = @transform_0, window_bounds = array<i64: 1>}, {pipeline_mode = #tpu.pipeline_mode<synchronous>, transform_indices = @transform_1, window_bounds = array<i64: 1025, 1024>}, {}, {transform_indices = @transform_3, window_bounds = array<i64: 512, 1024>}]} {
    %mul3A = arith.constant 512 : i32
    %mul3A_0 = arith.muli %arg0, %mul3A : i32
    %add3A = arith.constant 1024 : i32
    %add3A_1 = arith.addi %add3A, %mul3A_0 : i32
    %get3A = arith.constant 0 : index
    %get3A_2 = memref.load %arg1[%get3A] : memref<1xi32, #tpu.memory_space<smem>>
    %add3A_3 = arith.addi %add3A_1, %get3A_2 : i32
    %and3A = arith.constant 7 : i32
    %and3A_4 = arith.andi %add3A_3, %and3A : i32
    %eq3A = arith.constant 0 : i32
    %eq3A_5 = arith.cmpi eq, %and3A_4, %eq3A : i32
    %ge3A = arith.constant 0 : i32
    %ge3A_6 = arith.cmpi sge, %add3A_3, %ge3A : i32
    %add3A_7 = arith.constant 512 : i32
    %add3A_8 = arith.addi %add3A_3, %add3A_7 : i32
    %sub3A = arith.constant 1 : i32
    %sub3A_9 = arith.subi %add3A_8, %sub3A : i32
    %le3A = arith.constant 1024 : i32
    %le3A_10 = arith.cmpi sle, %sub3A_9, %le3A : i32
    %and3A_11 = arith.andi %ge3A_6, %le3A_10 : i1
    %add3A_12 = arith.constant 512 : i32
    %add3A_13 = arith.addi %add3A_3, %add3A_12 : i32
    %sub3A_14 = arith.constant 1 : i32
    %sub3A_15 = arith.subi %add3A_13, %sub3A_14 : i32
    %le3A_16 = arith.constant 0 : i32
    %le3A_17 = arith.cmpi sle, %sub3A_15, %le3A_16 : i32
    %ge3A_18 = arith.constant 1024 : i32
    %ge3A_19 = arith.cmpi sge, %add3A_3, %ge3A_18 : i32
    %or3A = arith.ori %le3A_17, %ge3A_19 : i1
    %and3A_20 = arith.andi %and3A_11, %eq3A_5 : i1
    %convert_element_type3A = arith.extui %or3A : i1 to i32
    %cond3A = arith.constant 0 : i32
    %cond3A_21 = arith.cmpi ne, %convert_element_type3A, %cond3A : i32
    scf.if %cond3A_21 {
      %ge3A_30 = arith.constant 1024 : i32
      %ge3A_31 = arith.cmpi sge, %add3A_3, %ge3A_30 : i32
      %jit3A = arith.constant 128 : i32
      %jit3A_32 = arith.constant 0 : i32
      %select_n3A = arith.select %ge3A_31, %jit3A, %jit3A_32 : i32
      %mul3A_33 = arith.constant 8 : i32
      %mul3A_34 = arith.muli %select_n3A, %mul3A_33 : i32
      %multiple_of3A = tpu.assume_multiple %mul3A_34, 8 : i32
      %get3A_35 = arith.index_cast %multiple_of3A : i32 to index
      %get3A_36 = arith.constant 0 : index
      %get3A_37 = vector.load %arg2[%get3A_35, %get3A_36] : memref<1025x1024xf32, #tpu.memory_space<vmem>>, vector<1x1024xf32>
      %broadcast_in_dim3A = vector.shape_cast %get3A_37 : vector<1x1024xf32> to vector<1x1024xf32>
      %broadcast_in_dim3A_38 = vector.broadcast %broadcast_in_dim3A : vector<1x1024xf32> to vector<512x1024xf32>
      %swap3A = arith.constant 0 : index
      %swap3A_39 = arith.constant 0 : index
      %swap3A_40 = vector.load %arg4[%swap3A, %swap3A_39] : memref<512x1024xf32, #tpu.memory_space<vmem>>, vector<512x1024xf32>
      tpu.vector_store %arg4[%swap3A, %swap3A_39], %broadcast_in_dim3A_38 {strides = array<i32>} : memref<512x1024xf32, #tpu.memory_space<vmem>>, vector<512x1024xf32>,
    } else {
    }
    %convert_element_type3A_22 = arith.extui %and3A_20 : i1 to i32
    %cond3A_23 = arith.constant 0 : i32
    %cond3A_24 = arith.cmpi ne, %convert_element_type3A_22, %cond3A_23 : i32
    scf.if %cond3A_24 {
      %multiple_of3A = tpu.assume_multiple %add3A_3, 8 : i32
      %get3A_30 = arith.index_cast %multiple_of3A : i32 to index
      %get3A_31 = arith.constant 0 : index
      %get3A_32 = vector.load %arg2[%get3A_30, %get3A_31] : memref<1025x1024xf32, #tpu.memory_space<vmem>>, vector<512x1024xf32>
      %swap3A = arith.constant 0 : index
      %swap3A_33 = arith.constant 0 : index
      %swap3A_34 = vector.load %arg4[%swap3A, %swap3A_33] : memref<512x1024xf32, #tpu.memory_space<vmem>>, vector<512x1024xf32>
      tpu.vector_store %arg4[%swap3A, %swap3A_33], %get3A_32 {strides = array<i32>} : memref<512x1024xf32, #tpu.memory_space<vmem>>, vector<512x1024xf32>,
    } else {
    }
    %or3A_25 = arith.ori %or3A, %and3A_20 : i1
    %not3A = arith.constant true
    %not3A_26 = arith.xori %or3A_25, %not3A : i1
    %convert_element_type3A_27 = arith.extui %not3A_26 : i1 to i32
    %cond3A_28 = arith.constant 0 : i32
    %cond3A_29 = arith.cmpi ne, %convert_element_type3A_27, %cond3A_28 : i32
    scf.if %cond3A_29 {
      %iota3A = tpu.iota {dimensions = array<i32: 0>} : vector<512x1025xi32>
      %add3A_30 = vector.broadcast %add3A_3 : i32 to vector<512x1025xi32>
      %add3A_31 = arith.addi %add3A_30, %iota3A : vector<512x1025xi32>
      %max3A = arith.constant 0 : i32
      %max3A_32 = vector.broadcast %max3A : i32 to vector<512x1025xi32>
      %max3A_33 = arith.maxsi %add3A_31, %max3A_32 : vector<512x1025xi32>
      %min3A = arith.constant 1024 : i32
      %min3A_34 = vector.broadcast %min3A : i32 to vector<512x1025xi32>
      %min3A_35 = arith.minsi %max3A_33, %min3A_34 : vector<512x1025xi32>
      %iota3A_36 = tpu.iota {dimensions = array<i32: 1>} : vector<512x1025xi32>
      %eq3A_37 = arith.cmpi eq, %min3A_35, %iota3A_36 : vector<512x1025xi32>
      %convert_element_type3A_38 = arith.extui %eq3A_37 : vector<512x1025xi1> to vector<512x1025xi32>
      %convert_element_type3A_39 = arith.sitofp %convert_element_type3A_38 : vector<512x1025xi32> to vector<512x1025xf32>
      %get3A_40 = arith.constant 0 : index
      %get3A_41 = arith.constant 0 : index
      %get3A_42 = vector.load %arg2[%get3A_40, %get3A_41] : memref<1025x1024xf32, #tpu.memory_space<vmem>>, vector<1025x1024xf32>
      %dot_general3A = arith.constant dense<0.000000e+00> : vector<512x1024xf32>
      %dot_general3A_43 = tpu.matmul %convert_element_type3A_39, %get3A_42, %dot_general3A {dimension_numbers = #tpu.dot_dimension_numbers<[1], [0], [0], [1], [0, 0, 1, 1], [], []>, transpose_lhs_hint = false} : vector<512x1025xf32>, vector<1025x1024xf32>, vector<512x1024xf32> -> vector<512x1024xf32>
      %swap3A = arith.constant 0 : index
      %swap3A_44 = arith.constant 0 : index
      %swap3A_45 = vector.load %arg4[%swap3A, %swap3A_44] : memref<512x1024xf32, #tpu.memory_space<vmem>>, vector<512x1024xf32>
      tpu.vector_store %arg4[%swap3A, %swap3A_44], %dot_general3A_43 {strides = array<i32>} : memref<512x1024xf32, #tpu.memory_space<vmem>>, vector<512x1024xf32>,
    } else {
    }
    return
  }
  func.func @transform_0(%arg0: i32) -> i32 {
    %c0_i32 = arith.constant 0 : i32
    %c0_i32_0 = arith.constant 0 : i32
    return %c0_i32 : i32
  }
  func.func @transform_1(%arg0: i32) -> (i32, i32) {
    %c0_i32 = arith.constant 0 : i32
    %c0_i32_0 = arith.constant 0 : i32
    %c0_i32_1 = arith.constant 0 : i32
    return %c0_i32, %c0_i32_0 : i32, i32
  }
  func.func @transform_3(%arg0: i32) -> (i32, i32) {
    %add3A = arith.constant 2 : i32
    %add3A_0 = arith.addi %arg0, %add3A : i32
    %c0_i32 = arith.constant 0 : i32
    %c0_i32_1 = arith.constant 0 : i32
    return %add3A_0, %c0_i32 : i32, i32
  }
}

</mosaic_0001>

<sc_bundles>
// kernel: kernel.4.cloned.1.call-start
scs
__scs_entry_jumppad:
0x0: {  	(pc) =	sbr.rel $0x88, $3  }
0x1: {  	(tag) =	ssettag $0x0;
	lr =	simm.s32 $0x1  }
0x2: {  	[smem:$0x3F9F] =	sst lr;
	_ =	strace $0xD0000000  }
0x3: {  	_ = 	snop  }
0x4: {  	_ = 	snop  }
0x5: {  	_ = 	snop  }
0x6: {  	_ = 	snop  }
0x7: {  	_ = 	snop  }
__scs_overlays_trampoline_lowered:
0x8: {  	[smem:$0x3FAE] =	sst s0  }
0x9: {  	[smem:$0x3FAF] =	sst s1  }
0xa: {  	[smem:$0x3FB0] =	sst s2  }
0xb: {  	[smem:$0x3FB1] =	sst s3  }
0xc: {  	[smem:$0x3FB2] =	sst s4  }
0xd: {  	[smem:$0x3FB3] =	sst s5  }
0xe: {  	[smem:$0x3FB4] =	sst s6  }
0xf: {  	[smem:$0x3FB5] =	sst s7  }
0x10: {  	[smem:$0x3FB6] =	sst s8  }
0x11: {  	[smem:$0x3FB7] =	sst s9;
	s0 =	simm.s32 @!p0 $0x0  }
0x12: {  	s1 =	sld [smem:$0x3F9D];
	s0 =	simm.s32 @p0 $0x1  }
0x13: {  	[smem:$0x3FB8] =	sst s0;
	s0 =	simm.s32 @!p1 $0x0  }
0x14: {  	s2 =	sld [smem:$0x3F9C];
	s0 =	simm.s32 @p1 $0x1  }
0x15: {  	[smem:$0x3FB9] =	sst s0;
	s0 =	simm.s32 @!p2 $0x0  }
0x16: {  	s3 =	sld [smem:$0x3FDB];
	s0 =	simm.s32 @p2 $0x1  }
0x17: {  	s4 =	simm.s32 $0x1BF5;
	[smem:$0x3FBB] =	sst s0  }
0x18: {  	s0 =	sld [smem:$0x3F9E];
	_ =	swait.ge [sflag:s4], $0x0  }
0x19: {  	s7 =	sld [smem:$0x3F9F]  }
0x1a: {  	s8 =	sadd.s32 $0xFFFFE003, lr  }
0x1b: {  	s9 =	sadd.s32 $0xFFFFFEF7, lr;
	s5 =	simm.s32 $0xFFFFFFFF;
	p2 =	slt.u32 s8, $0xFFFFF086  }
0x1c: {  	p1 =	slt.u32 s9, $0xF7A;
	s5 =	simm.s32 @!p2 $0x0  }
0x1d: {  	s5 =	simm.s32 @p1 $0x1;
	p0 =	seq.s32 s7, s2  }
0x1e: {  	s7 =	smul.u32 @!p0 $0xF7A, s2;
	p2 =	seq.s32 @!p0 s5, $0x0  }
0x1f: {  	s9 =	smul.u32 $0xF7A, s1;
	s8 =	simm.s32 @!p0 $0x1BF5;
	p2 =	por !p2, p0  }
0x20: {  	[sflag:s8] =	ssyncset.s32 @!p0 $0xFFFFF086;
	s6 =	sadd.s32 @!p0 s3, s7;
	s7 =	simm.s32 @!p0 $0x108  }
0x21: {  	s3 =	sadd.s32 s3, s9;
	s6 =	sadd.s32 @!p0 $0x88, s6;
	s7 =	simm.s32 @p2 $0x1082  }
0x22: {  	[simem:s7], [sflag:s8] =	dma.local @!p0 [hbm:s6], $0xF7A  }
0x23: {  	s9 =	sor.u32 $0xD0000000, s2;
	s6 =	simm.s32 $0x108;
	_ =	swait.ge @!p0 [sflag:s8], $0x0  }
0x24: {  	s3 =	sadd.s32 $0x88, s3;
	s6 =	simm.s32 @!p1 $0x1082;
	[sflag:s4] =	ssyncset.s32 $0xFFFFF086  }
0x25: {  	[simem:s6], [sflag:s4] =	dma.local [hbm:s3], $0xF7A  }
0x26: {  	[smem:$0x3F9F] =	sst s1;
	(tag) =	ssettag s2;
	_ =	strace s9  }
0x27: {  	s1 =	sld [smem:$0x3FAF]  }
0x28: {  	s2 =	sld [smem:$0x3FB0]  }
0x29: {  	s4 =	sld [smem:$0x3FB2]  }
0x2a: {  	p0 =	seq.s32 s5, $0x0;
	s5 =	sld [smem:$0x3FB3]  }
0x2b: {  	s6 =	sld [smem:$0x3FB4]  }
0x2c: {  	s7 =	sld [smem:$0x3FB5]  }
0x2d: {  	s3 =	simm.s32 $0x108;
	s8 =	sld [smem:$0x3FB6]  }
0x2e: {  	s3 =	simm.s32 @!p0 $0x1082;
	s9 =	sld [smem:$0x3FB7]  }
0x2f: {  	lr =	sadd.s32 s0, s3;
	s0 =	sld [smem:$0x3FAE]  }
0x30: {  	s3 =	sld [smem:$0x3FB1]  }
0x31: {  	[smem:$0x3FBA] =	sst s10  }
0x32: {  	s10 =	sld [smem:$0x3FB8];
	_ =	sdelay $0x3  }
0x33: {  	p0 =	seq.s32 s10, $0x1;
	s10 =	sld [smem:$0x3FBA];
	_ =	sdelay $0x3  }
0x34: {  	[smem:$0x3FBA] =	sst s10  }
0x35: {  	s10 =	sld [smem:$0x3FB9];
	_ =	sdelay $0x3  }
0x36: {  	p1 =	seq.s32 s10, $0x1;
	s10 =	sld [smem:$0x3FBA];
	_ =	sdelay $0x3  }
0x37: {  	[smem:$0x3FBA] =	sst s10  }
0x38: {  	s10 =	sld [smem:$0x3FBB]  }
0x39: {  	_ = 	snop;
	(pc) =	sbr.ind lr, $3  }
0x3a: {  	_ = 	snop  }
0x3b: {  	_ = 	snop  }
0x3c: {  	p2 =	seq.s32 s10, $0x1;
	s10 =	sld [smem:$0x3FBA]  }
0x3d: {  	_ =	shalt  }
0x3e: {  	_ =	shalt  }
0x3f: {  	_ =	shalt  }
0x40: {  	_ =	shalt  }
0x41: {  	_ =	shalt  }
0x42: {  	_ =	shalt  }
0x43: {  	_ =	shalt  }
0x44: {  	_ =	shalt  }
0x45: {  	_ =	shalt  }
0x46: {  	_ =	shalt  }
0x47: {  	_ =	shalt  }
0x48: {  	_ =	shalt  }
0x49: {  	_ =	shalt  }
0x4a: {  	_ =	shalt  }
0x4b: {  	_ =	shalt  }
0x4c: {  	_ =	shalt  }
0x4d: {  	_ =	shalt  }
0x4e: {  	_ =	shalt  }
0x4f: {  	_ =	shalt  }
0x50: {  	_ =	shalt  }
0x51: {  	_ =	shalt  }
0x52: {  	_ =	shalt  }
0x53: {  	_ =	shalt  }
0x54: {  	_ =	shalt  }
0x55: {  	_ =	shalt  }
0x56: {  	_ =	shalt  }
0x57: {  	_ =	shalt  }
0x58: {  	_ =	shalt  }
0x59: {  	_ =	shalt  }
0x5a: {  	_ =	shalt  }
0x5b: {  	_ =	shalt  }
0x5c: {  	_ =	shalt  }
0x5d: {  	_ =	shalt  }
0x5e: {  	_ =	shalt  }
0x5f: {  	_ =	shalt  }
0x60: {  	_ =	shalt  }
0x61: {  	_ =	shalt  }
0x62: {  	_ =	shalt  }
0x63: {  	_ =	shalt  }
0x64: {  	_ =	shalt  }
0x65: {  	_ =	shalt  }
0x66: {  	_ =	shalt  }
0x67: {  	_ =	shalt  }
0x68: {  	_ =	shalt  }
0x69: {  	_ =	shalt  }
0x6a: {  	_ =	shalt  }
0x6b: {  	_ =	shalt  }
0x6c: {  	_ =	shalt  }
0x6d: {  	_ =	shalt  }
0x6e: {  	_ =	shalt  }
0x6f: {  	_ =	shalt  }
0x70: {  	_ =	shalt  }
0x71: {  	_ =	shalt  }
0x72: {  	_ =	shalt  }
0x73: {  	_ =	shalt  }
0x74: {  	_ =	shalt  }
0x75: {  	_ =	shalt  }
0x76: {  	_ =	shalt  }
0x77: {  	_ =	shalt  }
0x78: {  	_ =	shalt  }
0x79: {  	_ =	shalt  }
0x7a: {  	_ =	shalt  }
0x7b: {  	_ =	shalt  }
0x7c: {  	_ =	shalt  }
0x7d: {  	_ =	shalt  }
0x7e: {  	_ =	shalt  }
0x7f: {  	_ =	shalt  }
0x80: {  	_ =	shalt  }
0x81: {  	_ =	shalt  }
0x82: {  	_ =	shalt  }
0x83: {  	_ =	shalt  }
0x84: {  	_ =	shalt  }
0x85: {  	_ =	shalt  }
0x86: {  	_ =	shalt  }
0x87: {  	_ =	shalt  }
.Lfunc_end0:
.L_simem_size_0:
called_computation_lowered:
.L_overlay_start_0:
0x88: {  	s2 =	sld [smem:$0x3FD9]  }
0x89: {  	s3 =	sld [smem:$0x3FFE];
	_ =	sdelay $0x1  }
0x8a: {  	s1 =	srdreg.scid  }
0x8b: {  	s0 =	sand.u32 $0x1, s1  }
0x8c: {  	s17 =	sshll.u32 s0, $0xA;
	s2 =	sadd.s32 s3, s2  }
0x8d: {  	s2 =	sadd.s32 s2, s17  }
0x8e: {  	[smem:$0x3FC6] =	sst s2  }
0x8f: {  	_ = 	snop  }
0x90: {  	s2 =	sld [smem:$0x3FC8]  }
0x91: {  	s18 =	sld [smem:$0x3FD0];
	(tm) =	ssettm $0x1  }
0x92: {  	s4 =	sld [smem:$0x3FFB];
	_ =	sdelay $0x3  }
0x93: {  	_ =	strace s4  }
0x94: {  	s4 =	sld [smem:$0x3FFC];
	_ =	sdelay $0x3  }
0x95: {  	_ =	strace s4  }
0x96: {  	s4 =	sld [smem:$0x3FFD];
	_ =	sdelay $0x3  }
0x97: {  	_ =	strace s4  }
0x98: {  	_ =	strace $0x8FFFFFFF  }
0x99: {  	s19 =	sld [smem:$0x3FDB];
	_ =	sdelay $0x1  }
0x9a: {  	s5 =	simm.s32 $_scs_section_size  }
0x9b: {  	s6 =	simm.s32 $_size__tile_overlayer_lowered;
	s7 =	simm.s32 $_tile_overlayer_lowered  }
0x9c: {  	s22 =	simm.s32 $0x1BFF;
	s21 =	sshll.u32 s7, $0x1;
	s4 =	sadd.s32 s5, s19  }
0x9d: {  	s8 =	simm.s32 $0x0;
	s20 =	sshll.u32 s6, $0x1;
	s6 =	sadd.s32 s21, s4  }
0x9e: {  	[timem:s8], [sflag:s22] =	dma.local [hbm:s6], s20  }
0x9f: {  	_ =	swait.ge [sflag:s22], s20  }
0xa0: {  	s5 =	ssub.s32 $0x0, s20;
	[sflag:s22] =	ssyncset.done $0x0  }
0xa1: {  	[sflag:s22] =	ssyncadd.s32 s5;
	_ =	sdelay $0x1  }
0xa2: {  	s23 =	simm.s32 $0x1B8B  }
0xa3: {  	_ =	swait.ge [sflag:s23], $0x1  }
0xa4: {  	[sflag:s23] =	ssyncset.done $0x0  }
0xa5: {  	s25 =	simm.s32 $0x1B8E;
	s24 =	sld [smem:$0x3FFE];
	[sflag:s23] =	ssyncadd.s32 $0xFFFFFFFF  }
0xa6: {  	s26 =	simm.s32 $execute0_lowered;
	[smem:$0x3FD2] =	sst s25  }
0xa7: {  	s6 =	sshll.u32 s26, $0x1;
	_ =	strace $0x80000046;
	[dreg:$0x1] =	wrdreg $0xFFFFFFFF  }
0xa8: {  	s28 =	simm.s32 $_size_execute0_lowered;
	s4 =	sadd.s32 s4, s6;
	[dreg:$0x0] =	wrdreg $0x0  }
0xa9: {  	s6 =	sshll.u32 s28, $0x1;
	[dreg:$0x2] =	wrdreg s4  }
0xaa: {  	[dreg:$0x3] =	wrdreg s6  }
0xab: {  	[dreg:$0x4] =	wrdreg $0xC0  }
0xac: {  	_ =	task [dreg:s8], $0x5FFFF  }
0xad: {  	[dreg:$0x1] =	wrdreg $0xFFFFFFFF  }
0xae: {  	[dreg:$0x0] =	wrdreg $0x60  }
0xaf: {  	[dreg:$0x2] =	wrdreg s24  }
0xb0: {  	[dreg:$0x3] =	wrdreg s2  }
0xb1: {  	[dreg:$0x4] =	wrdreg s18  }
0xb2: {  	[dreg:$0x5] =	wrdreg $0x9  }
0xb3: {  	_ =	task.clear_ibuf [dreg:s8], $0x6FFFF;
	_ =	strace $0x90000046  }
0xb4: {  	s29 =	simm.s32 $0x9;
	_ =	strace $0x80000048  }
0xb5: {  	_ =	swait.ge [sflag:s29], $0x1  }
0xb6: {  	[sflag:s29] =	ssyncadd.s32 $0xFFFFFFFF  }
0xb7: {  	_ =	strace $0x90000048  }
0xb8: {  	_ =	sfence  }
0xb9: {  	s30 =	sld [smem:$0x0];
	_ =	sdelay $0x2  }
0xba: {  	s31 =	sshll.u32 s1, $0xD;
	s1 =	sshrl.u32 s1, $0x2  }
0xbb: {  	s3 =	sand.u32 $0x4000, s31;
	s1 =	sadd.s32 s1, s30  }
0xbc: {  	s0 =	sor.u32 s3, s0;
	s1 =	sshll.u32 s1, $0x11  }
0xbd: {  	s0 =	sor.u32 s1, s0  }
0xbe: {  	s0 =	sadd.s32 $0x8F2B, s0  }
0xbf: {  	[sflag:s0] =	ssyncadd.remote.s32 $0x1  }
0xc0: {  	_ =	sfence.sel $0xFFFF  }
0xc1: {  	[dreg:$0x0] =	wrdreg $0xFFFFFFFF;
	(pc) =	sbr.abs _section_cstart, $3  }
0xc2: {  	[dreg:$0x1] =	wrdreg $0xFFFFFFFF  }
0xc3: {  	_ =	task.clear_ibuf [dreg:s8], $0x2FFFF;
	_ =	strace $0x9FFFFFFF  }
0xc4: {  	(tm) =	ssettm $0x7FFFFFFF  }
0xc5: {  	_ =	shalt  }
tec
execute0_lowered:
.L_overlay_start_1:
0x0: {  	(tag) =	ssettag $0x1  }
0x1: {  	s0 =	rddreg [dreg:$0x0]  }
0x2: {  	s2 =	rddreg [dreg:$0x1]  }
0x3: {  	s1 =	rddreg [dreg:$0x2]  }
0x4: {  	s3 =	srdreg.scid;
	s4 =	stileid.u32;
	s14 =	simm.s32 $0x4  }
0x5: {  	s16 =	simm.s32 $0x8100;
	s19 =	simm.s32 $0x8D00;
	s20 =	simm.s32 $0x9100  }
0x6: {  	s21 =	simm.s32 $0x9500;
	s22 =	simm.s32 $0x9900;
	s24 =	simm.s32 $0x9D00  }
0x7: {  	s25 =	simm.s32 $0x3;
	s5 =	sand.u32 $0x1, s3;
	s3 =	simm.s32 $0x0  }
0x8: {  	s4 =	sshll.u32 s4, $0x6;
	s10 =	sadd.s32 $0x100, s2;
	s11 =	sadd.s32 $0x200, s2  }
0x9: {  	s12 =	sadd.s32 $0x300, s2;
	s6 =	sshll.u32 s5, $0x5;
	[smem:$0x7FF] =	sst s3  }
.Ltmp0:
0xa: {  	s7 =	ssub.s32 $0x2, s5;
	s4 =	sor.u32 s6, s4;
	(pc) =	sbr.rel .LBB2_1-.Ltmp0, $4  }
0xb: {  	s5 =	sadd.s32 $0x800, s0;
	s31 =	sshrl.u32 s7, $0x1;
	s6 =	sshll.u32 s4, $0x7  }
0xc: {  	v0 =	vlaneseq.u32;
	_ =	strace $0x80000047;
	s0 =	ssub.s32 s7, s31;
	s6 =	sadd.s32 s1, s6  }
0xd: {  	vm0 =	vmmov $0xffff;
	v1 =	vor.u32 $0x10, v0;
	v3 =	vshrl.u32 v0, $0x3;
	s13 =	smax.u32 s0, $0x1;
	s0 =	simm.s32 $0x1;
	s1 =	simm.s32 $0x2  }
0xe: {  	v2 =	vand.u32 $0x7, v0;
	v4 =	vor.u32 $0x8, v0;
	v3 =	vmul.u32 $0x8, v3;
	s7 =	sadd.s32 $0x400, s6;
	s8 =	sadd.s32 $0x800, s6;
	s9 =	sadd.s32 $0xC00, s6  }
.LBB2_2:
0xf: {  	p0 =	sgt.s32 s28, $0x0;
	s15 =	simm.s32 $0x20000  }
0x10: {  	s15 =	simm.s32 @!p0 $0x0  }
0x11: {  	s15 =	sadd.s32 s2, s15  }
0x12: {  	[tilespmem:s16], [sflag:$0x4] =	stream.linear.gather [hbm4b:s15+s3], $0x80, $0x38;
	[tilespmem:$0xA100] =	vst v63  }
0x13: {  	s18 =	simm.s32 $0x8500;
	s17 =	sadd.s32 $0x80, s15  }
0x14: {  	[tilespmem:s18], [sflag:$0x4] =	stream.linear.gather [hbm4b:s17+s3], $0x80, $0x38;
	[tilespmem:$0xA100] =	vst v63  }
0x15: {  	s26 =	simm.s32 $0x8900;
	s23 =	sadd.s32 $0x100, s15  }
0x16: {  	[tilespmem:s26], [sflag:$0x4] =	stream.linear.gather [hbm4b:s23+s3], $0x80, $0x38;
	[tilespmem:$0xA100] =	vst v63  }
0x17: {  	s28 =	sadd.s32 $0x180, s15  }
0x18: {  	[tilespmem:s19], [sflag:$0x4] =	stream.linear.gather [hbm4b:s28+s3], $0x80, $0x38;
	[tilespmem:$0xA100] =	vst v63  }
0x19: {  	s29 =	sadd.s32 $0x200, s15  }
0x1a: {  	[tilespmem:s20], [sflag:$0x4] =	stream.linear.gather [hbm4b:s29+s3], $0x80, $0x38;
	[tilespmem:$0xA100] =	vst v63  }
0x1b: {  	s30 =	sadd.s32 $0x280, s15  }
0x1c: {  	[tilespmem:s21], [sflag:$0x4] =	stream.linear.gather [hbm4b:s30+s3], $0x80, $0x38;
	[tilespmem:$0xA100] =	vst v63  }
0x1d: {  	s31 =	sadd.s32 $0x300, s15  }
0x1e: {  	[tilespmem:s22], [sflag:$0x4] =	stream.linear.gather [hbm4b:s31+s3], $0x80, $0x38;
	[tilespmem:$0xA100] =	vst v63  }
0x1f: {  	s15 =	sadd.s32 $0x380, s15  }
0x20: {  	[tilespmem:s24], [sflag:$0x4] =	stream.linear.gather [hbm4b:s15+s3], $0x80, $0x38;
	[tilespmem:$0xA100] =	vst v63  }
0x21: {  	_ =	swait.ge [sflag:s14], $0x400  }
0x22: {  	[sflag:s14] =	ssyncset.done $0x0  }
0x23: {  	[sflag:s14] =	ssyncadd.s32 $0xFFFFFC00  }
0x24: {  	v5 =	vld [tilespmem:$0x8100];
	_ =	sdelay $0x4  }
0x25: {  	[tilespmem:$0x8180] =	vst v5  }
0x26: {  	[tilespmem:$0x8200] =	vst v5  }
0x27: {  	v6 =	vld [tilespmem:$0x8110];
	[tilespmem:$0x8280] =	vst v5  }
0x28: {  	[tilespmem:$0x8300] =	vst v5  }
0x29: {  	[tilespmem:$0x8380] =	vst v5  }
0x2a: {  	[tilespmem:$0x8400] =	vst v5  }
0x2b: {  	[tilespmem:$0x8480] =	vst v5  }
0x2c: {  	[tilespmem:$0x8190] =	vst v6  }
0x2d: {  	[tilespmem:$0x8210] =	vst v6  }
0x2e: {  	[tilespmem:$0x8290] =	vst v6;
	v5 =	vld [tilespmem:$0x8120]  }
0x2f: {  	[tilespmem:$0x8310] =	vst v6  }
0x30: {  	[tilespmem:$0x8390] =	vst v6  }
0x31: {  	[tilespmem:$0x8410] =	vst v6  }
0x32: {  	[tilespmem:$0x8490] =	vst v6  }
0x33: {  	[tilespmem:$0x81A0] =	vst v5  }
0x34: {  	[tilespmem:$0x8220] =	vst v5  }
0x35: {  	[tilespmem:$0x82A0] =	vst v5  }
0x36: {  	[tilespmem:$0x8320] =	vst v5  }
0x37: {  	[tilespmem:$0x83A0] =	vst v5  }
0x38: {  	[tilespmem:$0x8420] =	vst v5  }
0x39: {  	[tilespmem:$0x84A0] =	vst v5  }
0x3a: {  	v5 =	vld [tilespmem:$0x8130];
	_ =	sdelay $0x4  }
0x3b: {  	[tilespmem:$0x81B0] =	vst v5  }
0x3c: {  	[tilespmem:$0x8230] =	vst v5  }
0x3d: {  	v6 =	vld [tilespmem:$0x8140];
	[tilespmem:$0x82B0] =	vst v5  }
0x3e: {  	[tilespmem:$0x8330] =	vst v5  }
0x3f: {  	[tilespmem:$0x83B0] =	vst v5  }
0x40: {  	[tilespmem:$0x8430] =	vst v5  }
0x41: {  	[tilespmem:$0x84B0] =	vst v5  }
0x42: {  	[tilespmem:$0x81C0] =	vst v6  }
0x43: {  	[tilespmem:$0x8240] =	vst v6  }
0x44: {  	v7 =	vld [tilespmem:$0x9910];
	[tilespmem:$0x82C0] =	vst v6  }
0x45: {  	[tilespmem:$0x8340] =	vst v6  }
0x46: {  	v8 =	vld [tilespmem:$0x9D40];
	[tilespmem:$0x83C0] =	vst v6  }
0x47: {  	[tilespmem:$0x8440] =	vst v6  }
0x48: {  	v9 =	vld [tilespmem:$0x9D60];
	[tilespmem:$0x84C0] =	vst v6  }
0x49: {  	[tilespmem:$0x9990] =	vst v7  }
0x4a: {  	[tilespmem:$0x9B90] =	vst v7  }
0x4b: {  	[tilespmem:$0x9DC0] =	vst v8  }
0x4c: {  	[tilespmem:$0x9FC0] =	vst v8  }
0x4d: {  	[tilespmem:$0xA0E0] =	vst v9  }
0x4e: {  	[tilespmem:$0xA060] =	vst v9  }
0x4f: {  	[tilespmem:$0x9FE0] =	vst v9  }
0x50: {  	[tilespmem:$0x9F60] =	vst v9  }
0x51: {  	[tilespmem:$0x9EE0] =	vst v9  }
0x52: {  	[tilespmem:$0x9E60] =	vst v9  }
0x53: {  	[tilespmem:$0x9DE0] =	vst v9  }
0x54: {  	v53 =	vld [tilespmem:$0x9D20];
	[tilespmem:$0xA040] =	vst v8  }
0x55: {  	[tilespmem:$0xA0C0] =	vst v8  }
0x56: {  	v54 =	vld [tilespmem:$0x9D30];
	[tilespmem:$0x9E40] =	vst v8  }
0x57: {  	[tilespmem:$0x9F40] =	vst v8  }
0x58: {  	[tilespmem:$0x9EC0] =	vst v8  }
0x59: {  	[tilespmem:$0x9DA0] =	vst v53  }
0x5a: {  	[tilespmem:$0x9E20] =	vst v53  }
0x5b: {  	[tilespmem:$0xA0B0] =	vst v54  }
0x5c: {  	[tilespmem:$0xA030] =	vst v54  }
0x5d: {  	[tilespmem:$0x9FB0] =	vst v54  }
0x5e: {  	[tilespmem:$0x9F30] =	vst v54  }
0x5f: {  	[tilespmem:$0x9EB0] =	vst v54  }
0x60: {  	[tilespmem:$0x9E30] =	vst v54  }
0x61: {  	[tilespmem:$0x9DB0] =	vst v54  }
0x62: {  	v55 =	vld [tilespmem:$0x9960];
	[tilespmem:$0xA0A0] =	vst v53  }
0x63: {  	[tilespmem:$0xA020] =	vst v53  }
0x64: {  	v56 =	vld [tilespmem:$0x9970];
	[tilespmem:$0x9FA0] =	vst v53  }
0x65: {  	[tilespmem:$0x9F20] =	vst v53  }
0x66: {  	[tilespmem:$0x9EA0] =	vst v53  }
0x67: {  	[tilespmem:$0x9BE0] =	vst v55  }
0x68: {  	[tilespmem:$0x99E0] =	vst v55  }
0x69: {  	[tilespmem:$0x99F0] =	vst v56  }
0x6a: {  	[tilespmem:$0x9A70] =	vst v56  }
0x6b: {  	[tilespmem:$0x9CF0] =	vst v56  }
0x6c: {  	[tilespmem:$0x9C70] =	vst v56  }
0x6d: {  	[tilespmem:$0x9BF0] =	vst v56  }
0x6e: {  	[tilespmem:$0x9B70] =	vst v56  }
0x6f: {  	[tilespmem:$0x9AF0] =	vst v56  }
0x70: {  	[tilespmem:$0x9C60] =	vst v55  }
0x71: {  	v57 =	vld [tilespmem:$0x9940];
	[tilespmem:$0x9CE0] =	vst v55  }
0x72: {  	v58 =	vld [tilespmem:$0x9950];
	[tilespmem:$0x9A60] =	vst v55  }
0x73: {  	[tilespmem:$0x9B60] =	vst v55  }
0x74: {  	[tilespmem:$0x9AE0] =	vst v55  }
0x75: {  	[tilespmem:$0x9A10] =	vst v7  }
0x76: {  	[tilespmem:$0x9B40] =	vst v57  }
0x77: {  	[tilespmem:$0x9CD0] =	vst v58  }
0x78: {  	[tilespmem:$0x9C50] =	vst v58  }
0x79: {  	[tilespmem:$0x9BD0] =	vst v58  }
0x7a: {  	[tilespmem:$0x9B50] =	vst v58  }
0x7b: {  	[tilespmem:$0x9AD0] =	vst v58  }
0x7c: {  	[tilespmem:$0x9A50] =	vst v58  }
0x7d: {  	[tilespmem:$0x99D0] =	vst v58  }
0x7e: {  	[tilespmem:$0x9CC0] =	vst v57  }
0x7f: {  	v59 =	vld [tilespmem:$0x9930];
	[tilespmem:$0x9C40] =	vst v57  }
0x80: {  	[tilespmem:$0x9BC0] =	vst v57  }
0x81: {  	[tilespmem:$0x9AC0] =	vst v57  }
0x82: {  	[tilespmem:$0x9A40] =	vst v57  }
0x83: {  	[tilespmem:$0x99C0] =	vst v57  }
0x84: {  	[tilespmem:$0x9CB0] =	vst v59  }
0x85: {  	[tilespmem:$0x9C30] =	vst v59  }
0x86: {  	[tilespmem:$0x9BB0] =	vst v59  }
0x87: {  	[tilespmem:$0x9B30] =	vst v59  }
0x88: {  	[tilespmem:$0x9AB0] =	vst v59  }
0x89: {  	[tilespmem:$0x9A30] =	vst v59  }
0x8a: {  	v60 =	vld [tilespmem:$0x9560];
	[tilespmem:$0x99B0] =	vst v59  }
0x8b: {  	v61 =	vld [tilespmem:$0x9570];
	[tilespmem:$0x9C10] =	vst v7  }
0x8c: {  	[tilespmem:$0x9C90] =	vst v7  }
0x8d: {  	[tilespmem:$0x9A90] =	vst v7  }
0x8e: {  	[tilespmem:$0x9B10] =	vst v7  }
0x8f: {  	[tilespmem:$0x95E0] =	vst v60  }
0x90: {  	[tilespmem:$0x98F0] =	vst v61  }
0x91: {  	[tilespmem:$0x95F0] =	vst v61  }
0x92: {  	[tilespmem:$0x9670] =	vst v61  }
0x93: {  	[tilespmem:$0x9870] =	vst v61  }
0x94: {  	[tilespmem:$0x97F0] =	vst v61  }
0x95: {  	[tilespmem:$0x96F0] =	vst v61  }
0x96: {  	[tilespmem:$0x9770] =	vst v61  }
0x97: {  	[tilespmem:$0x98E0] =	vst v60  }
0x98: {  	v62 =	vld [tilespmem:$0x9530];
	[tilespmem:$0x9860] =	vst v60  }
0x99: {  	[tilespmem:$0x97E0] =	vst v60  }
0x9a: {  	[tilespmem:$0x9760] =	vst v60  }
0x9b: {  	[tilespmem:$0x96E0] =	vst v60  }
0x9c: {  	[tilespmem:$0x9660] =	vst v60  }
0x9d: {  	[tilespmem:$0x96B0] =	vst v62  }
0x9e: {  	[tilespmem:$0x98B0] =	vst v62  }
0x9f: {  	v63 =	vld [tilespmem:$0x9510];
	[tilespmem:$0x9830] =	vst v62  }
0xa0: {  	[tilespmem:$0x97B0] =	vst v62  }
0xa1: {  	[tilespmem:$0x9730] =	vst v62  }
0xa2: {  	[tilespmem:$0x9630] =	vst v62  }
0xa3: {  	[tilespmem:$0x95B0] =	vst v62  }
0xa4: {  	[tilespmem:$0x9590] =	vst v63  }
0xa5: {  	[tilespmem:$0x9890] =	vst v63  }
0xa6: {  	v5 =	vld [tilespmem:$0x8150];
	[tilespmem:$0x9810] =	vst v63  }
0xa7: {  	[tilespmem:$0x9790] =	vst v63  }
0xa8: {  	[tilespmem:$0x9710] =	vst v63  }
0xa9: {  	[tilespmem:$0x9690] =	vst v63  }
0xaa: {  	[tilespmem:$0x9610] =	vst v63  }
0xab: {  	[tilespmem:$0x81D0] =	vst v5  }
0xac: {  	[tilespmem:$0x8250] =	vst v5  }
0xad: {  	v6 =	vld [tilespmem:$0x8160];
	[tilespmem:$0x82D0] =	vst v5  }
0xae: {  	[tilespmem:$0x8350] =	vst v5  }
0xaf: {  	[tilespmem:$0x83D0] =	vst v5  }
0xb0: {  	[tilespmem:$0x8450] =	vst v5  }
0xb1: {  	[tilespmem:$0x84D0] =	vst v5  }
0xb2: {  	[tilespmem:$0x81E0] =	vst v6  }
0xb3: {  	[tilespmem:$0x8260] =	vst v6  }
0xb4: {  	v7 =	vld [tilespmem:$0x9900];
	[tilespmem:$0x82E0] =	vst v6  }
0xb5: {  	[tilespmem:$0x8360] =	vst v6  }
0xb6: {  	[tilespmem:$0x83E0] =	vst v6  }
0xb7: {  	[tilespmem:$0x8460] =	vst v6  }
0xb8: {  	[tilespmem:$0x84E0] =	vst v6  }
0xb9: {  	[tilespmem:$0x9980] =	vst v7  }
0xba: {  	[tilespmem:$0x9C80] =	vst v7  }
0xbb: {  	v5 =	vld [tilespmem:$0x8170];
	[tilespmem:$0x9C00] =	vst v7  }
0xbc: {  	[tilespmem:$0x9B80] =	vst v7  }
0xbd: {  	[tilespmem:$0x9B00] =	vst v7  }
0xbe: {  	[tilespmem:$0x9A80] =	vst v7  }
0xbf: {  	[tilespmem:$0x9A00] =	vst v7  }
0xc0: {  	[tilespmem:$0x81F0] =	vst v5  }
0xc1: {  	[tilespmem:$0x8270] =	vst v5  }
0xc2: {  	v6 =	vld [tilespmem:$0x8500];
	[tilespmem:$0x82F0] =	vst v5  }
0xc3: {  	[tilespmem:$0x8370] =	vst v5  }
0xc4: {  	[tilespmem:$0x83F0] =	vst v5  }
0xc5: {  	[tilespmem:$0x8470] =	vst v5  }
0xc6: {  	[tilespmem:$0x84F0] =	vst v5  }
0xc7: {  	[tilespmem:$0x8580] =	vst v6  }
0xc8: {  	[tilespmem:$0x8600] =	vst v6  }
0xc9: {  	v7 =	vld [tilespmem:$0x9520];
	[tilespmem:$0x8680] =	vst v6  }
0xca: {  	[tilespmem:$0x8700] =	vst v6  }
0xcb: {  	[tilespmem:$0x8780] =	vst v6  }
0xcc: {  	[tilespmem:$0x8800] =	vst v6  }
0xcd: {  	[tilespmem:$0x8880] =	vst v6  }
0xce: {  	[tilespmem:$0x95A0] =	vst v7  }
0xcf: {  	[tilespmem:$0x9620] =	vst v7  }
0xd0: {  	v5 =	vld [tilespmem:$0x8510];
	[tilespmem:$0x97A0] =	vst v7  }
0xd1: {  	[tilespmem:$0x98A0] =	vst v7  }
0xd2: {  	[tilespmem:$0x9820] =	vst v7  }
0xd3: {  	[tilespmem:$0x96A0] =	vst v7  }
0xd4: {  	[tilespmem:$0x9720] =	vst v7  }
0xd5: {  	[tilespmem:$0x8590] =	vst v5  }
0xd6: {  	[tilespmem:$0x8610] =	vst v5  }
0xd7: {  	v6 =	vld [tilespmem:$0x8520];
	[tilespmem:$0x8690] =	vst v5  }
0xd8: {  	[tilespmem:$0x8710] =	vst v5  }
0xd9: {  	[tilespmem:$0x8790] =	vst v5  }
0xda: {  	[tilespmem:$0x8810] =	vst v5  }
0xdb: {  	[tilespmem:$0x8890] =	vst v5  }
0xdc: {  	[tilespmem:$0x85A0] =	vst v6  }
0xdd: {  	[tilespmem:$0x8620] =	vst v6  }
0xde: {  	v7 =	vld [tilespmem:$0x9170];
	[tilespmem:$0x86A0] =	vst v6  }
0xdf: {  	v5 =	vld [tilespmem:$0x8530];
	[tilespmem:$0x8720] =	vst v6  }
0xe0: {  	[tilespmem:$0x87A0] =	vst v6  }
0xe1: {  	[tilespmem:$0x8820] =	vst v6  }
0xe2: {  	[tilespmem:$0x88A0] =	vst v6  }
0xe3: {  	[tilespmem:$0x91F0] =	vst v7  }
0xe4: {  	[tilespmem:$0x85B0] =	vst v5  }
0xe5: {  	[tilespmem:$0x8630] =	vst v5  }
0xe6: {  	v6 =	vld [tilespmem:$0x8540];
	[tilespmem:$0x86B0] =	vst v5  }
0xe7: {  	[tilespmem:$0x8730] =	vst v5  }
0xe8: {  	[tilespmem:$0x87B0] =	vst v5  }
0xe9: {  	[tilespmem:$0x8830] =	vst v5  }
0xea: {  	[tilespmem:$0x88B0] =	vst v5  }
0xeb: {  	[tilespmem:$0x85C0] =	vst v6  }
0xec: {  	[tilespmem:$0x8640] =	vst v6  }
0xed: {  	[tilespmem:$0x86C0] =	vst v6;
	v5 =	vld [tilespmem:$0x8550]  }
0xee: {  	[tilespmem:$0x8740] =	vst v6  }
0xef: {  	[tilespmem:$0x87C0] =	vst v6  }
0xf0: {  	[tilespmem:$0x8840] =	vst v6  }
0xf1: {  	[tilespmem:$0x88C0] =	vst v6  }
0xf2: {  	[tilespmem:$0x85D0] =	vst v5  }
0xf3: {  	[tilespmem:$0x8650] =	vst v5  }
0xf4: {  	v6 =	vld [tilespmem:$0x8560];
	[tilespmem:$0x86D0] =	vst v5  }
0xf5: {  	[tilespmem:$0x8750] =	vst v5  }
0xf6: {  	[tilespmem:$0x87D0] =	vst v5  }
0xf7: {  	[tilespmem:$0x8850] =	vst v5  }
0xf8: {  	[tilespmem:$0x88D0] =	vst v5  }
0xf9: {  	[tilespmem:$0x85E0] =	vst v6  }
0xfa: {  	[tilespmem:$0x8660] =	vst v6  }
0xfb: {  	[tilespmem:$0x86E0] =	vst v6;
	v5 =	vld [tilespmem:$0x8570]  }
0xfc: {  	[tilespmem:$0x8760] =	vst v6  }
0xfd: {  	[tilespmem:$0x87E0] =	vst v6  }
0xfe: {  	[tilespmem:$0x8860] =	vst v6  }
0xff: {  	[tilespmem:$0x88E0] =	vst v6  }
0x100: {  	[tilespmem:$0x85F0] =	vst v5  }
0x101: {  	[tilespmem:$0x8670] =	vst v5  }
0x102: {  	v6 =	vld [tilespmem:$0x8900];
	[tilespmem:$0x86F0] =	vst v5  }
0x103: {  	[tilespmem:$0x8770] =	vst v5  }
0x104: {  	[tilespmem:$0x87F0] =	vst v5  }
0x105: {  	[tilespmem:$0x8870] =	vst v5  }
0x106: {  	[tilespmem:$0x88F0] =	vst v5  }
0x107: {  	[tilespmem:$0x8980] =	vst v6  }
0x108: {  	[tilespmem:$0x8A00] =	vst v6  }
0x109: {  	[tilespmem:$0x8A80] =	vst v6;
	v5 =	vld [tilespmem:$0x8910]  }
0x10a: {  	[tilespmem:$0x8B00] =	vst v6  }
0x10b: {  	[tilespmem:$0x8B80] =	vst v6  }
0x10c: {  	[tilespmem:$0x8C00] =	vst v6  }
0x10d: {  	[tilespmem:$0x8C80] =	vst v6  }
0x10e: {  	[tilespmem:$0x8990] =	vst v5  }
0x10f: {  	[tilespmem:$0x8A10] =	vst v5  }
0x110: {  	v6 =	vld [tilespmem:$0x8920];
	[tilespmem:$0x8A90] =	vst v5  }
0x111: {  	[tilespmem:$0x8B10] =	vst v5  }
0x112: {  	[tilespmem:$0x8B90] =	vst v5  }
0x113: {  	[tilespmem:$0x8C10] =	vst v5  }
0x114: {  	[tilespmem:$0x8C90] =	vst v5  }
0x115: {  	[tilespmem:$0x89A0] =	vst v6  }
0x116: {  	[tilespmem:$0x8A20] =	vst v6  }
0x117: {  	[tilespmem:$0x8AA0] =	vst v6;
	v5 =	vld [tilespmem:$0x8930]  }
0x118: {  	[tilespmem:$0x8B20] =	vst v6  }
0x119: {  	[tilespmem:$0x8BA0] =	vst v6  }
0x11a: {  	[tilespmem:$0x8C20] =	vst v6  }
0x11b: {  	[tilespmem:$0x8CA0] =	vst v6  }
0x11c: {  	[tilespmem:$0x89B0] =	vst v5  }
0x11d: {  	[tilespmem:$0x8A30] =	vst v5  }
0x11e: {  	v6 =	vld [tilespmem:$0x8940];
	[tilespmem:$0x8AB0] =	vst v5  }
0x11f: {  	[tilespmem:$0x8B30] =	vst v5  }
0x120: {  	[tilespmem:$0x8BB0] =	vst v5  }
0x121: {  	[tilespmem:$0x8C30] =	vst v5  }
0x122: {  	[tilespmem:$0x8CB0] =	vst v5  }
0x123: {  	[tilespmem:$0x89C0] =	vst v6  }
0x124: {  	[tilespmem:$0x8A40] =	vst v6  }
0x125: {  	[tilespmem:$0x8AC0] =	vst v6;
	v5 =	vld [tilespmem:$0x8950]  }
0x126: {  	[tilespmem:$0x8B40] =	vst v6  }
0x127: {  	[tilespmem:$0x8BC0] =	vst v6  }
0x128: {  	[tilespmem:$0x8C40] =	vst v6  }
0x129: {  	[tilespmem:$0x8CC0] =	vst v6  }
0x12a: {  	[tilespmem:$0x89D0] =	vst v5  }
0x12b: {  	[tilespmem:$0x8A50] =	vst v5  }
0x12c: {  	v6 =	vld [tilespmem:$0x8960];
	[tilespmem:$0x8AD0] =	vst v5  }
0x12d: {  	[tilespmem:$0x8B50] =	vst v5  }
0x12e: {  	[tilespmem:$0x8BD0] =	vst v5  }
0x12f: {  	[tilespmem:$0x8C50] =	vst v5  }
0x130: {  	[tilespmem:$0x8CD0] =	vst v5  }
0x131: {  	[tilespmem:$0x89E0] =	vst v6  }
0x132: {  	[tilespmem:$0x8A60] =	vst v6  }
0x133: {  	[tilespmem:$0x8AE0] =	vst v6;
	v5 =	vld [tilespmem:$0x8970]  }
0x134: {  	[tilespmem:$0x8B60] =	vst v6  }
0x135: {  	[tilespmem:$0x8BE0] =	vst v6  }
0x136: {  	[tilespmem:$0x8C60] =	vst v6  }
0x137: {  	[tilespmem:$0x8CE0] =	vst v6  }
0x138: {  	[tilespmem:$0x89F0] =	vst v5  }
0x139: {  	[tilespmem:$0x8A70] =	vst v5  }
0x13a: {  	v6 =	vld [tilespmem:$0x8D00];
	[tilespmem:$0x8AF0] =	vst v5  }
0x13b: {  	[tilespmem:$0x8B70] =	vst v5  }
0x13c: {  	[tilespmem:$0x8BF0] =	vst v5  }
0x13d: {  	[tilespmem:$0x8C70] =	vst v5  }
0x13e: {  	[tilespmem:$0x8CF0] =	vst v5  }
0x13f: {  	[tilespmem:$0x8D80] =	vst v6  }
0x140: {  	[tilespmem:$0x8E00] =	vst v6  }
0x141: {  	[tilespmem:$0x8E80] =	vst v6;
	v5 =	vld [tilespmem:$0x8D10]  }
0x142: {  	[tilespmem:$0x8F00] =	vst v6  }
0x143: {  	[tilespmem:$0x8F80] =	vst v6  }
0x144: {  	[tilespmem:$0x9000] =	vst v6  }
0x145: {  	[tilespmem:$0x9080] =	vst v6  }
0x146: {  	[tilespmem:$0x8D90] =	vst v5  }
0x147: {  	[tilespmem:$0x8E10] =	vst v5  }
0x148: {  	v6 =	vld [tilespmem:$0x8D20];
	[tilespmem:$0x8E90] =	vst v5  }
0x149: {  	[tilespmem:$0x8F10] =	vst v5  }
0x14a: {  	[tilespmem:$0x8F90] =	vst v5  }
0x14b: {  	[tilespmem:$0x9010] =	vst v5  }
0x14c: {  	[tilespmem:$0x9090] =	vst v5  }
0x14d: {  	[tilespmem:$0x8DA0] =	vst v6  }
0x14e: {  	[tilespmem:$0x8E20] =	vst v6  }
0x14f: {  	[tilespmem:$0x8EA0] =	vst v6;
	v5 =	vld [tilespmem:$0x8D30]  }
0x150: {  	[tilespmem:$0x8F20] =	vst v6  }
0x151: {  	[tilespmem:$0x8FA0] =	vst v6  }
0x152: {  	[tilespmem:$0x9020] =	vst v6  }
0x153: {  	[tilespmem:$0x90A0] =	vst v6  }
0x154: {  	[tilespmem:$0x8DB0] =	vst v5  }
0x155: {  	[tilespmem:$0x8E30] =	vst v5  }
0x156: {  	v6 =	vld [tilespmem:$0x8D40];
	[tilespmem:$0x8EB0] =	vst v5  }
0x157: {  	[tilespmem:$0x8F30] =	vst v5  }
0x158: {  	[tilespmem:$0x8FB0] =	vst v5  }
0x159: {  	[tilespmem:$0x9030] =	vst v5  }
0x15a: {  	[tilespmem:$0x90B0] =	vst v5  }
0x15b: {  	[tilespmem:$0x8DC0] =	vst v6  }
0x15c: {  	[tilespmem:$0x8E40] =	vst v6  }
0x15d: {  	[tilespmem:$0x8EC0] =	vst v6  }
0x15e: {  	v5 =	vld [tilespmem:$0x8D50];
	[tilespmem:$0x8F40] =	vst v6  }
0x15f: {  	[tilespmem:$0x8FC0] =	vst v6  }
0x160: {  	[tilespmem:$0x9040] =	vst v6  }
0x161: {  	[tilespmem:$0x90C0] =	vst v6;
	v6 =	vld [tilespmem:$0x8D60]  }
0x162: {  	[tilespmem:$0x9270] =	vst v7  }
0x163: {  	[tilespmem:$0x8DD0] =	vst v5  }
0x164: {  	[tilespmem:$0x8E50] =	vst v5  }
0x165: {  	[tilespmem:$0x8ED0] =	vst v5  }
0x166: {  	[tilespmem:$0x8DE0] =	vst v6  }
0x167: {  	[tilespmem:$0x8E60] =	vst v6  }
0x168: {  	[tilespmem:$0x8EE0] =	vst v6  }
0x169: {  	[tilespmem:$0x8F60] =	vst v6  }
0x16a: {  	[tilespmem:$0x8FE0] =	vst v6  }
0x16b: {  	[tilespmem:$0x9060] =	vst v6  }
0x16c: {  	[tilespmem:$0x90E0] =	vst v6;
	v6 =	vld [tilespmem:$0x9100]  }
0x16d: {  	[tilespmem:$0x8F50] =	vst v5  }
0x16e: {  	[tilespmem:$0x8FD0] =	vst v5  }
0x16f: {  	[tilespmem:$0x9050] =	vst v5  }
0x170: {  	[tilespmem:$0x90D0] =	vst v5  }
0x171: {  	[tilespmem:$0x9180] =	vst v6  }
0x172: {  	[tilespmem:$0x9200] =	vst v6  }
0x173: {  	[tilespmem:$0x9280] =	vst v6  }
0x174: {  	v5 =	vld [tilespmem:$0x8D70];
	[tilespmem:$0x9300] =	vst v6  }
0x175: {  	[tilespmem:$0x9380] =	vst v6  }
0x176: {  	[tilespmem:$0x9400] =	vst v6  }
0x177: {  	[tilespmem:$0x9480] =	vst v6;
	v6 =	vld [tilespmem:$0x9120]  }
0x178: {  	[tilespmem:$0x92F0] =	vst v7  }
0x179: {  	[tilespmem:$0x8DF0] =	vst v5  }
0x17a: {  	[tilespmem:$0x8E70] =	vst v5  }
0x17b: {  	[tilespmem:$0x8EF0] =	vst v5  }
0x17c: {  	[tilespmem:$0x91A0] =	vst v6  }
0x17d: {  	[tilespmem:$0x9220] =	vst v6  }
0x17e: {  	[tilespmem:$0x92A0] =	vst v6  }
0x17f: {  	[tilespmem:$0x9320] =	vst v6  }
0x180: {  	[tilespmem:$0x93A0] =	vst v6  }
0x181: {  	[tilespmem:$0x9420] =	vst v6  }
0x182: {  	[tilespmem:$0x94A0] =	vst v6;
	v6 =	vld [tilespmem:$0x9140]  }
0x183: {  	[tilespmem:$0x8F70] =	vst v5  }
0x184: {  	[tilespmem:$0x8FF0] =	vst v5  }
0x185: {  	[tilespmem:$0x9070] =	vst v5  }
0x186: {  	[tilespmem:$0x90F0] =	vst v5  }
0x187: {  	[tilespmem:$0x91C0] =	vst v6  }
0x188: {  	[tilespmem:$0x9240] =	vst v6  }
0x189: {  	[tilespmem:$0x92C0] =	vst v6  }
0x18a: {  	v5 =	vld [tilespmem:$0x9110];
	[tilespmem:$0x9340] =	vst v6  }
0x18b: {  	[tilespmem:$0x93C0] =	vst v6  }
0x18c: {  	[tilespmem:$0x9440] =	vst v6  }
0x18d: {  	[tilespmem:$0x94C0] =	vst v6;
	v6 =	vld [tilespmem:$0x9160]  }
0x18e: {  	[tilespmem:$0x94F0] =	vst v7  }
0x18f: {  	[tilespmem:$0x9190] =	vst v5  }
0x190: {  	[tilespmem:$0x9210] =	vst v5  }
0x191: {  	[tilespmem:$0x9290] =	vst v5  }
0x192: {  	[tilespmem:$0x91E0] =	vst v6  }
0x193: {  	[tilespmem:$0x9260] =	vst v6  }
0x194: {  	[tilespmem:$0x92E0] =	vst v6  }
0x195: {  	[tilespmem:$0x9360] =	vst v6  }
0x196: {  	[tilespmem:$0x93E0] =	vst v6  }
0x197: {  	[tilespmem:$0x9460] =	vst v6  }
0x198: {  	[tilespmem:$0x94E0] =	vst v6;
	v6 =	vld [tilespmem:$0x9D50]  }
0x199: {  	[tilespmem:$0x9310] =	vst v5  }
0x19a: {  	[tilespmem:$0x9390] =	vst v5  }
0x19b: {  	[tilespmem:$0x9410] =	vst v5  }
0x19c: {  	[tilespmem:$0x9490] =	vst v5  }
0x19d: {  	[tilespmem:$0x9DD0] =	vst v6  }
0x19e: {  	[tilespmem:$0x9E50] =	vst v6  }
0x19f: {  	[tilespmem:$0xA0D0] =	vst v6  }
0x1a0: {  	v5 =	vld [tilespmem:$0x9130];
	[tilespmem:$0xA050] =	vst v6  }
0x1a1: {  	[tilespmem:$0x9FD0] =	vst v6  }
0x1a2: {  	[tilespmem:$0x9F50] =	vst v6  }
0x1a3: {  	[tilespmem:$0x9ED0] =	vst v6;
	v6 =	vld [tilespmem:$0x9D10]  }
0x1a4: {  	[tilespmem:$0x9470] =	vst v7  }
0x1a5: {  	[tilespmem:$0x91B0] =	vst v5  }
0x1a6: {  	[tilespmem:$0x9230] =	vst v5  }
0x1a7: {  	[tilespmem:$0x92B0] =	vst v5  }
0x1a8: {  	[tilespmem:$0x9F90] =	vst v6  }
0x1a9: {  	[tilespmem:$0x9D90] =	vst v6  }
0x1aa: {  	[tilespmem:$0xA010] =	vst v6  }
0x1ab: {  	[tilespmem:$0xA090] =	vst v6  }
0x1ac: {  	[tilespmem:$0x9E10] =	vst v6  }
0x1ad: {  	[tilespmem:$0x9F10] =	vst v6  }
0x1ae: {  	[tilespmem:$0x9E90] =	vst v6;
	v6 =	vld [tilespmem:$0x9D00]  }
0x1af: {  	[tilespmem:$0x9330] =	vst v5  }
0x1b0: {  	[tilespmem:$0x93B0] =	vst v5  }
0x1b1: {  	[tilespmem:$0x9430] =	vst v5  }
0x1b2: {  	[tilespmem:$0x94B0] =	vst v5  }
0x1b3: {  	[tilespmem:$0xA080] =	vst v6  }
0x1b4: {  	[tilespmem:$0xA000] =	vst v6  }
0x1b5: {  	[tilespmem:$0x9F80] =	vst v6  }
0x1b6: {  	v5 =	vld [tilespmem:$0x9150];
	[tilespmem:$0x9F00] =	vst v6  }
0x1b7: {  	[tilespmem:$0x9E80] =	vst v6  }
0x1b8: {  	[tilespmem:$0x9E00] =	vst v6  }
0x1b9: {  	[tilespmem:$0x9D80] =	vst v6;
	v6 =	vld [tilespmem:$0x9920]  }
0x1ba: {  	[tilespmem:$0x93F0] =	vst v7  }
0x1bb: {  	[tilespmem:$0x91D0] =	vst v5  }
0x1bc: {  	[tilespmem:$0x9250] =	vst v5  }
0x1bd: {  	[tilespmem:$0x92D0] =	vst v5  }
0x1be: {  	[tilespmem:$0x9A20] =	vst v6  }
0x1bf: {  	[tilespmem:$0x99A0] =	vst v6  }
0x1c0: {  	[tilespmem:$0x9AA0] =	vst v6  }
0x1c1: {  	[tilespmem:$0x9CA0] =	vst v6  }
0x1c2: {  	[tilespmem:$0x9C20] =	vst v6  }
0x1c3: {  	[tilespmem:$0x9BA0] =	vst v6  }
0x1c4: {  	[tilespmem:$0x9B20] =	vst v6;
	v6 =	vld [tilespmem:$0x9550]  }
0x1c5: {  	[tilespmem:$0x9350] =	vst v5  }
0x1c6: {  	[tilespmem:$0x93D0] =	vst v5  }
0x1c7: {  	[tilespmem:$0x9450] =	vst v5  }
0x1c8: {  	[tilespmem:$0x94D0] =	vst v5  }
0x1c9: {  	[tilespmem:$0x96D0] =	vst v6  }
0x1ca: {  	[tilespmem:$0x95D0] =	vst v6  }
0x1cb: {  	[tilespmem:$0x9650] =	vst v6  }
0x1cc: {  	v5 =	vld [tilespmem:$0x9D70];
	[tilespmem:$0x98D0] =	vst v6  }
0x1cd: {  	[tilespmem:$0x9850] =	vst v6  }
0x1ce: {  	[tilespmem:$0x97D0] =	vst v6  }
0x1cf: {  	[tilespmem:$0x9750] =	vst v6;
	v6 =	vld [tilespmem:$0x9540]  }
0x1d0: {  	[tilespmem:$0x9370] =	vst v7  }
0x1d1: {  	[tilespmem:$0x9EF0] =	vst v5  }
0x1d2: {  	[tilespmem:$0x9E70] =	vst v5  }
0x1d3: {  	[tilespmem:$0x9DF0] =	vst v5  }
0x1d4: {  	[tilespmem:$0x98C0] =	vst v6  }
0x1d5: {  	[tilespmem:$0x9840] =	vst v6  }
0x1d6: {  	[tilespmem:$0x97C0] =	vst v6  }
0x1d7: {  	[tilespmem:$0x9740] =	vst v6  }
0x1d8: {  	[tilespmem:$0x96C0] =	vst v6  }
0x1d9: {  	[tilespmem:$0x9640] =	vst v6  }
0x1da: {  	[tilespmem:$0x95C0] =	vst v6;
	v6 =	vld [tilespmem:$0x9500]  }
0x1db: {  	[tilespmem:$0x9F70] =	vst v5  }
0x1dc: {  	[tilespmem:$0x9FF0] =	vst v5  }
0x1dd: {  	[tilespmem:$0xA070] =	vst v5  }
0x1de: {  	[tilespmem:$0xA0F0] =	vst v5  }
0x1df: {  	[tilespmem:$0x9580] =	vst v6  }
0x1e0: {  	[tilespmem:$0x9880] =	vst v6  }
0x1e1: {  	[tilespmem:$0x9600] =	vst v6  }
0x1e2: {  	[tilespmem:$0x9680] =	vst v6  }
0x1e3: {  	[tilespmem:$0x9800] =	vst v6  }
0x1e4: {  	[tilespmem:$0x9780] =	vst v6  }
0x1e5: {  	[tilespmem:$0x9700] =	vst v6  }
0x1e6: {  	[hbm4b:s6+s3] =	stream.linear.scatter [tilespmem:s16], [sflag:$0x3], $0x2000, $0x38;
	[tilespmem:$0xA100] =	vst v63  }
0x1e7: {  	_ = 	snop  }
0x1e8: {  	[hbm4b:s7+s3] =	stream.linear.scatter [tilespmem:s16], [sflag:$0x3], $0x2000, $0x38;
	[tilespmem:$0xA100] =	vst v63  }
0x1e9: {  	_ = 	snop  }
0x1ea: {  	[hbm4b:s8+s3] =	stream.linear.scatter [tilespmem:s16], [sflag:$0x3], $0x2000, $0x38;
	[tilespmem:$0xA100] =	vst v63  }
0x1eb: {  	_ = 	snop  }
0x1ec: {  	[hbm4b:s9+s3] =	stream.linear.scatter [tilespmem:s16], [sflag:$0x3], $0x2000, $0x38;
	[tilespmem:$0xA100] =	vst v63  }
0x1ed: {  	_ =	swait.ge [sflag:s25], $0x2000  }
0x1ee: {  	[sflag:s25] =	ssyncset.done $0x0  }
0x1ef: {  	[sflag:s25] =	ssyncadd.s32 $0xFFFFE000  }
0x1f0: {  	_ =	swait.ge [sflag:s25], $0x2000  }
0x1f1: {  	[sflag:s25] =	ssyncset.done $0x0  }
0x1f2: {  	[sflag:s25] =	ssyncadd.s32 $0xFFFFE000  }
0x1f3: {  	_ =	swait.ge [sflag:s25], $0x2000  }
0x1f4: {  	[sflag:s25] =	ssyncset.done $0x0  }
0x1f5: {  	[sflag:s25] =	ssyncadd.s32 $0xFFFFE000  }
0x1f6: {  	_ =	swait.ge [sflag:s25], $0x2000  }
0x1f7: {  	[sflag:s25] =	ssyncset.done $0x0  }
0x1f8: {  	[sflag:s25] =	ssyncadd.s32 $0xFFFFE000  }
.LBB2_5:
0x1f9: {  	s13 =	sadd.s32 $0xFFFFFFFF, s13  }
0x1fa: {  	p0 =	sne.s32 s13, $0x0  }
.Ltmp1:
0x1fb: {  	_ = 	snop;
	(pc) =	sbr.rel @!p0 .LBB2_6-.Ltmp1, $1  }
0x1fc: {  	_ =	sdelay $0x3  }
.LBB2_1:
0x1fd: {  	[tilespmem:s3], [sflag:$0x4] =	stream.linear.gather [hbm4b:s5+s3], $0x80, $0x38;
	[tilespmem:$0xA100] =	vst v63  }
0x1fe: {  	_ =	swait.ge [sflag:s14], $0x80  }
0x1ff: {  	[sflag:s14] =	ssyncset.done $0x0  }
0x200: {  	[sflag:s14] =	ssyncadd.s32 $0xFFFFFF80  }
0x201: {  	v5 =	vld [tilespmem:$0x0];
	_ =	sdelay $0x4  }
0x202: {  	(v2sf) =	vpush v5, $0x0;
	_ =	sdelay $0xe  }
0x203: {  	s29 =	spop (v2sf)  }
0x204: {  	s26 =	sadd.s32 s4, s29  }
0x205: {  	s28 =	sadd.s32 $0x1F, s26  }
0x206: {  	s29 =	sand.u32 $0x7, s29;
	p0 =	slt.s32 s26, $0x0;
	p1 =	sgt.s32 s28, $0x400  }
0x207: {  	p2 =	sne.s32 s29, $0x0;
	p0 =	por p0, p1  }
0x208: {  	p0 =	por p2, p0  }
0x209: {  	s29 =	sshll.u32 @!p0 s26, $0x7  }
0x20a: {  	s30 =	simm.s32 @!p0 $0x0;
	s31 =	simm.s32 @!p0 $0x100;
	s29 =	sadd.s32 @!p0 s2, s29  }
0x20b: {  	[tilespmem:s31], [sflag:$0x1] =	stream.linear.gather @!p0 [hbm4b:s29+s30], $0x2000, $0x38;
	[tilespmem:$0xA100] =	vst v63  }
0x20c: {  	s29 =	sshll.u32 @!p0 s26, $0xA  }
0x20d: {  	s15 =	sadd.s32 @!p0 $0x2000, s29  }
0x20e: {  	s15 =	sshrl.u32 @!p0 s15, $0x3  }
0x20f: {  	s23 =	simm.s32 @!p0 $0x4100;
	s15 =	sadd.s32 @!p0 s2, s15  }
0x210: {  	[tilespmem:s23], [sflag:$0x2] =	stream.linear.gather @!p0 [hbm4b:s15+s30], $0x2000, $0x38;
	[tilespmem:$0xA100] =	vst v63  }
0x211: {  	s15 =	simm.s32 @!p0 $0x1  }
0x212: {  	_ =	swait.ge @!p0 [sflag:s15], $0x2000  }
0x213: {  	[sflag:s15] =	ssyncset.done @!p0 $0x0  }
0x214: {  	s17 =	simm.s32 @!p0 $0x4;
	[sflag:s15] =	ssyncadd.s32 @!p0 $0xFFFFE000  }
0x215: {  	[hbm4b:s6+s30] =	stream.linear.scatter @!p0 [tilespmem:s31], [sflag:$0x4], $0x2000, $0x38;
	[tilespmem:$0xA100] =	vst v63  }
0x216: {  	s18 =	sadd.s32 @!p0 $0x4000, s29;
	_ =	swait.ge @!p0 [sflag:s17], $0x2000  }
0x217: {  	s18 =	sshrl.u32 @!p0 s18, $0x3;
	[sflag:s17] =	ssyncset.done @!p0 $0x0  }
0x218: {  	s18 =	sadd.s32 @!p0 s2, s18;
	[sflag:s17] =	ssyncadd.s32 @!p0 $0xFFFFE000  }
0x219: {  	[tilespmem:s31], [sflag:$0x1] =	stream.linear.gather @!p0 [hbm4b:s18+s30], $0x2000, $0x38;
	[tilespmem:$0xA100] =	vst v63  }
0x21a: {  	s18 =	simm.s32 @!p0 $0x2  }
0x21b: {  	_ =	swait.ge @!p0 [sflag:s18], $0x2000  }
0x21c: {  	[sflag:s18] =	ssyncset.done @!p0 $0x0  }
0x21d: {  	[sflag:s18] =	ssyncadd.s32 @!p0 $0xFFFFE000  }
0x21e: {  	[hbm4b:s7+s30] =	stream.linear.scatter @!p0 [tilespmem:s23], [sflag:$0x4], $0x2000, $0x38;
	[tilespmem:$0xA100] =	vst v63  }
0x21f: {  	s29 =	sadd.s32 @!p0 $0x6000, s29;
	_ =	swait.ge @!p0 [sflag:s17], $0x2000  }
0x220: {  	s29 =	sshrl.u32 @!p0 s29, $0x3;
	[sflag:s17] =	ssyncset.done @!p0 $0x0  }
0x221: {  	s29 =	sadd.s32 @!p0 s2, s29;
	[sflag:s17] =	ssyncadd.s32 @!p0 $0xFFFFE000  }
0x222: {  	[tilespmem:s23], [sflag:$0x2] =	stream.linear.gather @!p0 [hbm4b:s29+s30], $0x2000, $0x38;
	[tilespmem:$0xA100] =	vst v63  }
0x223: {  	_ =	swait.ge @!p0 [sflag:s15], $0x2000  }
0x224: {  	[sflag:s15] =	ssyncset.done @!p0 $0x0  }
0x225: {  	[sflag:s15] =	ssyncadd.s32 @!p0 $0xFFFFE000  }
0x226: {  	[hbm4b:s8+s30] =	stream.linear.scatter @!p0 [tilespmem:s31], [sflag:$0x4], $0x2000, $0x38;
	[tilespmem:$0xA100] =	vst v63  }
0x227: {  	_ =	swait.ge @!p0 [sflag:s17], $0x2000  }
0x228: {  	[sflag:s17] =	ssyncset.done @!p0 $0x0  }
0x229: {  	[sflag:s17] =	ssyncadd.s32 @!p0 $0xFFFFE000  }
0x22a: {  	s31 =	sadd.s32 $0x1E, s26;
	_ =	swait.ge @!p0 [sflag:s18], $0x2000  }
0x22b: {  	p1 =	slt.u32 s31, $0x41E;
	[sflag:s18] =	ssyncset.done @!p0 $0x0  }
.Ltmp2:
0x22c: {  	[sflag:s18] =	ssyncadd.s32 @!p0 $0xFFFFE000;
	(pc) =	sbr.rel @!p1 .LBB2_2-.Ltmp2, $4  }
0x22d: {  	[hbm4b:s9+s30] =	stream.linear.scatter @!p0 [tilespmem:s23], [sflag:$0x4], $0x2000, $0x38;
	[tilespmem:$0xA100] =	vst v63  }
0x22e: {  	_ =	swait.ge @!p0 [sflag:s17], $0x2000  }
0x22f: {  	[sflag:s17] =	ssyncset.done @!p0 $0x0  }
0x230: {  	[sflag:s17] =	ssyncadd.s32 @!p0 $0xFFFFE000  }
.Ltmp3:
0x231: {  	(pc) =	sbr.rel @!p0 .LBB2_5-.Ltmp3, $1  }
0x232: {  	_ =	sdelay $0x3  }
0x233: {  	v5 =	vadd.s32 s26, v0  }
0x234: {  	vm1 =	vgt.s32 v5, $0x0  }
0x235: {  	v5 =	vnsel vm1, $0x0, v5  }
0x236: {  	v5 =	vmin.u32 v5, $0x400  }
0x237: {  	v6 =	vshll.u32 v5, $0x3  }
0x238: {  	v7 =	vand.u32 $0x7, v5;
	v6 =	vand.u32 $0x3FC0, v6  }
0x239: {  	v6 =	vor.u32 v7, v6  }
0x23a: {  	v7 =	vperm.xlane v6, v2;
	_ =	sdelay $0x1  }
0x23b: {  	v8 =	vadd.s32 s26, v1;
	v7 =	vadd.s32 v3, v7  }
0x23c: {  	vm1 =	vgt.s32 v8, $0x0  }
0x23d: {  	v8 =	vnsel vm1, $0x0, v8  }
0x23e: {  	[tilespmem:$0x80] =	vst v5;
	v5 =	vmin.u32 v8, $0x400  }
0x23f: {  	s15 =	simm.s32 $0x100;
	[tilespmem:$0x90] =	vst v5  }
0x240: {  	[tilespmem:s15], [sflag:$0x1] =	stream.indirect_vreg.gather [hbm4b:s2+s3], $0x80, v7, vm0, $0xb8;
	[tilespmem:$0xA100] =	vst v63  }
0x241: {  	s17 =	simm.s32 $0x900;
	v5 =	vperm.xlane v6, v4  }
0x242: {  	[tilespmem:s17], [sflag:$0x1] =	stream.indirect_vreg.gather [hbm4b:s10+s3], $0x80, v7, vm0, $0xb8;
	[tilespmem:$0xA100] =	vst v63  }
0x243: {  	s26 =	simm.s32 $0x1100;
	v5 =	vadd.s32 v3, v5  }
0x244: {  	[tilespmem:s26], [sflag:$0x1] =	stream.indirect_vreg.gather [hbm4b:s11+s3], $0x80, v7, vm0, $0xb8;
	[tilespmem:$0xA100] =	vst v63  }
0x245: {  	s28 =	simm.s32 $0x1900  }
0x246: {  	[tilespmem:s28], [sflag:$0x1] =	stream.indirect_vreg.gather [hbm4b:s12+s3], $0x80, v7, vm0, $0xb8;
	[tilespmem:$0xA100] =	vst v63  }
0x247: {  	s29 =	simm.s32 $0x2100  }
0x248: {  	[tilespmem:s29], [sflag:$0x1] =	stream.indirect_vreg.gather [hbm4b:s2+s3], $0x80, v5, vm0, $0xb8;
	[tilespmem:$0xA100] =	vst v63  }
0x249: {  	s30 =	simm.s32 $0x2900  }
0x24a: {  	[tilespmem:s30], [sflag:$0x1] =	stream.indirect_vreg.gather [hbm4b:s10+s3], $0x80, v5, vm0, $0xb8;
	[tilespmem:$0xA100] =	vst v63  }
0x24b: {  	s31 =	simm.s32 $0x3100  }
0x24c: {  	[tilespmem:s31], [sflag:$0x1] =	stream.indirect_vreg.gather [hbm4b:s11+s3], $0x80, v5, vm0, $0xb8;
	[tilespmem:$0xA100] =	vst v63  }
0x24d: {  	s18 =	simm.s32 $0x3900  }
0x24e: {  	[tilespmem:s18], [sflag:$0x1] =	stream.indirect_vreg.gather [hbm4b:s12+s3], $0x80, v5, vm0, $0xb8;
	[tilespmem:$0xA100] =	vst v63  }
0x24f: {  	v5 =	vld [tilespmem:$0x90];
	_ =	sdelay $0x4  }
0x250: {  	v6 =	vshll.u32 v5, $0x3  }
0x251: {  	v5 =	vand.u32 $0x7, v5;
	v6 =	vand.u32 $0xFFFFFFC0, v6  }
0x252: {  	v5 =	vor.u32 v5, v6  }
0x253: {  	v6 =	vperm.xlane v5, v2;
	_ =	sdelay $0x1  }
0x254: {  	v6 =	vadd.s32 v3, v6;
	_ =	sdelay $0x3  }
0x255: {  	s17 =	simm.s32 $0x4100  }
0x256: {  	[tilespmem:s17], [sflag:$0x2] =	stream.indirect_vreg.gather [hbm4b:s2+s3], $0x80, v6, vm0, $0xb8;
	[tilespmem:$0xA100] =	vst v63  }
0x257: {  	s18 =	simm.s32 $0x4900;
	v5 =	vperm.xlane v5, v4  }
0x258: {  	[tilespmem:s18], [sflag:$0x2] =	stream.indirect_vreg.gather [hbm4b:s10+s3], $0x80, v6, vm0, $0xb8;
	[tilespmem:$0xA100] =	vst v63  }
0x259: {  	s23 =	simm.s32 $0x5100;
	v5 =	vadd.s32 v3, v5  }
0x25a: {  	[tilespmem:s23], [sflag:$0x2] =	stream.indirect_vreg.gather [hbm4b:s11+s3], $0x80, v6, vm0, $0xb8;
	[tilespmem:$0xA100] =	vst v63  }
0x25b: {  	s26 =	simm.s32 $0x5900  }
0x25c: {  	[tilespmem:s26], [sflag:$0x2] =	stream.indirect_vreg.gather [hbm4b:s12+s3], $0x80, v6, vm0, $0xb8;
	[tilespmem:$0xA100] =	vst v63  }
0x25d: {  	s28 =	simm.s32 $0x6100  }
0x25e: {  	[tilespmem:s28], [sflag:$0x2] =	stream.indirect_vreg.gather [hbm4b:s2+s3], $0x80, v5, vm0, $0xb8;
	[tilespmem:$0xA100] =	vst v63  }
0x25f: {  	s29 =	simm.s32 $0x6900  }
0x260: {  	[tilespmem:s29], [sflag:$0x2] =	stream.indirect_vreg.gather [hbm4b:s10+s3], $0x80, v5, vm0, $0xb8;
	[tilespmem:$0xA100] =	vst v63  }
0x261: {  	s30 =	simm.s32 $0x7100  }
0x262: {  	[tilespmem:s30], [sflag:$0x2] =	stream.indirect_vreg.gather [hbm4b:s11+s3], $0x80, v5, vm0, $0xb8;
	[tilespmem:$0xA100] =	vst v63  }
0x263: {  	s31 =	simm.s32 $0x7900  }
0x264: {  	[tilespmem:s31], [sflag:$0x2] =	stream.indirect_vreg.gather [hbm4b:s12+s3], $0x80, v5, vm0, $0xb8;
	[tilespmem:$0xA100] =	vst v63  }
0x265: {  	_ =	swait.ge [sflag:s0], $0x4000  }
0x266: {  	[sflag:s0] =	ssyncset.done $0x0  }
0x267: {  	[sflag:s0] =	ssyncadd.s32 $0xFFFFC000  }
0x268: {  	[hbm4b:s6+s3] =	stream.linear.scatter [tilespmem:s15], [sflag:$0x4], $0x4000, $0x38;
	[tilespmem:$0xA100] =	vst v63  }
0x269: {  	_ =	swait.ge [sflag:s14], $0x4000  }
0x26a: {  	[sflag:s14] =	ssyncset.done $0x0  }
0x26b: {  	[sflag:s14] =	ssyncadd.s32 $0xFFFFC000  }
0x26c: {  	_ =	swait.ge [sflag:s1], $0x4000  }
0x26d: {  	[sflag:s1] =	ssyncset.done $0x0  }
.Ltmp4:
0x26e: {  	[sflag:s1] =	ssyncadd.s32 $0xFFFFC000;
	(pc) =	sbr.rel .LBB2_5-.Ltmp4, $4  }
0x26f: {  	[hbm4b:s8+s3] =	stream.linear.scatter [tilespmem:s17], [sflag:$0x4], $0x4000, $0x38;
	[tilespmem:$0xA100] =	vst v63  }
0x270: {  	_ =	swait.ge [sflag:s14], $0x4000  }
0x271: {  	[sflag:s14] =	ssyncset.done $0x0  }
0x272: {  	[sflag:s14] =	ssyncadd.s32 $0xFFFFC000  }
.LBB2_6:
0x273: {  	_ =	sfence.sel $0x180000  }
0x274: {  	[bflag:$0x0] =	sbarrier.arrive $0xFFFF  }
0x275: {  	_ =	strace $0x90000047  }
0x276: {  	s0 =	stileid.u32;
	[bflag:$0x2] =	sbarrier.arrive $0xFFFF  }
0x277: {  	p0 =	sne.s32 s0, $0x0;
	s0 =	rddreg [dreg:$0x3]  }
0x278: {  	s0 =	sadd.s32 @!p0 $0x100000, s0  }
0x279: {  	[sflag:s0] =	ssyncadd.tile.s32 @!p0 $0x1;
	_ =	shalt  }
.Lfunc_end2:
_tile_overlayer_lowered:
.L_overlay_start_2:
0x27a: {  	(tag) =	ssettag $0x2  }
0x27b: {  	s0 =	rddreg [dreg:$0x0];
	s2 =	stileid.u32  }
0x27c: {  	s1 =	rddreg [dreg:$0x1];
	p0 =	sne.s32 s2, $0x0  }
0x27d: {  	s3 =	rddreg [dreg:$0x2];
	[bflag:$0x3] =	sbarrier.arrive $0xFFFF;
	s2 =	simm.s32 @!p0 $0x1C04  }
0x27e: {  	[timem:s3], [sflag:s2] =	dma.local @!p0 [hbm:s0], s1  }
0x27f: {  	s0 =	simm.s32 @!p0 $0x4  }
0x280: {  	_ =	swait.ge @!p0 [sflag:s0], s1  }
0x281: {  	s1 =	ssub.s32 @!p0 $0x0, s1;
	[sflag:s0] =	ssyncset.done @!p0 $0x0  }
0x282: {  	[sflag:s0] =	ssyncadd.s32 @!p0 s1  }
0x283: {  	[bflag:$0x3] =	sbarrier.arrive $0xFFFF  }
0x284: {  	_ =	shalt  }

</sc_bundles>
